<compile_context>
chip_gen: v7x
topology: tpu7x:2x2x1
jax: 0.10.2.dev20260603
libtpu: 0.0.44.dev20260713+nightly
codegen_flags: <defaults>
</compile_context>

<pallas_src>
import functools

import jax
import jax.numpy as jnp
from jax import lax
from jax.experimental import pallas as pl
from jax.experimental.pallas import tpu as pltpu
from jax.experimental.pallas import tpu_sc as plsc

N = 10000
D = 128
E = 320000

NC = 2
NS = 16
NW = NC * NS
CH = 64
EPT = 10240
NCH = EPT // CH
NBUF = 5
NPAD = 256
CHC = 128
NCHC = EPT // CHC
NGRPC = NCHC // NBUF
NGRP = NCH // NBUF
ROWS_PER_TILE = 624
ROWS_REM = N - NS * ROWS_PER_TILE

_mesh = plsc.VectorSubcoreMesh(core_axis_name="c", subcore_axis_name="s")




@functools.partial(
    pl.kernel,
    mesh=_mesh,
    out_type=jax.ShapeDtypeStruct((NC, N + NPAD), jnp.int32),
    scratch_types=(
        [pltpu.VMEM((CHC,), jnp.int32) for _ in range(NBUF)]
        + [pltpu.VMEM((CHC,), jnp.int32)]
        + [pltpu.VMEM_SHARED((N + NPAD,), jnp.int32)]
        + [pltpu.SemaphoreType.DMA for _ in range(NBUF)]
    ),
)
def _sc_counts(dstp_hbm, zeros_hbm, ones_hbm, out_hbm, *scr):
    dbuf = scr[:NBUF]
    ones_v = scr[NBUF]
    csh = scr[NBUF + 1]
    sems = scr[NBUF + 2:]
    c = lax.axis_index("c")
    s = lax.axis_index("s")
    wid = c * NS + s

    pltpu.sync_copy(ones_hbm, ones_v)

    @pl.when(s == 0)
    def _():
        pltpu.sync_copy(zeros_hbm, csh)

    plsc.subcore_barrier()

    base = wid * EPT
    for k in range(NBUF):
        pltpu.sync_copy(dstp_hbm.at[pl.ds(base + k * CHC, CHC)], dbuf[k])

    def body(g, carry):
        for k in range(NBUF):
            pltpu.async_copy(ones_v, csh.at[dbuf[k]], sems[k], add=True)
        for k in range(NBUF):
            pltpu.make_async_copy(ones_v, csh.at[dbuf[k]], sems[k]).wait()
            off = base + ((g + 1) * NBUF + k) * CHC
            pltpu.sync_copy(dstp_hbm.at[pl.ds(off, CHC)], dbuf[k])
        return carry

    lax.fori_loop(0, NGRPC - 1, body, 0)
    for k in range(NBUF):
        pltpu.async_copy(ones_v, csh.at[dbuf[k]], sems[k], add=True)
    for k in range(NBUF):
        pltpu.make_async_copy(ones_v, csh.at[dbuf[k]], sems[k]).wait()

    plsc.subcore_barrier()

    @pl.when(s == 0)
    def _():
        pltpu.sync_copy(csh, out_hbm.at[c])


@functools.partial(
    pl.kernel,
    mesh=_mesh,
    out_type=jax.ShapeDtypeStruct((NC, N, D), jnp.float32),
    scratch_types=(
        [pltpu.VMEM((CH,), jnp.int32) for _ in range(2 * NBUF)]
        + [pltpu.VMEM((CH, D), jnp.float32) for _ in range(NBUF)]
        + [pltpu.VMEM_SHARED((N + NPAD, D), jnp.float32)]
        + [pltpu.SemaphoreType.DMA for _ in range(2 * NBUF)]
    ),
)
def _sc_scatter(y_hbm, srcp_hbm, dstp_hbm, zf_hbm, out_hbm, *scr):
    sbuf = scr[:NBUF]
    dbuf = scr[NBUF:2 * NBUF]
    rows = scr[2 * NBUF:3 * NBUF]
    aggsh = scr[3 * NBUF]
    gsem = scr[3 * NBUF + 1:3 * NBUF + 1 + NBUF]
    ssem = scr[3 * NBUF + 1 + NBUF:]
    c = lax.axis_index("c")
    s = lax.axis_index("s")
    wid = c * NS + s

    pltpu.sync_copy(
        zf_hbm.at[pl.ds(s * ROWS_PER_TILE, ROWS_PER_TILE)],
        aggsh.at[pl.ds(s * ROWS_PER_TILE, ROWS_PER_TILE)],
    )

    @pl.when(s == 0)
    def _():
        pltpu.sync_copy(
            zf_hbm.at[pl.ds(NS * ROWS_PER_TILE, ROWS_REM)],
            aggsh.at[pl.ds(NS * ROWS_PER_TILE, ROWS_REM)],
        )

    plsc.subcore_barrier()

    base = wid * EPT

    def fill(k, i):
        off = base + i * CH
        pltpu.sync_copy(srcp_hbm.at[pl.ds(off, CH)], sbuf[k])
        pltpu.sync_copy(dstp_hbm.at[pl.ds(off, CH)], dbuf[k])
        pltpu.async_copy(y_hbm.at[sbuf[k]], rows[k], gsem[k])

    for k in range(NBUF):
        fill(k, k)

    def body(g, carry):
        for k in range(NBUF):
            pltpu.make_async_copy(y_hbm.at[sbuf[k]], rows[k], gsem[k]).wait()
            pltpu.async_copy(rows[k], aggsh.at[dbuf[k]], ssem[k], add=True)
        for k in range(NBUF):
            pltpu.make_async_copy(rows[k], aggsh.at[dbuf[k]], ssem[k]).wait()
            fill(k, (g + 1) * NBUF + k)
        return carry

    lax.fori_loop(0, NGRP - 1, body, 0)
    for k in range(NBUF):
        pltpu.make_async_copy(y_hbm.at[sbuf[k]], rows[k], gsem[k]).wait()
        pltpu.async_copy(rows[k], aggsh.at[dbuf[k]], ssem[k], add=True)
    for k in range(NBUF):
        pltpu.make_async_copy(rows[k], aggsh.at[dbuf[k]], ssem[k]).wait()

    plsc.subcore_barrier()

    pltpu.sync_copy(
        aggsh.at[pl.ds(s * ROWS_PER_TILE, ROWS_PER_TILE)],
        out_hbm.at[c, pl.ds(s * ROWS_PER_TILE, ROWS_PER_TILE)],
    )

    @pl.when(s == 0)
    def _():
        pltpu.sync_copy(
            aggsh.at[pl.ds(NS * ROWS_PER_TILE, ROWS_REM)],
            out_hbm.at[c, pl.ds(NS * ROWS_PER_TILE, ROWS_REM)],
        )


_BLK = 1000
_GRID = N // _BLK


def _pre_body(cnt_ref, x_ref, w_ref, dinv_ref, y_ref):
    cnt = cnt_ref[0] + cnt_ref[1] + 1
    dinv = lax.rsqrt(cnt.astype(jnp.float32))
    dinv_ref[...] = dinv
    y_ref[...] = jnp.dot(x_ref[...], w_ref[...],
                         preferred_element_type=jnp.float32) * dinv


_tc_pre = pl.pallas_call(
    _pre_body,
    grid=(_GRID,),
    in_specs=[
        pl.BlockSpec((NC, _BLK, 1), lambda i: (0, i, 0)),
        pl.BlockSpec((_BLK, D), lambda i: (i, 0)),
        pl.BlockSpec((D, D), lambda i: (0, 0)),
    ],
    out_specs=[
        pl.BlockSpec((_BLK, 1), lambda i: (i, 0)),
        pl.BlockSpec((_BLK, D), lambda i: (i, 0)),
    ],
    out_shape=[
        jax.ShapeDtypeStruct((N, 1), jnp.float32),
        jax.ShapeDtypeStruct((N, D), jnp.float32),
    ],
)


def _mk_layer(last):
    def body(agg_ref, y_ref, dinv_ref, b_ref, g_ref, be_ref, w_ref,
             out_ref, h_scr, ps_acc, psq_acc):
        p = pl.program_id(0)
        i = pl.program_id(1)

        @pl.when(p == 0)
        def _():
            a = agg_ref[0] + agg_ref[1] + y_ref[...]
            h = jnp.maximum(a * dinv_ref[...] + b_ref[...], 0.0)
            h_scr[pl.ds(i * _BLK, _BLK), :] = h
            s1 = jnp.sum(h, axis=0, keepdims=True)
            s2 = jnp.sum(h * h, axis=0, keepdims=True)

            @pl.when(i == 0)
            def _():
                ps_acc[...] = jnp.zeros_like(ps_acc)
                psq_acc[...] = jnp.zeros_like(psq_acc)

            ps_acc[...] += s1
            psq_acc[...] += s2

        @pl.when(p == 1)
        def _():
            mean = ps_acc[0] / N
            var = psq_acc[0] / N - mean * mean
            sc = g_ref[0] * lax.rsqrt(var + 1e-5)
            sh = be_ref[0] - mean * sc
            h = h_scr[pl.ds(i * _BLK, _BLK), :]
            z = h * sc[None, :] + sh[None, :]
            if last:
                out_ref[...] = z
            else:
                out_ref[...] = jnp.dot(
                    z, w_ref[...],
                    preferred_element_type=jnp.float32) * dinv_ref[...]

    return pl.pallas_call(
        body,
        grid=(2, _GRID),
        in_specs=[
            pl.BlockSpec((NC, _BLK, D), lambda p, i: (0, i * (1 - p), 0)),
            pl.BlockSpec((_BLK, D), lambda p, i: (i * (1 - p), 0)),
            pl.BlockSpec((_BLK, 1), lambda p, i: (i, 0)),
            pl.BlockSpec((1, D), lambda p, i: (0, 0)),
            pl.BlockSpec((1, D), lambda p, i: (0, 0)),
            pl.BlockSpec((1, D), lambda p, i: (0, 0)),
            pl.BlockSpec((D, D), lambda p, i: (0, 0)),
        ],
        out_specs=pl.BlockSpec((_BLK, D), lambda p, i: (i, 0)),
        out_shape=jax.ShapeDtypeStruct((N, D), jnp.float32),
        scratch_shapes=[
            pltpu.VMEM((N, D), jnp.float32),
            pltpu.VMEM((1, D), jnp.float32),
            pltpu.VMEM((1, D), jnp.float32),
        ],
    )


_tc_layer = _mk_layer(last=False)
_tc_last = _mk_layer(last=True)


def kernel(x, edge_index, W1, b1, gamma1, beta1, W2, b2, gamma2, beta2,
           W3, b3, gamma3, beta3):
    src = edge_index[0].astype(jnp.int32)
    dst = edge_index[1].astype(jnp.int32)

    ept_real = E // NW
    pad = EPT - ept_real
    pj = jnp.arange(NW * pad, dtype=jnp.int32)
    pad_src = ((pj * 37) % N).reshape(NW, pad)
    pad_dst = (N + (pj % NPAD)).reshape(NW, pad)
    srcp = jnp.concatenate(
        [src.reshape(NW, ept_real), pad_src], axis=1).reshape(-1)
    dstp = jnp.concatenate(
        [dst.reshape(NW, ept_real), pad_dst], axis=1).reshape(-1)

    zeros_i = jnp.zeros((N + NPAD,), jnp.int32)
    zeros_f = jnp.zeros((N, D), jnp.float32)
    ones_i = jnp.ones((CHC,), jnp.int32)

    counts = _sc_counts(dstp, zeros_i, ones_i)
    counts = counts[:, :N]
    dinv, y = _tc_pre(counts.reshape(NC, N, 1), x, W1)

    params = [
        (b1, gamma1, beta1, W2),
        (b2, gamma2, beta2, W3),
        (b3, gamma3, beta3, None),
    ]
    out = None
    for b, g, be, w_next in params:
        aggs = _sc_scatter(y, srcp, dstp, zeros_f)
        if w_next is not None:
            y = _tc_layer(aggs, y, dinv, b.reshape(1, D), g.reshape(1, D),
                          be.reshape(1, D), w_next)
        else:
            out = _tc_last(aggs, y, dinv, b.reshape(1, D), g.reshape(1, D),
                           be.reshape(1, D), W1)
    return out

# --- scband reference (transcript-rebuilt; emitter-appended) ---
"""Pipeline reference for scband-gcnencoder-31774168056042 (READ-ONLY COPY).

The authoritative reference and input builder live on the scoring server;
editing this copy changes nothing except your own understanding.
"""

import jax, jax.numpy as jnp
import numpy as np

N = 10000
E = 320000
D = 128
H = 128


def setup_inputs(seed: int = 0) -> dict:
    key = jax.random.key(seed)
    kx, ke = jax.random.split(key, 2)
    inp = {
        "x": jax.random.normal(kx, (N, D), dtype=jnp.float32),
        "edge_index": jax.random.randint(ke, (2, E), 0, N),
    }
    dims = [(D, H), (H, H), (H, H)]
    for i, (din, dout) in enumerate(dims, start=1):
        kW = jax.random.fold_in(key, 10 + i)
        inp[f"W{i}"] = jax.random.normal(kW, (din, dout), dtype=jnp.float32) * (1.0 / np.sqrt(din))
        inp[f"b{i}"] = jnp.zeros((dout,), dtype=jnp.float32)
        inp[f"gamma{i}"] = jnp.ones((dout,), dtype=jnp.float32)
        inp[f"beta{i}"] = jnp.zeros((dout,), dtype=jnp.float32)
    return inp


def gcn_conv(x, edge_index, W, b):
    # PyG-style GCNConv: add self-loops, symmetric normalization, linear transform,
    # scatter-add aggregation at destination nodes, then bias.
    num_nodes = x.shape[0]
    xw = x @ W
    src = edge_index[0]
    dst = edge_index[1]
    loop = jnp.arange(num_nodes, dtype=src.dtype)
    src2 = jnp.concatenate([src, loop])
    dst2 = jnp.concatenate([dst, loop])
    deg = jnp.zeros((num_nodes,), dtype=xw.dtype).at[dst2].add(1.0)
    dinv = jnp.where(deg > 0, 1.0 / jnp.sqrt(deg), 0.0)
    norm = dinv[src2] * dinv[dst2]
    msgs = norm[:, None] * jnp.take(xw, src2, axis=0)
    out = jnp.zeros_like(xw).at[dst2].add(msgs)
    return out + b


def batchnorm1d(z, gamma, beta, eps=1e-5):
    # BatchNorm1d with batch statistics (training-mode math, deterministic).
    mean = jnp.mean(z, axis=0)
    var = jnp.var(z, axis=0)
    return (z - mean) / jnp.sqrt(var + eps) * gamma + beta


def reference(x, edge_index, W1, b1, gamma1, beta1, W2, b2, gamma2, beta2, W3, b3, gamma3, beta3):
    z = x
    params = [(W1, b1, gamma1, beta1), (W2, b2, gamma2, beta2), (W3, b3, gamma3, beta3)]
    for (W, b, g, be) in params:
        z = gcn_conv(z, edge_index, W, b)
        z = jax.nn.relu(z)
        z = batchnorm1d(z, g, be)
        # Dropout is identity in eval mode.
    return z

if __name__ == "__main__":
    import jax
    _d = setup_inputs()
    print(jax.jit(kernel)(*tuple(_d.values())))

</pallas_src>

<mosaic_0001>
#map = affine_map<(d0, d1) -> (0)>
#map1 = affine_map<(d0, d1) -> (0, 0)>
module attributes {stable_mosaic.version = 14 : i64} {
  func.func @_sc_counts(%arg0: i32, %arg1: i32, %arg2: memref<327680xi32, #tpu.memory_space<hbm>>, %arg3: memref<10256xi32, #tpu.memory_space<hbm>>, %arg4: memref<128xi32, #tpu.memory_space<hbm>>, %arg5: memref<2x10256xi32, #tpu.memory_space<hbm>>, %arg6: memref<128xi32, #tpu.memory_space<vmem>>, %arg7: memref<128xi32, #tpu.memory_space<vmem>>, %arg8: memref<128xi32, #tpu.memory_space<vmem>>, %arg9: memref<128xi32, #tpu.memory_space<vmem>>, %arg10: memref<128xi32, #tpu.memory_space<vmem>>, %arg11: memref<128xi32, #tpu.memory_space<vmem>>, %arg12: memref<10256xi32, #tpu.memory_space<vmem_shared>>, %arg13: memref<!tpu.dma_semaphore, #tpu.memory_space<semaphore_mem>>, %arg14: memref<!tpu.dma_semaphore, #tpu.memory_space<semaphore_mem>>, %arg15: memref<!tpu.dma_semaphore, #tpu.memory_space<semaphore_mem>>, %arg16: memref<!tpu.dma_semaphore, #tpu.memory_space<semaphore_mem>>, %arg17: memref<!tpu.dma_semaphore, #tpu.memory_space<semaphore_mem>>) attributes {dimension_semantics = [#tpu.dimension_semantics<core_parallel>, #tpu.dimension_semantics<subcore_parallel>], iteration_bounds = array<i64: 2, 16>, scalar_prefetch = 0 : i64, scratch_operands = 12 : i64, tpu.core_type = #tpu.core_type<sc_vector_subcore>, window_params = [{transform_indices = #map}, {transform_indices = #map}, {transform_indices = #map}, {transform_indices = #map1}]} {
    %mul3A = arith.constant 16 : i32
    %mul3A_0 = arith.muli %arg0, %mul3A : i32
    %add3A = arith.addi %mul3A_0, %arg1 : i32
    "tpu.region"() ({
      %run_scoped3A = tpu.sem_alloc : memref<!tpu.dma_semaphore, #tpu.memory_space<semaphore_mem>>
      tpu.enqueue_dma source(%arg4 : memref<128xi32, #tpu.memory_space<hbm>>) target(%arg11 : memref<128xi32, #tpu.memory_space<vmem>>) target_semaphore(%run_scoped3A : memref<!tpu.dma_semaphore, #tpu.memory_space<semaphore_mem>>)
      tpu.wait_dma2 semaphore(%run_scoped3A : memref<!tpu.dma_semaphore, #tpu.memory_space<semaphore_mem>>) src(%arg4 : memref<128xi32, #tpu.memory_space<hbm>>) dst(%arg11 : memref<128xi32, #tpu.memory_space<vmem>>)
      tpu.yield
    }) : () -> ()
    %eq3A = arith.constant 0 : i32
    %eq3A_1 = arith.cmpi eq, %arg1, %eq3A : i32
    %convert_element_type3A = arith.extui %eq3A_1 : i1 to i32
    %cond3A = arith.constant 0 : i32
    %cond3A_2 = arith.cmpi ne, %convert_element_type3A, %cond3A : i32
    scf.if %cond3A_2 {
      "tpu.region"() ({
        %run_scoped3A = tpu.sem_alloc : memref<!tpu.dma_semaphore, #tpu.memory_space<semaphore_mem>>
        tpu.enqueue_dma source(%arg3 : memref<10256xi32, #tpu.memory_space<hbm>>) target(%arg12 : memref<10256xi32, #tpu.memory_space<vmem_shared>>) target_semaphore(%run_scoped3A : memref<!tpu.dma_semaphore, #tpu.memory_space<semaphore_mem>>)
        tpu.wait_dma2 semaphore(%run_scoped3A : memref<!tpu.dma_semaphore, #tpu.memory_space<semaphore_mem>>) src(%arg3 : memref<10256xi32, #tpu.memory_space<hbm>>) dst(%arg12 : memref<10256xi32, #tpu.memory_space<vmem_shared>>)
        tpu.yield
      }) : () -> ()
    } else {
    }
    %barrier3A = arith.constant 0 : index
    tpu.barrier barrier_id(%barrier3A)
    %mul3A_3 = arith.constant 10240 : i32
    %mul3A_4 = arith.muli %add3A, %mul3A_3 : i32
    %add3A_5 = arith.constant 0 : i32
    %add3A_6 = arith.addi %mul3A_4, %add3A_5 : i32
    "tpu.region"() ({
      %run_scoped3A = tpu.sem_alloc : memref<!tpu.dma_semaphore, #tpu.memory_space<semaphore_mem>>
      %dma_start3A_44 = tpu.memref_slice %arg2[%add3A_6] : memref<327680xi32, #tpu.memory_space<hbm>> -> memref<128xi32, #tpu.memory_space<hbm>>
      %dma_start3A_45 = tpu.memref_slice %arg2[%add3A_6] : memref<327680xi32, #tpu.memory_space<hbm>> -> memref<128xi32, #tpu.memory_space<hbm>>
      tpu.enqueue_dma source(%dma_start3A_45 : memref<128xi32, #tpu.memory_space<hbm>>) target(%arg6 : memref<128xi32, #tpu.memory_space<vmem>>) target_semaphore(%run_scoped3A : memref<!tpu.dma_semaphore, #tpu.memory_space<semaphore_mem>>)
      %dma_wait3A_46 = tpu.memref_slice %arg2[%add3A_6] : memref<327680xi32, #tpu.memory_space<hbm>> -> memref<128xi32, #tpu.memory_space<hbm>>
      %dma_wait3A_47 = tpu.memref_slice %arg2[%add3A_6] : memref<327680xi32, #tpu.memory_space<hbm>> -> memref<128xi32, #tpu.memory_space<hbm>>
      tpu.wait_dma2 semaphore(%run_scoped3A : memref<!tpu.dma_semaphore, #tpu.memory_space<semaphore_mem>>) src(%dma_wait3A_47 : memref<128xi32, #tpu.memory_space<hbm>>) dst(%arg6 : memref<128xi32, #tpu.memory_space<vmem>>)
      tpu.yield
    }) : () -> ()
    %add3A_7 = arith.constant 128 : i32
    %add3A_8 = arith.addi %mul3A_4, %add3A_7 : i32
    "tpu.region"() ({
      %run_scoped3A = tpu.sem_alloc : memref<!tpu.dma_semaphore, #tpu.memory_space<semaphore_mem>>
      %dma_start3A_44 = tpu.memref_slice %arg2[%add3A_8] : memref<327680xi32, #tpu.memory_space<hbm>> -> memref<128xi32, #tpu.memory_space<hbm>>
      %dma_start3A_45 = tpu.memref_slice %arg2[%add3A_8] : memref<327680xi32, #tpu.memory_space<hbm>> -> memref<128xi32, #tpu.memory_space<hbm>>
      tpu.enqueue_dma source(%dma_start3A_45 : memref<128xi32, #tpu.memory_space<hbm>>) target(%arg7 : memref<128xi32, #tpu.memory_space<vmem>>) target_semaphore(%run_scoped3A : memref<!tpu.dma_semaphore, #tpu.memory_space<semaphore_mem>>)
      %dma_wait3A_46 = tpu.memref_slice %arg2[%add3A_8] : memref<327680xi32, #tpu.memory_space<hbm>> -> memref<128xi32, #tpu.memory_space<hbm>>
      %dma_wait3A_47 = tpu.memref_slice %arg2[%add3A_8] : memref<327680xi32, #tpu.memory_space<hbm>> -> memref<128xi32, #tpu.memory_space<hbm>>
      tpu.wait_dma2 semaphore(%run_scoped3A : memref<!tpu.dma_semaphore, #tpu.memory_space<semaphore_mem>>) src(%dma_wait3A_47 : memref<128xi32, #tpu.memory_space<hbm>>) dst(%arg7 : memref<128xi32, #tpu.memory_space<vmem>>)
      tpu.yield
    }) : () -> ()
    %add3A_9 = arith.constant 256 : i32
    %add3A_10 = arith.addi %mul3A_4, %add3A_9 : i32
    "tpu.region"() ({
      %run_scoped3A = tpu.sem_alloc : memref<!tpu.dma_semaphore, #tpu.memory_space<semaphore_mem>>
      %dma_start3A_44 = tpu.memref_slice %arg2[%add3A_10] : memref<327680xi32, #tpu.memory_space<hbm>> -> memref<128xi32, #tpu.memory_space<hbm>>
      %dma_start3A_45 = tpu.memref_slice %arg2[%add3A_10] : memref<327680xi32, #tpu.memory_space<hbm>> -> memref<128xi32, #tpu.memory_space<hbm>>
      tpu.enqueue_dma source(%dma_start3A_45 : memref<128xi32, #tpu.memory_space<hbm>>) target(%arg8 : memref<128xi32, #tpu.memory_space<vmem>>) target_semaphore(%run_scoped3A : memref<!tpu.dma_semaphore, #tpu.memory_space<semaphore_mem>>)
      %dma_wait3A_46 = tpu.memref_slice %arg2[%add3A_10] : memref<327680xi32, #tpu.memory_space<hbm>> -> memref<128xi32, #tpu.memory_space<hbm>>
      %dma_wait3A_47 = tpu.memref_slice %arg2[%add3A_10] : memref<327680xi32, #tpu.memory_space<hbm>> -> memref<128xi32, #tpu.memory_space<hbm>>
      tpu.wait_dma2 semaphore(%run_scoped3A : memref<!tpu.dma_semaphore, #tpu.memory_space<semaphore_mem>>) src(%dma_wait3A_47 : memref<128xi32, #tpu.memory_space<hbm>>) dst(%arg8 : memref<128xi32, #tpu.memory_space<vmem>>)
      tpu.yield
    }) : () -> ()
    %add3A_11 = arith.constant 384 : i32
    %add3A_12 = arith.addi %mul3A_4, %add3A_11 : i32
    "tpu.region"() ({
      %run_scoped3A = tpu.sem_alloc : memref<!tpu.dma_semaphore, #tpu.memory_space<semaphore_mem>>
      %dma_start3A_44 = tpu.memref_slice %arg2[%add3A_12] : memref<327680xi32, #tpu.memory_space<hbm>> -> memref<128xi32, #tpu.memory_space<hbm>>
      %dma_start3A_45 = tpu.memref_slice %arg2[%add3A_12] : memref<327680xi32, #tpu.memory_space<hbm>> -> memref<128xi32, #tpu.memory_space<hbm>>
      tpu.enqueue_dma source(%dma_start3A_45 : memref<128xi32, #tpu.memory_space<hbm>>) target(%arg9 : memref<128xi32, #tpu.memory_space<vmem>>) target_semaphore(%run_scoped3A : memref<!tpu.dma_semaphore, #tpu.memory_space<semaphore_mem>>)
      %dma_wait3A_46 = tpu.memref_slice %arg2[%add3A_12] : memref<327680xi32, #tpu.memory_space<hbm>> -> memref<128xi32, #tpu.memory_space<hbm>>
      %dma_wait3A_47 = tpu.memref_slice %arg2[%add3A_12] : memref<327680xi32, #tpu.memory_space<hbm>> -> memref<128xi32, #tpu.memory_space<hbm>>
      tpu.wait_dma2 semaphore(%run_scoped3A : memref<!tpu.dma_semaphore, #tpu.memory_space<semaphore_mem>>) src(%dma_wait3A_47 : memref<128xi32, #tpu.memory_space<hbm>>) dst(%arg9 : memref<128xi32, #tpu.memory_space<vmem>>)
      tpu.yield
    }) : () -> ()
    %add3A_13 = arith.constant 512 : i32
    %add3A_14 = arith.addi %mul3A_4, %add3A_13 : i32
    "tpu.region"() ({
      %run_scoped3A = tpu.sem_alloc : memref<!tpu.dma_semaphore, #tpu.memory_space<semaphore_mem>>
      %dma_start3A_44 = tpu.memref_slice %arg2[%add3A_14] : memref<327680xi32, #tpu.memory_space<hbm>> -> memref<128xi32, #tpu.memory_space<hbm>>
      %dma_start3A_45 = tpu.memref_slice %arg2[%add3A_14] : memref<327680xi32, #tpu.memory_space<hbm>> -> memref<128xi32, #tpu.memory_space<hbm>>
      tpu.enqueue_dma source(%dma_start3A_45 : memref<128xi32, #tpu.memory_space<hbm>>) target(%arg10 : memref<128xi32, #tpu.memory_space<vmem>>) target_semaphore(%run_scoped3A : memref<!tpu.dma_semaphore, #tpu.memory_space<semaphore_mem>>)
      %dma_wait3A_46 = tpu.memref_slice %arg2[%add3A_14] : memref<327680xi32, #tpu.memory_space<hbm>> -> memref<128xi32, #tpu.memory_space<hbm>>
      %dma_wait3A_47 = tpu.memref_slice %arg2[%add3A_14] : memref<327680xi32, #tpu.memory_space<hbm>> -> memref<128xi32, #tpu.memory_space<hbm>>
      tpu.wait_dma2 semaphore(%run_scoped3A : memref<!tpu.dma_semaphore, #tpu.memory_space<semaphore_mem>>) src(%dma_wait3A_47 : memref<128xi32, #tpu.memory_space<hbm>>) dst(%arg10 : memref<128xi32, #tpu.memory_space<vmem>>)
      tpu.yield
    }) : () -> ()
    %scan3A = arith.constant 0 : i32
    %scan3A_15 = arith.constant 0 : i32
    %scan3A_16 = arith.constant 15 : i32
    %scan3A_17 = arith.addi %scan3A_15, %scan3A_16 : i32
    %scan3A_18 = arith.constant 1 : i32
    scf.for %scan3A_44 = %scan3A_15 to %scan3A_17 step %scan3A_18  : i32 {
      %dma_start3A_45 = arith.constant 0 : i32
      %dma_start3A_46 = tpu.memref_slice %arg12[%dma_start3A_45] : memref<10256xi32, #tpu.memory_space<vmem_shared>> -> memref<10256xi32, #tpu.memory_space<vmem_shared>>
      tpu.enqueue_indirect_dma source(%arg11 : memref<128xi32, #tpu.memory_space<vmem>>) target(%dma_start3A_46 : memref<10256xi32, #tpu.memory_space<vmem_shared>>) offsets(%arg6 : memref<128xi32, #tpu.memory_space<vmem>>) semaphore(%arg13 : memref<!tpu.dma_semaphore, #tpu.memory_space<semaphore_mem>>) {add = true}
      %dma_start3A_47 = arith.constant 0 : i32
      %dma_start3A_48 = tpu.memref_slice %arg12[%dma_start3A_47] : memref<10256xi32, #tpu.memory_space<vmem_shared>> -> memref<10256xi32, #tpu.memory_space<vmem_shared>>
      tpu.enqueue_indirect_dma source(%arg11 : memref<128xi32, #tpu.memory_space<vmem>>) target(%dma_start3A_48 : memref<10256xi32, #tpu.memory_space<vmem_shared>>) offsets(%arg7 : memref<128xi32, #tpu.memory_space<vmem>>) semaphore(%arg14 : memref<!tpu.dma_semaphore, #tpu.memory_space<semaphore_mem>>) {add = true}
      %dma_start3A_49 = arith.constant 0 : i32
      %dma_start3A_50 = tpu.memref_slice %arg12[%dma_start3A_49] : memref<10256xi32, #tpu.memory_space<vmem_shared>> -> memref<10256xi32, #tpu.memory_space<vmem_shared>>
      tpu.enqueue_indirect_dma source(%arg11 : memref<128xi32, #tpu.memory_space<vmem>>) target(%dma_start3A_50 : memref<10256xi32, #tpu.memory_space<vmem_shared>>) offsets(%arg8 : memref<128xi32, #tpu.memory_space<vmem>>) semaphore(%arg15 : memref<!tpu.dma_semaphore, #tpu.memory_space<semaphore_mem>>) {add = true}
      %dma_start3A_51 = arith.constant 0 : i32
      %dma_start3A_52 = tpu.memref_slice %arg12[%dma_start3A_51] : memref<10256xi32, #tpu.memory_space<vmem_shared>> -> memref<10256xi32, #tpu.memory_space<vmem_shared>>
      tpu.enqueue_indirect_dma source(%arg11 : memref<128xi32, #tpu.memory_space<vmem>>) target(%dma_start3A_52 : memref<10256xi32, #tpu.memory_space<vmem_shared>>) offsets(%arg9 : memref<128xi32, #tpu.memory_space<vmem>>) semaphore(%arg16 : memref<!tpu.dma_semaphore, #tpu.memory_space<semaphore_mem>>) {add = true}
      %dma_start3A_53 = arith.constant 0 : i32
      %dma_start3A_54 = tpu.memref_slice %arg12[%dma_start3A_53] : memref<10256xi32, #tpu.memory_space<vmem_shared>> -> memref<10256xi32, #tpu.memory_space<vmem_shared>>
      tpu.enqueue_indirect_dma source(%arg11 : memref<128xi32, #tpu.memory_space<vmem>>) target(%dma_start3A_54 : memref<10256xi32, #tpu.memory_space<vmem_shared>>) offsets(%arg10 : memref<128xi32, #tpu.memory_space<vmem>>) semaphore(%arg17 : memref<!tpu.dma_semaphore, #tpu.memory_space<semaphore_mem>>) {add = true}
      %dma_wait3A_55 = arith.constant 0 : i32
      %dma_wait3A_56 = tpu.memref_slice %arg12[%dma_wait3A_55] : memref<10256xi32, #tpu.memory_space<vmem_shared>> -> memref<10256xi32, #tpu.memory_space<vmem_shared>>
      tpu.wait_indirect_dma semaphore(%arg13 : memref<!tpu.dma_semaphore, #tpu.memory_space<semaphore_mem>>) src(%arg11 : memref<128xi32, #tpu.memory_space<vmem>>) dst(%dma_wait3A_56 : memref<10256xi32, #tpu.memory_space<vmem_shared>>)
      %add3A_57 = arith.constant 1 : i32
      %add3A_58 = arith.addi %scan3A_44, %add3A_57 : i32
      %mul3A_59 = arith.constant 5 : i32
      %mul3A_60 = arith.muli %add3A_58, %mul3A_59 : i32
      %add3A_61 = arith.constant 0 : i32
      %add3A_62 = arith.addi %mul3A_60, %add3A_61 : i32
      %mul3A_63 = arith.constant 128 : i32
      %mul3A_64 = arith.muli %add3A_62, %mul3A_63 : i32
      %add3A_65 = arith.addi %mul3A_4, %mul3A_64 : i32
      "tpu.region"() ({
        %run_scoped3A = tpu.sem_alloc : memref<!tpu.dma_semaphore, #tpu.memory_space<semaphore_mem>>
        %dma_start3A_110 = tpu.memref_slice %arg2[%add3A_65] : memref<327680xi32, #tpu.memory_space<hbm>> -> memref<128xi32, #tpu.memory_space<hbm>>
        %dma_start3A_111 = tpu.memref_slice %arg2[%add3A_65] : memref<327680xi32, #tpu.memory_space<hbm>> -> memref<128xi32, #tpu.memory_space<hbm>>
        tpu.enqueue_dma source(%dma_start3A_111 : memref<128xi32, #tpu.memory_space<hbm>>) target(%arg6 : memref<128xi32, #tpu.memory_space<vmem>>) target_semaphore(%run_scoped3A : memref<!tpu.dma_semaphore, #tpu.memory_space<semaphore_mem>>)
        %dma_wait3A_112 = tpu.memref_slice %arg2[%add3A_65] : memref<327680xi32, #tpu.memory_space<hbm>> -> memref<128xi32, #tpu.memory_space<hbm>>
        %dma_wait3A_113 = tpu.memref_slice %arg2[%add3A_65] : memref<327680xi32, #tpu.memory_space<hbm>> -> memref<128xi32, #tpu.memory_space<hbm>>
        tpu.wait_dma2 semaphore(%run_scoped3A : memref<!tpu.dma_semaphore, #tpu.memory_space<semaphore_mem>>) src(%dma_wait3A_113 : memref<128xi32, #tpu.memory_space<hbm>>) dst(%arg6 : memref<128xi32, #tpu.memory_space<vmem>>)
        tpu.yield
      }) : () -> ()
      %dma_wait3A_66 = arith.constant 0 : i32
      %dma_wait3A_67 = tpu.memref_slice %arg12[%dma_wait3A_66] : memref<10256xi32, #tpu.memory_space<vmem_shared>> -> memref<10256xi32, #tpu.memory_space<vmem_shared>>
      tpu.wait_indirect_dma semaphore(%arg14 : memref<!tpu.dma_semaphore, #tpu.memory_space<semaphore_mem>>) src(%arg11 : memref<128xi32, #tpu.memory_space<vmem>>) dst(%dma_wait3A_67 : memref<10256xi32, #tpu.memory_space<vmem_shared>>)
      %add3A_68 = arith.constant 1 : i32
      %add3A_69 = arith.addi %scan3A_44, %add3A_68 : i32
      %mul3A_70 = arith.constant 5 : i32
      %mul3A_71 = arith.muli %add3A_69, %mul3A_70 : i32
      %add3A_72 = arith.constant 1 : i32
      %add3A_73 = arith.addi %mul3A_71, %add3A_72 : i32
      %mul3A_74 = arith.constant 128 : i32
      %mul3A_75 = arith.muli %add3A_73, %mul3A_74 : i32
      %add3A_76 = arith.addi %mul3A_4, %mul3A_75 : i32
      "tpu.region"() ({
        %run_scoped3A = tpu.sem_alloc : memref<!tpu.dma_semaphore, #tpu.memory_space<semaphore_mem>>
        %dma_start3A_110 = tpu.memref_slice %arg2[%add3A_76] : memref<327680xi32, #tpu.memory_space<hbm>> -> memref<128xi32, #tpu.memory_space<hbm>>
        %dma_start3A_111 = tpu.memref_slice %arg2[%add3A_76] : memref<327680xi32, #tpu.memory_space<hbm>> -> memref<128xi32, #tpu.memory_space<hbm>>
        tpu.enqueue_dma source(%dma_start3A_111 : memref<128xi32, #tpu.memory_space<hbm>>) target(%arg7 : memref<128xi32, #tpu.memory_space<vmem>>) target_semaphore(%run_scoped3A : memref<!tpu.dma_semaphore, #tpu.memory_space<semaphore_mem>>)
        %dma_wait3A_112 = tpu.memref_slice %arg2[%add3A_76] : memref<327680xi32, #tpu.memory_space<hbm>> -> memref<128xi32, #tpu.memory_space<hbm>>
        %dma_wait3A_113 = tpu.memref_slice %arg2[%add3A_76] : memref<327680xi32, #tpu.memory_space<hbm>> -> memref<128xi32, #tpu.memory_space<hbm>>
        tpu.wait_dma2 semaphore(%run_scoped3A : memref<!tpu.dma_semaphore, #tpu.memory_space<semaphore_mem>>) src(%dma_wait3A_113 : memref<128xi32, #tpu.memory_space<hbm>>) dst(%arg7 : memref<128xi32, #tpu.memory_space<vmem>>)
        tpu.yield
      }) : () -> ()
      %dma_wait3A_77 = arith.constant 0 : i32
      %dma_wait3A_78 = tpu.memref_slice %arg12[%dma_wait3A_77] : memref<10256xi32, #tpu.memory_space<vmem_shared>> -> memref<10256xi32, #tpu.memory_space<vmem_shared>>
      tpu.wait_indirect_dma semaphore(%arg15 : memref<!tpu.dma_semaphore, #tpu.memory_space<semaphore_mem>>) src(%arg11 : memref<128xi32, #tpu.memory_space<vmem>>) dst(%dma_wait3A_78 : memref<10256xi32, #tpu.memory_space<vmem_shared>>)
      %add3A_79 = arith.constant 1 : i32
      %add3A_80 = arith.addi %scan3A_44, %add3A_79 : i32
      %mul3A_81 = arith.constant 5 : i32
      %mul3A_82 = arith.muli %add3A_80, %mul3A_81 : i32
      %add3A_83 = arith.constant 2 : i32
      %add3A_84 = arith.addi %mul3A_82, %add3A_83 : i32
      %mul3A_85 = arith.constant 128 : i32
      %mul3A_86 = arith.muli %add3A_84, %mul3A_85 : i32
      %add3A_87 = arith.addi %mul3A_4, %mul3A_86 : i32
      "tpu.region"() ({
        %run_scoped3A = tpu.sem_alloc : memref<!tpu.dma_semaphore, #tpu.memory_space<semaphore_mem>>
        %dma_start3A_110 = tpu.memref_slice %arg2[%add3A_87] : memref<327680xi32, #tpu.memory_space<hbm>> -> memref<128xi32, #tpu.memory_space<hbm>>
        %dma_start3A_111 = tpu.memref_slice %arg2[%add3A_87] : memref<327680xi32, #tpu.memory_space<hbm>> -> memref<128xi32, #tpu.memory_space<hbm>>
        tpu.enqueue_dma source(%dma_start3A_111 : memref<128xi32, #tpu.memory_space<hbm>>) target(%arg8 : memref<128xi32, #tpu.memory_space<vmem>>) target_semaphore(%run_scoped3A : memref<!tpu.dma_semaphore, #tpu.memory_space<semaphore_mem>>)
        %dma_wait3A_112 = tpu.memref_slice %arg2[%add3A_87] : memref<327680xi32, #tpu.memory_space<hbm>> -> memref<128xi32, #tpu.memory_space<hbm>>
        %dma_wait3A_113 = tpu.memref_slice %arg2[%add3A_87] : memref<327680xi32, #tpu.memory_space<hbm>> -> memref<128xi32, #tpu.memory_space<hbm>>
        tpu.wait_dma2 semaphore(%run_scoped3A : memref<!tpu.dma_semaphore, #tpu.memory_space<semaphore_mem>>) src(%dma_wait3A_113 : memref<128xi32, #tpu.memory_space<hbm>>) dst(%arg8 : memref<128xi32, #tpu.memory_space<vmem>>)
        tpu.yield
      }) : () -> ()
      %dma_wait3A_88 = arith.constant 0 : i32
      %dma_wait3A_89 = tpu.memref_slice %arg12[%dma_wait3A_88] : memref<10256xi32, #tpu.memory_space<vmem_shared>> -> memref<10256xi32, #tpu.memory_space<vmem_shared>>
      tpu.wait_indirect_dma semaphore(%arg16 : memref<!tpu.dma_semaphore, #tpu.memory_space<semaphore_mem>>) src(%arg11 : memref<128xi32, #tpu.memory_space<vmem>>) dst(%dma_wait3A_89 : memref<10256xi32, #tpu.memory_space<vmem_shared>>)
      %add3A_90 = arith.constant 1 : i32
      %add3A_91 = arith.addi %scan3A_44, %add3A_90 : i32
      %mul3A_92 = arith.constant 5 : i32
      %mul3A_93 = arith.muli %add3A_91, %mul3A_92 : i32
      %add3A_94 = arith.constant 3 : i32
      %add3A_95 = arith.addi %mul3A_93, %add3A_94 : i32
      %mul3A_96 = arith.constant 128 : i32
      %mul3A_97 = arith.muli %add3A_95, %mul3A_96 : i32
      %add3A_98 = arith.addi %mul3A_4, %mul3A_97 : i32
      "tpu.region"() ({
        %run_scoped3A = tpu.sem_alloc : memref<!tpu.dma_semaphore, #tpu.memory_space<semaphore_mem>>
        %dma_start3A_110 = tpu.memref_slice %arg2[%add3A_98] : memref<327680xi32, #tpu.memory_space<hbm>> -> memref<128xi32, #tpu.memory_space<hbm>>
        %dma_start3A_111 = tpu.memref_slice %arg2[%add3A_98] : memref<327680xi32, #tpu.memory_space<hbm>> -> memref<128xi32, #tpu.memory_space<hbm>>
        tpu.enqueue_dma source(%dma_start3A_111 : memref<128xi32, #tpu.memory_space<hbm>>) target(%arg9 : memref<128xi32, #tpu.memory_space<vmem>>) target_semaphore(%run_scoped3A : memref<!tpu.dma_semaphore, #tpu.memory_space<semaphore_mem>>)
        %dma_wait3A_112 = tpu.memref_slice %arg2[%add3A_98] : memref<327680xi32, #tpu.memory_space<hbm>> -> memref<128xi32, #tpu.memory_space<hbm>>
        %dma_wait3A_113 = tpu.memref_slice %arg2[%add3A_98] : memref<327680xi32, #tpu.memory_space<hbm>> -> memref<128xi32, #tpu.memory_space<hbm>>
        tpu.wait_dma2 semaphore(%run_scoped3A : memref<!tpu.dma_semaphore, #tpu.memory_space<semaphore_mem>>) src(%dma_wait3A_113 : memref<128xi32, #tpu.memory_space<hbm>>) dst(%arg9 : memref<128xi32, #tpu.memory_space<vmem>>)
        tpu.yield
      }) : () -> ()
      %dma_wait3A_99 = arith.constant 0 : i32
      %dma_wait3A_100 = tpu.memref_slice %arg12[%dma_wait3A_99] : memref<10256xi32, #tpu.memory_space<vmem_shared>> -> memref<10256xi32, #tpu.memory_space<vmem_shared>>
      tpu.wait_indirect_dma semaphore(%arg17 : memref<!tpu.dma_semaphore, #tpu.memory_space<semaphore_mem>>) src(%arg11 : memref<128xi32, #tpu.memory_space<vmem>>) dst(%dma_wait3A_100 : memref<10256xi32, #tpu.memory_space<vmem_shared>>)
      %add3A_101 = arith.constant 1 : i32
      %add3A_102 = arith.addi %scan3A_44, %add3A_101 : i32
      %mul3A_103 = arith.constant 5 : i32
      %mul3A_104 = arith.muli %add3A_102, %mul3A_103 : i32
      %add3A_105 = arith.constant 4 : i32
      %add3A_106 = arith.addi %mul3A_104, %add3A_105 : i32
      %mul3A_107 = arith.constant 128 : i32
      %mul3A_108 = arith.muli %add3A_106, %mul3A_107 : i32
      %add3A_109 = arith.addi %mul3A_4, %mul3A_108 : i32
      "tpu.region"() ({
        %run_scoped3A = tpu.sem_alloc : memref<!tpu.dma_semaphore, #tpu.memory_space<semaphore_mem>>
        %dma_start3A_110 = tpu.memref_slice %arg2[%add3A_109] : memref<327680xi32, #tpu.memory_space<hbm>> -> memref<128xi32, #tpu.memory_space<hbm>>
        %dma_start3A_111 = tpu.memref_slice %arg2[%add3A_109] : memref<327680xi32, #tpu.memory_space<hbm>> -> memref<128xi32, #tpu.memory_space<hbm>>
        tpu.enqueue_dma source(%dma_start3A_111 : memref<128xi32, #tpu.memory_space<hbm>>) target(%arg10 : memref<128xi32, #tpu.memory_space<vmem>>) target_semaphore(%run_scoped3A : memref<!tpu.dma_semaphore, #tpu.memory_space<semaphore_mem>>)
        %dma_wait3A_112 = tpu.memref_slice %arg2[%add3A_109] : memref<327680xi32, #tpu.memory_space<hbm>> -> memref<128xi32, #tpu.memory_space<hbm>>
        %dma_wait3A_113 = tpu.memref_slice %arg2[%add3A_109] : memref<327680xi32, #tpu.memory_space<hbm>> -> memref<128xi32, #tpu.memory_space<hbm>>
        tpu.wait_dma2 semaphore(%run_scoped3A : memref<!tpu.dma_semaphore, #tpu.memory_space<semaphore_mem>>) src(%dma_wait3A_113 : memref<128xi32, #tpu.memory_space<hbm>>) dst(%arg10 : memref<128xi32, #tpu.memory_space<vmem>>)
        tpu.yield
      }) : () -> ()
    }
    %scan3A_19 = arith.constant 15 : i32
    %dma_start3A = arith.constant 0 : i32
    %dma_start3A_20 = tpu.memref_slice %arg12[%dma_start3A] : memref<10256xi32, #tpu.memory_space<vmem_shared>> -> memref<10256xi32, #tpu.memory_space<vmem_shared>>
    tpu.enqueue_indirect_dma source(%arg11 : memref<128xi32, #tpu.memory_space<vmem>>) target(%dma_start3A_20 : memref<10256xi32, #tpu.memory_space<vmem_shared>>) offsets(%arg6 : memref<128xi32, #tpu.memory_space<vmem>>) semaphore(%arg13 : memref<!tpu.dma_semaphore, #tpu.memory_space<semaphore_mem>>) {add = true}
    %dma_start3A_21 = arith.constant 0 : i32
    %dma_start3A_22 = tpu.memref_slice %arg12[%dma_start3A_21] : memref<10256xi32, #tpu.memory_space<vmem_shared>> -> memref<10256xi32, #tpu.memory_space<vmem_shared>>
    tpu.enqueue_indirect_dma source(%arg11 : memref<128xi32, #tpu.memory_space<vmem>>) target(%dma_start3A_22 : memref<10256xi32, #tpu.memory_space<vmem_shared>>) offsets(%arg7 : memref<128xi32, #tpu.memory_space<vmem>>) semaphore(%arg14 : memref<!tpu.dma_semaphore, #tpu.memory_space<semaphore_mem>>) {add = true}
    %dma_start3A_23 = arith.constant 0 : i32
    %dma_start3A_24 = tpu.memref_slice %arg12[%dma_start3A_23] : memref<10256xi32, #tpu.memory_space<vmem_shared>> -> memref<10256xi32, #tpu.memory_space<vmem_shared>>
    tpu.enqueue_indirect_dma source(%arg11 : memref<128xi32, #tpu.memory_space<vmem>>) target(%dma_start3A_24 : memref<10256xi32, #tpu.memory_space<vmem_shared>>) offsets(%arg8 : memref<128xi32, #tpu.memory_space<vmem>>) semaphore(%arg15 : memref<!tpu.dma_semaphore, #tpu.memory_space<semaphore_mem>>) {add = true}
    %dma_start3A_25 = arith.constant 0 : i32
    %dma_start3A_26 = tpu.memref_slice %arg12[%dma_start3A_25] : memref<10256xi32, #tpu.memory_space<vmem_shared>> -> memref<10256xi32, #tpu.memory_space<vmem_shared>>
    tpu.enqueue_indirect_dma source(%arg11 : memref<128xi32, #tpu.memory_space<vmem>>) target(%dma_start3A_26 : memref<10256xi32, #tpu.memory_space<vmem_shared>>) offsets(%arg9 : memref<128xi32, #tpu.memory_space<vmem>>) semaphore(%arg16 : memref<!tpu.dma_semaphore, #tpu.memory_space<semaphore_mem>>) {add = true}
    %dma_start3A_27 = arith.constant 0 : i32
    %dma_start3A_28 = tpu.memref_slice %arg12[%dma_start3A_27] : memref<10256xi32, #tpu.memory_space<vmem_shared>> -> memref<10256xi32, #tpu.memory_space<vmem_shared>>
    tpu.enqueue_indirect_dma source(%arg11 : memref<128xi32, #tpu.memory_space<vmem>>) target(%dma_start3A_28 : memref<10256xi32, #tpu.memory_space<vmem_shared>>) offsets(%arg10 : memref<128xi32, #tpu.memory_space<vmem>>) semaphore(%arg17 : memref<!tpu.dma_semaphore, #tpu.memory_space<semaphore_mem>>) {add = true}
    %dma_wait3A = arith.constant 0 : i32
    %dma_wait3A_29 = tpu.memref_slice %arg12[%dma_wait3A] : memref<10256xi32, #tpu.memory_space<vmem_shared>> -> memref<10256xi32, #tpu.memory_space<vmem_shared>>
    tpu.wait_indirect_dma semaphore(%arg13 : memref<!tpu.dma_semaphore, #tpu.memory_space<semaphore_mem>>) src(%arg11 : memref<128xi32, #tpu.memory_space<vmem>>) dst(%dma_wait3A_29 : memref<10256xi32, #tpu.memory_space<vmem_shared>>)
    %dma_wait3A_30 = arith.constant 0 : i32
    %dma_wait3A_31 = tpu.memref_slice %arg12[%dma_wait3A_30] : memref<10256xi32, #tpu.memory_space<vmem_shared>> -> memref<10256xi32, #tpu.memory_space<vmem_shared>>
    tpu.wait_indirect_dma semaphore(%arg14 : memref<!tpu.dma_semaphore, #tpu.memory_space<semaphore_mem>>) src(%arg11 : memref<128xi32, #tpu.memory_space<vmem>>) dst(%dma_wait3A_31 : memref<10256xi32, #tpu.memory_space<vmem_shared>>)
    %dma_wait3A_32 = arith.constant 0 : i32
    %dma_wait3A_33 = tpu.memref_slice %arg12[%dma_wait3A_32] : memref<10256xi32, #tpu.memory_space<vmem_shared>> -> memref<10256xi32, #tpu.memory_space<vmem_shared>>
    tpu.wait_indirect_dma semaphore(%arg15 : memref<!tpu.dma_semaphore, #tpu.memory_space<semaphore_mem>>) src(%arg11 : memref<128xi32, #tpu.memory_space<vmem>>) dst(%dma_wait3A_33 : memref<10256xi32, #tpu.memory_space<vmem_shared>>)
    %dma_wait3A_34 = arith.constant 0 : i32
    %dma_wait3A_35 = tpu.memref_slice %arg12[%dma_wait3A_34] : memref<10256xi32, #tpu.memory_space<vmem_shared>> -> memref<10256xi32, #tpu.memory_space<vmem_shared>>
    tpu.wait_indirect_dma semaphore(%arg16 : memref<!tpu.dma_semaphore, #tpu.memory_space<semaphore_mem>>) src(%arg11 : memref<128xi32, #tpu.memory_space<vmem>>) dst(%dma_wait3A_35 : memref<10256xi32, #tpu.memory_space<vmem_shared>>)
    %dma_wait3A_36 = arith.constant 0 : i32
    %dma_wait3A_37 = tpu.memref_slice %arg12[%dma_wait3A_36] : memref<10256xi32, #tpu.memory_space<vmem_shared>> -> memref<10256xi32, #tpu.memory_space<vmem_shared>>
    tpu.wait_indirect_dma semaphore(%arg17 : memref<!tpu.dma_semaphore, #tpu.memory_space<semaphore_mem>>) src(%arg11 : memref<128xi32, #tpu.memory_space<vmem>>) dst(%dma_wait3A_37 : memref<10256xi32, #tpu.memory_space<vmem_shared>>)
    %barrier3A_38 = arith.constant 0 : index
    tpu.barrier barrier_id(%barrier3A_38)
    %eq3A_39 = arith.constant 0 : i32
    %eq3A_40 = arith.cmpi eq, %arg1, %eq3A_39 : i32
    %convert_element_type3A_41 = arith.extui %eq3A_40 : i1 to i32
    %cond3A_42 = arith.constant 0 : i32
    %cond3A_43 = arith.cmpi ne, %convert_element_type3A_41, %cond3A_42 : i32
    scf.if %cond3A_43 {
      "tpu.region"() ({
        %run_scoped3A = tpu.sem_alloc : memref<!tpu.dma_semaphore, #tpu.memory_space<semaphore_mem>>
        %dma_start3A_44 = arith.constant 0 : i32
        %dma_start3A_45 = tpu.memref_slice %arg5[%arg0, %dma_start3A_44] : memref<2x10256xi32, #tpu.memory_space<hbm>> -> memref<1x10256xi32, #tpu.memory_space<hbm>>
        %dma_start3A_46 = tpu.memref_squeeze %dma_start3A_45 : memref<1x10256xi32, #tpu.memory_space<hbm>> -> memref<10256xi32, #tpu.memory_space<hbm>>
        tpu.enqueue_dma source(%arg12 : memref<10256xi32, #tpu.memory_space<vmem_shared>>) target(%dma_start3A_46 : memref<10256xi32, #tpu.memory_space<hbm>>) target_semaphore(%run_scoped3A : memref<!tpu.dma_semaphore, #tpu.memory_space<semaphore_mem>>)
        %dma_wait3A_47 = arith.constant 0 : i32
        %dma_wait3A_48 = tpu.memref_slice %arg5[%arg0, %dma_wait3A_47] : memref<2x10256xi32, #tpu.memory_space<hbm>> -> memref<1x10256xi32, #tpu.memory_space<hbm>>
        %dma_wait3A_49 = tpu.memref_squeeze %dma_wait3A_48 : memref<1x10256xi32, #tpu.memory_space<hbm>> -> memref<10256xi32, #tpu.memory_space<hbm>>
        tpu.wait_dma2 semaphore(%run_scoped3A : memref<!tpu.dma_semaphore, #tpu.memory_space<semaphore_mem>>) src(%arg12 : memref<10256xi32, #tpu.memory_space<vmem_shared>>) dst(%dma_wait3A_49 : memref<10256xi32, #tpu.memory_space<hbm>>)
        tpu.yield
      }) : () -> ()
    } else {
    }
    return
  }
}

#map = affine_map<(d0, d1) -> (0, 0)>
#map1 = affine_map<(d0, d1) -> (0)>
#map2 = affine_map<(d0, d1) -> (0, 0, 0)>
module attributes {stable_mosaic.version = 14 : i64} {
  func.func @_sc_scatter(%arg0: i32, %arg1: i32, %arg2: memref<10000x128xf32, #tpu.memory_space<hbm>>, %arg3: memref<327680xi32, #tpu.memory_space<hbm>>, %arg4: memref<327680xi32, #tpu.memory_space<hbm>>, %arg5: memref<10000x128xf32, #tpu.memory_space<hbm>>, %arg6: memref<2x10000x128xf32, #tpu.memory_space<hbm>>, %arg7: memref<64xi32, #tpu.memory_space<vmem>>, %arg8: memref<64xi32, #tpu.memory_space<vmem>>, %arg9: memref<64xi32, #tpu.memory_space<vmem>>, %arg10: memref<64xi32, #tpu.memory_space<vmem>>, %arg11: memref<64xi32, #tpu.memory_space<vmem>>, %arg12: memref<64xi32, #tpu.memory_space<vmem>>, %arg13: memref<64xi32, #tpu.memory_space<vmem>>, %arg14: memref<64xi32, #tpu.memory_space<vmem>>, %arg15: memref<64xi32, #tpu.memory_space<vmem>>, %arg16: memref<64xi32, #tpu.memory_space<vmem>>, %arg17: memref<64x128xf32, #tpu.memory_space<vmem>>, %arg18: memref<64x128xf32, #tpu.memory_space<vmem>>, %arg19: memref<64x128xf32, #tpu.memory_space<vmem>>, %arg20: memref<64x128xf32, #tpu.memory_space<vmem>>, %arg21: memref<64x128xf32, #tpu.memory_space<vmem>>, %arg22: memref<10256x128xf32, #tpu.memory_space<vmem_shared>>, %arg23: memref<!tpu.dma_semaphore, #tpu.memory_space<semaphore_mem>>, %arg24: memref<!tpu.dma_semaphore, #tpu.memory_space<semaphore_mem>>, %arg25: memref<!tpu.dma_semaphore, #tpu.memory_space<semaphore_mem>>, %arg26: memref<!tpu.dma_semaphore, #tpu.memory_space<semaphore_mem>>, %arg27: memref<!tpu.dma_semaphore, #tpu.memory_space<semaphore_mem>>, %arg28: memref<!tpu.dma_semaphore, #tpu.memory_space<semaphore_mem>>, %arg29: memref<!tpu.dma_semaphore, #tpu.memory_space<semaphore_mem>>, %arg30: memref<!tpu.dma_semaphore, #tpu.memory_space<semaphore_mem>>, %arg31: memref<!tpu.dma_semaphore, #tpu.memory_space<semaphore_mem>>, %arg32: memref<!tpu.dma_semaphore, #tpu.memory_space<semaphore_mem>>) attributes {dimension_semantics = [#tpu.dimension_semantics<core_parallel>, #tpu.dimension_semantics<subcore_parallel>], iteration_bounds = array<i64: 2, 16>, scalar_prefetch = 0 : i64, scratch_operands = 26 : i64, tpu.core_type = #tpu.core_type<sc_vector_subcore>, window_params = [{transform_indices = #map}, {transform_indices = #map1}, {transform_indices = #map1}, {transform_indices = #map}, {transform_indices = #map2}]} {
    %mul3A = arith.constant 16 : i32
    %mul3A_0 = arith.muli %arg0, %mul3A : i32
    %add3A = arith.addi %mul3A_0, %arg1 : i32
    %mul3A_1 = arith.constant 624 : i32
    %mul3A_2 = arith.muli %arg1, %mul3A_1 : i32
    %mul3A_3 = arith.constant 624 : i32
    %mul3A_4 = arith.muli %arg1, %mul3A_3 : i32
    "tpu.region"() ({
      %run_scoped3A = tpu.sem_alloc : memref<!tpu.dma_semaphore, #tpu.memory_space<semaphore_mem>>
      %dma_start3A_92 = arith.constant 0 : i32
      %dma_start3A_93 = tpu.memref_slice %arg22[%mul3A_4, %dma_start3A_92] : memref<10256x128xf32, #tpu.memory_space<vmem_shared>> -> memref<624x128xf32, #tpu.memory_space<vmem_shared>>
      %dma_start3A_94 = arith.constant 0 : i32
      %dma_start3A_95 = tpu.memref_slice %arg5[%mul3A_2, %dma_start3A_94] : memref<10000x128xf32, #tpu.memory_space<hbm>> -> memref<624x128xf32, #tpu.memory_space<hbm>>
      tpu.enqueue_dma source(%dma_start3A_95 : memref<624x128xf32, #tpu.memory_space<hbm>>) target(%dma_start3A_93 : memref<624x128xf32, #tpu.memory_space<vmem_shared>>) target_semaphore(%run_scoped3A : memref<!tpu.dma_semaphore, #tpu.memory_space<semaphore_mem>>)
      %dma_wait3A_96 = arith.constant 0 : i32
      %dma_wait3A_97 = tpu.memref_slice %arg22[%mul3A_4, %dma_wait3A_96] : memref<10256x128xf32, #tpu.memory_space<vmem_shared>> -> memref<624x128xf32, #tpu.memory_space<vmem_shared>>
      %dma_wait3A_98 = arith.constant 0 : i32
      %dma_wait3A_99 = tpu.memref_slice %arg5[%mul3A_2, %dma_wait3A_98] : memref<10000x128xf32, #tpu.memory_space<hbm>> -> memref<624x128xf32, #tpu.memory_space<hbm>>
      tpu.wait_dma2 semaphore(%run_scoped3A : memref<!tpu.dma_semaphore, #tpu.memory_space<semaphore_mem>>) src(%dma_wait3A_99 : memref<624x128xf32, #tpu.memory_space<hbm>>) dst(%dma_wait3A_97 : memref<624x128xf32, #tpu.memory_space<vmem_shared>>)
      tpu.yield
    }) : () -> ()
    %eq3A = arith.constant 0 : i32
    %eq3A_5 = arith.cmpi eq, %arg1, %eq3A : i32
    %convert_element_type3A = arith.extui %eq3A_5 : i1 to i32
    %cond3A = arith.constant 0 : i32
    %cond3A_6 = arith.cmpi ne, %convert_element_type3A, %cond3A : i32
    scf.if %cond3A_6 {
      "tpu.region"() ({
        %run_scoped3A = tpu.sem_alloc : memref<!tpu.dma_semaphore, #tpu.memory_space<semaphore_mem>>
        %dma_start3A_92 = arith.constant 9984 : i32
        %dma_start3A_93 = arith.constant 0 : i32
        %dma_start3A_94 = tpu.memref_slice %arg22[%dma_start3A_92, %dma_start3A_93] : memref<10256x128xf32, #tpu.memory_space<vmem_shared>> -> memref<16x128xf32, #tpu.memory_space<vmem_shared>>
        %dma_start3A_95 = arith.constant 9984 : i32
        %dma_start3A_96 = arith.constant 0 : i32
        %dma_start3A_97 = tpu.memref_slice %arg5[%dma_start3A_95, %dma_start3A_96] : memref<10000x128xf32, #tpu.memory_space<hbm>> -> memref<16x128xf32, #tpu.memory_space<hbm>>
        tpu.enqueue_dma source(%dma_start3A_97 : memref<16x128xf32, #tpu.memory_space<hbm>>) target(%dma_start3A_94 : memref<16x128xf32, #tpu.memory_space<vmem_shared>>) target_semaphore(%run_scoped3A : memref<!tpu.dma_semaphore, #tpu.memory_space<semaphore_mem>>)
        %dma_wait3A_98 = arith.constant 9984 : i32
        %dma_wait3A_99 = arith.constant 0 : i32
        %dma_wait3A_100 = tpu.memref_slice %arg22[%dma_wait3A_98, %dma_wait3A_99] : memref<10256x128xf32, #tpu.memory_space<vmem_shared>> -> memref<16x128xf32, #tpu.memory_space<vmem_shared>>
        %dma_wait3A_101 = arith.constant 9984 : i32
        %dma_wait3A_102 = arith.constant 0 : i32
        %dma_wait3A_103 = tpu.memref_slice %arg5[%dma_wait3A_101, %dma_wait3A_102] : memref<10000x128xf32, #tpu.memory_space<hbm>> -> memref<16x128xf32, #tpu.memory_space<hbm>>
        tpu.wait_dma2 semaphore(%run_scoped3A : memref<!tpu.dma_semaphore, #tpu.memory_space<semaphore_mem>>) src(%dma_wait3A_103 : memref<16x128xf32, #tpu.memory_space<hbm>>) dst(%dma_wait3A_100 : memref<16x128xf32, #tpu.memory_space<vmem_shared>>)
        tpu.yield
      }) : () -> ()
    } else {
    }
    %barrier3A = arith.constant 0 : index
    tpu.barrier barrier_id(%barrier3A)
    %mul3A_7 = arith.constant 10240 : i32
    %mul3A_8 = arith.muli %add3A, %mul3A_7 : i32
    %add3A_9 = arith.constant 0 : i32
    %add3A_10 = arith.addi %mul3A_8, %add3A_9 : i32
    "tpu.region"() ({
      %run_scoped3A = tpu.sem_alloc : memref<!tpu.dma_semaphore, #tpu.memory_space<semaphore_mem>>
      %dma_start3A_92 = tpu.memref_slice %arg3[%add3A_10] : memref<327680xi32, #tpu.memory_space<hbm>> -> memref<64xi32, #tpu.memory_space<hbm>>
      %dma_start3A_93 = tpu.memref_slice %arg3[%add3A_10] : memref<327680xi32, #tpu.memory_space<hbm>> -> memref<64xi32, #tpu.memory_space<hbm>>
      tpu.enqueue_dma source(%dma_start3A_93 : memref<64xi32, #tpu.memory_space<hbm>>) target(%arg7 : memref<64xi32, #tpu.memory_space<vmem>>) target_semaphore(%run_scoped3A : memref<!tpu.dma_semaphore, #tpu.memory_space<semaphore_mem>>)
      %dma_wait3A_94 = tpu.memref_slice %arg3[%add3A_10] : memref<327680xi32, #tpu.memory_space<hbm>> -> memref<64xi32, #tpu.memory_space<hbm>>
      %dma_wait3A_95 = tpu.memref_slice %arg3[%add3A_10] : memref<327680xi32, #tpu.memory_space<hbm>> -> memref<64xi32, #tpu.memory_space<hbm>>
      tpu.wait_dma2 semaphore(%run_scoped3A : memref<!tpu.dma_semaphore, #tpu.memory_space<semaphore_mem>>) src(%dma_wait3A_95 : memref<64xi32, #tpu.memory_space<hbm>>) dst(%arg7 : memref<64xi32, #tpu.memory_space<vmem>>)
      tpu.yield
    }) : () -> ()
    "tpu.region"() ({
      %run_scoped3A = tpu.sem_alloc : memref<!tpu.dma_semaphore, #tpu.memory_space<semaphore_mem>>
      %dma_start3A_92 = tpu.memref_slice %arg4[%add3A_10] : memref<327680xi32, #tpu.memory_space<hbm>> -> memref<64xi32, #tpu.memory_space<hbm>>
      %dma_start3A_93 = tpu.memref_slice %arg4[%add3A_10] : memref<327680xi32, #tpu.memory_space<hbm>> -> memref<64xi32, #tpu.memory_space<hbm>>
      tpu.enqueue_dma source(%dma_start3A_93 : memref<64xi32, #tpu.memory_space<hbm>>) target(%arg12 : memref<64xi32, #tpu.memory_space<vmem>>) target_semaphore(%run_scoped3A : memref<!tpu.dma_semaphore, #tpu.memory_space<semaphore_mem>>)
      %dma_wait3A_94 = tpu.memref_slice %arg4[%add3A_10] : memref<327680xi32, #tpu.memory_space<hbm>> -> memref<64xi32, #tpu.memory_space<hbm>>
      %dma_wait3A_95 = tpu.memref_slice %arg4[%add3A_10] : memref<327680xi32, #tpu.memory_space<hbm>> -> memref<64xi32, #tpu.memory_space<hbm>>
      tpu.wait_dma2 semaphore(%run_scoped3A : memref<!tpu.dma_semaphore, #tpu.memory_space<semaphore_mem>>) src(%dma_wait3A_95 : memref<64xi32, #tpu.memory_space<hbm>>) dst(%arg12 : memref<64xi32, #tpu.memory_space<vmem>>)
      tpu.yield
    }) : () -> ()
    %dma_start3A = arith.constant 0 : i32
    %dma_start3A_11 = arith.constant 0 : i32
    %dma_start3A_12 = tpu.memref_slice %arg2[%dma_start3A, %dma_start3A_11] : memref<10000x128xf32, #tpu.memory_space<hbm>> -> memref<10000x128xf32, #tpu.memory_space<hbm>>
    tpu.enqueue_indirect_dma source(%dma_start3A_12 : memref<10000x128xf32, #tpu.memory_space<hbm>>) target(%arg17 : memref<64x128xf32, #tpu.memory_space<vmem>>) offsets(%arg7 : memref<64xi32, #tpu.memory_space<vmem>>) semaphore(%arg23 : memref<!tpu.dma_semaphore, #tpu.memory_space<semaphore_mem>>)
    %add3A_13 = arith.constant 64 : i32
    %add3A_14 = arith.addi %mul3A_8, %add3A_13 : i32
    "tpu.region"() ({
      %run_scoped3A = tpu.sem_alloc : memref<!tpu.dma_semaphore, #tpu.memory_space<semaphore_mem>>
      %dma_start3A_92 = tpu.memref_slice %arg3[%add3A_14] : memref<327680xi32, #tpu.memory_space<hbm>> -> memref<64xi32, #tpu.memory_space<hbm>>
      %dma_start3A_93 = tpu.memref_slice %arg3[%add3A_14] : memref<327680xi32, #tpu.memory_space<hbm>> -> memref<64xi32, #tpu.memory_space<hbm>>
      tpu.enqueue_dma source(%dma_start3A_93 : memref<64xi32, #tpu.memory_space<hbm>>) target(%arg8 : memref<64xi32, #tpu.memory_space<vmem>>) target_semaphore(%run_scoped3A : memref<!tpu.dma_semaphore, #tpu.memory_space<semaphore_mem>>)
      %dma_wait3A_94 = tpu.memref_slice %arg3[%add3A_14] : memref<327680xi32, #tpu.memory_space<hbm>> -> memref<64xi32, #tpu.memory_space<hbm>>
      %dma_wait3A_95 = tpu.memref_slice %arg3[%add3A_14] : memref<327680xi32, #tpu.memory_space<hbm>> -> memref<64xi32, #tpu.memory_space<hbm>>
      tpu.wait_dma2 semaphore(%run_scoped3A : memref<!tpu.dma_semaphore, #tpu.memory_space<semaphore_mem>>) src(%dma_wait3A_95 : memref<64xi32, #tpu.memory_space<hbm>>) dst(%arg8 : memref<64xi32, #tpu.memory_space<vmem>>)
      tpu.yield
    }) : () -> ()
    "tpu.region"() ({
      %run_scoped3A = tpu.sem_alloc : memref<!tpu.dma_semaphore, #tpu.memory_space<semaphore_mem>>
      %dma_start3A_92 = tpu.memref_slice %arg4[%add3A_14] : memref<327680xi32, #tpu.memory_space<hbm>> -> memref<64xi32, #tpu.memory_space<hbm>>
      %dma_start3A_93 = tpu.memref_slice %arg4[%add3A_14] : memref<327680xi32, #tpu.memory_space<hbm>> -> memref<64xi32, #tpu.memory_space<hbm>>
      tpu.enqueue_dma source(%dma_start3A_93 : memref<64xi32, #tpu.memory_space<hbm>>) target(%arg13 : memref<64xi32, #tpu.memory_space<vmem>>) target_semaphore(%run_scoped3A : memref<!tpu.dma_semaphore, #tpu.memory_space<semaphore_mem>>)
      %dma_wait3A_94 = tpu.memref_slice %arg4[%add3A_14] : memref<327680xi32, #tpu.memory_space<hbm>> -> memref<64xi32, #tpu.memory_space<hbm>>
      %dma_wait3A_95 = tpu.memref_slice %arg4[%add3A_14] : memref<327680xi32, #tpu.memory_space<hbm>> -> memref<64xi32, #tpu.memory_space<hbm>>
      tpu.wait_dma2 semaphore(%run_scoped3A : memref<!tpu.dma_semaphore, #tpu.memory_space<semaphore_mem>>) src(%dma_wait3A_95 : memref<64xi32, #tpu.memory_space<hbm>>) dst(%arg13 : memref<64xi32, #tpu.memory_space<vmem>>)
      tpu.yield
    }) : () -> ()
    %dma_start3A_15 = arith.constant 0 : i32
    %dma_start3A_16 = arith.constant 0 : i32
    %dma_start3A_17 = tpu.memref_slice %arg2[%dma_start3A_15, %dma_start3A_16] : memref<10000x128xf32, #tpu.memory_space<hbm>> -> memref<10000x128xf32, #tpu.memory_space<hbm>>
    tpu.enqueue_indirect_dma source(%dma_start3A_17 : memref<10000x128xf32, #tpu.memory_space<hbm>>) target(%arg18 : memref<64x128xf32, #tpu.memory_space<vmem>>) offsets(%arg8 : memref<64xi32, #tpu.memory_space<vmem>>) semaphore(%arg24 : memref<!tpu.dma_semaphore, #tpu.memory_space<semaphore_mem>>)
    %add3A_18 = arith.constant 128 : i32
    %add3A_19 = arith.addi %mul3A_8, %add3A_18 : i32
    "tpu.region"() ({
      %run_scoped3A = tpu.sem_alloc : memref<!tpu.dma_semaphore, #tpu.memory_space<semaphore_mem>>
      %dma_start3A_92 = tpu.memref_slice %arg3[%add3A_19] : memref<327680xi32, #tpu.memory_space<hbm>> -> memref<64xi32, #tpu.memory_space<hbm>>
      %dma_start3A_93 = tpu.memref_slice %arg3[%add3A_19] : memref<327680xi32, #tpu.memory_space<hbm>> -> memref<64xi32, #tpu.memory_space<hbm>>
      tpu.enqueue_dma source(%dma_start3A_93 : memref<64xi32, #tpu.memory_space<hbm>>) target(%arg9 : memref<64xi32, #tpu.memory_space<vmem>>) target_semaphore(%run_scoped3A : memref<!tpu.dma_semaphore, #tpu.memory_space<semaphore_mem>>)
      %dma_wait3A_94 = tpu.memref_slice %arg3[%add3A_19] : memref<327680xi32, #tpu.memory_space<hbm>> -> memref<64xi32, #tpu.memory_space<hbm>>
      %dma_wait3A_95 = tpu.memref_slice %arg3[%add3A_19] : memref<327680xi32, #tpu.memory_space<hbm>> -> memref<64xi32, #tpu.memory_space<hbm>>
      tpu.wait_dma2 semaphore(%run_scoped3A : memref<!tpu.dma_semaphore, #tpu.memory_space<semaphore_mem>>) src(%dma_wait3A_95 : memref<64xi32, #tpu.memory_space<hbm>>) dst(%arg9 : memref<64xi32, #tpu.memory_space<vmem>>)
      tpu.yield
    }) : () -> ()
    "tpu.region"() ({
      %run_scoped3A = tpu.sem_alloc : memref<!tpu.dma_semaphore, #tpu.memory_space<semaphore_mem>>
      %dma_start3A_92 = tpu.memref_slice %arg4[%add3A_19] : memref<327680xi32, #tpu.memory_space<hbm>> -> memref<64xi32, #tpu.memory_space<hbm>>
      %dma_start3A_93 = tpu.memref_slice %arg4[%add3A_19] : memref<327680xi32, #tpu.memory_space<hbm>> -> memref<64xi32, #tpu.memory_space<hbm>>
      tpu.enqueue_dma source(%dma_start3A_93 : memref<64xi32, #tpu.memory_space<hbm>>) target(%arg14 : memref<64xi32, #tpu.memory_space<vmem>>) target_semaphore(%run_scoped3A : memref<!tpu.dma_semaphore, #tpu.memory_space<semaphore_mem>>)
      %dma_wait3A_94 = tpu.memref_slice %arg4[%add3A_19] : memref<327680xi32, #tpu.memory_space<hbm>> -> memref<64xi32, #tpu.memory_space<hbm>>
      %dma_wait3A_95 = tpu.memref_slice %arg4[%add3A_19] : memref<327680xi32, #tpu.memory_space<hbm>> -> memref<64xi32, #tpu.memory_space<hbm>>
      tpu.wait_dma2 semaphore(%run_scoped3A : memref<!tpu.dma_semaphore, #tpu.memory_space<semaphore_mem>>) src(%dma_wait3A_95 : memref<64xi32, #tpu.memory_space<hbm>>) dst(%arg14 : memref<64xi32, #tpu.memory_space<vmem>>)
      tpu.yield
    }) : () -> ()
    %dma_start3A_20 = arith.constant 0 : i32
    %dma_start3A_21 = arith.constant 0 : i32
    %dma_start3A_22 = tpu.memref_slice %arg2[%dma_start3A_20, %dma_start3A_21] : memref<10000x128xf32, #tpu.memory_space<hbm>> -> memref<10000x128xf32, #tpu.memory_space<hbm>>
    tpu.enqueue_indirect_dma source(%dma_start3A_22 : memref<10000x128xf32, #tpu.memory_space<hbm>>) target(%arg19 : memref<64x128xf32, #tpu.memory_space<vmem>>) offsets(%arg9 : memref<64xi32, #tpu.memory_space<vmem>>) semaphore(%arg25 : memref<!tpu.dma_semaphore, #tpu.memory_space<semaphore_mem>>)
    %add3A_23 = arith.constant 192 : i32
    %add3A_24 = arith.addi %mul3A_8, %add3A_23 : i32
    "tpu.region"() ({
      %run_scoped3A = tpu.sem_alloc : memref<!tpu.dma_semaphore, #tpu.memory_space<semaphore_mem>>
      %dma_start3A_92 = tpu.memref_slice %arg3[%add3A_24] : memref<327680xi32, #tpu.memory_space<hbm>> -> memref<64xi32, #tpu.memory_space<hbm>>
      %dma_start3A_93 = tpu.memref_slice %arg3[%add3A_24] : memref<327680xi32, #tpu.memory_space<hbm>> -> memref<64xi32, #tpu.memory_space<hbm>>
      tpu.enqueue_dma source(%dma_start3A_93 : memref<64xi32, #tpu.memory_space<hbm>>) target(%arg10 : memref<64xi32, #tpu.memory_space<vmem>>) target_semaphore(%run_scoped3A : memref<!tpu.dma_semaphore, #tpu.memory_space<semaphore_mem>>)
      %dma_wait3A_94 = tpu.memref_slice %arg3[%add3A_24] : memref<327680xi32, #tpu.memory_space<hbm>> -> memref<64xi32, #tpu.memory_space<hbm>>
      %dma_wait3A_95 = tpu.memref_slice %arg3[%add3A_24] : memref<327680xi32, #tpu.memory_space<hbm>> -> memref<64xi32, #tpu.memory_space<hbm>>
      tpu.wait_dma2 semaphore(%run_scoped3A : memref<!tpu.dma_semaphore, #tpu.memory_space<semaphore_mem>>) src(%dma_wait3A_95 : memref<64xi32, #tpu.memory_space<hbm>>) dst(%arg10 : memref<64xi32, #tpu.memory_space<vmem>>)
      tpu.yield
    }) : () -> ()
    "tpu.region"() ({
      %run_scoped3A = tpu.sem_alloc : memref<!tpu.dma_semaphore, #tpu.memory_space<semaphore_mem>>
      %dma_start3A_92 = tpu.memref_slice %arg4[%add3A_24] : memref<327680xi32, #tpu.memory_space<hbm>> -> memref<64xi32, #tpu.memory_space<hbm>>
      %dma_start3A_93 = tpu.memref_slice %arg4[%add3A_24] : memref<327680xi32, #tpu.memory_space<hbm>> -> memref<64xi32, #tpu.memory_space<hbm>>
      tpu.enqueue_dma source(%dma_start3A_93 : memref<64xi32, #tpu.memory_space<hbm>>) target(%arg15 : memref<64xi32, #tpu.memory_space<vmem>>) target_semaphore(%run_scoped3A : memref<!tpu.dma_semaphore, #tpu.memory_space<semaphore_mem>>)
      %dma_wait3A_94 = tpu.memref_slice %arg4[%add3A_24] : memref<327680xi32, #tpu.memory_space<hbm>> -> memref<64xi32, #tpu.memory_space<hbm>>
      %dma_wait3A_95 = tpu.memref_slice %arg4[%add3A_24] : memref<327680xi32, #tpu.memory_space<hbm>> -> memref<64xi32, #tpu.memory_space<hbm>>
      tpu.wait_dma2 semaphore(%run_scoped3A : memref<!tpu.dma_semaphore, #tpu.memory_space<semaphore_mem>>) src(%dma_wait3A_95 : memref<64xi32, #tpu.memory_space<hbm>>) dst(%arg15 : memref<64xi32, #tpu.memory_space<vmem>>)
      tpu.yield
    }) : () -> ()
    %dma_start3A_25 = arith.constant 0 : i32
    %dma_start3A_26 = arith.constant 0 : i32
    %dma_start3A_27 = tpu.memref_slice %arg2[%dma_start3A_25, %dma_start3A_26] : memref<10000x128xf32, #tpu.memory_space<hbm>> -> memref<10000x128xf32, #tpu.memory_space<hbm>>
    tpu.enqueue_indirect_dma source(%dma_start3A_27 : memref<10000x128xf32, #tpu.memory_space<hbm>>) target(%arg20 : memref<64x128xf32, #tpu.memory_space<vmem>>) offsets(%arg10 : memref<64xi32, #tpu.memory_space<vmem>>) semaphore(%arg26 : memref<!tpu.dma_semaphore, #tpu.memory_space<semaphore_mem>>)
    %add3A_28 = arith.constant 256 : i32
    %add3A_29 = arith.addi %mul3A_8, %add3A_28 : i32
    "tpu.region"() ({
      %run_scoped3A = tpu.sem_alloc : memref<!tpu.dma_semaphore, #tpu.memory_space<semaphore_mem>>
      %dma_start3A_92 = tpu.memref_slice %arg3[%add3A_29] : memref<327680xi32, #tpu.memory_space<hbm>> -> memref<64xi32, #tpu.memory_space<hbm>>
      %dma_start3A_93 = tpu.memref_slice %arg3[%add3A_29] : memref<327680xi32, #tpu.memory_space<hbm>> -> memref<64xi32, #tpu.memory_space<hbm>>
      tpu.enqueue_dma source(%dma_start3A_93 : memref<64xi32, #tpu.memory_space<hbm>>) target(%arg11 : memref<64xi32, #tpu.memory_space<vmem>>) target_semaphore(%run_scoped3A : memref<!tpu.dma_semaphore, #tpu.memory_space<semaphore_mem>>)
      %dma_wait3A_94 = tpu.memref_slice %arg3[%add3A_29] : memref<327680xi32, #tpu.memory_space<hbm>> -> memref<64xi32, #tpu.memory_space<hbm>>
      %dma_wait3A_95 = tpu.memref_slice %arg3[%add3A_29] : memref<327680xi32, #tpu.memory_space<hbm>> -> memref<64xi32, #tpu.memory_space<hbm>>
      tpu.wait_dma2 semaphore(%run_scoped3A : memref<!tpu.dma_semaphore, #tpu.memory_space<semaphore_mem>>) src(%dma_wait3A_95 : memref<64xi32, #tpu.memory_space<hbm>>) dst(%arg11 : memref<64xi32, #tpu.memory_space<vmem>>)
      tpu.yield
    }) : () -> ()
    "tpu.region"() ({
      %run_scoped3A = tpu.sem_alloc : memref<!tpu.dma_semaphore, #tpu.memory_space<semaphore_mem>>
      %dma_start3A_92 = tpu.memref_slice %arg4[%add3A_29] : memref<327680xi32, #tpu.memory_space<hbm>> -> memref<64xi32, #tpu.memory_space<hbm>>
      %dma_start3A_93 = tpu.memref_slice %arg4[%add3A_29] : memref<327680xi32, #tpu.memory_space<hbm>> -> memref<64xi32, #tpu.memory_space<hbm>>
      tpu.enqueue_dma source(%dma_start3A_93 : memref<64xi32, #tpu.memory_space<hbm>>) target(%arg16 : memref<64xi32, #tpu.memory_space<vmem>>) target_semaphore(%run_scoped3A : memref<!tpu.dma_semaphore, #tpu.memory_space<semaphore_mem>>)
      %dma_wait3A_94 = tpu.memref_slice %arg4[%add3A_29] : memref<327680xi32, #tpu.memory_space<hbm>> -> memref<64xi32, #tpu.memory_space<hbm>>
      %dma_wait3A_95 = tpu.memref_slice %arg4[%add3A_29] : memref<327680xi32, #tpu.memory_space<hbm>> -> memref<64xi32, #tpu.memory_space<hbm>>
      tpu.wait_dma2 semaphore(%run_scoped3A : memref<!tpu.dma_semaphore, #tpu.memory_space<semaphore_mem>>) src(%dma_wait3A_95 : memref<64xi32, #tpu.memory_space<hbm>>) dst(%arg16 : memref<64xi32, #tpu.memory_space<vmem>>)
      tpu.yield
    }) : () -> ()
    %dma_start3A_30 = arith.constant 0 : i32
    %dma_start3A_31 = arith.constant 0 : i32
    %dma_start3A_32 = tpu.memref_slice %arg2[%dma_start3A_30, %dma_start3A_31] : memref<10000x128xf32, #tpu.memory_space<hbm>> -> memref<10000x128xf32, #tpu.memory_space<hbm>>
    tpu.enqueue_indirect_dma source(%dma_start3A_32 : memref<10000x128xf32, #tpu.memory_space<hbm>>) target(%arg21 : memref<64x128xf32, #tpu.memory_space<vmem>>) offsets(%arg11 : memref<64xi32, #tpu.memory_space<vmem>>) semaphore(%arg27 : memref<!tpu.dma_semaphore, #tpu.memory_space<semaphore_mem>>)
    %scan3A = arith.constant 0 : i32
    %scan3A_33 = arith.constant 0 : i32
    %scan3A_34 = arith.constant 31 : i32
    %scan3A_35 = arith.addi %scan3A_33, %scan3A_34 : i32
    %scan3A_36 = arith.constant 1 : i32
    scf.for %scan3A_92 = %scan3A_33 to %scan3A_35 step %scan3A_36  : i32 {
      %dma_wait3A_93 = arith.constant 0 : i32
      %dma_wait3A_94 = arith.constant 0 : i32
      %dma_wait3A_95 = tpu.memref_slice %arg2[%dma_wait3A_93, %dma_wait3A_94] : memref<10000x128xf32, #tpu.memory_space<hbm>> -> memref<10000x128xf32, #tpu.memory_space<hbm>>
      tpu.wait_indirect_dma semaphore(%arg23 : memref<!tpu.dma_semaphore, #tpu.memory_space<semaphore_mem>>) src(%dma_wait3A_95 : memref<10000x128xf32, #tpu.memory_space<hbm>>) dst(%arg17 : memref<64x128xf32, #tpu.memory_space<vmem>>)
      %dma_start3A_96 = arith.constant 0 : i32
      %dma_start3A_97 = arith.constant 0 : i32
      %dma_start3A_98 = tpu.memref_slice %arg22[%dma_start3A_96, %dma_start3A_97] : memref<10256x128xf32, #tpu.memory_space<vmem_shared>> -> memref<10256x128xf32, #tpu.memory_space<vmem_shared>>
      tpu.enqueue_indirect_dma source(%arg17 : memref<64x128xf32, #tpu.memory_space<vmem>>) target(%dma_start3A_98 : memref<10256x128xf32, #tpu.memory_space<vmem_shared>>) offsets(%arg12 : memref<64xi32, #tpu.memory_space<vmem>>) semaphore(%arg28 : memref<!tpu.dma_semaphore, #tpu.memory_space<semaphore_mem>>) {add = true}
      %dma_wait3A_99 = arith.constant 0 : i32
      %dma_wait3A_100 = arith.constant 0 : i32
      %dma_wait3A_101 = tpu.memref_slice %arg2[%dma_wait3A_99, %dma_wait3A_100] : memref<10000x128xf32, #tpu.memory_space<hbm>> -> memref<10000x128xf32, #tpu.memory_space<hbm>>
      tpu.wait_indirect_dma semaphore(%arg24 : memref<!tpu.dma_semaphore, #tpu.memory_space<semaphore_mem>>) src(%dma_wait3A_101 : memref<10000x128xf32, #tpu.memory_space<hbm>>) dst(%arg18 : memref<64x128xf32, #tpu.memory_space<vmem>>)
      %dma_start3A_102 = arith.constant 0 : i32
      %dma_start3A_103 = arith.constant 0 : i32
      %dma_start3A_104 = tpu.memref_slice %arg22[%dma_start3A_102, %dma_start3A_103] : memref<10256x128xf32, #tpu.memory_space<vmem_shared>> -> memref<10256x128xf32, #tpu.memory_space<vmem_shared>>
      tpu.enqueue_indirect_dma source(%arg18 : memref<64x128xf32, #tpu.memory_space<vmem>>) target(%dma_start3A_104 : memref<10256x128xf32, #tpu.memory_space<vmem_shared>>) offsets(%arg13 : memref<64xi32, #tpu.memory_space<vmem>>) semaphore(%arg29 : memref<!tpu.dma_semaphore, #tpu.memory_space<semaphore_mem>>) {add = true}
      %dma_wait3A_105 = arith.constant 0 : i32
      %dma_wait3A_106 = arith.constant 0 : i32
      %dma_wait3A_107 = tpu.memref_slice %arg2[%dma_wait3A_105, %dma_wait3A_106] : memref<10000x128xf32, #tpu.memory_space<hbm>> -> memref<10000x128xf32, #tpu.memory_space<hbm>>
      tpu.wait_indirect_dma semaphore(%arg25 : memref<!tpu.dma_semaphore, #tpu.memory_space<semaphore_mem>>) src(%dma_wait3A_107 : memref<10000x128xf32, #tpu.memory_space<hbm>>) dst(%arg19 : memref<64x128xf32, #tpu.memory_space<vmem>>)
      %dma_start3A_108 = arith.constant 0 : i32
      %dma_start3A_109 = arith.constant 0 : i32
      %dma_start3A_110 = tpu.memref_slice %arg22[%dma_start3A_108, %dma_start3A_109] : memref<10256x128xf32, #tpu.memory_space<vmem_shared>> -> memref<10256x128xf32, #tpu.memory_space<vmem_shared>>
      tpu.enqueue_indirect_dma source(%arg19 : memref<64x128xf32, #tpu.memory_space<vmem>>) target(%dma_start3A_110 : memref<10256x128xf32, #tpu.memory_space<vmem_shared>>) offsets(%arg14 : memref<64xi32, #tpu.memory_space<vmem>>) semaphore(%arg30 : memref<!tpu.dma_semaphore, #tpu.memory_space<semaphore_mem>>) {add = true}
      %dma_wait3A_111 = arith.constant 0 : i32
      %dma_wait3A_112 = arith.constant 0 : i32
      %dma_wait3A_113 = tpu.memref_slice %arg2[%dma_wait3A_111, %dma_wait3A_112] : memref<10000x128xf32, #tpu.memory_space<hbm>> -> memref<10000x128xf32, #tpu.memory_space<hbm>>
      tpu.wait_indirect_dma semaphore(%arg26 : memref<!tpu.dma_semaphore, #tpu.memory_space<semaphore_mem>>) src(%dma_wait3A_113 : memref<10000x128xf32, #tpu.memory_space<hbm>>) dst(%arg20 : memref<64x128xf32, #tpu.memory_space<vmem>>)
      %dma_start3A_114 = arith.constant 0 : i32
      %dma_start3A_115 = arith.constant 0 : i32
      %dma_start3A_116 = tpu.memref_slice %arg22[%dma_start3A_114, %dma_start3A_115] : memref<10256x128xf32, #tpu.memory_space<vmem_shared>> -> memref<10256x128xf32, #tpu.memory_space<vmem_shared>>
      tpu.enqueue_indirect_dma source(%arg20 : memref<64x128xf32, #tpu.memory_space<vmem>>) target(%dma_start3A_116 : memref<10256x128xf32, #tpu.memory_space<vmem_shared>>) offsets(%arg15 : memref<64xi32, #tpu.memory_space<vmem>>) semaphore(%arg31 : memref<!tpu.dma_semaphore, #tpu.memory_space<semaphore_mem>>) {add = true}
      %dma_wait3A_117 = arith.constant 0 : i32
      %dma_wait3A_118 = arith.constant 0 : i32
      %dma_wait3A_119 = tpu.memref_slice %arg2[%dma_wait3A_117, %dma_wait3A_118] : memref<10000x128xf32, #tpu.memory_space<hbm>> -> memref<10000x128xf32, #tpu.memory_space<hbm>>
      tpu.wait_indirect_dma semaphore(%arg27 : memref<!tpu.dma_semaphore, #tpu.memory_space<semaphore_mem>>) src(%dma_wait3A_119 : memref<10000x128xf32, #tpu.memory_space<hbm>>) dst(%arg21 : memref<64x128xf32, #tpu.memory_space<vmem>>)
      %dma_start3A_120 = arith.constant 0 : i32
      %dma_start3A_121 = arith.constant 0 : i32
      %dma_start3A_122 = tpu.memref_slice %arg22[%dma_start3A_120, %dma_start3A_121] : memref<10256x128xf32, #tpu.memory_space<vmem_shared>> -> memref<10256x128xf32, #tpu.memory_space<vmem_shared>>
      tpu.enqueue_indirect_dma source(%arg21 : memref<64x128xf32, #tpu.memory_space<vmem>>) target(%dma_start3A_122 : memref<10256x128xf32, #tpu.memory_space<vmem_shared>>) offsets(%arg16 : memref<64xi32, #tpu.memory_space<vmem>>) semaphore(%arg32 : memref<!tpu.dma_semaphore, #tpu.memory_space<semaphore_mem>>) {add = true}
      %dma_wait3A_123 = arith.constant 0 : i32
      %dma_wait3A_124 = arith.constant 0 : i32
      %dma_wait3A_125 = tpu.memref_slice %arg22[%dma_wait3A_123, %dma_wait3A_124] : memref<10256x128xf32, #tpu.memory_space<vmem_shared>> -> memref<10256x128xf32, #tpu.memory_space<vmem_shared>>
      tpu.wait_indirect_dma semaphore(%arg28 : memref<!tpu.dma_semaphore, #tpu.memory_space<semaphore_mem>>) src(%arg17 : memref<64x128xf32, #tpu.memory_space<vmem>>) dst(%dma_wait3A_125 : memref<10256x128xf32, #tpu.memory_space<vmem_shared>>)
      %add3A_126 = arith.constant 1 : i32
      %add3A_127 = arith.addi %scan3A_92, %add3A_126 : i32
      %mul3A_128 = arith.constant 5 : i32
      %mul3A_129 = arith.muli %add3A_127, %mul3A_128 : i32
      %add3A_130 = arith.constant 0 : i32
      %add3A_131 = arith.addi %mul3A_129, %add3A_130 : i32
      %mul3A_132 = arith.constant 64 : i32
      %mul3A_133 = arith.muli %add3A_131, %mul3A_132 : i32
      %add3A_134 = arith.addi %mul3A_8, %mul3A_133 : i32
      "tpu.region"() ({
        %run_scoped3A = tpu.sem_alloc : memref<!tpu.dma_semaphore, #tpu.memory_space<semaphore_mem>>
        %dma_start3A_198 = tpu.memref_slice %arg3[%add3A_134] : memref<327680xi32, #tpu.memory_space<hbm>> -> memref<64xi32, #tpu.memory_space<hbm>>
        %dma_start3A_199 = tpu.memref_slice %arg3[%add3A_134] : memref<327680xi32, #tpu.memory_space<hbm>> -> memref<64xi32, #tpu.memory_space<hbm>>
        tpu.enqueue_dma source(%dma_start3A_199 : memref<64xi32, #tpu.memory_space<hbm>>) target(%arg7 : memref<64xi32, #tpu.memory_space<vmem>>) target_semaphore(%run_scoped3A : memref<!tpu.dma_semaphore, #tpu.memory_space<semaphore_mem>>)
        %dma_wait3A_200 = tpu.memref_slice %arg3[%add3A_134] : memref<327680xi32, #tpu.memory_space<hbm>> -> memref<64xi32, #tpu.memory_space<hbm>>
        %dma_wait3A_201 = tpu.memref_slice %arg3[%add3A_134] : memref<327680xi32, #tpu.memory_space<hbm>> -> memref<64xi32, #tpu.memory_space<hbm>>
        tpu.wait_dma2 semaphore(%run_scoped3A : memref<!tpu.dma_semaphore, #tpu.memory_space<semaphore_mem>>) src(%dma_wait3A_201 : memref<64xi32, #tpu.memory_space<hbm>>) dst(%arg7 : memref<64xi32, #tpu.memory_space<vmem>>)
        tpu.yield
      }) : () -> ()
      "tpu.region"() ({
        %run_scoped3A = tpu.sem_alloc : memref<!tpu.dma_semaphore, #tpu.memory_space<semaphore_mem>>
        %dma_start3A_198 = tpu.memref_slice %arg4[%add3A_134] : memref<327680xi32, #tpu.memory_space<hbm>> -> memref<64xi32, #tpu.memory_space<hbm>>
        %dma_start3A_199 = tpu.memref_slice %arg4[%add3A_134] : memref<327680xi32, #tpu.memory_space<hbm>> -> memref<64xi32, #tpu.memory_space<hbm>>
        tpu.enqueue_dma source(%dma_start3A_199 : memref<64xi32, #tpu.memory_space<hbm>>) target(%arg12 : memref<64xi32, #tpu.memory_space<vmem>>) target_semaphore(%run_scoped3A : memref<!tpu.dma_semaphore, #tpu.memory_space<semaphore_mem>>)
        %dma_wait3A_200 = tpu.memref_slice %arg4[%add3A_134] : memref<327680xi32, #tpu.memory_space<hbm>> -> memref<64xi32, #tpu.memory_space<hbm>>
        %dma_wait3A_201 = tpu.memref_slice %arg4[%add3A_134] : memref<327680xi32, #tpu.memory_space<hbm>> -> memref<64xi32, #tpu.memory_space<hbm>>
        tpu.wait_dma2 semaphore(%run_scoped3A : memref<!tpu.dma_semaphore, #tpu.memory_space<semaphore_mem>>) src(%dma_wait3A_201 : memref<64xi32, #tpu.memory_space<hbm>>) dst(%arg12 : memref<64xi32, #tpu.memory_space<vmem>>)
        tpu.yield
      }) : () -> ()
      %dma_start3A_135 = arith.constant 0 : i32
      %dma_start3A_136 = arith.constant 0 : i32
      %dma_start3A_137 = tpu.memref_slice %arg2[%dma_start3A_135, %dma_start3A_136] : memref<10000x128xf32, #tpu.memory_space<hbm>> -> memref<10000x128xf32, #tpu.memory_space<hbm>>
      tpu.enqueue_indirect_dma source(%dma_start3A_137 : memref<10000x128xf32, #tpu.memory_space<hbm>>) target(%arg17 : memref<64x128xf32, #tpu.memory_space<vmem>>) offsets(%arg7 : memref<64xi32, #tpu.memory_space<vmem>>) semaphore(%arg23 : memref<!tpu.dma_semaphore, #tpu.memory_space<semaphore_mem>>)
      %dma_wait3A_138 = arith.constant 0 : i32
      %dma_wait3A_139 = arith.constant 0 : i32
      %dma_wait3A_140 = tpu.memref_slice %arg22[%dma_wait3A_138, %dma_wait3A_139] : memref<10256x128xf32, #tpu.memory_space<vmem_shared>> -> memref<10256x128xf32, #tpu.memory_space<vmem_shared>>
      tpu.wait_indirect_dma semaphore(%arg29 : memref<!tpu.dma_semaphore, #tpu.memory_space<semaphore_mem>>) src(%arg18 : memref<64x128xf32, #tpu.memory_space<vmem>>) dst(%dma_wait3A_140 : memref<10256x128xf32, #tpu.memory_space<vmem_shared>>)
      %add3A_141 = arith.constant 1 : i32
      %add3A_142 = arith.addi %scan3A_92, %add3A_141 : i32
      %mul3A_143 = arith.constant 5 : i32
      %mul3A_144 = arith.muli %add3A_142, %mul3A_143 : i32
      %add3A_145 = arith.constant 1 : i32
      %add3A_146 = arith.addi %mul3A_144, %add3A_145 : i32
      %mul3A_147 = arith.constant 64 : i32
      %mul3A_148 = arith.muli %add3A_146, %mul3A_147 : i32
      %add3A_149 = arith.addi %mul3A_8, %mul3A_148 : i32
      "tpu.region"() ({
        %run_scoped3A = tpu.sem_alloc : memref<!tpu.dma_semaphore, #tpu.memory_space<semaphore_mem>>
        %dma_start3A_198 = tpu.memref_slice %arg3[%add3A_149] : memref<327680xi32, #tpu.memory_space<hbm>> -> memref<64xi32, #tpu.memory_space<hbm>>
        %dma_start3A_199 = tpu.memref_slice %arg3[%add3A_149] : memref<327680xi32, #tpu.memory_space<hbm>> -> memref<64xi32, #tpu.memory_space<hbm>>
        tpu.enqueue_dma source(%dma_start3A_199 : memref<64xi32, #tpu.memory_space<hbm>>) target(%arg8 : memref<64xi32, #tpu.memory_space<vmem>>) target_semaphore(%run_scoped3A : memref<!tpu.dma_semaphore, #tpu.memory_space<semaphore_mem>>)
        %dma_wait3A_200 = tpu.memref_slice %arg3[%add3A_149] : memref<327680xi32, #tpu.memory_space<hbm>> -> memref<64xi32, #tpu.memory_space<hbm>>
        %dma_wait3A_201 = tpu.memref_slice %arg3[%add3A_149] : memref<327680xi32, #tpu.memory_space<hbm>> -> memref<64xi32, #tpu.memory_space<hbm>>
        tpu.wait_dma2 semaphore(%run_scoped3A : memref<!tpu.dma_semaphore, #tpu.memory_space<semaphore_mem>>) src(%dma_wait3A_201 : memref<64xi32, #tpu.memory_space<hbm>>) dst(%arg8 : memref<64xi32, #tpu.memory_space<vmem>>)
        tpu.yield
      }) : () -> ()
      "tpu.region"() ({
        %run_scoped3A = tpu.sem_alloc : memref<!tpu.dma_semaphore, #tpu.memory_space<semaphore_mem>>
        %dma_start3A_198 = tpu.memref_slice %arg4[%add3A_149] : memref<327680xi32, #tpu.memory_space<hbm>> -> memref<64xi32, #tpu.memory_space<hbm>>
        %dma_start3A_199 = tpu.memref_slice %arg4[%add3A_149] : memref<327680xi32, #tpu.memory_space<hbm>> -> memref<64xi32, #tpu.memory_space<hbm>>
        tpu.enqueue_dma source(%dma_start3A_199 : memref<64xi32, #tpu.memory_space<hbm>>) target(%arg13 : memref<64xi32, #tpu.memory_space<vmem>>) target_semaphore(%run_scoped3A : memref<!tpu.dma_semaphore, #tpu.memory_space<semaphore_mem>>)
        %dma_wait3A_200 = tpu.memref_slice %arg4[%add3A_149] : memref<327680xi32, #tpu.memory_space<hbm>> -> memref<64xi32, #tpu.memory_space<hbm>>
        %dma_wait3A_201 = tpu.memref_slice %arg4[%add3A_149] : memref<327680xi32, #tpu.memory_space<hbm>> -> memref<64xi32, #tpu.memory_space<hbm>>
        tpu.wait_dma2 semaphore(%run_scoped3A : memref<!tpu.dma_semaphore, #tpu.memory_space<semaphore_mem>>) src(%dma_wait3A_201 : memref<64xi32, #tpu.memory_space<hbm>>) dst(%arg13 : memref<64xi32, #tpu.memory_space<vmem>>)
        tpu.yield
      }) : () -> ()
      %dma_start3A_150 = arith.constant 0 : i32
      %dma_start3A_151 = arith.constant 0 : i32
      %dma_start3A_152 = tpu.memref_slice %arg2[%dma_start3A_150, %dma_start3A_151] : memref<10000x128xf32, #tpu.memory_space<hbm>> -> memref<10000x128xf32, #tpu.memory_space<hbm>>
      tpu.enqueue_indirect_dma source(%dma_start3A_152 : memref<10000x128xf32, #tpu.memory_space<hbm>>) target(%arg18 : memref<64x128xf32, #tpu.memory_space<vmem>>) offsets(%arg8 : memref<64xi32, #tpu.memory_space<vmem>>) semaphore(%arg24 : memref<!tpu.dma_semaphore, #tpu.memory_space<semaphore_mem>>)
      %dma_wait3A_153 = arith.constant 0 : i32
      %dma_wait3A_154 = arith.constant 0 : i32
      %dma_wait3A_155 = tpu.memref_slice %arg22[%dma_wait3A_153, %dma_wait3A_154] : memref<10256x128xf32, #tpu.memory_space<vmem_shared>> -> memref<10256x128xf32, #tpu.memory_space<vmem_shared>>
      tpu.wait_indirect_dma semaphore(%arg30 : memref<!tpu.dma_semaphore, #tpu.memory_space<semaphore_mem>>) src(%arg19 : memref<64x128xf32, #tpu.memory_space<vmem>>) dst(%dma_wait3A_155 : memref<10256x128xf32, #tpu.memory_space<vmem_shared>>)
      %add3A_156 = arith.constant 1 : i32
      %add3A_157 = arith.addi %scan3A_92, %add3A_156 : i32
      %mul3A_158 = arith.constant 5 : i32
      %mul3A_159 = arith.muli %add3A_157, %mul3A_158 : i32
      %add3A_160 = arith.constant 2 : i32
      %add3A_161 = arith.addi %mul3A_159, %add3A_160 : i32
      %mul3A_162 = arith.constant 64 : i32
      %mul3A_163 = arith.muli %add3A_161, %mul3A_162 : i32
      %add3A_164 = arith.addi %mul3A_8, %mul3A_163 : i32
      "tpu.region"() ({
        %run_scoped3A = tpu.sem_alloc : memref<!tpu.dma_semaphore, #tpu.memory_space<semaphore_mem>>
        %dma_start3A_198 = tpu.memref_slice %arg3[%add3A_164] : memref<327680xi32, #tpu.memory_space<hbm>> -> memref<64xi32, #tpu.memory_space<hbm>>
        %dma_start3A_199 = tpu.memref_slice %arg3[%add3A_164] : memref<327680xi32, #tpu.memory_space<hbm>> -> memref<64xi32, #tpu.memory_space<hbm>>
        tpu.enqueue_dma source(%dma_start3A_199 : memref<64xi32, #tpu.memory_space<hbm>>) target(%arg9 : memref<64xi32, #tpu.memory_space<vmem>>) target_semaphore(%run_scoped3A : memref<!tpu.dma_semaphore, #tpu.memory_space<semaphore_mem>>)
        %dma_wait3A_200 = tpu.memref_slice %arg3[%add3A_164] : memref<327680xi32, #tpu.memory_space<hbm>> -> memref<64xi32, #tpu.memory_space<hbm>>
        %dma_wait3A_201 = tpu.memref_slice %arg3[%add3A_164] : memref<327680xi32, #tpu.memory_space<hbm>> -> memref<64xi32, #tpu.memory_space<hbm>>
        tpu.wait_dma2 semaphore(%run_scoped3A : memref<!tpu.dma_semaphore, #tpu.memory_space<semaphore_mem>>) src(%dma_wait3A_201 : memref<64xi32, #tpu.memory_space<hbm>>) dst(%arg9 : memref<64xi32, #tpu.memory_space<vmem>>)
        tpu.yield
      }) : () -> ()
      "tpu.region"() ({
        %run_scoped3A = tpu.sem_alloc : memref<!tpu.dma_semaphore, #tpu.memory_space<semaphore_mem>>
        %dma_start3A_198 = tpu.memref_slice %arg4[%add3A_164] : memref<327680xi32, #tpu.memory_space<hbm>> -> memref<64xi32, #tpu.memory_space<hbm>>
        %dma_start3A_199 = tpu.memref_slice %arg4[%add3A_164] : memref<327680xi32, #tpu.memory_space<hbm>> -> memref<64xi32, #tpu.memory_space<hbm>>
        tpu.enqueue_dma source(%dma_start3A_199 : memref<64xi32, #tpu.memory_space<hbm>>) target(%arg14 : memref<64xi32, #tpu.memory_space<vmem>>) target_semaphore(%run_scoped3A : memref<!tpu.dma_semaphore, #tpu.memory_space<semaphore_mem>>)
        %dma_wait3A_200 = tpu.memref_slice %arg4[%add3A_164] : memref<327680xi32, #tpu.memory_space<hbm>> -> memref<64xi32, #tpu.memory_space<hbm>>
        %dma_wait3A_201 = tpu.memref_slice %arg4[%add3A_164] : memref<327680xi32, #tpu.memory_space<hbm>> -> memref<64xi32, #tpu.memory_space<hbm>>
        tpu.wait_dma2 semaphore(%run_scoped3A : memref<!tpu.dma_semaphore, #tpu.memory_space<semaphore_mem>>) src(%dma_wait3A_201 : memref<64xi32, #tpu.memory_space<hbm>>) dst(%arg14 : memref<64xi32, #tpu.memory_space<vmem>>)
        tpu.yield
      }) : () -> ()
      %dma_start3A_165 = arith.constant 0 : i32
      %dma_start3A_166 = arith.constant 0 : i32
      %dma_start3A_167 = tpu.memref_slice %arg2[%dma_start3A_165, %dma_start3A_166] : memref<10000x128xf32, #tpu.memory_space<hbm>> -> memref<10000x128xf32, #tpu.memory_space<hbm>>
      tpu.enqueue_indirect_dma source(%dma_start3A_167 : memref<10000x128xf32, #tpu.memory_space<hbm>>) target(%arg19 : memref<64x128xf32, #tpu.memory_space<vmem>>) offsets(%arg9 : memref<64xi32, #tpu.memory_space<vmem>>) semaphore(%arg25 : memref<!tpu.dma_semaphore, #tpu.memory_space<semaphore_mem>>)
      %dma_wait3A_168 = arith.constant 0 : i32
      %dma_wait3A_169 = arith.constant 0 : i32
      %dma_wait3A_170 = tpu.memref_slice %arg22[%dma_wait3A_168, %dma_wait3A_169] : memref<10256x128xf32, #tpu.memory_space<vmem_shared>> -> memref<10256x128xf32, #tpu.memory_space<vmem_shared>>
      tpu.wait_indirect_dma semaphore(%arg31 : memref<!tpu.dma_semaphore, #tpu.memory_space<semaphore_mem>>) src(%arg20 : memref<64x128xf32, #tpu.memory_space<vmem>>) dst(%dma_wait3A_170 : memref<10256x128xf32, #tpu.memory_space<vmem_shared>>)
      %add3A_171 = arith.constant 1 : i32
      %add3A_172 = arith.addi %scan3A_92, %add3A_171 : i32
      %mul3A_173 = arith.constant 5 : i32
      %mul3A_174 = arith.muli %add3A_172, %mul3A_173 : i32
      %add3A_175 = arith.constant 3 : i32
      %add3A_176 = arith.addi %mul3A_174, %add3A_175 : i32
      %mul3A_177 = arith.constant 64 : i32
      %mul3A_178 = arith.muli %add3A_176, %mul3A_177 : i32
      %add3A_179 = arith.addi %mul3A_8, %mul3A_178 : i32
      "tpu.region"() ({
        %run_scoped3A = tpu.sem_alloc : memref<!tpu.dma_semaphore, #tpu.memory_space<semaphore_mem>>
        %dma_start3A_198 = tpu.memref_slice %arg3[%add3A_179] : memref<327680xi32, #tpu.memory_space<hbm>> -> memref<64xi32, #tpu.memory_space<hbm>>
        %dma_start3A_199 = tpu.memref_slice %arg3[%add3A_179] : memref<327680xi32, #tpu.memory_space<hbm>> -> memref<64xi32, #tpu.memory_space<hbm>>
        tpu.enqueue_dma source(%dma_start3A_199 : memref<64xi32, #tpu.memory_space<hbm>>) target(%arg10 : memref<64xi32, #tpu.memory_space<vmem>>) target_semaphore(%run_scoped3A : memref<!tpu.dma_semaphore, #tpu.memory_space<semaphore_mem>>)
        %dma_wait3A_200 = tpu.memref_slice %arg3[%add3A_179] : memref<327680xi32, #tpu.memory_space<hbm>> -> memref<64xi32, #tpu.memory_space<hbm>>
        %dma_wait3A_201 = tpu.memref_slice %arg3[%add3A_179] : memref<327680xi32, #tpu.memory_space<hbm>> -> memref<64xi32, #tpu.memory_space<hbm>>
        tpu.wait_dma2 semaphore(%run_scoped3A : memref<!tpu.dma_semaphore, #tpu.memory_space<semaphore_mem>>) src(%dma_wait3A_201 : memref<64xi32, #tpu.memory_space<hbm>>) dst(%arg10 : memref<64xi32, #tpu.memory_space<vmem>>)
        tpu.yield
      }) : () -> ()
      "tpu.region"() ({
        %run_scoped3A = tpu.sem_alloc : memref<!tpu.dma_semaphore, #tpu.memory_space<semaphore_mem>>
        %dma_start3A_198 = tpu.memref_slice %arg4[%add3A_179] : memref<327680xi32, #tpu.memory_space<hbm>> -> memref<64xi32, #tpu.memory_space<hbm>>
        %dma_start3A_199 = tpu.memref_slice %arg4[%add3A_179] : memref<327680xi32, #tpu.memory_space<hbm>> -> memref<64xi32, #tpu.memory_space<hbm>>
        tpu.enqueue_dma source(%dma_start3A_199 : memref<64xi32, #tpu.memory_space<hbm>>) target(%arg15 : memref<64xi32, #tpu.memory_space<vmem>>) target_semaphore(%run_scoped3A : memref<!tpu.dma_semaphore, #tpu.memory_space<semaphore_mem>>)
        %dma_wait3A_200 = tpu.memref_slice %arg4[%add3A_179] : memref<327680xi32, #tpu.memory_space<hbm>> -> memref<64xi32, #tpu.memory_space<hbm>>
        %dma_wait3A_201 = tpu.memref_slice %arg4[%add3A_179] : memref<327680xi32, #tpu.memory_space<hbm>> -> memref<64xi32, #tpu.memory_space<hbm>>
        tpu.wait_dma2 semaphore(%run_scoped3A : memref<!tpu.dma_semaphore, #tpu.memory_space<semaphore_mem>>) src(%dma_wait3A_201 : memref<64xi32, #tpu.memory_space<hbm>>) dst(%arg15 : memref<64xi32, #tpu.memory_space<vmem>>)
        tpu.yield
      }) : () -> ()
      %dma_start3A_180 = arith.constant 0 : i32
      %dma_start3A_181 = arith.constant 0 : i32
      %dma_start3A_182 = tpu.memref_slice %arg2[%dma_start3A_180, %dma_start3A_181] : memref<10000x128xf32, #tpu.memory_space<hbm>> -> memref<10000x128xf32, #tpu.memory_space<hbm>>
      tpu.enqueue_indirect_dma source(%dma_start3A_182 : memref<10000x128xf32, #tpu.memory_space<hbm>>) target(%arg20 : memref<64x128xf32, #tpu.memory_space<vmem>>) offsets(%arg10 : memref<64xi32, #tpu.memory_space<vmem>>) semaphore(%arg26 : memref<!tpu.dma_semaphore, #tpu.memory_space<semaphore_mem>>)
      %dma_wait3A_183 = arith.constant 0 : i32
      %dma_wait3A_184 = arith.constant 0 : i32
      %dma_wait3A_185 = tpu.memref_slice %arg22[%dma_wait3A_183, %dma_wait3A_184] : memref<10256x128xf32, #tpu.memory_space<vmem_shared>> -> memref<10256x128xf32, #tpu.memory_space<vmem_shared>>
      tpu.wait_indirect_dma semaphore(%arg32 : memref<!tpu.dma_semaphore, #tpu.memory_space<semaphore_mem>>) src(%arg21 : memref<64x128xf32, #tpu.memory_space<vmem>>) dst(%dma_wait3A_185 : memref<10256x128xf32, #tpu.memory_space<vmem_shared>>)
      %add3A_186 = arith.constant 1 : i32
      %add3A_187 = arith.addi %scan3A_92, %add3A_186 : i32
      %mul3A_188 = arith.constant 5 : i32
      %mul3A_189 = arith.muli %add3A_187, %mul3A_188 : i32
      %add3A_190 = arith.constant 4 : i32
      %add3A_191 = arith.addi %mul3A_189, %add3A_190 : i32
      %mul3A_192 = arith.constant 64 : i32
      %mul3A_193 = arith.muli %add3A_191, %mul3A_192 : i32
      %add3A_194 = arith.addi %mul3A_8, %mul3A_193 : i32
      "tpu.region"() ({
        %run_scoped3A = tpu.sem_alloc : memref<!tpu.dma_semaphore, #tpu.memory_space<semaphore_mem>>
        %dma_start3A_198 = tpu.memref_slice %arg3[%add3A_194] : memref<327680xi32, #tpu.memory_space<hbm>> -> memref<64xi32, #tpu.memory_space<hbm>>
        %dma_start3A_199 = tpu.memref_slice %arg3[%add3A_194] : memref<327680xi32, #tpu.memory_space<hbm>> -> memref<64xi32, #tpu.memory_space<hbm>>
        tpu.enqueue_dma source(%dma_start3A_199 : memref<64xi32, #tpu.memory_space<hbm>>) target(%arg11 : memref<64xi32, #tpu.memory_space<vmem>>) target_semaphore(%run_scoped3A : memref<!tpu.dma_semaphore, #tpu.memory_space<semaphore_mem>>)
        %dma_wait3A_200 = tpu.memref_slice %arg3[%add3A_194] : memref<327680xi32, #tpu.memory_space<hbm>> -> memref<64xi32, #tpu.memory_space<hbm>>
        %dma_wait3A_201 = tpu.memref_slice %arg3[%add3A_194] : memref<327680xi32, #tpu.memory_space<hbm>> -> memref<64xi32, #tpu.memory_space<hbm>>
        tpu.wait_dma2 semaphore(%run_scoped3A : memref<!tpu.dma_semaphore, #tpu.memory_space<semaphore_mem>>) src(%dma_wait3A_201 : memref<64xi32, #tpu.memory_space<hbm>>) dst(%arg11 : memref<64xi32, #tpu.memory_space<vmem>>)
        tpu.yield
      }) : () -> ()
      "tpu.region"() ({
        %run_scoped3A = tpu.sem_alloc : memref<!tpu.dma_semaphore, #tpu.memory_space<semaphore_mem>>
        %dma_start3A_198 = tpu.memref_slice %arg4[%add3A_194] : memref<327680xi32, #tpu.memory_space<hbm>> -> memref<64xi32, #tpu.memory_space<hbm>>
        %dma_start3A_199 = tpu.memref_slice %arg4[%add3A_194] : memref<327680xi32, #tpu.memory_space<hbm>> -> memref<64xi32, #tpu.memory_space<hbm>>
        tpu.enqueue_dma source(%dma_start3A_199 : memref<64xi32, #tpu.memory_space<hbm>>) target(%arg16 : memref<64xi32, #tpu.memory_space<vmem>>) target_semaphore(%run_scoped3A : memref<!tpu.dma_semaphore, #tpu.memory_space<semaphore_mem>>)
        %dma_wait3A_200 = tpu.memref_slice %arg4[%add3A_194] : memref<327680xi32, #tpu.memory_space<hbm>> -> memref<64xi32, #tpu.memory_space<hbm>>
        %dma_wait3A_201 = tpu.memref_slice %arg4[%add3A_194] : memref<327680xi32, #tpu.memory_space<hbm>> -> memref<64xi32, #tpu.memory_space<hbm>>
        tpu.wait_dma2 semaphore(%run_scoped3A : memref<!tpu.dma_semaphore, #tpu.memory_space<semaphore_mem>>) src(%dma_wait3A_201 : memref<64xi32, #tpu.memory_space<hbm>>) dst(%arg16 : memref<64xi32, #tpu.memory_space<vmem>>)
        tpu.yield
      }) : () -> ()
      %dma_start3A_195 = arith.constant 0 : i32
      %dma_start3A_196 = arith.constant 0 : i32
      %dma_start3A_197 = tpu.memref_slice %arg2[%dma_start3A_195, %dma_start3A_196] : memref<10000x128xf32, #tpu.memory_space<hbm>> -> memref<10000x128xf32, #tpu.memory_space<hbm>>
      tpu.enqueue_indirect_dma source(%dma_start3A_197 : memref<10000x128xf32, #tpu.memory_space<hbm>>) target(%arg21 : memref<64x128xf32, #tpu.memory_space<vmem>>) offsets(%arg11 : memref<64xi32, #tpu.memory_space<vmem>>) semaphore(%arg27 : memref<!tpu.dma_semaphore, #tpu.memory_space<semaphore_mem>>)
    }
    %scan3A_37 = arith.constant 31 : i32
    %dma_wait3A = arith.constant 0 : i32
    %dma_wait3A_38 = arith.constant 0 : i32
    %dma_wait3A_39 = tpu.memref_slice %arg2[%dma_wait3A, %dma_wait3A_38] : memref<10000x128xf32, #tpu.memory_space<hbm>> -> memref<10000x128xf32, #tpu.memory_space<hbm>>
    tpu.wait_indirect_dma semaphore(%arg23 : memref<!tpu.dma_semaphore, #tpu.memory_space<semaphore_mem>>) src(%dma_wait3A_39 : memref<10000x128xf32, #tpu.memory_space<hbm>>) dst(%arg17 : memref<64x128xf32, #tpu.memory_space<vmem>>)
    %dma_start3A_40 = arith.constant 0 : i32
    %dma_start3A_41 = arith.constant 0 : i32
    %dma_start3A_42 = tpu.memref_slice %arg22[%dma_start3A_40, %dma_start3A_41] : memref<10256x128xf32, #tpu.memory_space<vmem_shared>> -> memref<10256x128xf32, #tpu.memory_space<vmem_shared>>
    tpu.enqueue_indirect_dma source(%arg17 : memref<64x128xf32, #tpu.memory_space<vmem>>) target(%dma_start3A_42 : memref<10256x128xf32, #tpu.memory_space<vmem_shared>>) offsets(%arg12 : memref<64xi32, #tpu.memory_space<vmem>>) semaphore(%arg28 : memref<!tpu.dma_semaphore, #tpu.memory_space<semaphore_mem>>) {add = true}
    %dma_wait3A_43 = arith.constant 0 : i32
    %dma_wait3A_44 = arith.constant 0 : i32
    %dma_wait3A_45 = tpu.memref_slice %arg2[%dma_wait3A_43, %dma_wait3A_44] : memref<10000x128xf32, #tpu.memory_space<hbm>> -> memref<10000x128xf32, #tpu.memory_space<hbm>>
    tpu.wait_indirect_dma semaphore(%arg24 : memref<!tpu.dma_semaphore, #tpu.memory_space<semaphore_mem>>) src(%dma_wait3A_45 : memref<10000x128xf32, #tpu.memory_space<hbm>>) dst(%arg18 : memref<64x128xf32, #tpu.memory_space<vmem>>)
    %dma_start3A_46 = arith.constant 0 : i32
    %dma_start3A_47 = arith.constant 0 : i32
    %dma_start3A_48 = tpu.memref_slice %arg22[%dma_start3A_46, %dma_start3A_47] : memref<10256x128xf32, #tpu.memory_space<vmem_shared>> -> memref<10256x128xf32, #tpu.memory_space<vmem_shared>>
    tpu.enqueue_indirect_dma source(%arg18 : memref<64x128xf32, #tpu.memory_space<vmem>>) target(%dma_start3A_48 : memref<10256x128xf32, #tpu.memory_space<vmem_shared>>) offsets(%arg13 : memref<64xi32, #tpu.memory_space<vmem>>) semaphore(%arg29 : memref<!tpu.dma_semaphore, #tpu.memory_space<semaphore_mem>>) {add = true}
    %dma_wait3A_49 = arith.constant 0 : i32
    %dma_wait3A_50 = arith.constant 0 : i32
    %dma_wait3A_51 = tpu.memref_slice %arg2[%dma_wait3A_49, %dma_wait3A_50] : memref<10000x128xf32, #tpu.memory_space<hbm>> -> memref<10000x128xf32, #tpu.memory_space<hbm>>
    tpu.wait_indirect_dma semaphore(%arg25 : memref<!tpu.dma_semaphore, #tpu.memory_space<semaphore_mem>>) src(%dma_wait3A_51 : memref<10000x128xf32, #tpu.memory_space<hbm>>) dst(%arg19 : memref<64x128xf32, #tpu.memory_space<vmem>>)
    %dma_start3A_52 = arith.constant 0 : i32
    %dma_start3A_53 = arith.constant 0 : i32
    %dma_start3A_54 = tpu.memref_slice %arg22[%dma_start3A_52, %dma_start3A_53] : memref<10256x128xf32, #tpu.memory_space<vmem_shared>> -> memref<10256x128xf32, #tpu.memory_space<vmem_shared>>
    tpu.enqueue_indirect_dma source(%arg19 : memref<64x128xf32, #tpu.memory_space<vmem>>) target(%dma_start3A_54 : memref<10256x128xf32, #tpu.memory_space<vmem_shared>>) offsets(%arg14 : memref<64xi32, #tpu.memory_space<vmem>>) semaphore(%arg30 : memref<!tpu.dma_semaphore, #tpu.memory_space<semaphore_mem>>) {add = true}
    %dma_wait3A_55 = arith.constant 0 : i32
    %dma_wait3A_56 = arith.constant 0 : i32
    %dma_wait3A_57 = tpu.memref_slice %arg2[%dma_wait3A_55, %dma_wait3A_56] : memref<10000x128xf32, #tpu.memory_space<hbm>> -> memref<10000x128xf32, #tpu.memory_space<hbm>>
    tpu.wait_indirect_dma semaphore(%arg26 : memref<!tpu.dma_semaphore, #tpu.memory_space<semaphore_mem>>) src(%dma_wait3A_57 : memref<10000x128xf32, #tpu.memory_space<hbm>>) dst(%arg20 : memref<64x128xf32, #tpu.memory_space<vmem>>)
    %dma_start3A_58 = arith.constant 0 : i32
    %dma_start3A_59 = arith.constant 0 : i32
    %dma_start3A_60 = tpu.memref_slice %arg22[%dma_start3A_58, %dma_start3A_59] : memref<10256x128xf32, #tpu.memory_space<vmem_shared>> -> memref<10256x128xf32, #tpu.memory_space<vmem_shared>>
    tpu.enqueue_indirect_dma source(%arg20 : memref<64x128xf32, #tpu.memory_space<vmem>>) target(%dma_start3A_60 : memref<10256x128xf32, #tpu.memory_space<vmem_shared>>) offsets(%arg15 : memref<64xi32, #tpu.memory_space<vmem>>) semaphore(%arg31 : memref<!tpu.dma_semaphore, #tpu.memory_space<semaphore_mem>>) {add = true}
    %dma_wait3A_61 = arith.constant 0 : i32
    %dma_wait3A_62 = arith.constant 0 : i32
    %dma_wait3A_63 = tpu.memref_slice %arg2[%dma_wait3A_61, %dma_wait3A_62] : memref<10000x128xf32, #tpu.memory_space<hbm>> -> memref<10000x128xf32, #tpu.memory_space<hbm>>
    tpu.wait_indirect_dma semaphore(%arg27 : memref<!tpu.dma_semaphore, #tpu.memory_space<semaphore_mem>>) src(%dma_wait3A_63 : memref<10000x128xf32, #tpu.memory_space<hbm>>) dst(%arg21 : memref<64x128xf32, #tpu.memory_space<vmem>>)
    %dma_start3A_64 = arith.constant 0 : i32
    %dma_start3A_65 = arith.constant 0 : i32
    %dma_start3A_66 = tpu.memref_slice %arg22[%dma_start3A_64, %dma_start3A_65] : memref<10256x128xf32, #tpu.memory_space<vmem_shared>> -> memref<10256x128xf32, #tpu.memory_space<vmem_shared>>
    tpu.enqueue_indirect_dma source(%arg21 : memref<64x128xf32, #tpu.memory_space<vmem>>) target(%dma_start3A_66 : memref<10256x128xf32, #tpu.memory_space<vmem_shared>>) offsets(%arg16 : memref<64xi32, #tpu.memory_space<vmem>>) semaphore(%arg32 : memref<!tpu.dma_semaphore, #tpu.memory_space<semaphore_mem>>) {add = true}
    %dma_wait3A_67 = arith.constant 0 : i32
    %dma_wait3A_68 = arith.constant 0 : i32
    %dma_wait3A_69 = tpu.memref_slice %arg22[%dma_wait3A_67, %dma_wait3A_68] : memref<10256x128xf32, #tpu.memory_space<vmem_shared>> -> memref<10256x128xf32, #tpu.memory_space<vmem_shared>>
    tpu.wait_indirect_dma semaphore(%arg28 : memref<!tpu.dma_semaphore, #tpu.memory_space<semaphore_mem>>) src(%arg17 : memref<64x128xf32, #tpu.memory_space<vmem>>) dst(%dma_wait3A_69 : memref<10256x128xf32, #tpu.memory_space<vmem_shared>>)
    %dma_wait3A_70 = arith.constant 0 : i32
    %dma_wait3A_71 = arith.constant 0 : i32
    %dma_wait3A_72 = tpu.memref_slice %arg22[%dma_wait3A_70, %dma_wait3A_71] : memref<10256x128xf32, #tpu.memory_space<vmem_shared>> -> memref<10256x128xf32, #tpu.memory_space<vmem_shared>>
    tpu.wait_indirect_dma semaphore(%arg29 : memref<!tpu.dma_semaphore, #tpu.memory_space<semaphore_mem>>) src(%arg18 : memref<64x128xf32, #tpu.memory_space<vmem>>) dst(%dma_wait3A_72 : memref<10256x128xf32, #tpu.memory_space<vmem_shared>>)
    %dma_wait3A_73 = arith.constant 0 : i32
    %dma_wait3A_74 = arith.constant 0 : i32
    %dma_wait3A_75 = tpu.memref_slice %arg22[%dma_wait3A_73, %dma_wait3A_74] : memref<10256x128xf32, #tpu.memory_space<vmem_shared>> -> memref<10256x128xf32, #tpu.memory_space<vmem_shared>>
    tpu.wait_indirect_dma semaphore(%arg30 : memref<!tpu.dma_semaphore, #tpu.memory_space<semaphore_mem>>) src(%arg19 : memref<64x128xf32, #tpu.memory_space<vmem>>) dst(%dma_wait3A_75 : memref<10256x128xf32, #tpu.memory_space<vmem_shared>>)
    %dma_wait3A_76 = arith.constant 0 : i32
    %dma_wait3A_77 = arith.constant 0 : i32
    %dma_wait3A_78 = tpu.memref_slice %arg22[%dma_wait3A_76, %dma_wait3A_77] : memref<10256x128xf32, #tpu.memory_space<vmem_shared>> -> memref<10256x128xf32, #tpu.memory_space<vmem_shared>>
    tpu.wait_indirect_dma semaphore(%arg31 : memref<!tpu.dma_semaphore, #tpu.memory_space<semaphore_mem>>) src(%arg20 : memref<64x128xf32, #tpu.memory_space<vmem>>) dst(%dma_wait3A_78 : memref<10256x128xf32, #tpu.memory_space<vmem_shared>>)
    %dma_wait3A_79 = arith.constant 0 : i32
    %dma_wait3A_80 = arith.constant 0 : i32
    %dma_wait3A_81 = tpu.memref_slice %arg22[%dma_wait3A_79, %dma_wait3A_80] : memref<10256x128xf32, #tpu.memory_space<vmem_shared>> -> memref<10256x128xf32, #tpu.memory_space<vmem_shared>>
    tpu.wait_indirect_dma semaphore(%arg32 : memref<!tpu.dma_semaphore, #tpu.memory_space<semaphore_mem>>) src(%arg21 : memref<64x128xf32, #tpu.memory_space<vmem>>) dst(%dma_wait3A_81 : memref<10256x128xf32, #tpu.memory_space<vmem_shared>>)
    %barrier3A_82 = arith.constant 0 : index
    tpu.barrier barrier_id(%barrier3A_82)
    %mul3A_83 = arith.constant 624 : i32
    %mul3A_84 = arith.muli %arg1, %mul3A_83 : i32
    %mul3A_85 = arith.constant 624 : i32
    %mul3A_86 = arith.muli %arg1, %mul3A_85 : i32
    "tpu.region"() ({
      %run_scoped3A = tpu.sem_alloc : memref<!tpu.dma_semaphore, #tpu.memory_space<semaphore_mem>>
      %dma_start3A_92 = arith.constant 0 : i32
      %dma_start3A_93 = tpu.memref_slice %arg6[%arg0, %mul3A_86, %dma_start3A_92] : memref<2x10000x128xf32, #tpu.memory_space<hbm>> -> memref<1x624x128xf32, #tpu.memory_space<hbm>>
      %dma_start3A_94 = tpu.memref_squeeze %dma_start3A_93 : memref<1x624x128xf32, #tpu.memory_space<hbm>> -> memref<624x128xf32, #tpu.memory_space<hbm>>
      %dma_start3A_95 = arith.constant 0 : i32
      %dma_start3A_96 = tpu.memref_slice %arg22[%mul3A_84, %dma_start3A_95] : memref<10256x128xf32, #tpu.memory_space<vmem_shared>> -> memref<624x128xf32, #tpu.memory_space<vmem_shared>>
      tpu.enqueue_dma source(%dma_start3A_96 : memref<624x128xf32, #tpu.memory_space<vmem_shared>>) target(%dma_start3A_94 : memref<624x128xf32, #tpu.memory_space<hbm>>) target_semaphore(%run_scoped3A : memref<!tpu.dma_semaphore, #tpu.memory_space<semaphore_mem>>)
      %dma_wait3A_97 = arith.constant 0 : i32
      %dma_wait3A_98 = tpu.memref_slice %arg6[%arg0, %mul3A_86, %dma_wait3A_97] : memref<2x10000x128xf32, #tpu.memory_space<hbm>> -> memref<1x624x128xf32, #tpu.memory_space<hbm>>
      %dma_wait3A_99 = tpu.memref_squeeze %dma_wait3A_98 : memref<1x624x128xf32, #tpu.memory_space<hbm>> -> memref<624x128xf32, #tpu.memory_space<hbm>>
      %dma_wait3A_100 = arith.constant 0 : i32
      %dma_wait3A_101 = tpu.memref_slice %arg22[%mul3A_84, %dma_wait3A_100] : memref<10256x128xf32, #tpu.memory_space<vmem_shared>> -> memref<624x128xf32, #tpu.memory_space<vmem_shared>>
      tpu.wait_dma2 semaphore(%run_scoped3A : memref<!tpu.dma_semaphore, #tpu.memory_space<semaphore_mem>>) src(%dma_wait3A_101 : memref<624x128xf32, #tpu.memory_space<vmem_shared>>) dst(%dma_wait3A_99 : memref<624x128xf32, #tpu.memory_space<hbm>>)
      tpu.yield
    }) : () -> ()
    %eq3A_87 = arith.constant 0 : i32
    %eq3A_88 = arith.cmpi eq, %arg1, %eq3A_87 : i32
    %convert_element_type3A_89 = arith.extui %eq3A_88 : i1 to i32
    %cond3A_90 = arith.constant 0 : i32
    %cond3A_91 = arith.cmpi ne, %convert_element_type3A_89, %cond3A_90 : i32
    scf.if %cond3A_91 {
      "tpu.region"() ({
        %run_scoped3A = tpu.sem_alloc : memref<!tpu.dma_semaphore, #tpu.memory_space<semaphore_mem>>
        %dma_start3A_92 = arith.constant 9984 : i32
        %dma_start3A_93 = arith.constant 0 : i32
        %dma_start3A_94 = tpu.memref_slice %arg6[%arg0, %dma_start3A_92, %dma_start3A_93] : memref<2x10000x128xf32, #tpu.memory_space<hbm>> -> memref<1x16x128xf32, #tpu.memory_space<hbm>>
        %dma_start3A_95 = tpu.memref_squeeze %dma_start3A_94 : memref<1x16x128xf32, #tpu.memory_space<hbm>> -> memref<16x128xf32, #tpu.memory_space<hbm>>
        %dma_start3A_96 = arith.constant 9984 : i32
        %dma_start3A_97 = arith.constant 0 : i32
        %dma_start3A_98 = tpu.memref_slice %arg22[%dma_start3A_96, %dma_start3A_97] : memref<10256x128xf32, #tpu.memory_space<vmem_shared>> -> memref<16x128xf32, #tpu.memory_space<vmem_shared>>
        tpu.enqueue_dma source(%dma_start3A_98 : memref<16x128xf32, #tpu.memory_space<vmem_shared>>) target(%dma_start3A_95 : memref<16x128xf32, #tpu.memory_space<hbm>>) target_semaphore(%run_scoped3A : memref<!tpu.dma_semaphore, #tpu.memory_space<semaphore_mem>>)
        %dma_wait3A_99 = arith.constant 9984 : i32
        %dma_wait3A_100 = arith.constant 0 : i32
        %dma_wait3A_101 = tpu.memref_slice %arg6[%arg0, %dma_wait3A_99, %dma_wait3A_100] : memref<2x10000x128xf32, #tpu.memory_space<hbm>> -> memref<1x16x128xf32, #tpu.memory_space<hbm>>
        %dma_wait3A_102 = tpu.memref_squeeze %dma_wait3A_101 : memref<1x16x128xf32, #tpu.memory_space<hbm>> -> memref<16x128xf32, #tpu.memory_space<hbm>>
        %dma_wait3A_103 = arith.constant 9984 : i32
        %dma_wait3A_104 = arith.constant 0 : i32
        %dma_wait3A_105 = tpu.memref_slice %arg22[%dma_wait3A_103, %dma_wait3A_104] : memref<10256x128xf32, #tpu.memory_space<vmem_shared>> -> memref<16x128xf32, #tpu.memory_space<vmem_shared>>
        tpu.wait_dma2 semaphore(%run_scoped3A : memref<!tpu.dma_semaphore, #tpu.memory_space<semaphore_mem>>) src(%dma_wait3A_105 : memref<16x128xf32, #tpu.memory_space<vmem_shared>>) dst(%dma_wait3A_102 : memref<16x128xf32, #tpu.memory_space<hbm>>)
        tpu.yield
      }) : () -> ()
    } else {
    }
    return
  }
}

#map = affine_map<(d0, d1) -> (0, 0)>
#map1 = affine_map<(d0, d1) -> (0)>
#map2 = affine_map<(d0, d1) -> (0, 0, 0)>
module attributes {stable_mosaic.version = 14 : i64} {
  func.func @_sc_scatter(%arg0: i32, %arg1: i32, %arg2: memref<10000x128xf32, #tpu.memory_space<hbm>>, %arg3: memref<327680xi32, #tpu.memory_space<hbm>>, %arg4: memref<327680xi32, #tpu.memory_space<hbm>>, %arg5: memref<10000x128xf32, #tpu.memory_space<hbm>>, %arg6: memref<2x10000x128xf32, #tpu.memory_space<hbm>>, %arg7: memref<64xi32, #tpu.memory_space<vmem>>, %arg8: memref<64xi32, #tpu.memory_space<vmem>>, %arg9: memref<64xi32, #tpu.memory_space<vmem>>, %arg10: memref<64xi32, #tpu.memory_space<vmem>>, %arg11: memref<64xi32, #tpu.memory_space<vmem>>, %arg12: memref<64xi32, #tpu.memory_space<vmem>>, %arg13: memref<64xi32, #tpu.memory_space<vmem>>, %arg14: memref<64xi32, #tpu.memory_space<vmem>>, %arg15: memref<64xi32, #tpu.memory_space<vmem>>, %arg16: memref<64xi32, #tpu.memory_space<vmem>>, %arg17: memref<64x128xf32, #tpu.memory_space<vmem>>, %arg18: memref<64x128xf32, #tpu.memory_space<vmem>>, %arg19: memref<64x128xf32, #tpu.memory_space<vmem>>, %arg20: memref<64x128xf32, #tpu.memory_space<vmem>>, %arg21: memref<64x128xf32, #tpu.memory_space<vmem>>, %arg22: memref<10256x128xf32, #tpu.memory_space<vmem_shared>>, %arg23: memref<!tpu.dma_semaphore, #tpu.memory_space<semaphore_mem>>, %arg24: memref<!tpu.dma_semaphore, #tpu.memory_space<semaphore_mem>>, %arg25: memref<!tpu.dma_semaphore, #tpu.memory_space<semaphore_mem>>, %arg26: memref<!tpu.dma_semaphore, #tpu.memory_space<semaphore_mem>>, %arg27: memref<!tpu.dma_semaphore, #tpu.memory_space<semaphore_mem>>, %arg28: memref<!tpu.dma_semaphore, #tpu.memory_space<semaphore_mem>>, %arg29: memref<!tpu.dma_semaphore, #tpu.memory_space<semaphore_mem>>, %arg30: memref<!tpu.dma_semaphore, #tpu.memory_space<semaphore_mem>>, %arg31: memref<!tpu.dma_semaphore, #tpu.memory_space<semaphore_mem>>, %arg32: memref<!tpu.dma_semaphore, #tpu.memory_space<semaphore_mem>>) attributes {dimension_semantics = [#tpu.dimension_semantics<core_parallel>, #tpu.dimension_semantics<subcore_parallel>], iteration_bounds = array<i64: 2, 16>, scalar_prefetch = 0 : i64, scratch_operands = 26 : i64, tpu.core_type = #tpu.core_type<sc_vector_subcore>, window_params = [{transform_indices = #map}, {transform_indices = #map1}, {transform_indices = #map1}, {transform_indices = #map}, {transform_indices = #map2}]} {
    %mul3A = arith.constant 16 : i32
    %mul3A_0 = arith.muli %arg0, %mul3A : i32
    %add3A = arith.addi %mul3A_0, %arg1 : i32
    %mul3A_1 = arith.constant 624 : i32
    %mul3A_2 = arith.muli %arg1, %mul3A_1 : i32
    %mul3A_3 = arith.constant 624 : i32
    %mul3A_4 = arith.muli %arg1, %mul3A_3 : i32
    "tpu.region"() ({
      %run_scoped3A = tpu.sem_alloc : memref<!tpu.dma_semaphore, #tpu.memory_space<semaphore_mem>>
      %dma_start3A_92 = arith.constant 0 : i32
      %dma_start3A_93 = tpu.memref_slice %arg22[%mul3A_4, %dma_start3A_92] : memref<10256x128xf32, #tpu.memory_space<vmem_shared>> -> memref<624x128xf32, #tpu.memory_space<vmem_shared>>
      %dma_start3A_94 = arith.constant 0 : i32
      %dma_start3A_95 = tpu.memref_slice %arg5[%mul3A_2, %dma_start3A_94] : memref<10000x128xf32, #tpu.memory_space<hbm>> -> memref<624x128xf32, #tpu.memory_space<hbm>>
      tpu.enqueue_dma source(%dma_start3A_95 : memref<624x128xf32, #tpu.memory_space<hbm>>) target(%dma_start3A_93 : memref<624x128xf32, #tpu.memory_space<vmem_shared>>) target_semaphore(%run_scoped3A : memref<!tpu.dma_semaphore, #tpu.memory_space<semaphore_mem>>)
      %dma_wait3A_96 = arith.constant 0 : i32
      %dma_wait3A_97 = tpu.memref_slice %arg22[%mul3A_4, %dma_wait3A_96] : memref<10256x128xf32, #tpu.memory_space<vmem_shared>> -> memref<624x128xf32, #tpu.memory_space<vmem_shared>>
      %dma_wait3A_98 = arith.constant 0 : i32
      %dma_wait3A_99 = tpu.memref_slice %arg5[%mul3A_2, %dma_wait3A_98] : memref<10000x128xf32, #tpu.memory_space<hbm>> -> memref<624x128xf32, #tpu.memory_space<hbm>>
      tpu.wait_dma2 semaphore(%run_scoped3A : memref<!tpu.dma_semaphore, #tpu.memory_space<semaphore_mem>>) src(%dma_wait3A_99 : memref<624x128xf32, #tpu.memory_space<hbm>>) dst(%dma_wait3A_97 : memref<624x128xf32, #tpu.memory_space<vmem_shared>>)
      tpu.yield
    }) : () -> ()
    %eq3A = arith.constant 0 : i32
    %eq3A_5 = arith.cmpi eq, %arg1, %eq3A : i32
    %convert_element_type3A = arith.extui %eq3A_5 : i1 to i32
    %cond3A = arith.constant 0 : i32
    %cond3A_6 = arith.cmpi ne, %convert_element_type3A, %cond3A : i32
    scf.if %cond3A_6 {
      "tpu.region"() ({
        %run_scoped3A = tpu.sem_alloc : memref<!tpu.dma_semaphore, #tpu.memory_space<semaphore_mem>>
        %dma_start3A_92 = arith.constant 9984 : i32
        %dma_start3A_93 = arith.constant 0 : i32
        %dma_start3A_94 = tpu.memref_slice %arg22[%dma_start3A_92, %dma_start3A_93] : memref<10256x128xf32, #tpu.memory_space<vmem_shared>> -> memref<16x128xf32, #tpu.memory_space<vmem_shared>>
        %dma_start3A_95 = arith.constant 9984 : i32
        %dma_start3A_96 = arith.constant 0 : i32
        %dma_start3A_97 = tpu.memref_slice %arg5[%dma_start3A_95, %dma_start3A_96] : memref<10000x128xf32, #tpu.memory_space<hbm>> -> memref<16x128xf32, #tpu.memory_space<hbm>>
        tpu.enqueue_dma source(%dma_start3A_97 : memref<16x128xf32, #tpu.memory_space<hbm>>) target(%dma_start3A_94 : memref<16x128xf32, #tpu.memory_space<vmem_shared>>) target_semaphore(%run_scoped3A : memref<!tpu.dma_semaphore, #tpu.memory_space<semaphore_mem>>)
        %dma_wait3A_98 = arith.constant 9984 : i32
        %dma_wait3A_99 = arith.constant 0 : i32
        %dma_wait3A_100 = tpu.memref_slice %arg22[%dma_wait3A_98, %dma_wait3A_99] : memref<10256x128xf32, #tpu.memory_space<vmem_shared>> -> memref<16x128xf32, #tpu.memory_space<vmem_shared>>
        %dma_wait3A_101 = arith.constant 9984 : i32
        %dma_wait3A_102 = arith.constant 0 : i32
        %dma_wait3A_103 = tpu.memref_slice %arg5[%dma_wait3A_101, %dma_wait3A_102] : memref<10000x128xf32, #tpu.memory_space<hbm>> -> memref<16x128xf32, #tpu.memory_space<hbm>>
        tpu.wait_dma2 semaphore(%run_scoped3A : memref<!tpu.dma_semaphore, #tpu.memory_space<semaphore_mem>>) src(%dma_wait3A_103 : memref<16x128xf32, #tpu.memory_space<hbm>>) dst(%dma_wait3A_100 : memref<16x128xf32, #tpu.memory_space<vmem_shared>>)
        tpu.yield
      }) : () -> ()
    } else {
    }
    %barrier3A = arith.constant 0 : index
    tpu.barrier barrier_id(%barrier3A)
    %mul3A_7 = arith.constant 10240 : i32
    %mul3A_8 = arith.muli %add3A, %mul3A_7 : i32
    %add3A_9 = arith.constant 0 : i32
    %add3A_10 = arith.addi %mul3A_8, %add3A_9 : i32
    "tpu.region"() ({
      %run_scoped3A = tpu.sem_alloc : memref<!tpu.dma_semaphore, #tpu.memory_space<semaphore_mem>>
      %dma_start3A_92 = tpu.memref_slice %arg3[%add3A_10] : memref<327680xi32, #tpu.memory_space<hbm>> -> memref<64xi32, #tpu.memory_space<hbm>>
      %dma_start3A_93 = tpu.memref_slice %arg3[%add3A_10] : memref<327680xi32, #tpu.memory_space<hbm>> -> memref<64xi32, #tpu.memory_space<hbm>>
      tpu.enqueue_dma source(%dma_start3A_93 : memref<64xi32, #tpu.memory_space<hbm>>) target(%arg7 : memref<64xi32, #tpu.memory_space<vmem>>) target_semaphore(%run_scoped3A : memref<!tpu.dma_semaphore, #tpu.memory_space<semaphore_mem>>)
      %dma_wait3A_94 = tpu.memref_slice %arg3[%add3A_10] : memref<327680xi32, #tpu.memory_space<hbm>> -> memref<64xi32, #tpu.memory_space<hbm>>
      %dma_wait3A_95 = tpu.memref_slice %arg3[%add3A_10] : memref<327680xi32, #tpu.memory_space<hbm>> -> memref<64xi32, #tpu.memory_space<hbm>>
      tpu.wait_dma2 semaphore(%run_scoped3A : memref<!tpu.dma_semaphore, #tpu.memory_space<semaphore_mem>>) src(%dma_wait3A_95 : memref<64xi32, #tpu.memory_space<hbm>>) dst(%arg7 : memref<64xi32, #tpu.memory_space<vmem>>)
      tpu.yield
    }) : () -> ()
    "tpu.region"() ({
      %run_scoped3A = tpu.sem_alloc : memref<!tpu.dma_semaphore, #tpu.memory_space<semaphore_mem>>
      %dma_start3A_92 = tpu.memref_slice %arg4[%add3A_10] : memref<327680xi32, #tpu.memory_space<hbm>> -> memref<64xi32, #tpu.memory_space<hbm>>
      %dma_start3A_93 = tpu.memref_slice %arg4[%add3A_10] : memref<327680xi32, #tpu.memory_space<hbm>> -> memref<64xi32, #tpu.memory_space<hbm>>
      tpu.enqueue_dma source(%dma_start3A_93 : memref<64xi32, #tpu.memory_space<hbm>>) target(%arg12 : memref<64xi32, #tpu.memory_space<vmem>>) target_semaphore(%run_scoped3A : memref<!tpu.dma_semaphore, #tpu.memory_space<semaphore_mem>>)
      %dma_wait3A_94 = tpu.memref_slice %arg4[%add3A_10] : memref<327680xi32, #tpu.memory_space<hbm>> -> memref<64xi32, #tpu.memory_space<hbm>>
      %dma_wait3A_95 = tpu.memref_slice %arg4[%add3A_10] : memref<327680xi32, #tpu.memory_space<hbm>> -> memref<64xi32, #tpu.memory_space<hbm>>
      tpu.wait_dma2 semaphore(%run_scoped3A : memref<!tpu.dma_semaphore, #tpu.memory_space<semaphore_mem>>) src(%dma_wait3A_95 : memref<64xi32, #tpu.memory_space<hbm>>) dst(%arg12 : memref<64xi32, #tpu.memory_space<vmem>>)
      tpu.yield
    }) : () -> ()
    %dma_start3A = arith.constant 0 : i32
    %dma_start3A_11 = arith.constant 0 : i32
    %dma_start3A_12 = tpu.memref_slice %arg2[%dma_start3A, %dma_start3A_11] : memref<10000x128xf32, #tpu.memory_space<hbm>> -> memref<10000x128xf32, #tpu.memory_space<hbm>>
    tpu.enqueue_indirect_dma source(%dma_start3A_12 : memref<10000x128xf32, #tpu.memory_space<hbm>>) target(%arg17 : memref<64x128xf32, #tpu.memory_space<vmem>>) offsets(%arg7 : memref<64xi32, #tpu.memory_space<vmem>>) semaphore(%arg23 : memref<!tpu.dma_semaphore, #tpu.memory_space<semaphore_mem>>)
    %add3A_13 = arith.constant 64 : i32
    %add3A_14 = arith.addi %mul3A_8, %add3A_13 : i32
    "tpu.region"() ({
      %run_scoped3A = tpu.sem_alloc : memref<!tpu.dma_semaphore, #tpu.memory_space<semaphore_mem>>
      %dma_start3A_92 = tpu.memref_slice %arg3[%add3A_14] : memref<327680xi32, #tpu.memory_space<hbm>> -> memref<64xi32, #tpu.memory_space<hbm>>
      %dma_start3A_93 = tpu.memref_slice %arg3[%add3A_14] : memref<327680xi32, #tpu.memory_space<hbm>> -> memref<64xi32, #tpu.memory_space<hbm>>
      tpu.enqueue_dma source(%dma_start3A_93 : memref<64xi32, #tpu.memory_space<hbm>>) target(%arg8 : memref<64xi32, #tpu.memory_space<vmem>>) target_semaphore(%run_scoped3A : memref<!tpu.dma_semaphore, #tpu.memory_space<semaphore_mem>>)
      %dma_wait3A_94 = tpu.memref_slice %arg3[%add3A_14] : memref<327680xi32, #tpu.memory_space<hbm>> -> memref<64xi32, #tpu.memory_space<hbm>>
      %dma_wait3A_95 = tpu.memref_slice %arg3[%add3A_14] : memref<327680xi32, #tpu.memory_space<hbm>> -> memref<64xi32, #tpu.memory_space<hbm>>
      tpu.wait_dma2 semaphore(%run_scoped3A : memref<!tpu.dma_semaphore, #tpu.memory_space<semaphore_mem>>) src(%dma_wait3A_95 : memref<64xi32, #tpu.memory_space<hbm>>) dst(%arg8 : memref<64xi32, #tpu.memory_space<vmem>>)
      tpu.yield
    }) : () -> ()
    "tpu.region"() ({
      %run_scoped3A = tpu.sem_alloc : memref<!tpu.dma_semaphore, #tpu.memory_space<semaphore_mem>>
      %dma_start3A_92 = tpu.memref_slice %arg4[%add3A_14] : memref<327680xi32, #tpu.memory_space<hbm>> -> memref<64xi32, #tpu.memory_space<hbm>>
      %dma_start3A_93 = tpu.memref_slice %arg4[%add3A_14] : memref<327680xi32, #tpu.memory_space<hbm>> -> memref<64xi32, #tpu.memory_space<hbm>>
      tpu.enqueue_dma source(%dma_start3A_93 : memref<64xi32, #tpu.memory_space<hbm>>) target(%arg13 : memref<64xi32, #tpu.memory_space<vmem>>) target_semaphore(%run_scoped3A : memref<!tpu.dma_semaphore, #tpu.memory_space<semaphore_mem>>)
      %dma_wait3A_94 = tpu.memref_slice %arg4[%add3A_14] : memref<327680xi32, #tpu.memory_space<hbm>> -> memref<64xi32, #tpu.memory_space<hbm>>
      %dma_wait3A_95 = tpu.memref_slice %arg4[%add3A_14] : memref<327680xi32, #tpu.memory_space<hbm>> -> memref<64xi32, #tpu.memory_space<hbm>>
      tpu.wait_dma2 semaphore(%run_scoped3A : memref<!tpu.dma_semaphore, #tpu.memory_space<semaphore_mem>>) src(%dma_wait3A_95 : memref<64xi32, #tpu.memory_space<hbm>>) dst(%arg13 : memref<64xi32, #tpu.memory_space<vmem>>)
      tpu.yield
    }) : () -> ()
    %dma_start3A_15 = arith.constant 0 : i32
    %dma_start3A_16 = arith.constant 0 : i32
    %dma_start3A_17 = tpu.memref_slice %arg2[%dma_start3A_15, %dma_start3A_16] : memref<10000x128xf32, #tpu.memory_space<hbm>> -> memref<10000x128xf32, #tpu.memory_space<hbm>>
    tpu.enqueue_indirect_dma source(%dma_start3A_17 : memref<10000x128xf32, #tpu.memory_space<hbm>>) target(%arg18 : memref<64x128xf32, #tpu.memory_space<vmem>>) offsets(%arg8 : memref<64xi32, #tpu.memory_space<vmem>>) semaphore(%arg24 : memref<!tpu.dma_semaphore, #tpu.memory_space<semaphore_mem>>)
    %add3A_18 = arith.constant 128 : i32
    %add3A_19 = arith.addi %mul3A_8, %add3A_18 : i32
    "tpu.region"() ({
      %run_scoped3A = tpu.sem_alloc : memref<!tpu.dma_semaphore, #tpu.memory_space<semaphore_mem>>
      %dma_start3A_92 = tpu.memref_slice %arg3[%add3A_19] : memref<327680xi32, #tpu.memory_space<hbm>> -> memref<64xi32, #tpu.memory_space<hbm>>
      %dma_start3A_93 = tpu.memref_slice %arg3[%add3A_19] : memref<327680xi32, #tpu.memory_space<hbm>> -> memref<64xi32, #tpu.memory_space<hbm>>
      tpu.enqueue_dma source(%dma_start3A_93 : memref<64xi32, #tpu.memory_space<hbm>>) target(%arg9 : memref<64xi32, #tpu.memory_space<vmem>>) target_semaphore(%run_scoped3A : memref<!tpu.dma_semaphore, #tpu.memory_space<semaphore_mem>>)
      %dma_wait3A_94 = tpu.memref_slice %arg3[%add3A_19] : memref<327680xi32, #tpu.memory_space<hbm>> -> memref<64xi32, #tpu.memory_space<hbm>>
      %dma_wait3A_95 = tpu.memref_slice %arg3[%add3A_19] : memref<327680xi32, #tpu.memory_space<hbm>> -> memref<64xi32, #tpu.memory_space<hbm>>
      tpu.wait_dma2 semaphore(%run_scoped3A : memref<!tpu.dma_semaphore, #tpu.memory_space<semaphore_mem>>) src(%dma_wait3A_95 : memref<64xi32, #tpu.memory_space<hbm>>) dst(%arg9 : memref<64xi32, #tpu.memory_space<vmem>>)
      tpu.yield
    }) : () -> ()
    "tpu.region"() ({
      %run_scoped3A = tpu.sem_alloc : memref<!tpu.dma_semaphore, #tpu.memory_space<semaphore_mem>>
      %dma_start3A_92 = tpu.memref_slice %arg4[%add3A_19] : memref<327680xi32, #tpu.memory_space<hbm>> -> memref<64xi32, #tpu.memory_space<hbm>>
      %dma_start3A_93 = tpu.memref_slice %arg4[%add3A_19] : memref<327680xi32, #tpu.memory_space<hbm>> -> memref<64xi32, #tpu.memory_space<hbm>>
      tpu.enqueue_dma source(%dma_start3A_93 : memref<64xi32, #tpu.memory_space<hbm>>) target(%arg14 : memref<64xi32, #tpu.memory_space<vmem>>) target_semaphore(%run_scoped3A : memref<!tpu.dma_semaphore, #tpu.memory_space<semaphore_mem>>)
      %dma_wait3A_94 = tpu.memref_slice %arg4[%add3A_19] : memref<327680xi32, #tpu.memory_space<hbm>> -> memref<64xi32, #tpu.memory_space<hbm>>
      %dma_wait3A_95 = tpu.memref_slice %arg4[%add3A_19] : memref<327680xi32, #tpu.memory_space<hbm>> -> memref<64xi32, #tpu.memory_space<hbm>>
      tpu.wait_dma2 semaphore(%run_scoped3A : memref<!tpu.dma_semaphore, #tpu.memory_space<semaphore_mem>>) src(%dma_wait3A_95 : memref<64xi32, #tpu.memory_space<hbm>>) dst(%arg14 : memref<64xi32, #tpu.memory_space<vmem>>)
      tpu.yield
    }) : () -> ()
    %dma_start3A_20 = arith.constant 0 : i32
    %dma_start3A_21 = arith.constant 0 : i32
    %dma_start3A_22 = tpu.memref_slice %arg2[%dma_start3A_20, %dma_start3A_21] : memref<10000x128xf32, #tpu.memory_space<hbm>> -> memref<10000x128xf32, #tpu.memory_space<hbm>>
    tpu.enqueue_indirect_dma source(%dma_start3A_22 : memref<10000x128xf32, #tpu.memory_space<hbm>>) target(%arg19 : memref<64x128xf32, #tpu.memory_space<vmem>>) offsets(%arg9 : memref<64xi32, #tpu.memory_space<vmem>>) semaphore(%arg25 : memref<!tpu.dma_semaphore, #tpu.memory_space<semaphore_mem>>)
    %add3A_23 = arith.constant 192 : i32
    %add3A_24 = arith.addi %mul3A_8, %add3A_23 : i32
    "tpu.region"() ({
      %run_scoped3A = tpu.sem_alloc : memref<!tpu.dma_semaphore, #tpu.memory_space<semaphore_mem>>
      %dma_start3A_92 = tpu.memref_slice %arg3[%add3A_24] : memref<327680xi32, #tpu.memory_space<hbm>> -> memref<64xi32, #tpu.memory_space<hbm>>
      %dma_start3A_93 = tpu.memref_slice %arg3[%add3A_24] : memref<327680xi32, #tpu.memory_space<hbm>> -> memref<64xi32, #tpu.memory_space<hbm>>
      tpu.enqueue_dma source(%dma_start3A_93 : memref<64xi32, #tpu.memory_space<hbm>>) target(%arg10 : memref<64xi32, #tpu.memory_space<vmem>>) target_semaphore(%run_scoped3A : memref<!tpu.dma_semaphore, #tpu.memory_space<semaphore_mem>>)
      %dma_wait3A_94 = tpu.memref_slice %arg3[%add3A_24] : memref<327680xi32, #tpu.memory_space<hbm>> -> memref<64xi32, #tpu.memory_space<hbm>>
      %dma_wait3A_95 = tpu.memref_slice %arg3[%add3A_24] : memref<327680xi32, #tpu.memory_space<hbm>> -> memref<64xi32, #tpu.memory_space<hbm>>
      tpu.wait_dma2 semaphore(%run_scoped3A : memref<!tpu.dma_semaphore, #tpu.memory_space<semaphore_mem>>) src(%dma_wait3A_95 : memref<64xi32, #tpu.memory_space<hbm>>) dst(%arg10 : memref<64xi32, #tpu.memory_space<vmem>>)
      tpu.yield
    }) : () -> ()
    "tpu.region"() ({
      %run_scoped3A = tpu.sem_alloc : memref<!tpu.dma_semaphore, #tpu.memory_space<semaphore_mem>>
      %dma_start3A_92 = tpu.memref_slice %arg4[%add3A_24] : memref<327680xi32, #tpu.memory_space<hbm>> -> memref<64xi32, #tpu.memory_space<hbm>>
      %dma_start3A_93 = tpu.memref_slice %arg4[%add3A_24] : memref<327680xi32, #tpu.memory_space<hbm>> -> memref<64xi32, #tpu.memory_space<hbm>>
      tpu.enqueue_dma source(%dma_start3A_93 : memref<64xi32, #tpu.memory_space<hbm>>) target(%arg15 : memref<64xi32, #tpu.memory_space<vmem>>) target_semaphore(%run_scoped3A : memref<!tpu.dma_semaphore, #tpu.memory_space<semaphore_mem>>)
      %dma_wait3A_94 = tpu.memref_slice %arg4[%add3A_24] : memref<327680xi32, #tpu.memory_space<hbm>> -> memref<64xi32, #tpu.memory_space<hbm>>
      %dma_wait3A_95 = tpu.memref_slice %arg4[%add3A_24] : memref<327680xi32, #tpu.memory_space<hbm>> -> memref<64xi32, #tpu.memory_space<hbm>>
      tpu.wait_dma2 semaphore(%run_scoped3A : memref<!tpu.dma_semaphore, #tpu.memory_space<semaphore_mem>>) src(%dma_wait3A_95 : memref<64xi32, #tpu.memory_space<hbm>>) dst(%arg15 : memref<64xi32, #tpu.memory_space<vmem>>)
      tpu.yield
    }) : () -> ()
    %dma_start3A_25 = arith.constant 0 : i32
    %dma_start3A_26 = arith.constant 0 : i32
    %dma_start3A_27 = tpu.memref_slice %arg2[%dma_start3A_25, %dma_start3A_26] : memref<10000x128xf32, #tpu.memory_space<hbm>> -> memref<10000x128xf32, #tpu.memory_space<hbm>>
    tpu.enqueue_indirect_dma source(%dma_start3A_27 : memref<10000x128xf32, #tpu.memory_space<hbm>>) target(%arg20 : memref<64x128xf32, #tpu.memory_space<vmem>>) offsets(%arg10 : memref<64xi32, #tpu.memory_space<vmem>>) semaphore(%arg26 : memref<!tpu.dma_semaphore, #tpu.memory_space<semaphore_mem>>)
    %add3A_28 = arith.constant 256 : i32
    %add3A_29 = arith.addi %mul3A_8, %add3A_28 : i32
    "tpu.region"() ({
      %run_scoped3A = tpu.sem_alloc : memref<!tpu.dma_semaphore, #tpu.memory_space<semaphore_mem>>
      %dma_start3A_92 = tpu.memref_slice %arg3[%add3A_29] : memref<327680xi32, #tpu.memory_space<hbm>> -> memref<64xi32, #tpu.memory_space<hbm>>
      %dma_start3A_93 = tpu.memref_slice %arg3[%add3A_29] : memref<327680xi32, #tpu.memory_space<hbm>> -> memref<64xi32, #tpu.memory_space<hbm>>
      tpu.enqueue_dma source(%dma_start3A_93 : memref<64xi32, #tpu.memory_space<hbm>>) target(%arg11 : memref<64xi32, #tpu.memory_space<vmem>>) target_semaphore(%run_scoped3A : memref<!tpu.dma_semaphore, #tpu.memory_space<semaphore_mem>>)
      %dma_wait3A_94 = tpu.memref_slice %arg3[%add3A_29] : memref<327680xi32, #tpu.memory_space<hbm>> -> memref<64xi32, #tpu.memory_space<hbm>>
      %dma_wait3A_95 = tpu.memref_slice %arg3[%add3A_29] : memref<327680xi32, #tpu.memory_space<hbm>> -> memref<64xi32, #tpu.memory_space<hbm>>
      tpu.wait_dma2 semaphore(%run_scoped3A : memref<!tpu.dma_semaphore, #tpu.memory_space<semaphore_mem>>) src(%dma_wait3A_95 : memref<64xi32, #tpu.memory_space<hbm>>) dst(%arg11 : memref<64xi32, #tpu.memory_space<vmem>>)
      tpu.yield
    }) : () -> ()
    "tpu.region"() ({
      %run_scoped3A = tpu.sem_alloc : memref<!tpu.dma_semaphore, #tpu.memory_space<semaphore_mem>>
      %dma_start3A_92 = tpu.memref_slice %arg4[%add3A_29] : memref<327680xi32, #tpu.memory_space<hbm>> -> memref<64xi32, #tpu.memory_space<hbm>>
      %dma_start3A_93 = tpu.memref_slice %arg4[%add3A_29] : memref<327680xi32, #tpu.memory_space<hbm>> -> memref<64xi32, #tpu.memory_space<hbm>>
      tpu.enqueue_dma source(%dma_start3A_93 : memref<64xi32, #tpu.memory_space<hbm>>) target(%arg16 : memref<64xi32, #tpu.memory_space<vmem>>) target_semaphore(%run_scoped3A : memref<!tpu.dma_semaphore, #tpu.memory_space<semaphore_mem>>)
      %dma_wait3A_94 = tpu.memref_slice %arg4[%add3A_29] : memref<327680xi32, #tpu.memory_space<hbm>> -> memref<64xi32, #tpu.memory_space<hbm>>
      %dma_wait3A_95 = tpu.memref_slice %arg4[%add3A_29] : memref<327680xi32, #tpu.memory_space<hbm>> -> memref<64xi32, #tpu.memory_space<hbm>>
      tpu.wait_dma2 semaphore(%run_scoped3A : memref<!tpu.dma_semaphore, #tpu.memory_space<semaphore_mem>>) src(%dma_wait3A_95 : memref<64xi32, #tpu.memory_space<hbm>>) dst(%arg16 : memref<64xi32, #tpu.memory_space<vmem>>)
      tpu.yield
    }) : () -> ()
    %dma_start3A_30 = arith.constant 0 : i32
    %dma_start3A_31 = arith.constant 0 : i32
    %dma_start3A_32 = tpu.memref_slice %arg2[%dma_start3A_30, %dma_start3A_31] : memref<10000x128xf32, #tpu.memory_space<hbm>> -> memref<10000x128xf32, #tpu.memory_space<hbm>>
    tpu.enqueue_indirect_dma source(%dma_start3A_32 : memref<10000x128xf32, #tpu.memory_space<hbm>>) target(%arg21 : memref<64x128xf32, #tpu.memory_space<vmem>>) offsets(%arg11 : memref<64xi32, #tpu.memory_space<vmem>>) semaphore(%arg27 : memref<!tpu.dma_semaphore, #tpu.memory_space<semaphore_mem>>)
    %scan3A = arith.constant 0 : i32
    %scan3A_33 = arith.constant 0 : i32
    %scan3A_34 = arith.constant 31 : i32
    %scan3A_35 = arith.addi %scan3A_33, %scan3A_34 : i32
    %scan3A_36 = arith.constant 1 : i32
    scf.for %scan3A_92 = %scan3A_33 to %scan3A_35 step %scan3A_36  : i32 {
      %dma_wait3A_93 = arith.constant 0 : i32
      %dma_wait3A_94 = arith.constant 0 : i32
      %dma_wait3A_95 = tpu.memref_slice %arg2[%dma_wait3A_93, %dma_wait3A_94] : memref<10000x128xf32, #tpu.memory_space<hbm>> -> memref<10000x128xf32, #tpu.memory_space<hbm>>
      tpu.wait_indirect_dma semaphore(%arg23 : memref<!tpu.dma_semaphore, #tpu.memory_space<semaphore_mem>>) src(%dma_wait3A_95 : memref<10000x128xf32, #tpu.memory_space<hbm>>) dst(%arg17 : memref<64x128xf32, #tpu.memory_space<vmem>>)
      %dma_start3A_96 = arith.constant 0 : i32
      %dma_start3A_97 = arith.constant 0 : i32
      %dma_start3A_98 = tpu.memref_slice %arg22[%dma_start3A_96, %dma_start3A_97] : memref<10256x128xf32, #tpu.memory_space<vmem_shared>> -> memref<10256x128xf32, #tpu.memory_space<vmem_shared>>
      tpu.enqueue_indirect_dma source(%arg17 : memref<64x128xf32, #tpu.memory_space<vmem>>) target(%dma_start3A_98 : memref<10256x128xf32, #tpu.memory_space<vmem_shared>>) offsets(%arg12 : memref<64xi32, #tpu.memory_space<vmem>>) semaphore(%arg28 : memref<!tpu.dma_semaphore, #tpu.memory_space<semaphore_mem>>) {add = true}
      %dma_wait3A_99 = arith.constant 0 : i32
      %dma_wait3A_100 = arith.constant 0 : i32
      %dma_wait3A_101 = tpu.memref_slice %arg2[%dma_wait3A_99, %dma_wait3A_100] : memref<10000x128xf32, #tpu.memory_space<hbm>> -> memref<10000x128xf32, #tpu.memory_space<hbm>>
      tpu.wait_indirect_dma semaphore(%arg24 : memref<!tpu.dma_semaphore, #tpu.memory_space<semaphore_mem>>) src(%dma_wait3A_101 : memref<10000x128xf32, #tpu.memory_space<hbm>>) dst(%arg18 : memref<64x128xf32, #tpu.memory_space<vmem>>)
      %dma_start3A_102 = arith.constant 0 : i32
      %dma_start3A_103 = arith.constant 0 : i32
      %dma_start3A_104 = tpu.memref_slice %arg22[%dma_start3A_102, %dma_start3A_103] : memref<10256x128xf32, #tpu.memory_space<vmem_shared>> -> memref<10256x128xf32, #tpu.memory_space<vmem_shared>>
      tpu.enqueue_indirect_dma source(%arg18 : memref<64x128xf32, #tpu.memory_space<vmem>>) target(%dma_start3A_104 : memref<10256x128xf32, #tpu.memory_space<vmem_shared>>) offsets(%arg13 : memref<64xi32, #tpu.memory_space<vmem>>) semaphore(%arg29 : memref<!tpu.dma_semaphore, #tpu.memory_space<semaphore_mem>>) {add = true}
      %dma_wait3A_105 = arith.constant 0 : i32
      %dma_wait3A_106 = arith.constant 0 : i32
      %dma_wait3A_107 = tpu.memref_slice %arg2[%dma_wait3A_105, %dma_wait3A_106] : memref<10000x128xf32, #tpu.memory_space<hbm>> -> memref<10000x128xf32, #tpu.memory_space<hbm>>
      tpu.wait_indirect_dma semaphore(%arg25 : memref<!tpu.dma_semaphore, #tpu.memory_space<semaphore_mem>>) src(%dma_wait3A_107 : memref<10000x128xf32, #tpu.memory_space<hbm>>) dst(%arg19 : memref<64x128xf32, #tpu.memory_space<vmem>>)
      %dma_start3A_108 = arith.constant 0 : i32
      %dma_start3A_109 = arith.constant 0 : i32
      %dma_start3A_110 = tpu.memref_slice %arg22[%dma_start3A_108, %dma_start3A_109] : memref<10256x128xf32, #tpu.memory_space<vmem_shared>> -> memref<10256x128xf32, #tpu.memory_space<vmem_shared>>
      tpu.enqueue_indirect_dma source(%arg19 : memref<64x128xf32, #tpu.memory_space<vmem>>) target(%dma_start3A_110 : memref<10256x128xf32, #tpu.memory_space<vmem_shared>>) offsets(%arg14 : memref<64xi32, #tpu.memory_space<vmem>>) semaphore(%arg30 : memref<!tpu.dma_semaphore, #tpu.memory_space<semaphore_mem>>) {add = true}
      %dma_wait3A_111 = arith.constant 0 : i32
      %dma_wait3A_112 = arith.constant 0 : i32
      %dma_wait3A_113 = tpu.memref_slice %arg2[%dma_wait3A_111, %dma_wait3A_112] : memref<10000x128xf32, #tpu.memory_space<hbm>> -> memref<10000x128xf32, #tpu.memory_space<hbm>>
      tpu.wait_indirect_dma semaphore(%arg26 : memref<!tpu.dma_semaphore, #tpu.memory_space<semaphore_mem>>) src(%dma_wait3A_113 : memref<10000x128xf32, #tpu.memory_space<hbm>>) dst(%arg20 : memref<64x128xf32, #tpu.memory_space<vmem>>)
      %dma_start3A_114 = arith.constant 0 : i32
      %dma_start3A_115 = arith.constant 0 : i32
      %dma_start3A_116 = tpu.memref_slice %arg22[%dma_start3A_114, %dma_start3A_115] : memref<10256x128xf32, #tpu.memory_space<vmem_shared>> -> memref<10256x128xf32, #tpu.memory_space<vmem_shared>>
      tpu.enqueue_indirect_dma source(%arg20 : memref<64x128xf32, #tpu.memory_space<vmem>>) target(%dma_start3A_116 : memref<10256x128xf32, #tpu.memory_space<vmem_shared>>) offsets(%arg15 : memref<64xi32, #tpu.memory_space<vmem>>) semaphore(%arg31 : memref<!tpu.dma_semaphore, #tpu.memory_space<semaphore_mem>>) {add = true}
      %dma_wait3A_117 = arith.constant 0 : i32
      %dma_wait3A_118 = arith.constant 0 : i32
      %dma_wait3A_119 = tpu.memref_slice %arg2[%dma_wait3A_117, %dma_wait3A_118] : memref<10000x128xf32, #tpu.memory_space<hbm>> -> memref<10000x128xf32, #tpu.memory_space<hbm>>
      tpu.wait_indirect_dma semaphore(%arg27 : memref<!tpu.dma_semaphore, #tpu.memory_space<semaphore_mem>>) src(%dma_wait3A_119 : memref<10000x128xf32, #tpu.memory_space<hbm>>) dst(%arg21 : memref<64x128xf32, #tpu.memory_space<vmem>>)
      %dma_start3A_120 = arith.constant 0 : i32
      %dma_start3A_121 = arith.constant 0 : i32
      %dma_start3A_122 = tpu.memref_slice %arg22[%dma_start3A_120, %dma_start3A_121] : memref<10256x128xf32, #tpu.memory_space<vmem_shared>> -> memref<10256x128xf32, #tpu.memory_space<vmem_shared>>
      tpu.enqueue_indirect_dma source(%arg21 : memref<64x128xf32, #tpu.memory_space<vmem>>) target(%dma_start3A_122 : memref<10256x128xf32, #tpu.memory_space<vmem_shared>>) offsets(%arg16 : memref<64xi32, #tpu.memory_space<vmem>>) semaphore(%arg32 : memref<!tpu.dma_semaphore, #tpu.memory_space<semaphore_mem>>) {add = true}
      %dma_wait3A_123 = arith.constant 0 : i32
      %dma_wait3A_124 = arith.constant 0 : i32
      %dma_wait3A_125 = tpu.memref_slice %arg22[%dma_wait3A_123, %dma_wait3A_124] : memref<10256x128xf32, #tpu.memory_space<vmem_shared>> -> memref<10256x128xf32, #tpu.memory_space<vmem_shared>>
      tpu.wait_indirect_dma semaphore(%arg28 : memref<!tpu.dma_semaphore, #tpu.memory_space<semaphore_mem>>) src(%arg17 : memref<64x128xf32, #tpu.memory_space<vmem>>) dst(%dma_wait3A_125 : memref<10256x128xf32, #tpu.memory_space<vmem_shared>>)
      %add3A_126 = arith.constant 1 : i32
      %add3A_127 = arith.addi %scan3A_92, %add3A_126 : i32
      %mul3A_128 = arith.constant 5 : i32
      %mul3A_129 = arith.muli %add3A_127, %mul3A_128 : i32
      %add3A_130 = arith.constant 0 : i32
      %add3A_131 = arith.addi %mul3A_129, %add3A_130 : i32
      %mul3A_132 = arith.constant 64 : i32
      %mul3A_133 = arith.muli %add3A_131, %mul3A_132 : i32
      %add3A_134 = arith.addi %mul3A_8, %mul3A_133 : i32
      "tpu.region"() ({
        %run_scoped3A = tpu.sem_alloc : memref<!tpu.dma_semaphore, #tpu.memory_space<semaphore_mem>>
        %dma_start3A_198 = tpu.memref_slice %arg3[%add3A_134] : memref<327680xi32, #tpu.memory_space<hbm>> -> memref<64xi32, #tpu.memory_space<hbm>>
        %dma_start3A_199 = tpu.memref_slice %arg3[%add3A_134] : memref<327680xi32, #tpu.memory_space<hbm>> -> memref<64xi32, #tpu.memory_space<hbm>>
        tpu.enqueue_dma source(%dma_start3A_199 : memref<64xi32, #tpu.memory_space<hbm>>) target(%arg7 : memref<64xi32, #tpu.memory_space<vmem>>) target_semaphore(%run_scoped3A : memref<!tpu.dma_semaphore, #tpu.memory_space<semaphore_mem>>)
        %dma_wait3A_200 = tpu.memref_slice %arg3[%add3A_134] : memref<327680xi32, #tpu.memory_space<hbm>> -> memref<64xi32, #tpu.memory_space<hbm>>
        %dma_wait3A_201 = tpu.memref_slice %arg3[%add3A_134] : memref<327680xi32, #tpu.memory_space<hbm>> -> memref<64xi32, #tpu.memory_space<hbm>>
        tpu.wait_dma2 semaphore(%run_scoped3A : memref<!tpu.dma_semaphore, #tpu.memory_space<semaphore_mem>>) src(%dma_wait3A_201 : memref<64xi32, #tpu.memory_space<hbm>>) dst(%arg7 : memref<64xi32, #tpu.memory_space<vmem>>)
        tpu.yield
      }) : () -> ()
      "tpu.region"() ({
        %run_scoped3A = tpu.sem_alloc : memref<!tpu.dma_semaphore, #tpu.memory_space<semaphore_mem>>
        %dma_start3A_198 = tpu.memref_slice %arg4[%add3A_134] : memref<327680xi32, #tpu.memory_space<hbm>> -> memref<64xi32, #tpu.memory_space<hbm>>
        %dma_start3A_199 = tpu.memref_slice %arg4[%add3A_134] : memref<327680xi32, #tpu.memory_space<hbm>> -> memref<64xi32, #tpu.memory_space<hbm>>
        tpu.enqueue_dma source(%dma_start3A_199 : memref<64xi32, #tpu.memory_space<hbm>>) target(%arg12 : memref<64xi32, #tpu.memory_space<vmem>>) target_semaphore(%run_scoped3A : memref<!tpu.dma_semaphore, #tpu.memory_space<semaphore_mem>>)
        %dma_wait3A_200 = tpu.memref_slice %arg4[%add3A_134] : memref<327680xi32, #tpu.memory_space<hbm>> -> memref<64xi32, #tpu.memory_space<hbm>>
        %dma_wait3A_201 = tpu.memref_slice %arg4[%add3A_134] : memref<327680xi32, #tpu.memory_space<hbm>> -> memref<64xi32, #tpu.memory_space<hbm>>
        tpu.wait_dma2 semaphore(%run_scoped3A : memref<!tpu.dma_semaphore, #tpu.memory_space<semaphore_mem>>) src(%dma_wait3A_201 : memref<64xi32, #tpu.memory_space<hbm>>) dst(%arg12 : memref<64xi32, #tpu.memory_space<vmem>>)
        tpu.yield
      }) : () -> ()
      %dma_start3A_135 = arith.constant 0 : i32
      %dma_start3A_136 = arith.constant 0 : i32
      %dma_start3A_137 = tpu.memref_slice %arg2[%dma_start3A_135, %dma_start3A_136] : memref<10000x128xf32, #tpu.memory_space<hbm>> -> memref<10000x128xf32, #tpu.memory_space<hbm>>
      tpu.enqueue_indirect_dma source(%dma_start3A_137 : memref<10000x128xf32, #tpu.memory_space<hbm>>) target(%arg17 : memref<64x128xf32, #tpu.memory_space<vmem>>) offsets(%arg7 : memref<64xi32, #tpu.memory_space<vmem>>) semaphore(%arg23 : memref<!tpu.dma_semaphore, #tpu.memory_space<semaphore_mem>>)
      %dma_wait3A_138 = arith.constant 0 : i32
      %dma_wait3A_139 = arith.constant 0 : i32
      %dma_wait3A_140 = tpu.memref_slice %arg22[%dma_wait3A_138, %dma_wait3A_139] : memref<10256x128xf32, #tpu.memory_space<vmem_shared>> -> memref<10256x128xf32, #tpu.memory_space<vmem_shared>>
      tpu.wait_indirect_dma semaphore(%arg29 : memref<!tpu.dma_semaphore, #tpu.memory_space<semaphore_mem>>) src(%arg18 : memref<64x128xf32, #tpu.memory_space<vmem>>) dst(%dma_wait3A_140 : memref<10256x128xf32, #tpu.memory_space<vmem_shared>>)
      %add3A_141 = arith.constant 1 : i32
      %add3A_142 = arith.addi %scan3A_92, %add3A_141 : i32
      %mul3A_143 = arith.constant 5 : i32
      %mul3A_144 = arith.muli %add3A_142, %mul3A_143 : i32
      %add3A_145 = arith.constant 1 : i32
      %add3A_146 = arith.addi %mul3A_144, %add3A_145 : i32
      %mul3A_147 = arith.constant 64 : i32
      %mul3A_148 = arith.muli %add3A_146, %mul3A_147 : i32
      %add3A_149 = arith.addi %mul3A_8, %mul3A_148 : i32
      "tpu.region"() ({
        %run_scoped3A = tpu.sem_alloc : memref<!tpu.dma_semaphore, #tpu.memory_space<semaphore_mem>>
        %dma_start3A_198 = tpu.memref_slice %arg3[%add3A_149] : memref<327680xi32, #tpu.memory_space<hbm>> -> memref<64xi32, #tpu.memory_space<hbm>>
        %dma_start3A_199 = tpu.memref_slice %arg3[%add3A_149] : memref<327680xi32, #tpu.memory_space<hbm>> -> memref<64xi32, #tpu.memory_space<hbm>>
        tpu.enqueue_dma source(%dma_start3A_199 : memref<64xi32, #tpu.memory_space<hbm>>) target(%arg8 : memref<64xi32, #tpu.memory_space<vmem>>) target_semaphore(%run_scoped3A : memref<!tpu.dma_semaphore, #tpu.memory_space<semaphore_mem>>)
        %dma_wait3A_200 = tpu.memref_slice %arg3[%add3A_149] : memref<327680xi32, #tpu.memory_space<hbm>> -> memref<64xi32, #tpu.memory_space<hbm>>
        %dma_wait3A_201 = tpu.memref_slice %arg3[%add3A_149] : memref<327680xi32, #tpu.memory_space<hbm>> -> memref<64xi32, #tpu.memory_space<hbm>>
        tpu.wait_dma2 semaphore(%run_scoped3A : memref<!tpu.dma_semaphore, #tpu.memory_space<semaphore_mem>>) src(%dma_wait3A_201 : memref<64xi32, #tpu.memory_space<hbm>>) dst(%arg8 : memref<64xi32, #tpu.memory_space<vmem>>)
        tpu.yield
      }) : () -> ()
      "tpu.region"() ({
        %run_scoped3A = tpu.sem_alloc : memref<!tpu.dma_semaphore, #tpu.memory_space<semaphore_mem>>
        %dma_start3A_198 = tpu.memref_slice %arg4[%add3A_149] : memref<327680xi32, #tpu.memory_space<hbm>> -> memref<64xi32, #tpu.memory_space<hbm>>
        %dma_start3A_199 = tpu.memref_slice %arg4[%add3A_149] : memref<327680xi32, #tpu.memory_space<hbm>> -> memref<64xi32, #tpu.memory_space<hbm>>
        tpu.enqueue_dma source(%dma_start3A_199 : memref<64xi32, #tpu.memory_space<hbm>>) target(%arg13 : memref<64xi32, #tpu.memory_space<vmem>>) target_semaphore(%run_scoped3A : memref<!tpu.dma_semaphore, #tpu.memory_space<semaphore_mem>>)
        %dma_wait3A_200 = tpu.memref_slice %arg4[%add3A_149] : memref<327680xi32, #tpu.memory_space<hbm>> -> memref<64xi32, #tpu.memory_space<hbm>>
        %dma_wait3A_201 = tpu.memref_slice %arg4[%add3A_149] : memref<327680xi32, #tpu.memory_space<hbm>> -> memref<64xi32, #tpu.memory_space<hbm>>
        tpu.wait_dma2 semaphore(%run_scoped3A : memref<!tpu.dma_semaphore, #tpu.memory_space<semaphore_mem>>) src(%dma_wait3A_201 : memref<64xi32, #tpu.memory_space<hbm>>) dst(%arg13 : memref<64xi32, #tpu.memory_space<vmem>>)
        tpu.yield
      }) : () -> ()
      %dma_start3A_150 = arith.constant 0 : i32
      %dma_start3A_151 = arith.constant 0 : i32
      %dma_start3A_152 = tpu.memref_slice %arg2[%dma_start3A_150, %dma_start3A_151] : memref<10000x128xf32, #tpu.memory_space<hbm>> -> memref<10000x128xf32, #tpu.memory_space<hbm>>
      tpu.enqueue_indirect_dma source(%dma_start3A_152 : memref<10000x128xf32, #tpu.memory_space<hbm>>) target(%arg18 : memref<64x128xf32, #tpu.memory_space<vmem>>) offsets(%arg8 : memref<64xi32, #tpu.memory_space<vmem>>) semaphore(%arg24 : memref<!tpu.dma_semaphore, #tpu.memory_space<semaphore_mem>>)
      %dma_wait3A_153 = arith.constant 0 : i32
      %dma_wait3A_154 = arith.constant 0 : i32
      %dma_wait3A_155 = tpu.memref_slice %arg22[%dma_wait3A_153, %dma_wait3A_154] : memref<10256x128xf32, #tpu.memory_space<vmem_shared>> -> memref<10256x128xf32, #tpu.memory_space<vmem_shared>>
      tpu.wait_indirect_dma semaphore(%arg30 : memref<!tpu.dma_semaphore, #tpu.memory_space<semaphore_mem>>) src(%arg19 : memref<64x128xf32, #tpu.memory_space<vmem>>) dst(%dma_wait3A_155 : memref<10256x128xf32, #tpu.memory_space<vmem_shared>>)
      %add3A_156 = arith.constant 1 : i32
      %add3A_157 = arith.addi %scan3A_92, %add3A_156 : i32
      %mul3A_158 = arith.constant 5 : i32
      %mul3A_159 = arith.muli %add3A_157, %mul3A_158 : i32
      %add3A_160 = arith.constant 2 : i32
      %add3A_161 = arith.addi %mul3A_159, %add3A_160 : i32
      %mul3A_162 = arith.constant 64 : i32
      %mul3A_163 = arith.muli %add3A_161, %mul3A_162 : i32
      %add3A_164 = arith.addi %mul3A_8, %mul3A_163 : i32
      "tpu.region"() ({
        %run_scoped3A = tpu.sem_alloc : memref<!tpu.dma_semaphore, #tpu.memory_space<semaphore_mem>>
        %dma_start3A_198 = tpu.memref_slice %arg3[%add3A_164] : memref<327680xi32, #tpu.memory_space<hbm>> -> memref<64xi32, #tpu.memory_space<hbm>>
        %dma_start3A_199 = tpu.memref_slice %arg3[%add3A_164] : memref<327680xi32, #tpu.memory_space<hbm>> -> memref<64xi32, #tpu.memory_space<hbm>>
        tpu.enqueue_dma source(%dma_start3A_199 : memref<64xi32, #tpu.memory_space<hbm>>) target(%arg9 : memref<64xi32, #tpu.memory_space<vmem>>) target_semaphore(%run_scoped3A : memref<!tpu.dma_semaphore, #tpu.memory_space<semaphore_mem>>)
        %dma_wait3A_200 = tpu.memref_slice %arg3[%add3A_164] : memref<327680xi32, #tpu.memory_space<hbm>> -> memref<64xi32, #tpu.memory_space<hbm>>
        %dma_wait3A_201 = tpu.memref_slice %arg3[%add3A_164] : memref<327680xi32, #tpu.memory_space<hbm>> -> memref<64xi32, #tpu.memory_space<hbm>>
        tpu.wait_dma2 semaphore(%run_scoped3A : memref<!tpu.dma_semaphore, #tpu.memory_space<semaphore_mem>>) src(%dma_wait3A_201 : memref<64xi32, #tpu.memory_space<hbm>>) dst(%arg9 : memref<64xi32, #tpu.memory_space<vmem>>)
        tpu.yield
      }) : () -> ()
      "tpu.region"() ({
        %run_scoped3A = tpu.sem_alloc : memref<!tpu.dma_semaphore, #tpu.memory_space<semaphore_mem>>
        %dma_start3A_198 = tpu.memref_slice %arg4[%add3A_164] : memref<327680xi32, #tpu.memory_space<hbm>> -> memref<64xi32, #tpu.memory_space<hbm>>
        %dma_start3A_199 = tpu.memref_slice %arg4[%add3A_164] : memref<327680xi32, #tpu.memory_space<hbm>> -> memref<64xi32, #tpu.memory_space<hbm>>
        tpu.enqueue_dma source(%dma_start3A_199 : memref<64xi32, #tpu.memory_space<hbm>>) target(%arg14 : memref<64xi32, #tpu.memory_space<vmem>>) target_semaphore(%run_scoped3A : memref<!tpu.dma_semaphore, #tpu.memory_space<semaphore_mem>>)
        %dma_wait3A_200 = tpu.memref_slice %arg4[%add3A_164] : memref<327680xi32, #tpu.memory_space<hbm>> -> memref<64xi32, #tpu.memory_space<hbm>>
        %dma_wait3A_201 = tpu.memref_slice %arg4[%add3A_164] : memref<327680xi32, #tpu.memory_space<hbm>> -> memref<64xi32, #tpu.memory_space<hbm>>
        tpu.wait_dma2 semaphore(%run_scoped3A : memref<!tpu.dma_semaphore, #tpu.memory_space<semaphore_mem>>) src(%dma_wait3A_201 : memref<64xi32, #tpu.memory_space<hbm>>) dst(%arg14 : memref<64xi32, #tpu.memory_space<vmem>>)
        tpu.yield
      }) : () -> ()
      %dma_start3A_165 = arith.constant 0 : i32
      %dma_start3A_166 = arith.constant 0 : i32
      %dma_start3A_167 = tpu.memref_slice %arg2[%dma_start3A_165, %dma_start3A_166] : memref<10000x128xf32, #tpu.memory_space<hbm>> -> memref<10000x128xf32, #tpu.memory_space<hbm>>
      tpu.enqueue_indirect_dma source(%dma_start3A_167 : memref<10000x128xf32, #tpu.memory_space<hbm>>) target(%arg19 : memref<64x128xf32, #tpu.memory_space<vmem>>) offsets(%arg9 : memref<64xi32, #tpu.memory_space<vmem>>) semaphore(%arg25 : memref<!tpu.dma_semaphore, #tpu.memory_space<semaphore_mem>>)
      %dma_wait3A_168 = arith.constant 0 : i32
      %dma_wait3A_169 = arith.constant 0 : i32
      %dma_wait3A_170 = tpu.memref_slice %arg22[%dma_wait3A_168, %dma_wait3A_169] : memref<10256x128xf32, #tpu.memory_space<vmem_shared>> -> memref<10256x128xf32, #tpu.memory_space<vmem_shared>>
      tpu.wait_indirect_dma semaphore(%arg31 : memref<!tpu.dma_semaphore, #tpu.memory_space<semaphore_mem>>) src(%arg20 : memref<64x128xf32, #tpu.memory_space<vmem>>) dst(%dma_wait3A_170 : memref<10256x128xf32, #tpu.memory_space<vmem_shared>>)
      %add3A_171 = arith.constant 1 : i32
      %add3A_172 = arith.addi %scan3A_92, %add3A_171 : i32
      %mul3A_173 = arith.constant 5 : i32
      %mul3A_174 = arith.muli %add3A_172, %mul3A_173 : i32
      %add3A_175 = arith.constant 3 : i32
      %add3A_176 = arith.addi %mul3A_174, %add3A_175 : i32
      %mul3A_177 = arith.constant 64 : i32
      %mul3A_178 = arith.muli %add3A_176, %mul3A_177 : i32
      %add3A_179 = arith.addi %mul3A_8, %mul3A_178 : i32
      "tpu.region"() ({
        %run_scoped3A = tpu.sem_alloc : memref<!tpu.dma_semaphore, #tpu.memory_space<semaphore_mem>>
        %dma_start3A_198 = tpu.memref_slice %arg3[%add3A_179] : memref<327680xi32, #tpu.memory_space<hbm>> -> memref<64xi32, #tpu.memory_space<hbm>>
        %dma_start3A_199 = tpu.memref_slice %arg3[%add3A_179] : memref<327680xi32, #tpu.memory_space<hbm>> -> memref<64xi32, #tpu.memory_space<hbm>>
        tpu.enqueue_dma source(%dma_start3A_199 : memref<64xi32, #tpu.memory_space<hbm>>) target(%arg10 : memref<64xi32, #tpu.memory_space<vmem>>) target_semaphore(%run_scoped3A : memref<!tpu.dma_semaphore, #tpu.memory_space<semaphore_mem>>)
        %dma_wait3A_200 = tpu.memref_slice %arg3[%add3A_179] : memref<327680xi32, #tpu.memory_space<hbm>> -> memref<64xi32, #tpu.memory_space<hbm>>
        %dma_wait3A_201 = tpu.memref_slice %arg3[%add3A_179] : memref<327680xi32, #tpu.memory_space<hbm>> -> memref<64xi32, #tpu.memory_space<hbm>>
        tpu.wait_dma2 semaphore(%run_scoped3A : memref<!tpu.dma_semaphore, #tpu.memory_space<semaphore_mem>>) src(%dma_wait3A_201 : memref<64xi32, #tpu.memory_space<hbm>>) dst(%arg10 : memref<64xi32, #tpu.memory_space<vmem>>)
        tpu.yield
      }) : () -> ()
      "tpu.region"() ({
        %run_scoped3A = tpu.sem_alloc : memref<!tpu.dma_semaphore, #tpu.memory_space<semaphore_mem>>
        %dma_start3A_198 = tpu.memref_slice %arg4[%add3A_179] : memref<327680xi32, #tpu.memory_space<hbm>> -> memref<64xi32, #tpu.memory_space<hbm>>
        %dma_start3A_199 = tpu.memref_slice %arg4[%add3A_179] : memref<327680xi32, #tpu.memory_space<hbm>> -> memref<64xi32, #tpu.memory_space<hbm>>
        tpu.enqueue_dma source(%dma_start3A_199 : memref<64xi32, #tpu.memory_space<hbm>>) target(%arg15 : memref<64xi32, #tpu.memory_space<vmem>>) target_semaphore(%run_scoped3A : memref<!tpu.dma_semaphore, #tpu.memory_space<semaphore_mem>>)
        %dma_wait3A_200 = tpu.memref_slice %arg4[%add3A_179] : memref<327680xi32, #tpu.memory_space<hbm>> -> memref<64xi32, #tpu.memory_space<hbm>>
        %dma_wait3A_201 = tpu.memref_slice %arg4[%add3A_179] : memref<327680xi32, #tpu.memory_space<hbm>> -> memref<64xi32, #tpu.memory_space<hbm>>
        tpu.wait_dma2 semaphore(%run_scoped3A : memref<!tpu.dma_semaphore, #tpu.memory_space<semaphore_mem>>) src(%dma_wait3A_201 : memref<64xi32, #tpu.memory_space<hbm>>) dst(%arg15 : memref<64xi32, #tpu.memory_space<vmem>>)
        tpu.yield
      }) : () -> ()
      %dma_start3A_180 = arith.constant 0 : i32
      %dma_start3A_181 = arith.constant 0 : i32
      %dma_start3A_182 = tpu.memref_slice %arg2[%dma_start3A_180, %dma_start3A_181] : memref<10000x128xf32, #tpu.memory_space<hbm>> -> memref<10000x128xf32, #tpu.memory_space<hbm>>
      tpu.enqueue_indirect_dma source(%dma_start3A_182 : memref<10000x128xf32, #tpu.memory_space<hbm>>) target(%arg20 : memref<64x128xf32, #tpu.memory_space<vmem>>) offsets(%arg10 : memref<64xi32, #tpu.memory_space<vmem>>) semaphore(%arg26 : memref<!tpu.dma_semaphore, #tpu.memory_space<semaphore_mem>>)
      %dma_wait3A_183 = arith.constant 0 : i32
      %dma_wait3A_184 = arith.constant 0 : i32
      %dma_wait3A_185 = tpu.memref_slice %arg22[%dma_wait3A_183, %dma_wait3A_184] : memref<10256x128xf32, #tpu.memory_space<vmem_shared>> -> memref<10256x128xf32, #tpu.memory_space<vmem_shared>>
      tpu.wait_indirect_dma semaphore(%arg32 : memref<!tpu.dma_semaphore, #tpu.memory_space<semaphore_mem>>) src(%arg21 : memref<64x128xf32, #tpu.memory_space<vmem>>) dst(%dma_wait3A_185 : memref<10256x128xf32, #tpu.memory_space<vmem_shared>>)
      %add3A_186 = arith.constant 1 : i32
      %add3A_187 = arith.addi %scan3A_92, %add3A_186 : i32
      %mul3A_188 = arith.constant 5 : i32
      %mul3A_189 = arith.muli %add3A_187, %mul3A_188 : i32
      %add3A_190 = arith.constant 4 : i32
      %add3A_191 = arith.addi %mul3A_189, %add3A_190 : i32
      %mul3A_192 = arith.constant 64 : i32
      %mul3A_193 = arith.muli %add3A_191, %mul3A_192 : i32
      %add3A_194 = arith.addi %mul3A_8, %mul3A_193 : i32
      "tpu.region"() ({
        %run_scoped3A = tpu.sem_alloc : memref<!tpu.dma_semaphore, #tpu.memory_space<semaphore_mem>>
        %dma_start3A_198 = tpu.memref_slice %arg3[%add3A_194] : memref<327680xi32, #tpu.memory_space<hbm>> -> memref<64xi32, #tpu.memory_space<hbm>>
        %dma_start3A_199 = tpu.memref_slice %arg3[%add3A_194] : memref<327680xi32, #tpu.memory_space<hbm>> -> memref<64xi32, #tpu.memory_space<hbm>>
        tpu.enqueue_dma source(%dma_start3A_199 : memref<64xi32, #tpu.memory_space<hbm>>) target(%arg11 : memref<64xi32, #tpu.memory_space<vmem>>) target_semaphore(%run_scoped3A : memref<!tpu.dma_semaphore, #tpu.memory_space<semaphore_mem>>)
        %dma_wait3A_200 = tpu.memref_slice %arg3[%add3A_194] : memref<327680xi32, #tpu.memory_space<hbm>> -> memref<64xi32, #tpu.memory_space<hbm>>
        %dma_wait3A_201 = tpu.memref_slice %arg3[%add3A_194] : memref<327680xi32, #tpu.memory_space<hbm>> -> memref<64xi32, #tpu.memory_space<hbm>>
        tpu.wait_dma2 semaphore(%run_scoped3A : memref<!tpu.dma_semaphore, #tpu.memory_space<semaphore_mem>>) src(%dma_wait3A_201 : memref<64xi32, #tpu.memory_space<hbm>>) dst(%arg11 : memref<64xi32, #tpu.memory_space<vmem>>)
        tpu.yield
      }) : () -> ()
      "tpu.region"() ({
        %run_scoped3A = tpu.sem_alloc : memref<!tpu.dma_semaphore, #tpu.memory_space<semaphore_mem>>
        %dma_start3A_198 = tpu.memref_slice %arg4[%add3A_194] : memref<327680xi32, #tpu.memory_space<hbm>> -> memref<64xi32, #tpu.memory_space<hbm>>
        %dma_start3A_199 = tpu.memref_slice %arg4[%add3A_194] : memref<327680xi32, #tpu.memory_space<hbm>> -> memref<64xi32, #tpu.memory_space<hbm>>
        tpu.enqueue_dma source(%dma_start3A_199 : memref<64xi32, #tpu.memory_space<hbm>>) target(%arg16 : memref<64xi32, #tpu.memory_space<vmem>>) target_semaphore(%run_scoped3A : memref<!tpu.dma_semaphore, #tpu.memory_space<semaphore_mem>>)
        %dma_wait3A_200 = tpu.memref_slice %arg4[%add3A_194] : memref<327680xi32, #tpu.memory_space<hbm>> -> memref<64xi32, #tpu.memory_space<hbm>>
        %dma_wait3A_201 = tpu.memref_slice %arg4[%add3A_194] : memref<327680xi32, #tpu.memory_space<hbm>> -> memref<64xi32, #tpu.memory_space<hbm>>
        tpu.wait_dma2 semaphore(%run_scoped3A : memref<!tpu.dma_semaphore, #tpu.memory_space<semaphore_mem>>) src(%dma_wait3A_201 : memref<64xi32, #tpu.memory_space<hbm>>) dst(%arg16 : memref<64xi32, #tpu.memory_space<vmem>>)
        tpu.yield
      }) : () -> ()
      %dma_start3A_195 = arith.constant 0 : i32
      %dma_start3A_196 = arith.constant 0 : i32
      %dma_start3A_197 = tpu.memref_slice %arg2[%dma_start3A_195, %dma_start3A_196] : memref<10000x128xf32, #tpu.memory_space<hbm>> -> memref<10000x128xf32, #tpu.memory_space<hbm>>
      tpu.enqueue_indirect_dma source(%dma_start3A_197 : memref<10000x128xf32, #tpu.memory_space<hbm>>) target(%arg21 : memref<64x128xf32, #tpu.memory_space<vmem>>) offsets(%arg11 : memref<64xi32, #tpu.memory_space<vmem>>) semaphore(%arg27 : memref<!tpu.dma_semaphore, #tpu.memory_space<semaphore_mem>>)
    }
    %scan3A_37 = arith.constant 31 : i32
    %dma_wait3A = arith.constant 0 : i32
    %dma_wait3A_38 = arith.constant 0 : i32
    %dma_wait3A_39 = tpu.memref_slice %arg2[%dma_wait3A, %dma_wait3A_38] : memref<10000x128xf32, #tpu.memory_space<hbm>> -> memref<10000x128xf32, #tpu.memory_space<hbm>>
    tpu.wait_indirect_dma semaphore(%arg23 : memref<!tpu.dma_semaphore, #tpu.memory_space<semaphore_mem>>) src(%dma_wait3A_39 : memref<10000x128xf32, #tpu.memory_space<hbm>>) dst(%arg17 : memref<64x128xf32, #tpu.memory_space<vmem>>)
    %dma_start3A_40 = arith.constant 0 : i32
    %dma_start3A_41 = arith.constant 0 : i32
    %dma_start3A_42 = tpu.memref_slice %arg22[%dma_start3A_40, %dma_start3A_41] : memref<10256x128xf32, #tpu.memory_space<vmem_shared>> -> memref<10256x128xf32, #tpu.memory_space<vmem_shared>>
    tpu.enqueue_indirect_dma source(%arg17 : memref<64x128xf32, #tpu.memory_space<vmem>>) target(%dma_start3A_42 : memref<10256x128xf32, #tpu.memory_space<vmem_shared>>) offsets(%arg12 : memref<64xi32, #tpu.memory_space<vmem>>) semaphore(%arg28 : memref<!tpu.dma_semaphore, #tpu.memory_space<semaphore_mem>>) {add = true}
    %dma_wait3A_43 = arith.constant 0 : i32
    %dma_wait3A_44 = arith.constant 0 : i32
    %dma_wait3A_45 = tpu.memref_slice %arg2[%dma_wait3A_43, %dma_wait3A_44] : memref<10000x128xf32, #tpu.memory_space<hbm>> -> memref<10000x128xf32, #tpu.memory_space<hbm>>
    tpu.wait_indirect_dma semaphore(%arg24 : memref<!tpu.dma_semaphore, #tpu.memory_space<semaphore_mem>>) src(%dma_wait3A_45 : memref<10000x128xf32, #tpu.memory_space<hbm>>) dst(%arg18 : memref<64x128xf32, #tpu.memory_space<vmem>>)
    %dma_start3A_46 = arith.constant 0 : i32
    %dma_start3A_47 = arith.constant 0 : i32
    %dma_start3A_48 = tpu.memref_slice %arg22[%dma_start3A_46, %dma_start3A_47] : memref<10256x128xf32, #tpu.memory_space<vmem_shared>> -> memref<10256x128xf32, #tpu.memory_space<vmem_shared>>
    tpu.enqueue_indirect_dma source(%arg18 : memref<64x128xf32, #tpu.memory_space<vmem>>) target(%dma_start3A_48 : memref<10256x128xf32, #tpu.memory_space<vmem_shared>>) offsets(%arg13 : memref<64xi32, #tpu.memory_space<vmem>>) semaphore(%arg29 : memref<!tpu.dma_semaphore, #tpu.memory_space<semaphore_mem>>) {add = true}
    %dma_wait3A_49 = arith.constant 0 : i32
    %dma_wait3A_50 = arith.constant 0 : i32
    %dma_wait3A_51 = tpu.memref_slice %arg2[%dma_wait3A_49, %dma_wait3A_50] : memref<10000x128xf32, #tpu.memory_space<hbm>> -> memref<10000x128xf32, #tpu.memory_space<hbm>>
    tpu.wait_indirect_dma semaphore(%arg25 : memref<!tpu.dma_semaphore, #tpu.memory_space<semaphore_mem>>) src(%dma_wait3A_51 : memref<10000x128xf32, #tpu.memory_space<hbm>>) dst(%arg19 : memref<64x128xf32, #tpu.memory_space<vmem>>)
    %dma_start3A_52 = arith.constant 0 : i32
    %dma_start3A_53 = arith.constant 0 : i32
    %dma_start3A_54 = tpu.memref_slice %arg22[%dma_start3A_52, %dma_start3A_53] : memref<10256x128xf32, #tpu.memory_space<vmem_shared>> -> memref<10256x128xf32, #tpu.memory_space<vmem_shared>>
    tpu.enqueue_indirect_dma source(%arg19 : memref<64x128xf32, #tpu.memory_space<vmem>>) target(%dma_start3A_54 : memref<10256x128xf32, #tpu.memory_space<vmem_shared>>) offsets(%arg14 : memref<64xi32, #tpu.memory_space<vmem>>) semaphore(%arg30 : memref<!tpu.dma_semaphore, #tpu.memory_space<semaphore_mem>>) {add = true}
    %dma_wait3A_55 = arith.constant 0 : i32
    %dma_wait3A_56 = arith.constant 0 : i32
    %dma_wait3A_57 = tpu.memref_slice %arg2[%dma_wait3A_55, %dma_wait3A_56] : memref<10000x128xf32, #tpu.memory_space<hbm>> -> memref<10000x128xf32, #tpu.memory_space<hbm>>
    tpu.wait_indirect_dma semaphore(%arg26 : memref<!tpu.dma_semaphore, #tpu.memory_space<semaphore_mem>>) src(%dma_wait3A_57 : memref<10000x128xf32, #tpu.memory_space<hbm>>) dst(%arg20 : memref<64x128xf32, #tpu.memory_space<vmem>>)
    %dma_start3A_58 = arith.constant 0 : i32
    %dma_start3A_59 = arith.constant 0 : i32
    %dma_start3A_60 = tpu.memref_slice %arg22[%dma_start3A_58, %dma_start3A_59] : memref<10256x128xf32, #tpu.memory_space<vmem_shared>> -> memref<10256x128xf32, #tpu.memory_space<vmem_shared>>
    tpu.enqueue_indirect_dma source(%arg20 : memref<64x128xf32, #tpu.memory_space<vmem>>) target(%dma_start3A_60 : memref<10256x128xf32, #tpu.memory_space<vmem_shared>>) offsets(%arg15 : memref<64xi32, #tpu.memory_space<vmem>>) semaphore(%arg31 : memref<!tpu.dma_semaphore, #tpu.memory_space<semaphore_mem>>) {add = true}
    %dma_wait3A_61 = arith.constant 0 : i32
    %dma_wait3A_62 = arith.constant 0 : i32
    %dma_wait3A_63 = tpu.memref_slice %arg2[%dma_wait3A_61, %dma_wait3A_62] : memref<10000x128xf32, #tpu.memory_space<hbm>> -> memref<10000x128xf32, #tpu.memory_space<hbm>>
    tpu.wait_indirect_dma semaphore(%arg27 : memref<!tpu.dma_semaphore, #tpu.memory_space<semaphore_mem>>) src(%dma_wait3A_63 : memref<10000x128xf32, #tpu.memory_space<hbm>>) dst(%arg21 : memref<64x128xf32, #tpu.memory_space<vmem>>)
    %dma_start3A_64 = arith.constant 0 : i32
    %dma_start3A_65 = arith.constant 0 : i32
    %dma_start3A_66 = tpu.memref_slice %arg22[%dma_start3A_64, %dma_start3A_65] : memref<10256x128xf32, #tpu.memory_space<vmem_shared>> -> memref<10256x128xf32, #tpu.memory_space<vmem_shared>>
    tpu.enqueue_indirect_dma source(%arg21 : memref<64x128xf32, #tpu.memory_space<vmem>>) target(%dma_start3A_66 : memref<10256x128xf32, #tpu.memory_space<vmem_shared>>) offsets(%arg16 : memref<64xi32, #tpu.memory_space<vmem>>) semaphore(%arg32 : memref<!tpu.dma_semaphore, #tpu.memory_space<semaphore_mem>>) {add = true}
    %dma_wait3A_67 = arith.constant 0 : i32
    %dma_wait3A_68 = arith.constant 0 : i32
    %dma_wait3A_69 = tpu.memref_slice %arg22[%dma_wait3A_67, %dma_wait3A_68] : memref<10256x128xf32, #tpu.memory_space<vmem_shared>> -> memref<10256x128xf32, #tpu.memory_space<vmem_shared>>
    tpu.wait_indirect_dma semaphore(%arg28 : memref<!tpu.dma_semaphore, #tpu.memory_space<semaphore_mem>>) src(%arg17 : memref<64x128xf32, #tpu.memory_space<vmem>>) dst(%dma_wait3A_69 : memref<10256x128xf32, #tpu.memory_space<vmem_shared>>)
    %dma_wait3A_70 = arith.constant 0 : i32
    %dma_wait3A_71 = arith.constant 0 : i32
    %dma_wait3A_72 = tpu.memref_slice %arg22[%dma_wait3A_70, %dma_wait3A_71] : memref<10256x128xf32, #tpu.memory_space<vmem_shared>> -> memref<10256x128xf32, #tpu.memory_space<vmem_shared>>
    tpu.wait_indirect_dma semaphore(%arg29 : memref<!tpu.dma_semaphore, #tpu.memory_space<semaphore_mem>>) src(%arg18 : memref<64x128xf32, #tpu.memory_space<vmem>>) dst(%dma_wait3A_72 : memref<10256x128xf32, #tpu.memory_space<vmem_shared>>)
    %dma_wait3A_73 = arith.constant 0 : i32
    %dma_wait3A_74 = arith.constant 0 : i32
    %dma_wait3A_75 = tpu.memref_slice %arg22[%dma_wait3A_73, %dma_wait3A_74] : memref<10256x128xf32, #tpu.memory_space<vmem_shared>> -> memref<10256x128xf32, #tpu.memory_space<vmem_shared>>
    tpu.wait_indirect_dma semaphore(%arg30 : memref<!tpu.dma_semaphore, #tpu.memory_space<semaphore_mem>>) src(%arg19 : memref<64x128xf32, #tpu.memory_space<vmem>>) dst(%dma_wait3A_75 : memref<10256x128xf32, #tpu.memory_space<vmem_shared>>)
    %dma_wait3A_76 = arith.constant 0 : i32
    %dma_wait3A_77 = arith.constant 0 : i32
    %dma_wait3A_78 = tpu.memref_slice %arg22[%dma_wait3A_76, %dma_wait3A_77] : memref<10256x128xf32, #tpu.memory_space<vmem_shared>> -> memref<10256x128xf32, #tpu.memory_space<vmem_shared>>
    tpu.wait_indirect_dma semaphore(%arg31 : memref<!tpu.dma_semaphore, #tpu.memory_space<semaphore_mem>>) src(%arg20 : memref<64x128xf32, #tpu.memory_space<vmem>>) dst(%dma_wait3A_78 : memref<10256x128xf32, #tpu.memory_space<vmem_shared>>)
    %dma_wait3A_79 = arith.constant 0 : i32
    %dma_wait3A_80 = arith.constant 0 : i32
    %dma_wait3A_81 = tpu.memref_slice %arg22[%dma_wait3A_79, %dma_wait3A_80] : memref<10256x128xf32, #tpu.memory_space<vmem_shared>> -> memref<10256x128xf32, #tpu.memory_space<vmem_shared>>
    tpu.wait_indirect_dma semaphore(%arg32 : memref<!tpu.dma_semaphore, #tpu.memory_space<semaphore_mem>>) src(%arg21 : memref<64x128xf32, #tpu.memory_space<vmem>>) dst(%dma_wait3A_81 : memref<10256x128xf32, #tpu.memory_space<vmem_shared>>)
    %barrier3A_82 = arith.constant 0 : index
    tpu.barrier barrier_id(%barrier3A_82)
    %mul3A_83 = arith.constant 624 : i32
    %mul3A_84 = arith.muli %arg1, %mul3A_83 : i32
    %mul3A_85 = arith.constant 624 : i32
    %mul3A_86 = arith.muli %arg1, %mul3A_85 : i32
    "tpu.region"() ({
      %run_scoped3A = tpu.sem_alloc : memref<!tpu.dma_semaphore, #tpu.memory_space<semaphore_mem>>
      %dma_start3A_92 = arith.constant 0 : i32
      %dma_start3A_93 = tpu.memref_slice %arg6[%arg0, %mul3A_86, %dma_start3A_92] : memref<2x10000x128xf32, #tpu.memory_space<hbm>> -> memref<1x624x128xf32, #tpu.memory_space<hbm>>
      %dma_start3A_94 = tpu.memref_squeeze %dma_start3A_93 : memref<1x624x128xf32, #tpu.memory_space<hbm>> -> memref<624x128xf32, #tpu.memory_space<hbm>>
      %dma_start3A_95 = arith.constant 0 : i32
      %dma_start3A_96 = tpu.memref_slice %arg22[%mul3A_84, %dma_start3A_95] : memref<10256x128xf32, #tpu.memory_space<vmem_shared>> -> memref<624x128xf32, #tpu.memory_space<vmem_shared>>
      tpu.enqueue_dma source(%dma_start3A_96 : memref<624x128xf32, #tpu.memory_space<vmem_shared>>) target(%dma_start3A_94 : memref<624x128xf32, #tpu.memory_space<hbm>>) target_semaphore(%run_scoped3A : memref<!tpu.dma_semaphore, #tpu.memory_space<semaphore_mem>>)
      %dma_wait3A_97 = arith.constant 0 : i32
      %dma_wait3A_98 = tpu.memref_slice %arg6[%arg0, %mul3A_86, %dma_wait3A_97] : memref<2x10000x128xf32, #tpu.memory_space<hbm>> -> memref<1x624x128xf32, #tpu.memory_space<hbm>>
      %dma_wait3A_99 = tpu.memref_squeeze %dma_wait3A_98 : memref<1x624x128xf32, #tpu.memory_space<hbm>> -> memref<624x128xf32, #tpu.memory_space<hbm>>
      %dma_wait3A_100 = arith.constant 0 : i32
      %dma_wait3A_101 = tpu.memref_slice %arg22[%mul3A_84, %dma_wait3A_100] : memref<10256x128xf32, #tpu.memory_space<vmem_shared>> -> memref<624x128xf32, #tpu.memory_space<vmem_shared>>
      tpu.wait_dma2 semaphore(%run_scoped3A : memref<!tpu.dma_semaphore, #tpu.memory_space<semaphore_mem>>) src(%dma_wait3A_101 : memref<624x128xf32, #tpu.memory_space<vmem_shared>>) dst(%dma_wait3A_99 : memref<624x128xf32, #tpu.memory_space<hbm>>)
      tpu.yield
    }) : () -> ()
    %eq3A_87 = arith.constant 0 : i32
    %eq3A_88 = arith.cmpi eq, %arg1, %eq3A_87 : i32
    %convert_element_type3A_89 = arith.extui %eq3A_88 : i1 to i32
    %cond3A_90 = arith.constant 0 : i32
    %cond3A_91 = arith.cmpi ne, %convert_element_type3A_89, %cond3A_90 : i32
    scf.if %cond3A_91 {
      "tpu.region"() ({
        %run_scoped3A = tpu.sem_alloc : memref<!tpu.dma_semaphore, #tpu.memory_space<semaphore_mem>>
        %dma_start3A_92 = arith.constant 9984 : i32
        %dma_start3A_93 = arith.constant 0 : i32
        %dma_start3A_94 = tpu.memref_slice %arg6[%arg0, %dma_start3A_92, %dma_start3A_93] : memref<2x10000x128xf32, #tpu.memory_space<hbm>> -> memref<1x16x128xf32, #tpu.memory_space<hbm>>
        %dma_start3A_95 = tpu.memref_squeeze %dma_start3A_94 : memref<1x16x128xf32, #tpu.memory_space<hbm>> -> memref<16x128xf32, #tpu.memory_space<hbm>>
        %dma_start3A_96 = arith.constant 9984 : i32
        %dma_start3A_97 = arith.constant 0 : i32
        %dma_start3A_98 = tpu.memref_slice %arg22[%dma_start3A_96, %dma_start3A_97] : memref<10256x128xf32, #tpu.memory_space<vmem_shared>> -> memref<16x128xf32, #tpu.memory_space<vmem_shared>>
        tpu.enqueue_dma source(%dma_start3A_98 : memref<16x128xf32, #tpu.memory_space<vmem_shared>>) target(%dma_start3A_95 : memref<16x128xf32, #tpu.memory_space<hbm>>) target_semaphore(%run_scoped3A : memref<!tpu.dma_semaphore, #tpu.memory_space<semaphore_mem>>)
        %dma_wait3A_99 = arith.constant 9984 : i32
        %dma_wait3A_100 = arith.constant 0 : i32
        %dma_wait3A_101 = tpu.memref_slice %arg6[%arg0, %dma_wait3A_99, %dma_wait3A_100] : memref<2x10000x128xf32, #tpu.memory_space<hbm>> -> memref<1x16x128xf32, #tpu.memory_space<hbm>>
        %dma_wait3A_102 = tpu.memref_squeeze %dma_wait3A_101 : memref<1x16x128xf32, #tpu.memory_space<hbm>> -> memref<16x128xf32, #tpu.memory_space<hbm>>
        %dma_wait3A_103 = arith.constant 9984 : i32
        %dma_wait3A_104 = arith.constant 0 : i32
        %dma_wait3A_105 = tpu.memref_slice %arg22[%dma_wait3A_103, %dma_wait3A_104] : memref<10256x128xf32, #tpu.memory_space<vmem_shared>> -> memref<16x128xf32, #tpu.memory_space<vmem_shared>>
        tpu.wait_dma2 semaphore(%run_scoped3A : memref<!tpu.dma_semaphore, #tpu.memory_space<semaphore_mem>>) src(%dma_wait3A_105 : memref<16x128xf32, #tpu.memory_space<vmem_shared>>) dst(%dma_wait3A_102 : memref<16x128xf32, #tpu.memory_space<hbm>>)
        tpu.yield
      }) : () -> ()
    } else {
    }
    return
  }
}

#map = affine_map<(d0, d1) -> (0, 0)>
#map1 = affine_map<(d0, d1) -> (0)>
#map2 = affine_map<(d0, d1) -> (0, 0, 0)>
module attributes {stable_mosaic.version = 14 : i64} {
  func.func @_sc_scatter(%arg0: i32, %arg1: i32, %arg2: memref<10000x128xf32, #tpu.memory_space<hbm>>, %arg3: memref<327680xi32, #tpu.memory_space<hbm>>, %arg4: memref<327680xi32, #tpu.memory_space<hbm>>, %arg5: memref<10000x128xf32, #tpu.memory_space<hbm>>, %arg6: memref<2x10000x128xf32, #tpu.memory_space<hbm>>, %arg7: memref<64xi32, #tpu.memory_space<vmem>>, %arg8: memref<64xi32, #tpu.memory_space<vmem>>, %arg9: memref<64xi32, #tpu.memory_space<vmem>>, %arg10: memref<64xi32, #tpu.memory_space<vmem>>, %arg11: memref<64xi32, #tpu.memory_space<vmem>>, %arg12: memref<64xi32, #tpu.memory_space<vmem>>, %arg13: memref<64xi32, #tpu.memory_space<vmem>>, %arg14: memref<64xi32, #tpu.memory_space<vmem>>, %arg15: memref<64xi32, #tpu.memory_space<vmem>>, %arg16: memref<64xi32, #tpu.memory_space<vmem>>, %arg17: memref<64x128xf32, #tpu.memory_space<vmem>>, %arg18: memref<64x128xf32, #tpu.memory_space<vmem>>, %arg19: memref<64x128xf32, #tpu.memory_space<vmem>>, %arg20: memref<64x128xf32, #tpu.memory_space<vmem>>, %arg21: memref<64x128xf32, #tpu.memory_space<vmem>>, %arg22: memref<10256x128xf32, #tpu.memory_space<vmem_shared>>, %arg23: memref<!tpu.dma_semaphore, #tpu.memory_space<semaphore_mem>>, %arg24: memref<!tpu.dma_semaphore, #tpu.memory_space<semaphore_mem>>, %arg25: memref<!tpu.dma_semaphore, #tpu.memory_space<semaphore_mem>>, %arg26: memref<!tpu.dma_semaphore, #tpu.memory_space<semaphore_mem>>, %arg27: memref<!tpu.dma_semaphore, #tpu.memory_space<semaphore_mem>>, %arg28: memref<!tpu.dma_semaphore, #tpu.memory_space<semaphore_mem>>, %arg29: memref<!tpu.dma_semaphore, #tpu.memory_space<semaphore_mem>>, %arg30: memref<!tpu.dma_semaphore, #tpu.memory_space<semaphore_mem>>, %arg31: memref<!tpu.dma_semaphore, #tpu.memory_space<semaphore_mem>>, %arg32: memref<!tpu.dma_semaphore, #tpu.memory_space<semaphore_mem>>) attributes {dimension_semantics = [#tpu.dimension_semantics<core_parallel>, #tpu.dimension_semantics<subcore_parallel>], iteration_bounds = array<i64: 2, 16>, scalar_prefetch = 0 : i64, scratch_operands = 26 : i64, tpu.core_type = #tpu.core_type<sc_vector_subcore>, window_params = [{transform_indices = #map}, {transform_indices = #map1}, {transform_indices = #map1}, {transform_indices = #map}, {transform_indices = #map2}]} {
    %mul3A = arith.constant 16 : i32
    %mul3A_0 = arith.muli %arg0, %mul3A : i32
    %add3A = arith.addi %mul3A_0, %arg1 : i32
    %mul3A_1 = arith.constant 624 : i32
    %mul3A_2 = arith.muli %arg1, %mul3A_1 : i32
    %mul3A_3 = arith.constant 624 : i32
    %mul3A_4 = arith.muli %arg1, %mul3A_3 : i32
    "tpu.region"() ({
      %run_scoped3A = tpu.sem_alloc : memref<!tpu.dma_semaphore, #tpu.memory_space<semaphore_mem>>
      %dma_start3A_92 = arith.constant 0 : i32
      %dma_start3A_93 = tpu.memref_slice %arg22[%mul3A_4, %dma_start3A_92] : memref<10256x128xf32, #tpu.memory_space<vmem_shared>> -> memref<624x128xf32, #tpu.memory_space<vmem_shared>>
      %dma_start3A_94 = arith.constant 0 : i32
      %dma_start3A_95 = tpu.memref_slice %arg5[%mul3A_2, %dma_start3A_94] : memref<10000x128xf32, #tpu.memory_space<hbm>> -> memref<624x128xf32, #tpu.memory_space<hbm>>
      tpu.enqueue_dma source(%dma_start3A_95 : memref<624x128xf32, #tpu.memory_space<hbm>>) target(%dma_start3A_93 : memref<624x128xf32, #tpu.memory_space<vmem_shared>>) target_semaphore(%run_scoped3A : memref<!tpu.dma_semaphore, #tpu.memory_space<semaphore_mem>>)
      %dma_wait3A_96 = arith.constant 0 : i32
      %dma_wait3A_97 = tpu.memref_slice %arg22[%mul3A_4, %dma_wait3A_96] : memref<10256x128xf32, #tpu.memory_space<vmem_shared>> -> memref<624x128xf32, #tpu.memory_space<vmem_shared>>
      %dma_wait3A_98 = arith.constant 0 : i32
      %dma_wait3A_99 = tpu.memref_slice %arg5[%mul3A_2, %dma_wait3A_98] : memref<10000x128xf32, #tpu.memory_space<hbm>> -> memref<624x128xf32, #tpu.memory_space<hbm>>
      tpu.wait_dma2 semaphore(%run_scoped3A : memref<!tpu.dma_semaphore, #tpu.memory_space<semaphore_mem>>) src(%dma_wait3A_99 : memref<624x128xf32, #tpu.memory_space<hbm>>) dst(%dma_wait3A_97 : memref<624x128xf32, #tpu.memory_space<vmem_shared>>)
      tpu.yield
    }) : () -> ()
    %eq3A = arith.constant 0 : i32
    %eq3A_5 = arith.cmpi eq, %arg1, %eq3A : i32
    %convert_element_type3A = arith.extui %eq3A_5 : i1 to i32
    %cond3A = arith.constant 0 : i32
    %cond3A_6 = arith.cmpi ne, %convert_element_type3A, %cond3A : i32
    scf.if %cond3A_6 {
      "tpu.region"() ({
        %run_scoped3A = tpu.sem_alloc : memref<!tpu.dma_semaphore, #tpu.memory_space<semaphore_mem>>
        %dma_start3A_92 = arith.constant 9984 : i32
        %dma_start3A_93 = arith.constant 0 : i32
        %dma_start3A_94 = tpu.memref_slice %arg22[%dma_start3A_92, %dma_start3A_93] : memref<10256x128xf32, #tpu.memory_space<vmem_shared>> -> memref<16x128xf32, #tpu.memory_space<vmem_shared>>
        %dma_start3A_95 = arith.constant 9984 : i32
        %dma_start3A_96 = arith.constant 0 : i32
        %dma_start3A_97 = tpu.memref_slice %arg5[%dma_start3A_95, %dma_start3A_96] : memref<10000x128xf32, #tpu.memory_space<hbm>> -> memref<16x128xf32, #tpu.memory_space<hbm>>
        tpu.enqueue_dma source(%dma_start3A_97 : memref<16x128xf32, #tpu.memory_space<hbm>>) target(%dma_start3A_94 : memref<16x128xf32, #tpu.memory_space<vmem_shared>>) target_semaphore(%run_scoped3A : memref<!tpu.dma_semaphore, #tpu.memory_space<semaphore_mem>>)
        %dma_wait3A_98 = arith.constant 9984 : i32
        %dma_wait3A_99 = arith.constant 0 : i32
        %dma_wait3A_100 = tpu.memref_slice %arg22[%dma_wait3A_98, %dma_wait3A_99] : memref<10256x128xf32, #tpu.memory_space<vmem_shared>> -> memref<16x128xf32, #tpu.memory_space<vmem_shared>>
        %dma_wait3A_101 = arith.constant 9984 : i32
        %dma_wait3A_102 = arith.constant 0 : i32
        %dma_wait3A_103 = tpu.memref_slice %arg5[%dma_wait3A_101, %dma_wait3A_102] : memref<10000x128xf32, #tpu.memory_space<hbm>> -> memref<16x128xf32, #tpu.memory_space<hbm>>
        tpu.wait_dma2 semaphore(%run_scoped3A : memref<!tpu.dma_semaphore, #tpu.memory_space<semaphore_mem>>) src(%dma_wait3A_103 : memref<16x128xf32, #tpu.memory_space<hbm>>) dst(%dma_wait3A_100 : memref<16x128xf32, #tpu.memory_space<vmem_shared>>)
        tpu.yield
      }) : () -> ()
    } else {
    }
    %barrier3A = arith.constant 0 : index
    tpu.barrier barrier_id(%barrier3A)
    %mul3A_7 = arith.constant 10240 : i32
    %mul3A_8 = arith.muli %add3A, %mul3A_7 : i32
    %add3A_9 = arith.constant 0 : i32
    %add3A_10 = arith.addi %mul3A_8, %add3A_9 : i32
    "tpu.region"() ({
      %run_scoped3A = tpu.sem_alloc : memref<!tpu.dma_semaphore, #tpu.memory_space<semaphore_mem>>
      %dma_start3A_92 = tpu.memref_slice %arg3[%add3A_10] : memref<327680xi32, #tpu.memory_space<hbm>> -> memref<64xi32, #tpu.memory_space<hbm>>
      %dma_start3A_93 = tpu.memref_slice %arg3[%add3A_10] : memref<327680xi32, #tpu.memory_space<hbm>> -> memref<64xi32, #tpu.memory_space<hbm>>
      tpu.enqueue_dma source(%dma_start3A_93 : memref<64xi32, #tpu.memory_space<hbm>>) target(%arg7 : memref<64xi32, #tpu.memory_space<vmem>>) target_semaphore(%run_scoped3A : memref<!tpu.dma_semaphore, #tpu.memory_space<semaphore_mem>>)
      %dma_wait3A_94 = tpu.memref_slice %arg3[%add3A_10] : memref<327680xi32, #tpu.memory_space<hbm>> -> memref<64xi32, #tpu.memory_space<hbm>>
      %dma_wait3A_95 = tpu.memref_slice %arg3[%add3A_10] : memref<327680xi32, #tpu.memory_space<hbm>> -> memref<64xi32, #tpu.memory_space<hbm>>
      tpu.wait_dma2 semaphore(%run_scoped3A : memref<!tpu.dma_semaphore, #tpu.memory_space<semaphore_mem>>) src(%dma_wait3A_95 : memref<64xi32, #tpu.memory_space<hbm>>) dst(%arg7 : memref<64xi32, #tpu.memory_space<vmem>>)
      tpu.yield
    }) : () -> ()
    "tpu.region"() ({
      %run_scoped3A = tpu.sem_alloc : memref<!tpu.dma_semaphore, #tpu.memory_space<semaphore_mem>>
      %dma_start3A_92 = tpu.memref_slice %arg4[%add3A_10] : memref<327680xi32, #tpu.memory_space<hbm>> -> memref<64xi32, #tpu.memory_space<hbm>>
      %dma_start3A_93 = tpu.memref_slice %arg4[%add3A_10] : memref<327680xi32, #tpu.memory_space<hbm>> -> memref<64xi32, #tpu.memory_space<hbm>>
      tpu.enqueue_dma source(%dma_start3A_93 : memref<64xi32, #tpu.memory_space<hbm>>) target(%arg12 : memref<64xi32, #tpu.memory_space<vmem>>) target_semaphore(%run_scoped3A : memref<!tpu.dma_semaphore, #tpu.memory_space<semaphore_mem>>)
      %dma_wait3A_94 = tpu.memref_slice %arg4[%add3A_10] : memref<327680xi32, #tpu.memory_space<hbm>> -> memref<64xi32, #tpu.memory_space<hbm>>
      %dma_wait3A_95 = tpu.memref_slice %arg4[%add3A_10] : memref<327680xi32, #tpu.memory_space<hbm>> -> memref<64xi32, #tpu.memory_space<hbm>>
      tpu.wait_dma2 semaphore(%run_scoped3A : memref<!tpu.dma_semaphore, #tpu.memory_space<semaphore_mem>>) src(%dma_wait3A_95 : memref<64xi32, #tpu.memory_space<hbm>>) dst(%arg12 : memref<64xi32, #tpu.memory_space<vmem>>)
      tpu.yield
    }) : () -> ()
    %dma_start3A = arith.constant 0 : i32
    %dma_start3A_11 = arith.constant 0 : i32
    %dma_start3A_12 = tpu.memref_slice %arg2[%dma_start3A, %dma_start3A_11] : memref<10000x128xf32, #tpu.memory_space<hbm>> -> memref<10000x128xf32, #tpu.memory_space<hbm>>
    tpu.enqueue_indirect_dma source(%dma_start3A_12 : memref<10000x128xf32, #tpu.memory_space<hbm>>) target(%arg17 : memref<64x128xf32, #tpu.memory_space<vmem>>) offsets(%arg7 : memref<64xi32, #tpu.memory_space<vmem>>) semaphore(%arg23 : memref<!tpu.dma_semaphore, #tpu.memory_space<semaphore_mem>>)
    %add3A_13 = arith.constant 64 : i32
    %add3A_14 = arith.addi %mul3A_8, %add3A_13 : i32
    "tpu.region"() ({
      %run_scoped3A = tpu.sem_alloc : memref<!tpu.dma_semaphore, #tpu.memory_space<semaphore_mem>>
      %dma_start3A_92 = tpu.memref_slice %arg3[%add3A_14] : memref<327680xi32, #tpu.memory_space<hbm>> -> memref<64xi32, #tpu.memory_space<hbm>>
      %dma_start3A_93 = tpu.memref_slice %arg3[%add3A_14] : memref<327680xi32, #tpu.memory_space<hbm>> -> memref<64xi32, #tpu.memory_space<hbm>>
      tpu.enqueue_dma source(%dma_start3A_93 : memref<64xi32, #tpu.memory_space<hbm>>) target(%arg8 : memref<64xi32, #tpu.memory_space<vmem>>) target_semaphore(%run_scoped3A : memref<!tpu.dma_semaphore, #tpu.memory_space<semaphore_mem>>)
      %dma_wait3A_94 = tpu.memref_slice %arg3[%add3A_14] : memref<327680xi32, #tpu.memory_space<hbm>> -> memref<64xi32, #tpu.memory_space<hbm>>
      %dma_wait3A_95 = tpu.memref_slice %arg3[%add3A_14] : memref<327680xi32, #tpu.memory_space<hbm>> -> memref<64xi32, #tpu.memory_space<hbm>>
      tpu.wait_dma2 semaphore(%run_scoped3A : memref<!tpu.dma_semaphore, #tpu.memory_space<semaphore_mem>>) src(%dma_wait3A_95 : memref<64xi32, #tpu.memory_space<hbm>>) dst(%arg8 : memref<64xi32, #tpu.memory_space<vmem>>)
      tpu.yield
    }) : () -> ()
    "tpu.region"() ({
      %run_scoped3A = tpu.sem_alloc : memref<!tpu.dma_semaphore, #tpu.memory_space<semaphore_mem>>
      %dma_start3A_92 = tpu.memref_slice %arg4[%add3A_14] : memref<327680xi32, #tpu.memory_space<hbm>> -> memref<64xi32, #tpu.memory_space<hbm>>
      %dma_start3A_93 = tpu.memref_slice %arg4[%add3A_14] : memref<327680xi32, #tpu.memory_space<hbm>> -> memref<64xi32, #tpu.memory_space<hbm>>
      tpu.enqueue_dma source(%dma_start3A_93 : memref<64xi32, #tpu.memory_space<hbm>>) target(%arg13 : memref<64xi32, #tpu.memory_space<vmem>>) target_semaphore(%run_scoped3A : memref<!tpu.dma_semaphore, #tpu.memory_space<semaphore_mem>>)
      %dma_wait3A_94 = tpu.memref_slice %arg4[%add3A_14] : memref<327680xi32, #tpu.memory_space<hbm>> -> memref<64xi32, #tpu.memory_space<hbm>>
      %dma_wait3A_95 = tpu.memref_slice %arg4[%add3A_14] : memref<327680xi32, #tpu.memory_space<hbm>> -> memref<64xi32, #tpu.memory_space<hbm>>
      tpu.wait_dma2 semaphore(%run_scoped3A : memref<!tpu.dma_semaphore, #tpu.memory_space<semaphore_mem>>) src(%dma_wait3A_95 : memref<64xi32, #tpu.memory_space<hbm>>) dst(%arg13 : memref<64xi32, #tpu.memory_space<vmem>>)
      tpu.yield
    }) : () -> ()
    %dma_start3A_15 = arith.constant 0 : i32
    %dma_start3A_16 = arith.constant 0 : i32
    %dma_start3A_17 = tpu.memref_slice %arg2[%dma_start3A_15, %dma_start3A_16] : memref<10000x128xf32, #tpu.memory_space<hbm>> -> memref<10000x128xf32, #tpu.memory_space<hbm>>
    tpu.enqueue_indirect_dma source(%dma_start3A_17 : memref<10000x128xf32, #tpu.memory_space<hbm>>) target(%arg18 : memref<64x128xf32, #tpu.memory_space<vmem>>) offsets(%arg8 : memref<64xi32, #tpu.memory_space<vmem>>) semaphore(%arg24 : memref<!tpu.dma_semaphore, #tpu.memory_space<semaphore_mem>>)
    %add3A_18 = arith.constant 128 : i32
    %add3A_19 = arith.addi %mul3A_8, %add3A_18 : i32
    "tpu.region"() ({
      %run_scoped3A = tpu.sem_alloc : memref<!tpu.dma_semaphore, #tpu.memory_space<semaphore_mem>>
      %dma_start3A_92 = tpu.memref_slice %arg3[%add3A_19] : memref<327680xi32, #tpu.memory_space<hbm>> -> memref<64xi32, #tpu.memory_space<hbm>>
      %dma_start3A_93 = tpu.memref_slice %arg3[%add3A_19] : memref<327680xi32, #tpu.memory_space<hbm>> -> memref<64xi32, #tpu.memory_space<hbm>>
      tpu.enqueue_dma source(%dma_start3A_93 : memref<64xi32, #tpu.memory_space<hbm>>) target(%arg9 : memref<64xi32, #tpu.memory_space<vmem>>) target_semaphore(%run_scoped3A : memref<!tpu.dma_semaphore, #tpu.memory_space<semaphore_mem>>)
      %dma_wait3A_94 = tpu.memref_slice %arg3[%add3A_19] : memref<327680xi32, #tpu.memory_space<hbm>> -> memref<64xi32, #tpu.memory_space<hbm>>
      %dma_wait3A_95 = tpu.memref_slice %arg3[%add3A_19] : memref<327680xi32, #tpu.memory_space<hbm>> -> memref<64xi32, #tpu.memory_space<hbm>>
      tpu.wait_dma2 semaphore(%run_scoped3A : memref<!tpu.dma_semaphore, #tpu.memory_space<semaphore_mem>>) src(%dma_wait3A_95 : memref<64xi32, #tpu.memory_space<hbm>>) dst(%arg9 : memref<64xi32, #tpu.memory_space<vmem>>)
      tpu.yield
    }) : () -> ()
    "tpu.region"() ({
      %run_scoped3A = tpu.sem_alloc : memref<!tpu.dma_semaphore, #tpu.memory_space<semaphore_mem>>
      %dma_start3A_92 = tpu.memref_slice %arg4[%add3A_19] : memref<327680xi32, #tpu.memory_space<hbm>> -> memref<64xi32, #tpu.memory_space<hbm>>
      %dma_start3A_93 = tpu.memref_slice %arg4[%add3A_19] : memref<327680xi32, #tpu.memory_space<hbm>> -> memref<64xi32, #tpu.memory_space<hbm>>
      tpu.enqueue_dma source(%dma_start3A_93 : memref<64xi32, #tpu.memory_space<hbm>>) target(%arg14 : memref<64xi32, #tpu.memory_space<vmem>>) target_semaphore(%run_scoped3A : memref<!tpu.dma_semaphore, #tpu.memory_space<semaphore_mem>>)
      %dma_wait3A_94 = tpu.memref_slice %arg4[%add3A_19] : memref<327680xi32, #tpu.memory_space<hbm>> -> memref<64xi32, #tpu.memory_space<hbm>>
      %dma_wait3A_95 = tpu.memref_slice %arg4[%add3A_19] : memref<327680xi32, #tpu.memory_space<hbm>> -> memref<64xi32, #tpu.memory_space<hbm>>
      tpu.wait_dma2 semaphore(%run_scoped3A : memref<!tpu.dma_semaphore, #tpu.memory_space<semaphore_mem>>) src(%dma_wait3A_95 : memref<64xi32, #tpu.memory_space<hbm>>) dst(%arg14 : memref<64xi32, #tpu.memory_space<vmem>>)
      tpu.yield
    }) : () -> ()
    %dma_start3A_20 = arith.constant 0 : i32
    %dma_start3A_21 = arith.constant 0 : i32
    %dma_start3A_22 = tpu.memref_slice %arg2[%dma_start3A_20, %dma_start3A_21] : memref<10000x128xf32, #tpu.memory_space<hbm>> -> memref<10000x128xf32, #tpu.memory_space<hbm>>
    tpu.enqueue_indirect_dma source(%dma_start3A_22 : memref<10000x128xf32, #tpu.memory_space<hbm>>) target(%arg19 : memref<64x128xf32, #tpu.memory_space<vmem>>) offsets(%arg9 : memref<64xi32, #tpu.memory_space<vmem>>) semaphore(%arg25 : memref<!tpu.dma_semaphore, #tpu.memory_space<semaphore_mem>>)
    %add3A_23 = arith.constant 192 : i32
    %add3A_24 = arith.addi %mul3A_8, %add3A_23 : i32
    "tpu.region"() ({
      %run_scoped3A = tpu.sem_alloc : memref<!tpu.dma_semaphore, #tpu.memory_space<semaphore_mem>>
      %dma_start3A_92 = tpu.memref_slice %arg3[%add3A_24] : memref<327680xi32, #tpu.memory_space<hbm>> -> memref<64xi32, #tpu.memory_space<hbm>>
      %dma_start3A_93 = tpu.memref_slice %arg3[%add3A_24] : memref<327680xi32, #tpu.memory_space<hbm>> -> memref<64xi32, #tpu.memory_space<hbm>>
      tpu.enqueue_dma source(%dma_start3A_93 : memref<64xi32, #tpu.memory_space<hbm>>) target(%arg10 : memref<64xi32, #tpu.memory_space<vmem>>) target_semaphore(%run_scoped3A : memref<!tpu.dma_semaphore, #tpu.memory_space<semaphore_mem>>)
      %dma_wait3A_94 = tpu.memref_slice %arg3[%add3A_24] : memref<327680xi32, #tpu.memory_space<hbm>> -> memref<64xi32, #tpu.memory_space<hbm>>
      %dma_wait3A_95 = tpu.memref_slice %arg3[%add3A_24] : memref<327680xi32, #tpu.memory_space<hbm>> -> memref<64xi32, #tpu.memory_space<hbm>>
      tpu.wait_dma2 semaphore(%run_scoped3A : memref<!tpu.dma_semaphore, #tpu.memory_space<semaphore_mem>>) src(%dma_wait3A_95 : memref<64xi32, #tpu.memory_space<hbm>>) dst(%arg10 : memref<64xi32, #tpu.memory_space<vmem>>)
      tpu.yield
    }) : () -> ()
    "tpu.region"() ({
      %run_scoped3A = tpu.sem_alloc : memref<!tpu.dma_semaphore, #tpu.memory_space<semaphore_mem>>
      %dma_start3A_92 = tpu.memref_slice %arg4[%add3A_24] : memref<327680xi32, #tpu.memory_space<hbm>> -> memref<64xi32, #tpu.memory_space<hbm>>
      %dma_start3A_93 = tpu.memref_slice %arg4[%add3A_24] : memref<327680xi32, #tpu.memory_space<hbm>> -> memref<64xi32, #tpu.memory_space<hbm>>
      tpu.enqueue_dma source(%dma_start3A_93 : memref<64xi32, #tpu.memory_space<hbm>>) target(%arg15 : memref<64xi32, #tpu.memory_space<vmem>>) target_semaphore(%run_scoped3A : memref<!tpu.dma_semaphore, #tpu.memory_space<semaphore_mem>>)
      %dma_wait3A_94 = tpu.memref_slice %arg4[%add3A_24] : memref<327680xi32, #tpu.memory_space<hbm>> -> memref<64xi32, #tpu.memory_space<hbm>>
      %dma_wait3A_95 = tpu.memref_slice %arg4[%add3A_24] : memref<327680xi32, #tpu.memory_space<hbm>> -> memref<64xi32, #tpu.memory_space<hbm>>
      tpu.wait_dma2 semaphore(%run_scoped3A : memref<!tpu.dma_semaphore, #tpu.memory_space<semaphore_mem>>) src(%dma_wait3A_95 : memref<64xi32, #tpu.memory_space<hbm>>) dst(%arg15 : memref<64xi32, #tpu.memory_space<vmem>>)
      tpu.yield
    }) : () -> ()
    %dma_start3A_25 = arith.constant 0 : i32
    %dma_start3A_26 = arith.constant 0 : i32
    %dma_start3A_27 = tpu.memref_slice %arg2[%dma_start3A_25, %dma_start3A_26] : memref<10000x128xf32, #tpu.memory_space<hbm>> -> memref<10000x128xf32, #tpu.memory_space<hbm>>
    tpu.enqueue_indirect_dma source(%dma_start3A_27 : memref<10000x128xf32, #tpu.memory_space<hbm>>) target(%arg20 : memref<64x128xf32, #tpu.memory_space<vmem>>) offsets(%arg10 : memref<64xi32, #tpu.memory_space<vmem>>) semaphore(%arg26 : memref<!tpu.dma_semaphore, #tpu.memory_space<semaphore_mem>>)
    %add3A_28 = arith.constant 256 : i32
    %add3A_29 = arith.addi %mul3A_8, %add3A_28 : i32
    "tpu.region"() ({
      %run_scoped3A = tpu.sem_alloc : memref<!tpu.dma_semaphore, #tpu.memory_space<semaphore_mem>>
      %dma_start3A_92 = tpu.memref_slice %arg3[%add3A_29] : memref<327680xi32, #tpu.memory_space<hbm>> -> memref<64xi32, #tpu.memory_space<hbm>>
      %dma_start3A_93 = tpu.memref_slice %arg3[%add3A_29] : memref<327680xi32, #tpu.memory_space<hbm>> -> memref<64xi32, #tpu.memory_space<hbm>>
      tpu.enqueue_dma source(%dma_start3A_93 : memref<64xi32, #tpu.memory_space<hbm>>) target(%arg11 : memref<64xi32, #tpu.memory_space<vmem>>) target_semaphore(%run_scoped3A : memref<!tpu.dma_semaphore, #tpu.memory_space<semaphore_mem>>)
      %dma_wait3A_94 = tpu.memref_slice %arg3[%add3A_29] : memref<327680xi32, #tpu.memory_space<hbm>> -> memref<64xi32, #tpu.memory_space<hbm>>
      %dma_wait3A_95 = tpu.memref_slice %arg3[%add3A_29] : memref<327680xi32, #tpu.memory_space<hbm>> -> memref<64xi32, #tpu.memory_space<hbm>>
      tpu.wait_dma2 semaphore(%run_scoped3A : memref<!tpu.dma_semaphore, #tpu.memory_space<semaphore_mem>>) src(%dma_wait3A_95 : memref<64xi32, #tpu.memory_space<hbm>>) dst(%arg11 : memref<64xi32, #tpu.memory_space<vmem>>)
      tpu.yield
    }) : () -> ()
    "tpu.region"() ({
      %run_scoped3A = tpu.sem_alloc : memref<!tpu.dma_semaphore, #tpu.memory_space<semaphore_mem>>
      %dma_start3A_92 = tpu.memref_slice %arg4[%add3A_29] : memref<327680xi32, #tpu.memory_space<hbm>> -> memref<64xi32, #tpu.memory_space<hbm>>
      %dma_start3A_93 = tpu.memref_slice %arg4[%add3A_29] : memref<327680xi32, #tpu.memory_space<hbm>> -> memref<64xi32, #tpu.memory_space<hbm>>
      tpu.enqueue_dma source(%dma_start3A_93 : memref<64xi32, #tpu.memory_space<hbm>>) target(%arg16 : memref<64xi32, #tpu.memory_space<vmem>>) target_semaphore(%run_scoped3A : memref<!tpu.dma_semaphore, #tpu.memory_space<semaphore_mem>>)
      %dma_wait3A_94 = tpu.memref_slice %arg4[%add3A_29] : memref<327680xi32, #tpu.memory_space<hbm>> -> memref<64xi32, #tpu.memory_space<hbm>>
      %dma_wait3A_95 = tpu.memref_slice %arg4[%add3A_29] : memref<327680xi32, #tpu.memory_space<hbm>> -> memref<64xi32, #tpu.memory_space<hbm>>
      tpu.wait_dma2 semaphore(%run_scoped3A : memref<!tpu.dma_semaphore, #tpu.memory_space<semaphore_mem>>) src(%dma_wait3A_95 : memref<64xi32, #tpu.memory_space<hbm>>) dst(%arg16 : memref<64xi32, #tpu.memory_space<vmem>>)
      tpu.yield
    }) : () -> ()
    %dma_start3A_30 = arith.constant 0 : i32
    %dma_start3A_31 = arith.constant 0 : i32
    %dma_start3A_32 = tpu.memref_slice %arg2[%dma_start3A_30, %dma_start3A_31] : memref<10000x128xf32, #tpu.memory_space<hbm>> -> memref<10000x128xf32, #tpu.memory_space<hbm>>
    tpu.enqueue_indirect_dma source(%dma_start3A_32 : memref<10000x128xf32, #tpu.memory_space<hbm>>) target(%arg21 : memref<64x128xf32, #tpu.memory_space<vmem>>) offsets(%arg11 : memref<64xi32, #tpu.memory_space<vmem>>) semaphore(%arg27 : memref<!tpu.dma_semaphore, #tpu.memory_space<semaphore_mem>>)
    %scan3A = arith.constant 0 : i32
    %scan3A_33 = arith.constant 0 : i32
    %scan3A_34 = arith.constant 31 : i32
    %scan3A_35 = arith.addi %scan3A_33, %scan3A_34 : i32
    %scan3A_36 = arith.constant 1 : i32
    scf.for %scan3A_92 = %scan3A_33 to %scan3A_35 step %scan3A_36  : i32 {
      %dma_wait3A_93 = arith.constant 0 : i32
      %dma_wait3A_94 = arith.constant 0 : i32
      %dma_wait3A_95 = tpu.memref_slice %arg2[%dma_wait3A_93, %dma_wait3A_94] : memref<10000x128xf32, #tpu.memory_space<hbm>> -> memref<10000x128xf32, #tpu.memory_space<hbm>>
      tpu.wait_indirect_dma semaphore(%arg23 : memref<!tpu.dma_semaphore, #tpu.memory_space<semaphore_mem>>) src(%dma_wait3A_95 : memref<10000x128xf32, #tpu.memory_space<hbm>>) dst(%arg17 : memref<64x128xf32, #tpu.memory_space<vmem>>)
      %dma_start3A_96 = arith.constant 0 : i32
      %dma_start3A_97 = arith.constant 0 : i32
      %dma_start3A_98 = tpu.memref_slice %arg22[%dma_start3A_96, %dma_start3A_97] : memref<10256x128xf32, #tpu.memory_space<vmem_shared>> -> memref<10256x128xf32, #tpu.memory_space<vmem_shared>>
      tpu.enqueue_indirect_dma source(%arg17 : memref<64x128xf32, #tpu.memory_space<vmem>>) target(%dma_start3A_98 : memref<10256x128xf32, #tpu.memory_space<vmem_shared>>) offsets(%arg12 : memref<64xi32, #tpu.memory_space<vmem>>) semaphore(%arg28 : memref<!tpu.dma_semaphore, #tpu.memory_space<semaphore_mem>>) {add = true}
      %dma_wait3A_99 = arith.constant 0 : i32
      %dma_wait3A_100 = arith.constant 0 : i32
      %dma_wait3A_101 = tpu.memref_slice %arg2[%dma_wait3A_99, %dma_wait3A_100] : memref<10000x128xf32, #tpu.memory_space<hbm>> -> memref<10000x128xf32, #tpu.memory_space<hbm>>
      tpu.wait_indirect_dma semaphore(%arg24 : memref<!tpu.dma_semaphore, #tpu.memory_space<semaphore_mem>>) src(%dma_wait3A_101 : memref<10000x128xf32, #tpu.memory_space<hbm>>) dst(%arg18 : memref<64x128xf32, #tpu.memory_space<vmem>>)
      %dma_start3A_102 = arith.constant 0 : i32
      %dma_start3A_103 = arith.constant 0 : i32
      %dma_start3A_104 = tpu.memref_slice %arg22[%dma_start3A_102, %dma_start3A_103] : memref<10256x128xf32, #tpu.memory_space<vmem_shared>> -> memref<10256x128xf32, #tpu.memory_space<vmem_shared>>
      tpu.enqueue_indirect_dma source(%arg18 : memref<64x128xf32, #tpu.memory_space<vmem>>) target(%dma_start3A_104 : memref<10256x128xf32, #tpu.memory_space<vmem_shared>>) offsets(%arg13 : memref<64xi32, #tpu.memory_space<vmem>>) semaphore(%arg29 : memref<!tpu.dma_semaphore, #tpu.memory_space<semaphore_mem>>) {add = true}
      %dma_wait3A_105 = arith.constant 0 : i32
      %dma_wait3A_106 = arith.constant 0 : i32
      %dma_wait3A_107 = tpu.memref_slice %arg2[%dma_wait3A_105, %dma_wait3A_106] : memref<10000x128xf32, #tpu.memory_space<hbm>> -> memref<10000x128xf32, #tpu.memory_space<hbm>>
      tpu.wait_indirect_dma semaphore(%arg25 : memref<!tpu.dma_semaphore, #tpu.memory_space<semaphore_mem>>) src(%dma_wait3A_107 : memref<10000x128xf32, #tpu.memory_space<hbm>>) dst(%arg19 : memref<64x128xf32, #tpu.memory_space<vmem>>)
      %dma_start3A_108 = arith.constant 0 : i32
      %dma_start3A_109 = arith.constant 0 : i32
      %dma_start3A_110 = tpu.memref_slice %arg22[%dma_start3A_108, %dma_start3A_109] : memref<10256x128xf32, #tpu.memory_space<vmem_shared>> -> memref<10256x128xf32, #tpu.memory_space<vmem_shared>>
      tpu.enqueue_indirect_dma source(%arg19 : memref<64x128xf32, #tpu.memory_space<vmem>>) target(%dma_start3A_110 : memref<10256x128xf32, #tpu.memory_space<vmem_shared>>) offsets(%arg14 : memref<64xi32, #tpu.memory_space<vmem>>) semaphore(%arg30 : memref<!tpu.dma_semaphore, #tpu.memory_space<semaphore_mem>>) {add = true}
      %dma_wait3A_111 = arith.constant 0 : i32
      %dma_wait3A_112 = arith.constant 0 : i32
      %dma_wait3A_113 = tpu.memref_slice %arg2[%dma_wait3A_111, %dma_wait3A_112] : memref<10000x128xf32, #tpu.memory_space<hbm>> -> memref<10000x128xf32, #tpu.memory_space<hbm>>
      tpu.wait_indirect_dma semaphore(%arg26 : memref<!tpu.dma_semaphore, #tpu.memory_space<semaphore_mem>>) src(%dma_wait3A_113 : memref<10000x128xf32, #tpu.memory_space<hbm>>) dst(%arg20 : memref<64x128xf32, #tpu.memory_space<vmem>>)
      %dma_start3A_114 = arith.constant 0 : i32
      %dma_start3A_115 = arith.constant 0 : i32
      %dma_start3A_116 = tpu.memref_slice %arg22[%dma_start3A_114, %dma_start3A_115] : memref<10256x128xf32, #tpu.memory_space<vmem_shared>> -> memref<10256x128xf32, #tpu.memory_space<vmem_shared>>
      tpu.enqueue_indirect_dma source(%arg20 : memref<64x128xf32, #tpu.memory_space<vmem>>) target(%dma_start3A_116 : memref<10256x128xf32, #tpu.memory_space<vmem_shared>>) offsets(%arg15 : memref<64xi32, #tpu.memory_space<vmem>>) semaphore(%arg31 : memref<!tpu.dma_semaphore, #tpu.memory_space<semaphore_mem>>) {add = true}
      %dma_wait3A_117 = arith.constant 0 : i32
      %dma_wait3A_118 = arith.constant 0 : i32
      %dma_wait3A_119 = tpu.memref_slice %arg2[%dma_wait3A_117, %dma_wait3A_118] : memref<10000x128xf32, #tpu.memory_space<hbm>> -> memref<10000x128xf32, #tpu.memory_space<hbm>>
      tpu.wait_indirect_dma semaphore(%arg27 : memref<!tpu.dma_semaphore, #tpu.memory_space<semaphore_mem>>) src(%dma_wait3A_119 : memref<10000x128xf32, #tpu.memory_space<hbm>>) dst(%arg21 : memref<64x128xf32, #tpu.memory_space<vmem>>)
      %dma_start3A_120 = arith.constant 0 : i32
      %dma_start3A_121 = arith.constant 0 : i32
      %dma_start3A_122 = tpu.memref_slice %arg22[%dma_start3A_120, %dma_start3A_121] : memref<10256x128xf32, #tpu.memory_space<vmem_shared>> -> memref<10256x128xf32, #tpu.memory_space<vmem_shared>>
      tpu.enqueue_indirect_dma source(%arg21 : memref<64x128xf32, #tpu.memory_space<vmem>>) target(%dma_start3A_122 : memref<10256x128xf32, #tpu.memory_space<vmem_shared>>) offsets(%arg16 : memref<64xi32, #tpu.memory_space<vmem>>) semaphore(%arg32 : memref<!tpu.dma_semaphore, #tpu.memory_space<semaphore_mem>>) {add = true}
      %dma_wait3A_123 = arith.constant 0 : i32
      %dma_wait3A_124 = arith.constant 0 : i32
      %dma_wait3A_125 = tpu.memref_slice %arg22[%dma_wait3A_123, %dma_wait3A_124] : memref<10256x128xf32, #tpu.memory_space<vmem_shared>> -> memref<10256x128xf32, #tpu.memory_space<vmem_shared>>
      tpu.wait_indirect_dma semaphore(%arg28 : memref<!tpu.dma_semaphore, #tpu.memory_space<semaphore_mem>>) src(%arg17 : memref<64x128xf32, #tpu.memory_space<vmem>>) dst(%dma_wait3A_125 : memref<10256x128xf32, #tpu.memory_space<vmem_shared>>)
      %add3A_126 = arith.constant 1 : i32
      %add3A_127 = arith.addi %scan3A_92, %add3A_126 : i32
      %mul3A_128 = arith.constant 5 : i32
      %mul3A_129 = arith.muli %add3A_127, %mul3A_128 : i32
      %add3A_130 = arith.constant 0 : i32
      %add3A_131 = arith.addi %mul3A_129, %add3A_130 : i32
      %mul3A_132 = arith.constant 64 : i32
      %mul3A_133 = arith.muli %add3A_131, %mul3A_132 : i32
      %add3A_134 = arith.addi %mul3A_8, %mul3A_133 : i32
      "tpu.region"() ({
        %run_scoped3A = tpu.sem_alloc : memref<!tpu.dma_semaphore, #tpu.memory_space<semaphore_mem>>
        %dma_start3A_198 = tpu.memref_slice %arg3[%add3A_134] : memref<327680xi32, #tpu.memory_space<hbm>> -> memref<64xi32, #tpu.memory_space<hbm>>
        %dma_start3A_199 = tpu.memref_slice %arg3[%add3A_134] : memref<327680xi32, #tpu.memory_space<hbm>> -> memref<64xi32, #tpu.memory_space<hbm>>
        tpu.enqueue_dma source(%dma_start3A_199 : memref<64xi32, #tpu.memory_space<hbm>>) target(%arg7 : memref<64xi32, #tpu.memory_space<vmem>>) target_semaphore(%run_scoped3A : memref<!tpu.dma_semaphore, #tpu.memory_space<semaphore_mem>>)
        %dma_wait3A_200 = tpu.memref_slice %arg3[%add3A_134] : memref<327680xi32, #tpu.memory_space<hbm>> -> memref<64xi32, #tpu.memory_space<hbm>>
        %dma_wait3A_201 = tpu.memref_slice %arg3[%add3A_134] : memref<327680xi32, #tpu.memory_space<hbm>> -> memref<64xi32, #tpu.memory_space<hbm>>
        tpu.wait_dma2 semaphore(%run_scoped3A : memref<!tpu.dma_semaphore, #tpu.memory_space<semaphore_mem>>) src(%dma_wait3A_201 : memref<64xi32, #tpu.memory_space<hbm>>) dst(%arg7 : memref<64xi32, #tpu.memory_space<vmem>>)
        tpu.yield
      }) : () -> ()
      "tpu.region"() ({
        %run_scoped3A = tpu.sem_alloc : memref<!tpu.dma_semaphore, #tpu.memory_space<semaphore_mem>>
        %dma_start3A_198 = tpu.memref_slice %arg4[%add3A_134] : memref<327680xi32, #tpu.memory_space<hbm>> -> memref<64xi32, #tpu.memory_space<hbm>>
        %dma_start3A_199 = tpu.memref_slice %arg4[%add3A_134] : memref<327680xi32, #tpu.memory_space<hbm>> -> memref<64xi32, #tpu.memory_space<hbm>>
        tpu.enqueue_dma source(%dma_start3A_199 : memref<64xi32, #tpu.memory_space<hbm>>) target(%arg12 : memref<64xi32, #tpu.memory_space<vmem>>) target_semaphore(%run_scoped3A : memref<!tpu.dma_semaphore, #tpu.memory_space<semaphore_mem>>)
        %dma_wait3A_200 = tpu.memref_slice %arg4[%add3A_134] : memref<327680xi32, #tpu.memory_space<hbm>> -> memref<64xi32, #tpu.memory_space<hbm>>
        %dma_wait3A_201 = tpu.memref_slice %arg4[%add3A_134] : memref<327680xi32, #tpu.memory_space<hbm>> -> memref<64xi32, #tpu.memory_space<hbm>>
        tpu.wait_dma2 semaphore(%run_scoped3A : memref<!tpu.dma_semaphore, #tpu.memory_space<semaphore_mem>>) src(%dma_wait3A_201 : memref<64xi32, #tpu.memory_space<hbm>>) dst(%arg12 : memref<64xi32, #tpu.memory_space<vmem>>)
        tpu.yield
      }) : () -> ()
      %dma_start3A_135 = arith.constant 0 : i32
      %dma_start3A_136 = arith.constant 0 : i32
      %dma_start3A_137 = tpu.memref_slice %arg2[%dma_start3A_135, %dma_start3A_136] : memref<10000x128xf32, #tpu.memory_space<hbm>> -> memref<10000x128xf32, #tpu.memory_space<hbm>>
      tpu.enqueue_indirect_dma source(%dma_start3A_137 : memref<10000x128xf32, #tpu.memory_space<hbm>>) target(%arg17 : memref<64x128xf32, #tpu.memory_space<vmem>>) offsets(%arg7 : memref<64xi32, #tpu.memory_space<vmem>>) semaphore(%arg23 : memref<!tpu.dma_semaphore, #tpu.memory_space<semaphore_mem>>)
      %dma_wait3A_138 = arith.constant 0 : i32
      %dma_wait3A_139 = arith.constant 0 : i32
      %dma_wait3A_140 = tpu.memref_slice %arg22[%dma_wait3A_138, %dma_wait3A_139] : memref<10256x128xf32, #tpu.memory_space<vmem_shared>> -> memref<10256x128xf32, #tpu.memory_space<vmem_shared>>
      tpu.wait_indirect_dma semaphore(%arg29 : memref<!tpu.dma_semaphore, #tpu.memory_space<semaphore_mem>>) src(%arg18 : memref<64x128xf32, #tpu.memory_space<vmem>>) dst(%dma_wait3A_140 : memref<10256x128xf32, #tpu.memory_space<vmem_shared>>)
      %add3A_141 = arith.constant 1 : i32
      %add3A_142 = arith.addi %scan3A_92, %add3A_141 : i32
      %mul3A_143 = arith.constant 5 : i32
      %mul3A_144 = arith.muli %add3A_142, %mul3A_143 : i32
      %add3A_145 = arith.constant 1 : i32
      %add3A_146 = arith.addi %mul3A_144, %add3A_145 : i32
      %mul3A_147 = arith.constant 64 : i32
      %mul3A_148 = arith.muli %add3A_146, %mul3A_147 : i32
      %add3A_149 = arith.addi %mul3A_8, %mul3A_148 : i32
      "tpu.region"() ({
        %run_scoped3A = tpu.sem_alloc : memref<!tpu.dma_semaphore, #tpu.memory_space<semaphore_mem>>
        %dma_start3A_198 = tpu.memref_slice %arg3[%add3A_149] : memref<327680xi32, #tpu.memory_space<hbm>> -> memref<64xi32, #tpu.memory_space<hbm>>
        %dma_start3A_199 = tpu.memref_slice %arg3[%add3A_149] : memref<327680xi32, #tpu.memory_space<hbm>> -> memref<64xi32, #tpu.memory_space<hbm>>
        tpu.enqueue_dma source(%dma_start3A_199 : memref<64xi32, #tpu.memory_space<hbm>>) target(%arg8 : memref<64xi32, #tpu.memory_space<vmem>>) target_semaphore(%run_scoped3A : memref<!tpu.dma_semaphore, #tpu.memory_space<semaphore_mem>>)
        %dma_wait3A_200 = tpu.memref_slice %arg3[%add3A_149] : memref<327680xi32, #tpu.memory_space<hbm>> -> memref<64xi32, #tpu.memory_space<hbm>>
        %dma_wait3A_201 = tpu.memref_slice %arg3[%add3A_149] : memref<327680xi32, #tpu.memory_space<hbm>> -> memref<64xi32, #tpu.memory_space<hbm>>
        tpu.wait_dma2 semaphore(%run_scoped3A : memref<!tpu.dma_semaphore, #tpu.memory_space<semaphore_mem>>) src(%dma_wait3A_201 : memref<64xi32, #tpu.memory_space<hbm>>) dst(%arg8 : memref<64xi32, #tpu.memory_space<vmem>>)
        tpu.yield
      }) : () -> ()
      "tpu.region"() ({
        %run_scoped3A = tpu.sem_alloc : memref<!tpu.dma_semaphore, #tpu.memory_space<semaphore_mem>>
        %dma_start3A_198 = tpu.memref_slice %arg4[%add3A_149] : memref<327680xi32, #tpu.memory_space<hbm>> -> memref<64xi32, #tpu.memory_space<hbm>>
        %dma_start3A_199 = tpu.memref_slice %arg4[%add3A_149] : memref<327680xi32, #tpu.memory_space<hbm>> -> memref<64xi32, #tpu.memory_space<hbm>>
        tpu.enqueue_dma source(%dma_start3A_199 : memref<64xi32, #tpu.memory_space<hbm>>) target(%arg13 : memref<64xi32, #tpu.memory_space<vmem>>) target_semaphore(%run_scoped3A : memref<!tpu.dma_semaphore, #tpu.memory_space<semaphore_mem>>)
        %dma_wait3A_200 = tpu.memref_slice %arg4[%add3A_149] : memref<327680xi32, #tpu.memory_space<hbm>> -> memref<64xi32, #tpu.memory_space<hbm>>
        %dma_wait3A_201 = tpu.memref_slice %arg4[%add3A_149] : memref<327680xi32, #tpu.memory_space<hbm>> -> memref<64xi32, #tpu.memory_space<hbm>>
        tpu.wait_dma2 semaphore(%run_scoped3A : memref<!tpu.dma_semaphore, #tpu.memory_space<semaphore_mem>>) src(%dma_wait3A_201 : memref<64xi32, #tpu.memory_space<hbm>>) dst(%arg13 : memref<64xi32, #tpu.memory_space<vmem>>)
        tpu.yield
      }) : () -> ()
      %dma_start3A_150 = arith.constant 0 : i32
      %dma_start3A_151 = arith.constant 0 : i32
      %dma_start3A_152 = tpu.memref_slice %arg2[%dma_start3A_150, %dma_start3A_151] : memref<10000x128xf32, #tpu.memory_space<hbm>> -> memref<10000x128xf32, #tpu.memory_space<hbm>>
      tpu.enqueue_indirect_dma source(%dma_start3A_152 : memref<10000x128xf32, #tpu.memory_space<hbm>>) target(%arg18 : memref<64x128xf32, #tpu.memory_space<vmem>>) offsets(%arg8 : memref<64xi32, #tpu.memory_space<vmem>>) semaphore(%arg24 : memref<!tpu.dma_semaphore, #tpu.memory_space<semaphore_mem>>)
      %dma_wait3A_153 = arith.constant 0 : i32
      %dma_wait3A_154 = arith.constant 0 : i32
      %dma_wait3A_155 = tpu.memref_slice %arg22[%dma_wait3A_153, %dma_wait3A_154] : memref<10256x128xf32, #tpu.memory_space<vmem_shared>> -> memref<10256x128xf32, #tpu.memory_space<vmem_shared>>
      tpu.wait_indirect_dma semaphore(%arg30 : memref<!tpu.dma_semaphore, #tpu.memory_space<semaphore_mem>>) src(%arg19 : memref<64x128xf32, #tpu.memory_space<vmem>>) dst(%dma_wait3A_155 : memref<10256x128xf32, #tpu.memory_space<vmem_shared>>)
      %add3A_156 = arith.constant 1 : i32
      %add3A_157 = arith.addi %scan3A_92, %add3A_156 : i32
      %mul3A_158 = arith.constant 5 : i32
      %mul3A_159 = arith.muli %add3A_157, %mul3A_158 : i32
      %add3A_160 = arith.constant 2 : i32
      %add3A_161 = arith.addi %mul3A_159, %add3A_160 : i32
      %mul3A_162 = arith.constant 64 : i32
      %mul3A_163 = arith.muli %add3A_161, %mul3A_162 : i32
      %add3A_164 = arith.addi %mul3A_8, %mul3A_163 : i32
      "tpu.region"() ({
        %run_scoped3A = tpu.sem_alloc : memref<!tpu.dma_semaphore, #tpu.memory_space<semaphore_mem>>
        %dma_start3A_198 = tpu.memref_slice %arg3[%add3A_164] : memref<327680xi32, #tpu.memory_space<hbm>> -> memref<64xi32, #tpu.memory_space<hbm>>
        %dma_start3A_199 = tpu.memref_slice %arg3[%add3A_164] : memref<327680xi32, #tpu.memory_space<hbm>> -> memref<64xi32, #tpu.memory_space<hbm>>
        tpu.enqueue_dma source(%dma_start3A_199 : memref<64xi32, #tpu.memory_space<hbm>>) target(%arg9 : memref<64xi32, #tpu.memory_space<vmem>>) target_semaphore(%run_scoped3A : memref<!tpu.dma_semaphore, #tpu.memory_space<semaphore_mem>>)
        %dma_wait3A_200 = tpu.memref_slice %arg3[%add3A_164] : memref<327680xi32, #tpu.memory_space<hbm>> -> memref<64xi32, #tpu.memory_space<hbm>>
        %dma_wait3A_201 = tpu.memref_slice %arg3[%add3A_164] : memref<327680xi32, #tpu.memory_space<hbm>> -> memref<64xi32, #tpu.memory_space<hbm>>
        tpu.wait_dma2 semaphore(%run_scoped3A : memref<!tpu.dma_semaphore, #tpu.memory_space<semaphore_mem>>) src(%dma_wait3A_201 : memref<64xi32, #tpu.memory_space<hbm>>) dst(%arg9 : memref<64xi32, #tpu.memory_space<vmem>>)
        tpu.yield
      }) : () -> ()
      "tpu.region"() ({
        %run_scoped3A = tpu.sem_alloc : memref<!tpu.dma_semaphore, #tpu.memory_space<semaphore_mem>>
        %dma_start3A_198 = tpu.memref_slice %arg4[%add3A_164] : memref<327680xi32, #tpu.memory_space<hbm>> -> memref<64xi32, #tpu.memory_space<hbm>>
        %dma_start3A_199 = tpu.memref_slice %arg4[%add3A_164] : memref<327680xi32, #tpu.memory_space<hbm>> -> memref<64xi32, #tpu.memory_space<hbm>>
        tpu.enqueue_dma source(%dma_start3A_199 : memref<64xi32, #tpu.memory_space<hbm>>) target(%arg14 : memref<64xi32, #tpu.memory_space<vmem>>) target_semaphore(%run_scoped3A : memref<!tpu.dma_semaphore, #tpu.memory_space<semaphore_mem>>)
        %dma_wait3A_200 = tpu.memref_slice %arg4[%add3A_164] : memref<327680xi32, #tpu.memory_space<hbm>> -> memref<64xi32, #tpu.memory_space<hbm>>
        %dma_wait3A_201 = tpu.memref_slice %arg4[%add3A_164] : memref<327680xi32, #tpu.memory_space<hbm>> -> memref<64xi32, #tpu.memory_space<hbm>>
        tpu.wait_dma2 semaphore(%run_scoped3A : memref<!tpu.dma_semaphore, #tpu.memory_space<semaphore_mem>>) src(%dma_wait3A_201 : memref<64xi32, #tpu.memory_space<hbm>>) dst(%arg14 : memref<64xi32, #tpu.memory_space<vmem>>)
        tpu.yield
      }) : () -> ()
      %dma_start3A_165 = arith.constant 0 : i32
      %dma_start3A_166 = arith.constant 0 : i32
      %dma_start3A_167 = tpu.memref_slice %arg2[%dma_start3A_165, %dma_start3A_166] : memref<10000x128xf32, #tpu.memory_space<hbm>> -> memref<10000x128xf32, #tpu.memory_space<hbm>>
      tpu.enqueue_indirect_dma source(%dma_start3A_167 : memref<10000x128xf32, #tpu.memory_space<hbm>>) target(%arg19 : memref<64x128xf32, #tpu.memory_space<vmem>>) offsets(%arg9 : memref<64xi32, #tpu.memory_space<vmem>>) semaphore(%arg25 : memref<!tpu.dma_semaphore, #tpu.memory_space<semaphore_mem>>)
      %dma_wait3A_168 = arith.constant 0 : i32
      %dma_wait3A_169 = arith.constant 0 : i32
      %dma_wait3A_170 = tpu.memref_slice %arg22[%dma_wait3A_168, %dma_wait3A_169] : memref<10256x128xf32, #tpu.memory_space<vmem_shared>> -> memref<10256x128xf32, #tpu.memory_space<vmem_shared>>
      tpu.wait_indirect_dma semaphore(%arg31 : memref<!tpu.dma_semaphore, #tpu.memory_space<semaphore_mem>>) src(%arg20 : memref<64x128xf32, #tpu.memory_space<vmem>>) dst(%dma_wait3A_170 : memref<10256x128xf32, #tpu.memory_space<vmem_shared>>)
      %add3A_171 = arith.constant 1 : i32
      %add3A_172 = arith.addi %scan3A_92, %add3A_171 : i32
      %mul3A_173 = arith.constant 5 : i32
      %mul3A_174 = arith.muli %add3A_172, %mul3A_173 : i32
      %add3A_175 = arith.constant 3 : i32
      %add3A_176 = arith.addi %mul3A_174, %add3A_175 : i32
      %mul3A_177 = arith.constant 64 : i32
      %mul3A_178 = arith.muli %add3A_176, %mul3A_177 : i32
      %add3A_179 = arith.addi %mul3A_8, %mul3A_178 : i32
      "tpu.region"() ({
        %run_scoped3A = tpu.sem_alloc : memref<!tpu.dma_semaphore, #tpu.memory_space<semaphore_mem>>
        %dma_start3A_198 = tpu.memref_slice %arg3[%add3A_179] : memref<327680xi32, #tpu.memory_space<hbm>> -> memref<64xi32, #tpu.memory_space<hbm>>
        %dma_start3A_199 = tpu.memref_slice %arg3[%add3A_179] : memref<327680xi32, #tpu.memory_space<hbm>> -> memref<64xi32, #tpu.memory_space<hbm>>
        tpu.enqueue_dma source(%dma_start3A_199 : memref<64xi32, #tpu.memory_space<hbm>>) target(%arg10 : memref<64xi32, #tpu.memory_space<vmem>>) target_semaphore(%run_scoped3A : memref<!tpu.dma_semaphore, #tpu.memory_space<semaphore_mem>>)
        %dma_wait3A_200 = tpu.memref_slice %arg3[%add3A_179] : memref<327680xi32, #tpu.memory_space<hbm>> -> memref<64xi32, #tpu.memory_space<hbm>>
        %dma_wait3A_201 = tpu.memref_slice %arg3[%add3A_179] : memref<327680xi32, #tpu.memory_space<hbm>> -> memref<64xi32, #tpu.memory_space<hbm>>
        tpu.wait_dma2 semaphore(%run_scoped3A : memref<!tpu.dma_semaphore, #tpu.memory_space<semaphore_mem>>) src(%dma_wait3A_201 : memref<64xi32, #tpu.memory_space<hbm>>) dst(%arg10 : memref<64xi32, #tpu.memory_space<vmem>>)
        tpu.yield
      }) : () -> ()
      "tpu.region"() ({
        %run_scoped3A = tpu.sem_alloc : memref<!tpu.dma_semaphore, #tpu.memory_space<semaphore_mem>>
        %dma_start3A_198 = tpu.memref_slice %arg4[%add3A_179] : memref<327680xi32, #tpu.memory_space<hbm>> -> memref<64xi32, #tpu.memory_space<hbm>>
        %dma_start3A_199 = tpu.memref_slice %arg4[%add3A_179] : memref<327680xi32, #tpu.memory_space<hbm>> -> memref<64xi32, #tpu.memory_space<hbm>>
        tpu.enqueue_dma source(%dma_start3A_199 : memref<64xi32, #tpu.memory_space<hbm>>) target(%arg15 : memref<64xi32, #tpu.memory_space<vmem>>) target_semaphore(%run_scoped3A : memref<!tpu.dma_semaphore, #tpu.memory_space<semaphore_mem>>)
        %dma_wait3A_200 = tpu.memref_slice %arg4[%add3A_179] : memref<327680xi32, #tpu.memory_space<hbm>> -> memref<64xi32, #tpu.memory_space<hbm>>
        %dma_wait3A_201 = tpu.memref_slice %arg4[%add3A_179] : memref<327680xi32, #tpu.memory_space<hbm>> -> memref<64xi32, #tpu.memory_space<hbm>>
        tpu.wait_dma2 semaphore(%run_scoped3A : memref<!tpu.dma_semaphore, #tpu.memory_space<semaphore_mem>>) src(%dma_wait3A_201 : memref<64xi32, #tpu.memory_space<hbm>>) dst(%arg15 : memref<64xi32, #tpu.memory_space<vmem>>)
        tpu.yield
      }) : () -> ()
      %dma_start3A_180 = arith.constant 0 : i32
      %dma_start3A_181 = arith.constant 0 : i32
      %dma_start3A_182 = tpu.memref_slice %arg2[%dma_start3A_180, %dma_start3A_181] : memref<10000x128xf32, #tpu.memory_space<hbm>> -> memref<10000x128xf32, #tpu.memory_space<hbm>>
      tpu.enqueue_indirect_dma source(%dma_start3A_182 : memref<10000x128xf32, #tpu.memory_space<hbm>>) target(%arg20 : memref<64x128xf32, #tpu.memory_space<vmem>>) offsets(%arg10 : memref<64xi32, #tpu.memory_space<vmem>>) semaphore(%arg26 : memref<!tpu.dma_semaphore, #tpu.memory_space<semaphore_mem>>)
      %dma_wait3A_183 = arith.constant 0 : i32
      %dma_wait3A_184 = arith.constant 0 : i32
      %dma_wait3A_185 = tpu.memref_slice %arg22[%dma_wait3A_183, %dma_wait3A_184] : memref<10256x128xf32, #tpu.memory_space<vmem_shared>> -> memref<10256x128xf32, #tpu.memory_space<vmem_shared>>
      tpu.wait_indirect_dma semaphore(%arg32 : memref<!tpu.dma_semaphore, #tpu.memory_space<semaphore_mem>>) src(%arg21 : memref<64x128xf32, #tpu.memory_space<vmem>>) dst(%dma_wait3A_185 : memref<10256x128xf32, #tpu.memory_space<vmem_shared>>)
      %add3A_186 = arith.constant 1 : i32
      %add3A_187 = arith.addi %scan3A_92, %add3A_186 : i32
      %mul3A_188 = arith.constant 5 : i32
      %mul3A_189 = arith.muli %add3A_187, %mul3A_188 : i32
      %add3A_190 = arith.constant 4 : i32
      %add3A_191 = arith.addi %mul3A_189, %add3A_190 : i32
      %mul3A_192 = arith.constant 64 : i32
      %mul3A_193 = arith.muli %add3A_191, %mul3A_192 : i32
      %add3A_194 = arith.addi %mul3A_8, %mul3A_193 : i32
      "tpu.region"() ({
        %run_scoped3A = tpu.sem_alloc : memref<!tpu.dma_semaphore, #tpu.memory_space<semaphore_mem>>
        %dma_start3A_198 = tpu.memref_slice %arg3[%add3A_194] : memref<327680xi32, #tpu.memory_space<hbm>> -> memref<64xi32, #tpu.memory_space<hbm>>
        %dma_start3A_199 = tpu.memref_slice %arg3[%add3A_194] : memref<327680xi32, #tpu.memory_space<hbm>> -> memref<64xi32, #tpu.memory_space<hbm>>
        tpu.enqueue_dma source(%dma_start3A_199 : memref<64xi32, #tpu.memory_space<hbm>>) target(%arg11 : memref<64xi32, #tpu.memory_space<vmem>>) target_semaphore(%run_scoped3A : memref<!tpu.dma_semaphore, #tpu.memory_space<semaphore_mem>>)
        %dma_wait3A_200 = tpu.memref_slice %arg3[%add3A_194] : memref<327680xi32, #tpu.memory_space<hbm>> -> memref<64xi32, #tpu.memory_space<hbm>>
        %dma_wait3A_201 = tpu.memref_slice %arg3[%add3A_194] : memref<327680xi32, #tpu.memory_space<hbm>> -> memref<64xi32, #tpu.memory_space<hbm>>
        tpu.wait_dma2 semaphore(%run_scoped3A : memref<!tpu.dma_semaphore, #tpu.memory_space<semaphore_mem>>) src(%dma_wait3A_201 : memref<64xi32, #tpu.memory_space<hbm>>) dst(%arg11 : memref<64xi32, #tpu.memory_space<vmem>>)
        tpu.yield
      }) : () -> ()
      "tpu.region"() ({
        %run_scoped3A = tpu.sem_alloc : memref<!tpu.dma_semaphore, #tpu.memory_space<semaphore_mem>>
        %dma_start3A_198 = tpu.memref_slice %arg4[%add3A_194] : memref<327680xi32, #tpu.memory_space<hbm>> -> memref<64xi32, #tpu.memory_space<hbm>>
        %dma_start3A_199 = tpu.memref_slice %arg4[%add3A_194] : memref<327680xi32, #tpu.memory_space<hbm>> -> memref<64xi32, #tpu.memory_space<hbm>>
        tpu.enqueue_dma source(%dma_start3A_199 : memref<64xi32, #tpu.memory_space<hbm>>) target(%arg16 : memref<64xi32, #tpu.memory_space<vmem>>) target_semaphore(%run_scoped3A : memref<!tpu.dma_semaphore, #tpu.memory_space<semaphore_mem>>)
        %dma_wait3A_200 = tpu.memref_slice %arg4[%add3A_194] : memref<327680xi32, #tpu.memory_space<hbm>> -> memref<64xi32, #tpu.memory_space<hbm>>
        %dma_wait3A_201 = tpu.memref_slice %arg4[%add3A_194] : memref<327680xi32, #tpu.memory_space<hbm>> -> memref<64xi32, #tpu.memory_space<hbm>>
        tpu.wait_dma2 semaphore(%run_scoped3A : memref<!tpu.dma_semaphore, #tpu.memory_space<semaphore_mem>>) src(%dma_wait3A_201 : memref<64xi32, #tpu.memory_space<hbm>>) dst(%arg16 : memref<64xi32, #tpu.memory_space<vmem>>)
        tpu.yield
      }) : () -> ()
      %dma_start3A_195 = arith.constant 0 : i32
      %dma_start3A_196 = arith.constant 0 : i32
      %dma_start3A_197 = tpu.memref_slice %arg2[%dma_start3A_195, %dma_start3A_196] : memref<10000x128xf32, #tpu.memory_space<hbm>> -> memref<10000x128xf32, #tpu.memory_space<hbm>>
      tpu.enqueue_indirect_dma source(%dma_start3A_197 : memref<10000x128xf32, #tpu.memory_space<hbm>>) target(%arg21 : memref<64x128xf32, #tpu.memory_space<vmem>>) offsets(%arg11 : memref<64xi32, #tpu.memory_space<vmem>>) semaphore(%arg27 : memref<!tpu.dma_semaphore, #tpu.memory_space<semaphore_mem>>)
    }
    %scan3A_37 = arith.constant 31 : i32
    %dma_wait3A = arith.constant 0 : i32
    %dma_wait3A_38 = arith.constant 0 : i32
    %dma_wait3A_39 = tpu.memref_slice %arg2[%dma_wait3A, %dma_wait3A_38] : memref<10000x128xf32, #tpu.memory_space<hbm>> -> memref<10000x128xf32, #tpu.memory_space<hbm>>
    tpu.wait_indirect_dma semaphore(%arg23 : memref<!tpu.dma_semaphore, #tpu.memory_space<semaphore_mem>>) src(%dma_wait3A_39 : memref<10000x128xf32, #tpu.memory_space<hbm>>) dst(%arg17 : memref<64x128xf32, #tpu.memory_space<vmem>>)
    %dma_start3A_40 = arith.constant 0 : i32
    %dma_start3A_41 = arith.constant 0 : i32
    %dma_start3A_42 = tpu.memref_slice %arg22[%dma_start3A_40, %dma_start3A_41] : memref<10256x128xf32, #tpu.memory_space<vmem_shared>> -> memref<10256x128xf32, #tpu.memory_space<vmem_shared>>
    tpu.enqueue_indirect_dma source(%arg17 : memref<64x128xf32, #tpu.memory_space<vmem>>) target(%dma_start3A_42 : memref<10256x128xf32, #tpu.memory_space<vmem_shared>>) offsets(%arg12 : memref<64xi32, #tpu.memory_space<vmem>>) semaphore(%arg28 : memref<!tpu.dma_semaphore, #tpu.memory_space<semaphore_mem>>) {add = true}
    %dma_wait3A_43 = arith.constant 0 : i32
    %dma_wait3A_44 = arith.constant 0 : i32
    %dma_wait3A_45 = tpu.memref_slice %arg2[%dma_wait3A_43, %dma_wait3A_44] : memref<10000x128xf32, #tpu.memory_space<hbm>> -> memref<10000x128xf32, #tpu.memory_space<hbm>>
    tpu.wait_indirect_dma semaphore(%arg24 : memref<!tpu.dma_semaphore, #tpu.memory_space<semaphore_mem>>) src(%dma_wait3A_45 : memref<10000x128xf32, #tpu.memory_space<hbm>>) dst(%arg18 : memref<64x128xf32, #tpu.memory_space<vmem>>)
    %dma_start3A_46 = arith.constant 0 : i32
    %dma_start3A_47 = arith.constant 0 : i32
    %dma_start3A_48 = tpu.memref_slice %arg22[%dma_start3A_46, %dma_start3A_47] : memref<10256x128xf32, #tpu.memory_space<vmem_shared>> -> memref<10256x128xf32, #tpu.memory_space<vmem_shared>>
    tpu.enqueue_indirect_dma source(%arg18 : memref<64x128xf32, #tpu.memory_space<vmem>>) target(%dma_start3A_48 : memref<10256x128xf32, #tpu.memory_space<vmem_shared>>) offsets(%arg13 : memref<64xi32, #tpu.memory_space<vmem>>) semaphore(%arg29 : memref<!tpu.dma_semaphore, #tpu.memory_space<semaphore_mem>>) {add = true}
    %dma_wait3A_49 = arith.constant 0 : i32
    %dma_wait3A_50 = arith.constant 0 : i32
    %dma_wait3A_51 = tpu.memref_slice %arg2[%dma_wait3A_49, %dma_wait3A_50] : memref<10000x128xf32, #tpu.memory_space<hbm>> -> memref<10000x128xf32, #tpu.memory_space<hbm>>
    tpu.wait_indirect_dma semaphore(%arg25 : memref<!tpu.dma_semaphore, #tpu.memory_space<semaphore_mem>>) src(%dma_wait3A_51 : memref<10000x128xf32, #tpu.memory_space<hbm>>) dst(%arg19 : memref<64x128xf32, #tpu.memory_space<vmem>>)
    %dma_start3A_52 = arith.constant 0 : i32
    %dma_start3A_53 = arith.constant 0 : i32
    %dma_start3A_54 = tpu.memref_slice %arg22[%dma_start3A_52, %dma_start3A_53] : memref<10256x128xf32, #tpu.memory_space<vmem_shared>> -> memref<10256x128xf32, #tpu.memory_space<vmem_shared>>
    tpu.enqueue_indirect_dma source(%arg19 : memref<64x128xf32, #tpu.memory_space<vmem>>) target(%dma_start3A_54 : memref<10256x128xf32, #tpu.memory_space<vmem_shared>>) offsets(%arg14 : memref<64xi32, #tpu.memory_space<vmem>>) semaphore(%arg30 : memref<!tpu.dma_semaphore, #tpu.memory_space<semaphore_mem>>) {add = true}
    %dma_wait3A_55 = arith.constant 0 : i32
    %dma_wait3A_56 = arith.constant 0 : i32
    %dma_wait3A_57 = tpu.memref_slice %arg2[%dma_wait3A_55, %dma_wait3A_56] : memref<10000x128xf32, #tpu.memory_space<hbm>> -> memref<10000x128xf32, #tpu.memory_space<hbm>>
    tpu.wait_indirect_dma semaphore(%arg26 : memref<!tpu.dma_semaphore, #tpu.memory_space<semaphore_mem>>) src(%dma_wait3A_57 : memref<10000x128xf32, #tpu.memory_space<hbm>>) dst(%arg20 : memref<64x128xf32, #tpu.memory_space<vmem>>)
    %dma_start3A_58 = arith.constant 0 : i32
    %dma_start3A_59 = arith.constant 0 : i32
    %dma_start3A_60 = tpu.memref_slice %arg22[%dma_start3A_58, %dma_start3A_59] : memref<10256x128xf32, #tpu.memory_space<vmem_shared>> -> memref<10256x128xf32, #tpu.memory_space<vmem_shared>>
    tpu.enqueue_indirect_dma source(%arg20 : memref<64x128xf32, #tpu.memory_space<vmem>>) target(%dma_start3A_60 : memref<10256x128xf32, #tpu.memory_space<vmem_shared>>) offsets(%arg15 : memref<64xi32, #tpu.memory_space<vmem>>) semaphore(%arg31 : memref<!tpu.dma_semaphore, #tpu.memory_space<semaphore_mem>>) {add = true}
    %dma_wait3A_61 = arith.constant 0 : i32
    %dma_wait3A_62 = arith.constant 0 : i32
    %dma_wait3A_63 = tpu.memref_slice %arg2[%dma_wait3A_61, %dma_wait3A_62] : memref<10000x128xf32, #tpu.memory_space<hbm>> -> memref<10000x128xf32, #tpu.memory_space<hbm>>
    tpu.wait_indirect_dma semaphore(%arg27 : memref<!tpu.dma_semaphore, #tpu.memory_space<semaphore_mem>>) src(%dma_wait3A_63 : memref<10000x128xf32, #tpu.memory_space<hbm>>) dst(%arg21 : memref<64x128xf32, #tpu.memory_space<vmem>>)
    %dma_start3A_64 = arith.constant 0 : i32
    %dma_start3A_65 = arith.constant 0 : i32
    %dma_start3A_66 = tpu.memref_slice %arg22[%dma_start3A_64, %dma_start3A_65] : memref<10256x128xf32, #tpu.memory_space<vmem_shared>> -> memref<10256x128xf32, #tpu.memory_space<vmem_shared>>
    tpu.enqueue_indirect_dma source(%arg21 : memref<64x128xf32, #tpu.memory_space<vmem>>) target(%dma_start3A_66 : memref<10256x128xf32, #tpu.memory_space<vmem_shared>>) offsets(%arg16 : memref<64xi32, #tpu.memory_space<vmem>>) semaphore(%arg32 : memref<!tpu.dma_semaphore, #tpu.memory_space<semaphore_mem>>) {add = true}
    %dma_wait3A_67 = arith.constant 0 : i32
    %dma_wait3A_68 = arith.constant 0 : i32
    %dma_wait3A_69 = tpu.memref_slice %arg22[%dma_wait3A_67, %dma_wait3A_68] : memref<10256x128xf32, #tpu.memory_space<vmem_shared>> -> memref<10256x128xf32, #tpu.memory_space<vmem_shared>>
    tpu.wait_indirect_dma semaphore(%arg28 : memref<!tpu.dma_semaphore, #tpu.memory_space<semaphore_mem>>) src(%arg17 : memref<64x128xf32, #tpu.memory_space<vmem>>) dst(%dma_wait3A_69 : memref<10256x128xf32, #tpu.memory_space<vmem_shared>>)
    %dma_wait3A_70 = arith.constant 0 : i32
    %dma_wait3A_71 = arith.constant 0 : i32
    %dma_wait3A_72 = tpu.memref_slice %arg22[%dma_wait3A_70, %dma_wait3A_71] : memref<10256x128xf32, #tpu.memory_space<vmem_shared>> -> memref<10256x128xf32, #tpu.memory_space<vmem_shared>>
    tpu.wait_indirect_dma semaphore(%arg29 : memref<!tpu.dma_semaphore, #tpu.memory_space<semaphore_mem>>) src(%arg18 : memref<64x128xf32, #tpu.memory_space<vmem>>) dst(%dma_wait3A_72 : memref<10256x128xf32, #tpu.memory_space<vmem_shared>>)
    %dma_wait3A_73 = arith.constant 0 : i32
    %dma_wait3A_74 = arith.constant 0 : i32
    %dma_wait3A_75 = tpu.memref_slice %arg22[%dma_wait3A_73, %dma_wait3A_74] : memref<10256x128xf32, #tpu.memory_space<vmem_shared>> -> memref<10256x128xf32, #tpu.memory_space<vmem_shared>>
    tpu.wait_indirect_dma semaphore(%arg30 : memref<!tpu.dma_semaphore, #tpu.memory_space<semaphore_mem>>) src(%arg19 : memref<64x128xf32, #tpu.memory_space<vmem>>) dst(%dma_wait3A_75 : memref<10256x128xf32, #tpu.memory_space<vmem_shared>>)
    %dma_wait3A_76 = arith.constant 0 : i32
    %dma_wait3A_77 = arith.constant 0 : i32
    %dma_wait3A_78 = tpu.memref_slice %arg22[%dma_wait3A_76, %dma_wait3A_77] : memref<10256x128xf32, #tpu.memory_space<vmem_shared>> -> memref<10256x128xf32, #tpu.memory_space<vmem_shared>>
    tpu.wait_indirect_dma semaphore(%arg31 : memref<!tpu.dma_semaphore, #tpu.memory_space<semaphore_mem>>) src(%arg20 : memref<64x128xf32, #tpu.memory_space<vmem>>) dst(%dma_wait3A_78 : memref<10256x128xf32, #tpu.memory_space<vmem_shared>>)
    %dma_wait3A_79 = arith.constant 0 : i32
    %dma_wait3A_80 = arith.constant 0 : i32
    %dma_wait3A_81 = tpu.memref_slice %arg22[%dma_wait3A_79, %dma_wait3A_80] : memref<10256x128xf32, #tpu.memory_space<vmem_shared>> -> memref<10256x128xf32, #tpu.memory_space<vmem_shared>>
    tpu.wait_indirect_dma semaphore(%arg32 : memref<!tpu.dma_semaphore, #tpu.memory_space<semaphore_mem>>) src(%arg21 : memref<64x128xf32, #tpu.memory_space<vmem>>) dst(%dma_wait3A_81 : memref<10256x128xf32, #tpu.memory_space<vmem_shared>>)
    %barrier3A_82 = arith.constant 0 : index
    tpu.barrier barrier_id(%barrier3A_82)
    %mul3A_83 = arith.constant 624 : i32
    %mul3A_84 = arith.muli %arg1, %mul3A_83 : i32
    %mul3A_85 = arith.constant 624 : i32
    %mul3A_86 = arith.muli %arg1, %mul3A_85 : i32
    "tpu.region"() ({
      %run_scoped3A = tpu.sem_alloc : memref<!tpu.dma_semaphore, #tpu.memory_space<semaphore_mem>>
      %dma_start3A_92 = arith.constant 0 : i32
      %dma_start3A_93 = tpu.memref_slice %arg6[%arg0, %mul3A_86, %dma_start3A_92] : memref<2x10000x128xf32, #tpu.memory_space<hbm>> -> memref<1x624x128xf32, #tpu.memory_space<hbm>>
      %dma_start3A_94 = tpu.memref_squeeze %dma_start3A_93 : memref<1x624x128xf32, #tpu.memory_space<hbm>> -> memref<624x128xf32, #tpu.memory_space<hbm>>
      %dma_start3A_95 = arith.constant 0 : i32
      %dma_start3A_96 = tpu.memref_slice %arg22[%mul3A_84, %dma_start3A_95] : memref<10256x128xf32, #tpu.memory_space<vmem_shared>> -> memref<624x128xf32, #tpu.memory_space<vmem_shared>>
      tpu.enqueue_dma source(%dma_start3A_96 : memref<624x128xf32, #tpu.memory_space<vmem_shared>>) target(%dma_start3A_94 : memref<624x128xf32, #tpu.memory_space<hbm>>) target_semaphore(%run_scoped3A : memref<!tpu.dma_semaphore, #tpu.memory_space<semaphore_mem>>)
      %dma_wait3A_97 = arith.constant 0 : i32
      %dma_wait3A_98 = tpu.memref_slice %arg6[%arg0, %mul3A_86, %dma_wait3A_97] : memref<2x10000x128xf32, #tpu.memory_space<hbm>> -> memref<1x624x128xf32, #tpu.memory_space<hbm>>
      %dma_wait3A_99 = tpu.memref_squeeze %dma_wait3A_98 : memref<1x624x128xf32, #tpu.memory_space<hbm>> -> memref<624x128xf32, #tpu.memory_space<hbm>>
      %dma_wait3A_100 = arith.constant 0 : i32
      %dma_wait3A_101 = tpu.memref_slice %arg22[%mul3A_84, %dma_wait3A_100] : memref<10256x128xf32, #tpu.memory_space<vmem_shared>> -> memref<624x128xf32, #tpu.memory_space<vmem_shared>>
      tpu.wait_dma2 semaphore(%run_scoped3A : memref<!tpu.dma_semaphore, #tpu.memory_space<semaphore_mem>>) src(%dma_wait3A_101 : memref<624x128xf32, #tpu.memory_space<vmem_shared>>) dst(%dma_wait3A_99 : memref<624x128xf32, #tpu.memory_space<hbm>>)
      tpu.yield
    }) : () -> ()
    %eq3A_87 = arith.constant 0 : i32
    %eq3A_88 = arith.cmpi eq, %arg1, %eq3A_87 : i32
    %convert_element_type3A_89 = arith.extui %eq3A_88 : i1 to i32
    %cond3A_90 = arith.constant 0 : i32
    %cond3A_91 = arith.cmpi ne, %convert_element_type3A_89, %cond3A_90 : i32
    scf.if %cond3A_91 {
      "tpu.region"() ({
        %run_scoped3A = tpu.sem_alloc : memref<!tpu.dma_semaphore, #tpu.memory_space<semaphore_mem>>
        %dma_start3A_92 = arith.constant 9984 : i32
        %dma_start3A_93 = arith.constant 0 : i32
        %dma_start3A_94 = tpu.memref_slice %arg6[%arg0, %dma_start3A_92, %dma_start3A_93] : memref<2x10000x128xf32, #tpu.memory_space<hbm>> -> memref<1x16x128xf32, #tpu.memory_space<hbm>>
        %dma_start3A_95 = tpu.memref_squeeze %dma_start3A_94 : memref<1x16x128xf32, #tpu.memory_space<hbm>> -> memref<16x128xf32, #tpu.memory_space<hbm>>
        %dma_start3A_96 = arith.constant 9984 : i32
        %dma_start3A_97 = arith.constant 0 : i32
        %dma_start3A_98 = tpu.memref_slice %arg22[%dma_start3A_96, %dma_start3A_97] : memref<10256x128xf32, #tpu.memory_space<vmem_shared>> -> memref<16x128xf32, #tpu.memory_space<vmem_shared>>
        tpu.enqueue_dma source(%dma_start3A_98 : memref<16x128xf32, #tpu.memory_space<vmem_shared>>) target(%dma_start3A_95 : memref<16x128xf32, #tpu.memory_space<hbm>>) target_semaphore(%run_scoped3A : memref<!tpu.dma_semaphore, #tpu.memory_space<semaphore_mem>>)
        %dma_wait3A_99 = arith.constant 9984 : i32
        %dma_wait3A_100 = arith.constant 0 : i32
        %dma_wait3A_101 = tpu.memref_slice %arg6[%arg0, %dma_wait3A_99, %dma_wait3A_100] : memref<2x10000x128xf32, #tpu.memory_space<hbm>> -> memref<1x16x128xf32, #tpu.memory_space<hbm>>
        %dma_wait3A_102 = tpu.memref_squeeze %dma_wait3A_101 : memref<1x16x128xf32, #tpu.memory_space<hbm>> -> memref<16x128xf32, #tpu.memory_space<hbm>>
        %dma_wait3A_103 = arith.constant 9984 : i32
        %dma_wait3A_104 = arith.constant 0 : i32
        %dma_wait3A_105 = tpu.memref_slice %arg22[%dma_wait3A_103, %dma_wait3A_104] : memref<10256x128xf32, #tpu.memory_space<vmem_shared>> -> memref<16x128xf32, #tpu.memory_space<vmem_shared>>
        tpu.wait_dma2 semaphore(%run_scoped3A : memref<!tpu.dma_semaphore, #tpu.memory_space<semaphore_mem>>) src(%dma_wait3A_105 : memref<16x128xf32, #tpu.memory_space<vmem_shared>>) dst(%dma_wait3A_102 : memref<16x128xf32, #tpu.memory_space<hbm>>)
        tpu.yield
      }) : () -> ()
    } else {
    }
    return
  }
}

module attributes {stable_mosaic.version = 14 : i64} {
  func.func @_pre_body(%arg0: i32, %arg1: memref<2x1000x1xi32, #tpu.memory_space<vmem>>, %arg2: memref<1000x128xf32, #tpu.memory_space<vmem>>, %arg3: memref<128x128xf32, #tpu.memory_space<vmem>>, %arg4: memref<1000x1xf32, #tpu.memory_space<vmem>>, %arg5: memref<1000x128xf32, #tpu.memory_space<vmem>>) attributes {dimension_semantics = [#tpu.dimension_semantics<arbitrary>], iteration_bounds = array<i64: 10>, scalar_prefetch = 0 : i64, scratch_operands = 0 : i64, tpu.core_type = #tpu.core_type<tc>, window_params = [{transform_indices = @transform_0, window_bounds = array<i64: 2, 1000, 1>}, {transform_indices = @transform_1, window_bounds = array<i64: 1000, 128>}, {pipeline_mode = #tpu.pipeline_mode<synchronous>, transform_indices = @transform_2, window_bounds = array<i64: 128, 128>}, {transform_indices = @transform_3, window_bounds = array<i64: 1000, 1>}, {transform_indices = @transform_4, window_bounds = array<i64: 1000, 128>}]} {
    %get3A = arith.constant 0 : index
    %get3A_0 = arith.constant 0 : index
    %get3A_1 = arith.constant 0 : index
    %get3A_2 = vector.load %arg1[%get3A, %get3A_0, %get3A_1] : memref<2x1000x1xi32, #tpu.memory_space<vmem>>, vector<1x1000x1xi32>
    %get3A_3 = vector.shape_cast %get3A_2 : vector<1x1000x1xi32> to vector<1000x1xi32>
    %get3A_4 = arith.constant 1 : index
    %get3A_5 = arith.constant 0 : index
    %get3A_6 = arith.constant 0 : index
    %get3A_7 = vector.load %arg1[%get3A_4, %get3A_5, %get3A_6] : memref<2x1000x1xi32, #tpu.memory_space<vmem>>, vector<1x1000x1xi32>
    %get3A_8 = vector.shape_cast %get3A_7 : vector<1x1000x1xi32> to vector<1000x1xi32>
    %add3A = arith.addi %get3A_3, %get3A_8 : vector<1000x1xi32>
    %add3A_9 = arith.constant 1 : i32
    %add3A_10 = vector.broadcast %add3A_9 : i32 to vector<1000x1xi32>
    %add3A_11 = arith.addi %add3A, %add3A_10 : vector<1000x1xi32>
    %convert_element_type3A = arith.sitofp %add3A_11 : vector<1000x1xi32> to vector<1000x1xf32>
    %rsqrt3A = math.rsqrt %convert_element_type3A : vector<1000x1xf32>
    %swap3A = arith.constant 0 : index
    %swap3A_12 = arith.constant 0 : index
    %swap3A_13 = vector.load %arg4[%swap3A, %swap3A_12] : memref<1000x1xf32, #tpu.memory_space<vmem>>, vector<1000x1xf32>
    tpu.vector_store %arg4[%swap3A, %swap3A_12], %rsqrt3A {strides = array<i32>} : memref<1000x1xf32, #tpu.memory_space<vmem>>, vector<1000x1xf32>,
    %get3A_14 = arith.constant 0 : index
    %get3A_15 = arith.constant 0 : index
    %get3A_16 = vector.load %arg2[%get3A_14, %get3A_15] : memref<1000x128xf32, #tpu.memory_space<vmem>>, vector<1000x128xf32>
    %get3A_17 = arith.constant 0 : index
    %get3A_18 = arith.constant 0 : index
    %get3A_19 = vector.load %arg3[%get3A_17, %get3A_18] : memref<128x128xf32, #tpu.memory_space<vmem>>, vector<128x128xf32>
    %dot_general3A = arith.constant dense<0.000000e+00> : vector<1000x128xf32>
    %dot_general3A_20 = tpu.matmul %get3A_16, %get3A_19, %dot_general3A {dimension_numbers = #tpu.dot_dimension_numbers<[1], [0], [0], [1], [0, 0, 1, 1], [], []>, transpose_lhs_hint = false} : vector<1000x128xf32>, vector<128x128xf32>, vector<1000x128xf32> -> vector<1000x128xf32>
    %mul3A = vector.broadcast %rsqrt3A : vector<1000x1xf32> to vector<1000x128xf32>
    %mul3A_21 = arith.mulf %dot_general3A_20, %mul3A : vector<1000x128xf32>
    %swap3A_22 = arith.constant 0 : index
    %swap3A_23 = arith.constant 0 : index
    %swap3A_24 = vector.load %arg5[%swap3A_22, %swap3A_23] : memref<1000x128xf32, #tpu.memory_space<vmem>>, vector<1000x128xf32>
    tpu.vector_store %arg5[%swap3A_22, %swap3A_23], %mul3A_21 {strides = array<i32>} : memref<1000x128xf32, #tpu.memory_space<vmem>>, vector<1000x128xf32>,
    return
  }
  func.func @transform_0(%arg0: i32) -> (i32, i32, i32) {
    %c0_i32 = arith.constant 0 : i32
    %c0_i32_0 = arith.constant 0 : i32
    %c0_i32_1 = arith.constant 0 : i32
    return %c0_i32, %arg0, %c0_i32_0 : i32, i32, i32
  }
  func.func @transform_1(%arg0: i32) -> (i32, i32) {
    %c0_i32 = arith.constant 0 : i32
    %c0_i32_0 = arith.constant 0 : i32
    return %arg0, %c0_i32 : i32, i32
  }
  func.func @transform_2(%arg0: i32) -> (i32, i32) {
    %c0_i32 = arith.constant 0 : i32
    %c0_i32_0 = arith.constant 0 : i32
    %c0_i32_1 = arith.constant 0 : i32
    return %c0_i32, %c0_i32_0 : i32, i32
  }
  func.func @transform_3(%arg0: i32) -> (i32, i32) {
    %c0_i32 = arith.constant 0 : i32
    %c0_i32_0 = arith.constant 0 : i32
    return %arg0, %c0_i32 : i32, i32
  }
  func.func @transform_4(%arg0: i32) -> (i32, i32) {
    %c0_i32 = arith.constant 0 : i32
    %c0_i32_0 = arith.constant 0 : i32
    return %arg0, %c0_i32 : i32, i32
  }
}

module attributes {stable_mosaic.version = 14 : i64} {
  func.func @body(%arg0: i32, %arg1: i32, %arg2: memref<2x1000x128xf32, #tpu.memory_space<vmem>>, %arg3: memref<1000x128xf32, #tpu.memory_space<vmem>>, %arg4: memref<1000x1xf32, #tpu.memory_space<vmem>>, %arg5: memref<1x128xf32, #tpu.memory_space<vmem>>, %arg6: memref<1x128xf32, #tpu.memory_space<vmem>>, %arg7: memref<1x128xf32, #tpu.memory_space<vmem>>, %arg8: memref<128x128xf32, #tpu.memory_space<vmem>>, %arg9: memref<1000x128xf32, #tpu.memory_space<vmem>>, %arg10: memref<10000x128xf32, #tpu.memory_space<vmem>>, %arg11: memref<1x128xf32, #tpu.memory_space<vmem>>, %arg12: memref<1x128xf32, #tpu.memory_space<vmem>>) attributes {dimension_semantics = [#tpu.dimension_semantics<arbitrary>, #tpu.dimension_semantics<arbitrary>], iteration_bounds = array<i64: 2, 10>, scalar_prefetch = 0 : i64, scratch_operands = 3 : i64, tpu.core_type = #tpu.core_type<tc>, window_params = [{transform_indices = @transform_0, window_bounds = array<i64: 2, 1000, 128>}, {transform_indices = @transform_1, window_bounds = array<i64: 1000, 128>}, {transform_indices = @transform_2, window_bounds = array<i64: 1000, 1>}, {pipeline_mode = #tpu.pipeline_mode<synchronous>, transform_indices = @transform_3, window_bounds = array<i64: 1, 128>}, {pipeline_mode = #tpu.pipeline_mode<synchronous>, transform_indices = @transform_4, window_bounds = array<i64: 1, 128>}, {pipeline_mode = #tpu.pipeline_mode<synchronous>, transform_indices = @transform_5, window_bounds = array<i64: 1, 128>}, {pipeline_mode = #tpu.pipeline_mode<synchronous>, transform_indices = @transform_6, window_bounds = array<i64: 128, 128>}, {transform_indices = @transform_7, window_bounds = array<i64: 1000, 128>}]} {
    %eq3A = arith.constant 0 : i32
    %eq3A_0 = arith.cmpi eq, %arg0, %eq3A : i32
    %convert_element_type3A = arith.extui %eq3A_0 : i1 to i32
    %cond3A = arith.constant 0 : i32
    %cond3A_1 = arith.cmpi ne, %convert_element_type3A, %cond3A : i32
    scf.if %cond3A_1 {
      %get3A = arith.constant 0 : index
      %get3A_7 = arith.constant 0 : index
      %get3A_8 = arith.constant 0 : index
      %get3A_9 = vector.load %arg2[%get3A, %get3A_7, %get3A_8] : memref<2x1000x128xf32, #tpu.memory_space<vmem>>, vector<1x1000x128xf32>
      %get3A_10 = vector.shape_cast %get3A_9 : vector<1x1000x128xf32> to vector<1000x128xf32>
      %get3A_11 = arith.constant 1 : index
      %get3A_12 = arith.constant 0 : index
      %get3A_13 = arith.constant 0 : index
      %get3A_14 = vector.load %arg2[%get3A_11, %get3A_12, %get3A_13] : memref<2x1000x128xf32, #tpu.memory_space<vmem>>, vector<1x1000x128xf32>
      %get3A_15 = vector.shape_cast %get3A_14 : vector<1x1000x128xf32> to vector<1000x128xf32>
      %add3A = arith.addf %get3A_10, %get3A_15 : vector<1000x128xf32>
      %get3A_16 = arith.constant 0 : index
      %get3A_17 = arith.constant 0 : index
      %get3A_18 = vector.load %arg3[%get3A_16, %get3A_17] : memref<1000x128xf32, #tpu.memory_space<vmem>>, vector<1000x128xf32>
      %add3A_19 = arith.addf %add3A, %get3A_18 : vector<1000x128xf32>
      %get3A_20 = arith.constant 0 : index
      %get3A_21 = arith.constant 0 : index
      %get3A_22 = vector.load %arg4[%get3A_20, %get3A_21] : memref<1000x1xf32, #tpu.memory_space<vmem>>, vector<1000x1xf32>
      %mul3A = vector.broadcast %get3A_22 : vector<1000x1xf32> to vector<1000x128xf32>
      %mul3A_23 = arith.mulf %add3A_19, %mul3A : vector<1000x128xf32>
      %get3A_24 = arith.constant 0 : index
      %get3A_25 = arith.constant 0 : index
      %get3A_26 = vector.load %arg5[%get3A_24, %get3A_25] : memref<1x128xf32, #tpu.memory_space<vmem>>, vector<1x128xf32>
      %add3A_27 = vector.broadcast %get3A_26 : vector<1x128xf32> to vector<1000x128xf32>
      %add3A_28 = arith.addf %mul3A_23, %add3A_27 : vector<1000x128xf32>
      %max3A = arith.constant 0.000000e+00 : f32
      %max3A_29 = vector.broadcast %max3A : f32 to vector<1000x128xf32>
      %max3A_30 = arith.maximumf %add3A_28, %max3A_29 : vector<1000x128xf32>
      %mul3A_31 = arith.constant 1000 : i32
      %mul3A_32 = arith.muli %arg1, %mul3A_31 : i32
      %swap3A = arith.index_cast %mul3A_32 : i32 to index
      %swap3A_33 = arith.constant 0 : index
      %swap3A_34 = vector.load %arg10[%swap3A, %swap3A_33] : memref<10000x128xf32, #tpu.memory_space<vmem>>, vector<1000x128xf32>
      tpu.vector_store %arg10[%swap3A, %swap3A_33], %max3A_30 {strides = array<i32>} : memref<10000x128xf32, #tpu.memory_space<vmem>>, vector<1000x128xf32>,
      %reduce_sum3A = arith.constant dense<0.000000e+00> : vector<128xf32>
      %reduce_sum3A_35 = vector.multi_reduction <add>, %max3A_30, %reduce_sum3A [0] : vector<1000x128xf32> to vector<128xf32>
      %broadcast_in_dim3A = vector.shape_cast %reduce_sum3A_35 : vector<128xf32> to vector<1x128xf32>
      %mul3A_36 = arith.mulf %max3A_30, %max3A_30 : vector<1000x128xf32>
      %reduce_sum3A_37 = arith.constant dense<0.000000e+00> : vector<128xf32>
      %reduce_sum3A_38 = vector.multi_reduction <add>, %mul3A_36, %reduce_sum3A_37 [0] : vector<1000x128xf32> to vector<128xf32>
      %broadcast_in_dim3A_39 = vector.shape_cast %reduce_sum3A_38 : vector<128xf32> to vector<1x128xf32>
      %eq3A_40 = arith.constant 0 : i32
      %eq3A_41 = arith.cmpi eq, %arg1, %eq3A_40 : i32
      %convert_element_type3A_42 = arith.extui %eq3A_41 : i1 to i32
      %cond3A_43 = arith.constant 0 : i32
      %cond3A_44 = arith.cmpi ne, %convert_element_type3A_42, %cond3A_43 : i32
      scf.if %cond3A_44 {
        %broadcast_in_dim3A_59 = arith.constant 0.000000e+00 : f32
        %broadcast_in_dim3A_60 = vector.broadcast %broadcast_in_dim3A_59 : f32 to vector<1x128xf32>
        %swap3A_61 = arith.constant 0 : index
        %swap3A_62 = arith.constant 0 : index
        %swap3A_63 = vector.load %arg11[%swap3A_61, %swap3A_62] : memref<1x128xf32, #tpu.memory_space<vmem>>, vector<1x128xf32>
        tpu.vector_store %arg11[%swap3A_61, %swap3A_62], %broadcast_in_dim3A_60 {strides = array<i32>} : memref<1x128xf32, #tpu.memory_space<vmem>>, vector<1x128xf32>,
        %broadcast_in_dim3A_64 = arith.constant 0.000000e+00 : f32
        %broadcast_in_dim3A_65 = vector.broadcast %broadcast_in_dim3A_64 : f32 to vector<1x128xf32>
        %swap3A_66 = arith.constant 0 : index
        %swap3A_67 = arith.constant 0 : index
        %swap3A_68 = vector.load %arg12[%swap3A_66, %swap3A_67] : memref<1x128xf32, #tpu.memory_space<vmem>>, vector<1x128xf32>
        tpu.vector_store %arg12[%swap3A_66, %swap3A_67], %broadcast_in_dim3A_65 {strides = array<i32>} : memref<1x128xf32, #tpu.memory_space<vmem>>, vector<1x128xf32>,
      } else {
      }
      %get3A_45 = arith.constant 0 : index
      %get3A_46 = arith.constant 0 : index
      %get3A_47 = vector.load %arg11[%get3A_45, %get3A_46] : memref<1x128xf32, #tpu.memory_space<vmem>>, vector<1x128xf32>
      %add3A_48 = arith.addf %get3A_47, %broadcast_in_dim3A : vector<1x128xf32>
      %swap3A_49 = arith.constant 0 : index
      %swap3A_50 = arith.constant 0 : index
      %swap3A_51 = vector.load %arg11[%swap3A_49, %swap3A_50] : memref<1x128xf32, #tpu.memory_space<vmem>>, vector<1x128xf32>
      tpu.vector_store %arg11[%swap3A_49, %swap3A_50], %add3A_48 {strides = array<i32>} : memref<1x128xf32, #tpu.memory_space<vmem>>, vector<1x128xf32>,
      %get3A_52 = arith.constant 0 : index
      %get3A_53 = arith.constant 0 : index
      %get3A_54 = vector.load %arg12[%get3A_52, %get3A_53] : memref<1x128xf32, #tpu.memory_space<vmem>>, vector<1x128xf32>
      %add3A_55 = arith.addf %get3A_54, %broadcast_in_dim3A_39 : vector<1x128xf32>
      %swap3A_56 = arith.constant 0 : index
      %swap3A_57 = arith.constant 0 : index
      %swap3A_58 = vector.load %arg12[%swap3A_56, %swap3A_57] : memref<1x128xf32, #tpu.memory_space<vmem>>, vector<1x128xf32>
      tpu.vector_store %arg12[%swap3A_56, %swap3A_57], %add3A_55 {strides = array<i32>} : memref<1x128xf32, #tpu.memory_space<vmem>>, vector<1x128xf32>,
    } else {
    }
    %eq3A_2 = arith.constant 1 : i32
    %eq3A_3 = arith.cmpi eq, %arg0, %eq3A_2 : i32
    %convert_element_type3A_4 = arith.extui %eq3A_3 : i1 to i32
    %cond3A_5 = arith.constant 0 : i32
    %cond3A_6 = arith.cmpi ne, %convert_element_type3A_4, %cond3A_5 : i32
    scf.if %cond3A_6 {
      %get3A = arith.constant 0 : index
      %get3A_7 = arith.constant 0 : index
      %get3A_8 = vector.load %arg11[%get3A, %get3A_7] : memref<1x128xf32, #tpu.memory_space<vmem>>, vector<1x128xf32>
      %get3A_9 = vector.shape_cast %get3A_8 : vector<1x128xf32> to vector<128xf32>
      %div3A = arith.constant 1.000000e+04 : f32
      %div3A_10 = vector.broadcast %div3A : f32 to vector<128xf32>
      %div3A_11 = arith.divf %get3A_9, %div3A_10 : vector<128xf32>
      %get3A_12 = arith.constant 0 : index
      %get3A_13 = arith.constant 0 : index
      %get3A_14 = vector.load %arg12[%get3A_12, %get3A_13] : memref<1x128xf32, #tpu.memory_space<vmem>>, vector<1x128xf32>
      %get3A_15 = vector.shape_cast %get3A_14 : vector<1x128xf32> to vector<128xf32>
      %div3A_16 = arith.constant 1.000000e+04 : f32
      %div3A_17 = vector.broadcast %div3A_16 : f32 to vector<128xf32>
      %div3A_18 = arith.divf %get3A_15, %div3A_17 : vector<128xf32>
      %mul3A = arith.mulf %div3A_11, %div3A_11 : vector<128xf32>
      %sub3A = arith.subf %div3A_18, %mul3A : vector<128xf32>
      %get3A_19 = arith.constant 0 : index
      %get3A_20 = arith.constant 0 : index
      %get3A_21 = vector.load %arg6[%get3A_19, %get3A_20] : memref<1x128xf32, #tpu.memory_space<vmem>>, vector<1x128xf32>
      %get3A_22 = vector.shape_cast %get3A_21 : vector<1x128xf32> to vector<128xf32>
      %add3A = arith.constant 9.99999974E-6 : f32
      %add3A_23 = vector.broadcast %add3A : f32 to vector<128xf32>
      %add3A_24 = arith.addf %sub3A, %add3A_23 : vector<128xf32>
      %rsqrt3A = math.rsqrt %add3A_24 : vector<128xf32>
      %mul3A_25 = arith.mulf %get3A_22, %rsqrt3A : vector<128xf32>
      %get3A_26 = arith.constant 0 : index
      %get3A_27 = arith.constant 0 : index
      %get3A_28 = vector.load %arg7[%get3A_26, %get3A_27] : memref<1x128xf32, #tpu.memory_space<vmem>>, vector<1x128xf32>
      %get3A_29 = vector.shape_cast %get3A_28 : vector<1x128xf32> to vector<128xf32>
      %mul3A_30 = arith.mulf %div3A_11, %mul3A_25 : vector<128xf32>
      %sub3A_31 = arith.subf %get3A_29, %mul3A_30 : vector<128xf32>
      %mul3A_32 = arith.constant 1000 : i32
      %mul3A_33 = arith.muli %arg1, %mul3A_32 : i32
      %get3A_34 = arith.index_cast %mul3A_33 : i32 to index
      %get3A_35 = arith.constant 0 : index
      %get3A_36 = vector.load %arg10[%get3A_34, %get3A_35] : memref<10000x128xf32, #tpu.memory_space<vmem>>, vector<1000x128xf32>
      %broadcast_in_dim3A = vector.shape_cast %mul3A_25 : vector<128xf32> to vector<1x128xf32>
      %mul3A_37 = vector.broadcast %broadcast_in_dim3A : vector<1x128xf32> to vector<1000x128xf32>
      %mul3A_38 = arith.mulf %get3A_36, %mul3A_37 : vector<1000x128xf32>
      %broadcast_in_dim3A_39 = vector.shape_cast %sub3A_31 : vector<128xf32> to vector<1x128xf32>
      %add3A_40 = vector.broadcast %broadcast_in_dim3A_39 : vector<1x128xf32> to vector<1000x128xf32>
      %add3A_41 = arith.addf %mul3A_38, %add3A_40 : vector<1000x128xf32>
      %get3A_42 = arith.constant 0 : index
      %get3A_43 = arith.constant 0 : index
      %get3A_44 = vector.load %arg8[%get3A_42, %get3A_43] : memref<128x128xf32, #tpu.memory_space<vmem>>, vector<128x128xf32>
      %dot_general3A = arith.constant dense<0.000000e+00> : vector<1000x128xf32>
      %dot_general3A_45 = tpu.matmul %add3A_41, %get3A_44, %dot_general3A {dimension_numbers = #tpu.dot_dimension_numbers<[1], [0], [0], [1], [0, 0, 1, 1], [], []>, transpose_lhs_hint = false} : vector<1000x128xf32>, vector<128x128xf32>, vector<1000x128xf32> -> vector<1000x128xf32>
      %get3A_46 = arith.constant 0 : index
      %get3A_47 = arith.constant 0 : index
      %get3A_48 = vector.load %arg4[%get3A_46, %get3A_47] : memref<1000x1xf32, #tpu.memory_space<vmem>>, vector<1000x1xf32>
      %mul3A_49 = vector.broadcast %get3A_48 : vector<1000x1xf32> to vector<1000x128xf32>
      %mul3A_50 = arith.mulf %dot_general3A_45, %mul3A_49 : vector<1000x128xf32>
      %swap3A = arith.constant 0 : index
      %swap3A_51 = arith.constant 0 : index
      %swap3A_52 = vector.load %arg9[%swap3A, %swap3A_51] : memref<1000x128xf32, #tpu.memory_space<vmem>>, vector<1000x128xf32>
      tpu.vector_store %arg9[%swap3A, %swap3A_51], %mul3A_50 {strides = array<i32>} : memref<1000x128xf32, #tpu.memory_space<vmem>>, vector<1000x128xf32>,
    } else {
    }
    return
  }
  func.func @transform_0(%arg0: i32, %arg1: i32) -> (i32, i32, i32) {
    %sub3A = arith.constant 1 : i32
    %sub3A_0 = arith.subi %sub3A, %arg0 : i32
    %mul3A = arith.muli %arg1, %sub3A_0 : i32
    %c0_i32 = arith.constant 0 : i32
    %c0_i32_1 = arith.constant 0 : i32
    %c0_i32_2 = arith.constant 0 : i32
    return %c0_i32, %mul3A, %c0_i32_1 : i32, i32, i32
  }
  func.func @transform_1(%arg0: i32, %arg1: i32) -> (i32, i32) {
    %sub3A = arith.constant 1 : i32
    %sub3A_0 = arith.subi %sub3A, %arg0 : i32
    %mul3A = arith.muli %arg1, %sub3A_0 : i32
    %c0_i32 = arith.constant 0 : i32
    %c0_i32_1 = arith.constant 0 : i32
    return %mul3A, %c0_i32 : i32, i32
  }
  func.func @transform_2(%arg0: i32, %arg1: i32) -> (i32, i32) {
    %c0_i32 = arith.constant 0 : i32
    %c0_i32_0 = arith.constant 0 : i32
    return %arg1, %c0_i32 : i32, i32
  }
  func.func @transform_3(%arg0: i32, %arg1: i32) -> (i32, i32) {
    %c0_i32 = arith.constant 0 : i32
    %c0_i32_0 = arith.constant 0 : i32
    %c0_i32_1 = arith.constant 0 : i32
    return %c0_i32, %c0_i32_0 : i32, i32
  }
  func.func @transform_4(%arg0: i32, %arg1: i32) -> (i32, i32) {
    %c0_i32 = arith.constant 0 : i32
    %c0_i32_0 = arith.constant 0 : i32
    %c0_i32_1 = arith.constant 0 : i32
    return %c0_i32, %c0_i32_0 : i32, i32
  }
  func.func @transform_5(%arg0: i32, %arg1: i32) -> (i32, i32) {
    %c0_i32 = arith.constant 0 : i32
    %c0_i32_0 = arith.constant 0 : i32
    %c0_i32_1 = arith.constant 0 : i32
    return %c0_i32, %c0_i32_0 : i32, i32
  }
  func.func @transform_6(%arg0: i32, %arg1: i32) -> (i32, i32) {
    %c0_i32 = arith.constant 0 : i32
    %c0_i32_0 = arith.constant 0 : i32
    %c0_i32_1 = arith.constant 0 : i32
    return %c0_i32, %c0_i32_0 : i32, i32
  }
  func.func @transform_7(%arg0: i32, %arg1: i32) -> (i32, i32) {
    %c0_i32 = arith.constant 0 : i32
    %c0_i32_0 = arith.constant 0 : i32
    return %arg1, %c0_i32 : i32, i32
  }
}

module attributes {stable_mosaic.version = 14 : i64} {
  func.func @body(%arg0: i32, %arg1: i32, %arg2: memref<2x1000x128xf32, #tpu.memory_space<vmem>>, %arg3: memref<1000x128xf32, #tpu.memory_space<vmem>>, %arg4: memref<1000x1xf32, #tpu.memory_space<vmem>>, %arg5: memref<1x128xf32, #tpu.memory_space<vmem>>, %arg6: memref<1x128xf32, #tpu.memory_space<vmem>>, %arg7: memref<1x128xf32, #tpu.memory_space<vmem>>, %arg8: memref<128x128xf32, #tpu.memory_space<vmem>>, %arg9: memref<1000x128xf32, #tpu.memory_space<vmem>>, %arg10: memref<10000x128xf32, #tpu.memory_space<vmem>>, %arg11: memref<1x128xf32, #tpu.memory_space<vmem>>, %arg12: memref<1x128xf32, #tpu.memory_space<vmem>>) attributes {dimension_semantics = [#tpu.dimension_semantics<arbitrary>, #tpu.dimension_semantics<arbitrary>], iteration_bounds = array<i64: 2, 10>, scalar_prefetch = 0 : i64, scratch_operands = 3 : i64, tpu.core_type = #tpu.core_type<tc>, window_params = [{transform_indices = @transform_0, window_bounds = array<i64: 2, 1000, 128>}, {transform_indices = @transform_1, window_bounds = array<i64: 1000, 128>}, {transform_indices = @transform_2, window_bounds = array<i64: 1000, 1>}, {pipeline_mode = #tpu.pipeline_mode<synchronous>, transform_indices = @transform_3, window_bounds = array<i64: 1, 128>}, {pipeline_mode = #tpu.pipeline_mode<synchronous>, transform_indices = @transform_4, window_bounds = array<i64: 1, 128>}, {pipeline_mode = #tpu.pipeline_mode<synchronous>, transform_indices = @transform_5, window_bounds = array<i64: 1, 128>}, {pipeline_mode = #tpu.pipeline_mode<synchronous>, transform_indices = @transform_6, window_bounds = array<i64: 128, 128>}, {transform_indices = @transform_7, window_bounds = array<i64: 1000, 128>}]} {
    %eq3A = arith.constant 0 : i32
    %eq3A_0 = arith.cmpi eq, %arg0, %eq3A : i32
    %convert_element_type3A = arith.extui %eq3A_0 : i1 to i32
    %cond3A = arith.constant 0 : i32
    %cond3A_1 = arith.cmpi ne, %convert_element_type3A, %cond3A : i32
    scf.if %cond3A_1 {
      %get3A = arith.constant 0 : index
      %get3A_7 = arith.constant 0 : index
      %get3A_8 = arith.constant 0 : index
      %get3A_9 = vector.load %arg2[%get3A, %get3A_7, %get3A_8] : memref<2x1000x128xf32, #tpu.memory_space<vmem>>, vector<1x1000x128xf32>
      %get3A_10 = vector.shape_cast %get3A_9 : vector<1x1000x128xf32> to vector<1000x128xf32>
      %get3A_11 = arith.constant 1 : index
      %get3A_12 = arith.constant 0 : index
      %get3A_13 = arith.constant 0 : index
      %get3A_14 = vector.load %arg2[%get3A_11, %get3A_12, %get3A_13] : memref<2x1000x128xf32, #tpu.memory_space<vmem>>, vector<1x1000x128xf32>
      %get3A_15 = vector.shape_cast %get3A_14 : vector<1x1000x128xf32> to vector<1000x128xf32>
      %add3A = arith.addf %get3A_10, %get3A_15 : vector<1000x128xf32>
      %get3A_16 = arith.constant 0 : index
      %get3A_17 = arith.constant 0 : index
      %get3A_18 = vector.load %arg3[%get3A_16, %get3A_17] : memref<1000x128xf32, #tpu.memory_space<vmem>>, vector<1000x128xf32>
      %add3A_19 = arith.addf %add3A, %get3A_18 : vector<1000x128xf32>
      %get3A_20 = arith.constant 0 : index
      %get3A_21 = arith.constant 0 : index
      %get3A_22 = vector.load %arg4[%get3A_20, %get3A_21] : memref<1000x1xf32, #tpu.memory_space<vmem>>, vector<1000x1xf32>
      %mul3A = vector.broadcast %get3A_22 : vector<1000x1xf32> to vector<1000x128xf32>
      %mul3A_23 = arith.mulf %add3A_19, %mul3A : vector<1000x128xf32>
      %get3A_24 = arith.constant 0 : index
      %get3A_25 = arith.constant 0 : index
      %get3A_26 = vector.load %arg5[%get3A_24, %get3A_25] : memref<1x128xf32, #tpu.memory_space<vmem>>, vector<1x128xf32>
      %add3A_27 = vector.broadcast %get3A_26 : vector<1x128xf32> to vector<1000x128xf32>
      %add3A_28 = arith.addf %mul3A_23, %add3A_27 : vector<1000x128xf32>
      %max3A = arith.constant 0.000000e+00 : f32
      %max3A_29 = vector.broadcast %max3A : f32 to vector<1000x128xf32>
      %max3A_30 = arith.maximumf %add3A_28, %max3A_29 : vector<1000x128xf32>
      %mul3A_31 = arith.constant 1000 : i32
      %mul3A_32 = arith.muli %arg1, %mul3A_31 : i32
      %swap3A = arith.index_cast %mul3A_32 : i32 to index
      %swap3A_33 = arith.constant 0 : index
      %swap3A_34 = vector.load %arg10[%swap3A, %swap3A_33] : memref<10000x128xf32, #tpu.memory_space<vmem>>, vector<1000x128xf32>
      tpu.vector_store %arg10[%swap3A, %swap3A_33], %max3A_30 {strides = array<i32>} : memref<10000x128xf32, #tpu.memory_space<vmem>>, vector<1000x128xf32>,
      %reduce_sum3A = arith.constant dense<0.000000e+00> : vector<128xf32>
      %reduce_sum3A_35 = vector.multi_reduction <add>, %max3A_30, %reduce_sum3A [0] : vector<1000x128xf32> to vector<128xf32>
      %broadcast_in_dim3A = vector.shape_cast %reduce_sum3A_35 : vector<128xf32> to vector<1x128xf32>
      %mul3A_36 = arith.mulf %max3A_30, %max3A_30 : vector<1000x128xf32>
      %reduce_sum3A_37 = arith.constant dense<0.000000e+00> : vector<128xf32>
      %reduce_sum3A_38 = vector.multi_reduction <add>, %mul3A_36, %reduce_sum3A_37 [0] : vector<1000x128xf32> to vector<128xf32>
      %broadcast_in_dim3A_39 = vector.shape_cast %reduce_sum3A_38 : vector<128xf32> to vector<1x128xf32>
      %eq3A_40 = arith.constant 0 : i32
      %eq3A_41 = arith.cmpi eq, %arg1, %eq3A_40 : i32
      %convert_element_type3A_42 = arith.extui %eq3A_41 : i1 to i32
      %cond3A_43 = arith.constant 0 : i32
      %cond3A_44 = arith.cmpi ne, %convert_element_type3A_42, %cond3A_43 : i32
      scf.if %cond3A_44 {
        %broadcast_in_dim3A_59 = arith.constant 0.000000e+00 : f32
        %broadcast_in_dim3A_60 = vector.broadcast %broadcast_in_dim3A_59 : f32 to vector<1x128xf32>
        %swap3A_61 = arith.constant 0 : index
        %swap3A_62 = arith.constant 0 : index
        %swap3A_63 = vector.load %arg11[%swap3A_61, %swap3A_62] : memref<1x128xf32, #tpu.memory_space<vmem>>, vector<1x128xf32>
        tpu.vector_store %arg11[%swap3A_61, %swap3A_62], %broadcast_in_dim3A_60 {strides = array<i32>} : memref<1x128xf32, #tpu.memory_space<vmem>>, vector<1x128xf32>,
        %broadcast_in_dim3A_64 = arith.constant 0.000000e+00 : f32
        %broadcast_in_dim3A_65 = vector.broadcast %broadcast_in_dim3A_64 : f32 to vector<1x128xf32>
        %swap3A_66 = arith.constant 0 : index
        %swap3A_67 = arith.constant 0 : index
        %swap3A_68 = vector.load %arg12[%swap3A_66, %swap3A_67] : memref<1x128xf32, #tpu.memory_space<vmem>>, vector<1x128xf32>
        tpu.vector_store %arg12[%swap3A_66, %swap3A_67], %broadcast_in_dim3A_65 {strides = array<i32>} : memref<1x128xf32, #tpu.memory_space<vmem>>, vector<1x128xf32>,
      } else {
      }
      %get3A_45 = arith.constant 0 : index
      %get3A_46 = arith.constant 0 : index
      %get3A_47 = vector.load %arg11[%get3A_45, %get3A_46] : memref<1x128xf32, #tpu.memory_space<vmem>>, vector<1x128xf32>
      %add3A_48 = arith.addf %get3A_47, %broadcast_in_dim3A : vector<1x128xf32>
      %swap3A_49 = arith.constant 0 : index
      %swap3A_50 = arith.constant 0 : index
      %swap3A_51 = vector.load %arg11[%swap3A_49, %swap3A_50] : memref<1x128xf32, #tpu.memory_space<vmem>>, vector<1x128xf32>
      tpu.vector_store %arg11[%swap3A_49, %swap3A_50], %add3A_48 {strides = array<i32>} : memref<1x128xf32, #tpu.memory_space<vmem>>, vector<1x128xf32>,
      %get3A_52 = arith.constant 0 : index
      %get3A_53 = arith.constant 0 : index
      %get3A_54 = vector.load %arg12[%get3A_52, %get3A_53] : memref<1x128xf32, #tpu.memory_space<vmem>>, vector<1x128xf32>
      %add3A_55 = arith.addf %get3A_54, %broadcast_in_dim3A_39 : vector<1x128xf32>
      %swap3A_56 = arith.constant 0 : index
      %swap3A_57 = arith.constant 0 : index
      %swap3A_58 = vector.load %arg12[%swap3A_56, %swap3A_57] : memref<1x128xf32, #tpu.memory_space<vmem>>, vector<1x128xf32>
      tpu.vector_store %arg12[%swap3A_56, %swap3A_57], %add3A_55 {strides = array<i32>} : memref<1x128xf32, #tpu.memory_space<vmem>>, vector<1x128xf32>,
    } else {
    }
    %eq3A_2 = arith.constant 1 : i32
    %eq3A_3 = arith.cmpi eq, %arg0, %eq3A_2 : i32
    %convert_element_type3A_4 = arith.extui %eq3A_3 : i1 to i32
    %cond3A_5 = arith.constant 0 : i32
    %cond3A_6 = arith.cmpi ne, %convert_element_type3A_4, %cond3A_5 : i32
    scf.if %cond3A_6 {
      %get3A = arith.constant 0 : index
      %get3A_7 = arith.constant 0 : index
      %get3A_8 = vector.load %arg11[%get3A, %get3A_7] : memref<1x128xf32, #tpu.memory_space<vmem>>, vector<1x128xf32>
      %get3A_9 = vector.shape_cast %get3A_8 : vector<1x128xf32> to vector<128xf32>
      %div3A = arith.constant 1.000000e+04 : f32
      %div3A_10 = vector.broadcast %div3A : f32 to vector<128xf32>
      %div3A_11 = arith.divf %get3A_9, %div3A_10 : vector<128xf32>
      %get3A_12 = arith.constant 0 : index
      %get3A_13 = arith.constant 0 : index
      %get3A_14 = vector.load %arg12[%get3A_12, %get3A_13] : memref<1x128xf32, #tpu.memory_space<vmem>>, vector<1x128xf32>
      %get3A_15 = vector.shape_cast %get3A_14 : vector<1x128xf32> to vector<128xf32>
      %div3A_16 = arith.constant 1.000000e+04 : f32
      %div3A_17 = vector.broadcast %div3A_16 : f32 to vector<128xf32>
      %div3A_18 = arith.divf %get3A_15, %div3A_17 : vector<128xf32>
      %mul3A = arith.mulf %div3A_11, %div3A_11 : vector<128xf32>
      %sub3A = arith.subf %div3A_18, %mul3A : vector<128xf32>
      %get3A_19 = arith.constant 0 : index
      %get3A_20 = arith.constant 0 : index
      %get3A_21 = vector.load %arg6[%get3A_19, %get3A_20] : memref<1x128xf32, #tpu.memory_space<vmem>>, vector<1x128xf32>
      %get3A_22 = vector.shape_cast %get3A_21 : vector<1x128xf32> to vector<128xf32>
      %add3A = arith.constant 9.99999974E-6 : f32
      %add3A_23 = vector.broadcast %add3A : f32 to vector<128xf32>
      %add3A_24 = arith.addf %sub3A, %add3A_23 : vector<128xf32>
      %rsqrt3A = math.rsqrt %add3A_24 : vector<128xf32>
      %mul3A_25 = arith.mulf %get3A_22, %rsqrt3A : vector<128xf32>
      %get3A_26 = arith.constant 0 : index
      %get3A_27 = arith.constant 0 : index
      %get3A_28 = vector.load %arg7[%get3A_26, %get3A_27] : memref<1x128xf32, #tpu.memory_space<vmem>>, vector<1x128xf32>
      %get3A_29 = vector.shape_cast %get3A_28 : vector<1x128xf32> to vector<128xf32>
      %mul3A_30 = arith.mulf %div3A_11, %mul3A_25 : vector<128xf32>
      %sub3A_31 = arith.subf %get3A_29, %mul3A_30 : vector<128xf32>
      %mul3A_32 = arith.constant 1000 : i32
      %mul3A_33 = arith.muli %arg1, %mul3A_32 : i32
      %get3A_34 = arith.index_cast %mul3A_33 : i32 to index
      %get3A_35 = arith.constant 0 : index
      %get3A_36 = vector.load %arg10[%get3A_34, %get3A_35] : memref<10000x128xf32, #tpu.memory_space<vmem>>, vector<1000x128xf32>
      %broadcast_in_dim3A = vector.shape_cast %mul3A_25 : vector<128xf32> to vector<1x128xf32>
      %mul3A_37 = vector.broadcast %broadcast_in_dim3A : vector<1x128xf32> to vector<1000x128xf32>
      %mul3A_38 = arith.mulf %get3A_36, %mul3A_37 : vector<1000x128xf32>
      %broadcast_in_dim3A_39 = vector.shape_cast %sub3A_31 : vector<128xf32> to vector<1x128xf32>
      %add3A_40 = vector.broadcast %broadcast_in_dim3A_39 : vector<1x128xf32> to vector<1000x128xf32>
      %add3A_41 = arith.addf %mul3A_38, %add3A_40 : vector<1000x128xf32>
      %swap3A = arith.constant 0 : index
      %swap3A_42 = arith.constant 0 : index
      %swap3A_43 = vector.load %arg9[%swap3A, %swap3A_42] : memref<1000x128xf32, #tpu.memory_space<vmem>>, vector<1000x128xf32>
      tpu.vector_store %arg9[%swap3A, %swap3A_42], %add3A_41 {strides = array<i32>} : memref<1000x128xf32, #tpu.memory_space<vmem>>, vector<1000x128xf32>,
    } else {
    }
    return
  }
  func.func @transform_0(%arg0: i32, %arg1: i32) -> (i32, i32, i32) {
    %sub3A = arith.constant 1 : i32
    %sub3A_0 = arith.subi %sub3A, %arg0 : i32
    %mul3A = arith.muli %arg1, %sub3A_0 : i32
    %c0_i32 = arith.constant 0 : i32
    %c0_i32_1 = arith.constant 0 : i32
    %c0_i32_2 = arith.constant 0 : i32
    return %c0_i32, %mul3A, %c0_i32_1 : i32, i32, i32
  }
  func.func @transform_1(%arg0: i32, %arg1: i32) -> (i32, i32) {
    %sub3A = arith.constant 1 : i32
    %sub3A_0 = arith.subi %sub3A, %arg0 : i32
    %mul3A = arith.muli %arg1, %sub3A_0 : i32
    %c0_i32 = arith.constant 0 : i32
    %c0_i32_1 = arith.constant 0 : i32
    return %mul3A, %c0_i32 : i32, i32
  }
  func.func @transform_2(%arg0: i32, %arg1: i32) -> (i32, i32) {
    %c0_i32 = arith.constant 0 : i32
    %c0_i32_0 = arith.constant 0 : i32
    return %arg1, %c0_i32 : i32, i32
  }
  func.func @transform_3(%arg0: i32, %arg1: i32) -> (i32, i32) {
    %c0_i32 = arith.constant 0 : i32
    %c0_i32_0 = arith.constant 0 : i32
    %c0_i32_1 = arith.constant 0 : i32
    return %c0_i32, %c0_i32_0 : i32, i32
  }
  func.func @transform_4(%arg0: i32, %arg1: i32) -> (i32, i32) {
    %c0_i32 = arith.constant 0 : i32
    %c0_i32_0 = arith.constant 0 : i32
    %c0_i32_1 = arith.constant 0 : i32
    return %c0_i32, %c0_i32_0 : i32, i32
  }
  func.func @transform_5(%arg0: i32, %arg1: i32) -> (i32, i32) {
    %c0_i32 = arith.constant 0 : i32
    %c0_i32_0 = arith.constant 0 : i32
    %c0_i32_1 = arith.constant 0 : i32
    return %c0_i32, %c0_i32_0 : i32, i32
  }
  func.func @transform_6(%arg0: i32, %arg1: i32) -> (i32, i32) {
    %c0_i32 = arith.constant 0 : i32
    %c0_i32_0 = arith.constant 0 : i32
    %c0_i32_1 = arith.constant 0 : i32
    return %c0_i32, %c0_i32_0 : i32, i32
  }
  func.func @transform_7(%arg0: i32, %arg1: i32) -> (i32, i32) {
    %c0_i32 = arith.constant 0 : i32
    %c0_i32_0 = arith.constant 0 : i32
    return %arg1, %c0_i32 : i32, i32
  }
}

</mosaic_0001>

<sc_bundles>
// kernel: kernel.10.cloned.1.call-start
scs
__scs_entry_jumppad:
0x0: {  	(pc) =	sbr.rel $0x88, $3  }
0x1: {  	(tag) =	ssettag $0x0;
	lr =	simm.s32 $0x1  }
0x2: {  	[smem:$0x3F93] =	sst lr;
	_ =	strace $0xD0000000  }
0x3: {  	_ = 	snop  }
0x4: {  	_ = 	snop  }
0x5: {  	_ = 	snop  }
0x6: {  	_ = 	snop  }
0x7: {  	_ = 	snop  }
__scs_overlays_trampoline_lowered:
0x8: {  	[smem:$0x3FA2] =	sst s0  }
0x9: {  	[smem:$0x3FA3] =	sst s1  }
0xa: {  	[smem:$0x3FA4] =	sst s2  }
0xb: {  	[smem:$0x3FA5] =	sst s3  }
0xc: {  	[smem:$0x3FA6] =	sst s4  }
0xd: {  	[smem:$0x3FA7] =	sst s5  }
0xe: {  	[smem:$0x3FA8] =	sst s6  }
0xf: {  	[smem:$0x3FA9] =	sst s7  }
0x10: {  	[smem:$0x3FAA] =	sst s8  }
0x11: {  	[smem:$0x3FAB] =	sst s9;
	s0 =	simm.s32 @!p0 $0x0  }
0x12: {  	s1 =	sld [smem:$0x3F91];
	s0 =	simm.s32 @p0 $0x1  }
0x13: {  	[smem:$0x3FAC] =	sst s0;
	s0 =	simm.s32 @!p1 $0x0  }
0x14: {  	s2 =	sld [smem:$0x3F90];
	s0 =	simm.s32 @p1 $0x1  }
0x15: {  	[smem:$0x3FAD] =	sst s0;
	s0 =	simm.s32 @!p2 $0x0  }
0x16: {  	s3 =	sld [smem:$0x3FDB];
	s0 =	simm.s32 @p2 $0x1  }
0x17: {  	s4 =	simm.s32 $0x1BF5;
	[smem:$0x3FAF] =	sst s0  }
0x18: {  	s0 =	sld [smem:$0x3F92];
	_ =	swait.ge [sflag:s4], $0x0  }
0x19: {  	s7 =	sld [smem:$0x3F93]  }
0x1a: {  	s8 =	sadd.s32 $0xFFFFE003, lr  }
0x1b: {  	s9 =	sadd.s32 $0xFFFFFEF7, lr;
	s5 =	simm.s32 $0xFFFFFFFF;
	p2 =	slt.u32 s8, $0xFFFFF086  }
0x1c: {  	p1 =	slt.u32 s9, $0xF7A;
	s5 =	simm.s32 @!p2 $0x0  }
0x1d: {  	s5 =	simm.s32 @p1 $0x1;
	p0 =	seq.s32 s7, s2  }
0x1e: {  	s7 =	smul.u32 @!p0 $0xF7A, s2;
	p2 =	seq.s32 @!p0 s5, $0x0  }
0x1f: {  	s9 =	smul.u32 $0xF7A, s1;
	s8 =	simm.s32 @!p0 $0x1BF5;
	p2 =	por !p2, p0  }
0x20: {  	[sflag:s8] =	ssyncset.s32 @!p0 $0xFFFFF086;
	s6 =	sadd.s32 @!p0 s3, s7;
	s7 =	simm.s32 @!p0 $0x108  }
0x21: {  	s3 =	sadd.s32 s3, s9;
	s6 =	sadd.s32 @!p0 $0x88, s6;
	s7 =	simm.s32 @p2 $0x1082  }
0x22: {  	[simem:s7], [sflag:s8] =	dma.local @!p0 [hbm:s6], $0xF7A  }
0x23: {  	s9 =	sor.u32 $0xD0000000, s2;
	s6 =	simm.s32 $0x108;
	_ =	swait.ge @!p0 [sflag:s8], $0x0  }
0x24: {  	s3 =	sadd.s32 $0x88, s3;
	s6 =	simm.s32 @!p1 $0x1082;
	[sflag:s4] =	ssyncset.s32 $0xFFFFF086  }
0x25: {  	[simem:s6], [sflag:s4] =	dma.local [hbm:s3], $0xF7A  }
0x26: {  	[smem:$0x3F93] =	sst s1;
	(tag) =	ssettag s2;
	_ =	strace s9  }
0x27: {  	s1 =	sld [smem:$0x3FA3]  }
0x28: {  	s2 =	sld [smem:$0x3FA4]  }
0x29: {  	s4 =	sld [smem:$0x3FA6]  }
0x2a: {  	p0 =	seq.s32 s5, $0x0;
	s5 =	sld [smem:$0x3FA7]  }
0x2b: {  	s6 =	sld [smem:$0x3FA8]  }
0x2c: {  	s7 =	sld [smem:$0x3FA9]  }
0x2d: {  	s3 =	simm.s32 $0x108;
	s8 =	sld [smem:$0x3FAA]  }
0x2e: {  	s3 =	simm.s32 @!p0 $0x1082;
	s9 =	sld [smem:$0x3FAB]  }
0x2f: {  	lr =	sadd.s32 s0, s3;
	s0 =	sld [smem:$0x3FA2]  }
0x30: {  	s3 =	sld [smem:$0x3FA5]  }
0x31: {  	[smem:$0x3FAE] =	sst s10  }
0x32: {  	s10 =	sld [smem:$0x3FAC];
	_ =	sdelay $0x3  }
0x33: {  	p0 =	seq.s32 s10, $0x1;
	s10 =	sld [smem:$0x3FAE];
	_ =	sdelay $0x3  }
0x34: {  	[smem:$0x3FAE] =	sst s10  }
0x35: {  	s10 =	sld [smem:$0x3FAD];
	_ =	sdelay $0x3  }
0x36: {  	p1 =	seq.s32 s10, $0x1;
	s10 =	sld [smem:$0x3FAE];
	_ =	sdelay $0x3  }
0x37: {  	[smem:$0x3FAE] =	sst s10  }
0x38: {  	s10 =	sld [smem:$0x3FAF]  }
0x39: {  	_ = 	snop;
	(pc) =	sbr.ind lr, $3  }
0x3a: {  	_ = 	snop  }
0x3b: {  	_ = 	snop  }
0x3c: {  	p2 =	seq.s32 s10, $0x1;
	s10 =	sld [smem:$0x3FAE]  }
0x3d: {  	_ =	shalt  }
0x3e: {  	_ =	shalt  }
0x3f: {  	_ =	shalt  }
0x40: {  	_ =	shalt  }
0x41: {  	_ =	shalt  }
0x42: {  	_ =	shalt  }
0x43: {  	_ =	shalt  }
0x44: {  	_ =	shalt  }
0x45: {  	_ =	shalt  }
0x46: {  	_ =	shalt  }
0x47: {  	_ =	shalt  }
0x48: {  	_ =	shalt  }
0x49: {  	_ =	shalt  }
0x4a: {  	_ =	shalt  }
0x4b: {  	_ =	shalt  }
0x4c: {  	_ =	shalt  }
0x4d: {  	_ =	shalt  }
0x4e: {  	_ =	shalt  }
0x4f: {  	_ =	shalt  }
0x50: {  	_ =	shalt  }
0x51: {  	_ =	shalt  }
0x52: {  	_ =	shalt  }
0x53: {  	_ =	shalt  }
0x54: {  	_ =	shalt  }
0x55: {  	_ =	shalt  }
0x56: {  	_ =	shalt  }
0x57: {  	_ =	shalt  }
0x58: {  	_ =	shalt  }
0x59: {  	_ =	shalt  }
0x5a: {  	_ =	shalt  }
0x5b: {  	_ =	shalt  }
0x5c: {  	_ =	shalt  }
0x5d: {  	_ =	shalt  }
0x5e: {  	_ =	shalt  }
0x5f: {  	_ =	shalt  }
0x60: {  	_ =	shalt  }
0x61: {  	_ =	shalt  }
0x62: {  	_ =	shalt  }
0x63: {  	_ =	shalt  }
0x64: {  	_ =	shalt  }
0x65: {  	_ =	shalt  }
0x66: {  	_ =	shalt  }
0x67: {  	_ =	shalt  }
0x68: {  	_ =	shalt  }
0x69: {  	_ =	shalt  }
0x6a: {  	_ =	shalt  }
0x6b: {  	_ =	shalt  }
0x6c: {  	_ =	shalt  }
0x6d: {  	_ =	shalt  }
0x6e: {  	_ =	shalt  }
0x6f: {  	_ =	shalt  }
0x70: {  	_ =	shalt  }
0x71: {  	_ =	shalt  }
0x72: {  	_ =	shalt  }
0x73: {  	_ =	shalt  }
0x74: {  	_ =	shalt  }
0x75: {  	_ =	shalt  }
0x76: {  	_ =	shalt  }
0x77: {  	_ =	shalt  }
0x78: {  	_ =	shalt  }
0x79: {  	_ =	shalt  }
0x7a: {  	_ =	shalt  }
0x7b: {  	_ =	shalt  }
0x7c: {  	_ =	shalt  }
0x7d: {  	_ =	shalt  }
0x7e: {  	_ =	shalt  }
0x7f: {  	_ =	shalt  }
0x80: {  	_ =	shalt  }
0x81: {  	_ =	shalt  }
0x82: {  	_ =	shalt  }
0x83: {  	_ =	shalt  }
0x84: {  	_ =	shalt  }
0x85: {  	_ =	shalt  }
0x86: {  	_ =	shalt  }
0x87: {  	_ =	shalt  }
.Lfunc_end0:
.L_simem_size_0:
called_computation_lowered:
.L_overlay_start_0:
0x88: {  	s2 =	sld [smem:$0x3FD9]  }
0x89: {  	s3 =	sld [smem:$0x3FFE];
	_ =	sdelay $0x1  }
0x8a: {  	s1 =	srdreg.scid  }
0x8b: {  	s0 =	sand.u32 $0x1, s1  }
0x8c: {  	s17 =	sshll.u32 s0, $0xA;
	s2 =	sadd.s32 s3, s2  }
0x8d: {  	s2 =	sadd.s32 s2, s17  }
0x8e: {  	[smem:$0x3FBA] =	sst s2  }
0x8f: {  	_ = 	snop  }
0x90: {  	s2 =	sld [smem:$0x3FD0];
	(tm) =	ssettm $0x1  }
0x91: {  	s18 =	sld [smem:$0x3FFB];
	_ =	sdelay $0x3  }
0x92: {  	_ =	strace s18  }
0x93: {  	s3 =	sld [smem:$0x3FFC];
	_ =	sdelay $0x3  }
0x94: {  	_ =	strace s3  }
0x95: {  	s3 =	sld [smem:$0x3FFD];
	_ =	sdelay $0x3  }
0x96: {  	_ =	strace s3  }
0x97: {  	_ =	strace $0x8FFFFFFF  }
0x98: {  	s19 =	sld [smem:$0x3FDB];
	_ =	sdelay $0x1  }
0x99: {  	s4 =	simm.s32 $_scs_section_size  }
0x9a: {  	s5 =	simm.s32 $_size__tile_overlayer_lowered;
	s6 =	simm.s32 $_tile_overlayer_lowered  }
0x9b: {  	s22 =	simm.s32 $0x1BFF;
	s21 =	sshll.u32 s6, $0x1;
	s3 =	sadd.s32 s4, s19  }
0x9c: {  	s7 =	simm.s32 $0x0;
	s20 =	sshll.u32 s5, $0x1;
	s5 =	sadd.s32 s21, s3  }
0x9d: {  	[timem:s7], [sflag:s22] =	dma.local [hbm:s5], s20  }
0x9e: {  	_ =	swait.ge [sflag:s22], s20  }
0x9f: {  	s4 =	ssub.s32 $0x0, s20;
	[sflag:s22] =	ssyncset.done $0x0  }
0xa0: {  	[sflag:s22] =	ssyncadd.s32 s4;
	_ =	sdelay $0x1  }
0xa1: {  	s23 =	simm.s32 $0x1B8B  }
0xa2: {  	_ =	swait.ge [sflag:s23], $0x1  }
0xa3: {  	[sflag:s23] =	ssyncset.done $0x0  }
0xa4: {  	s25 =	simm.s32 $0x1B8E;
	s24 =	sld [smem:$0x3FFE];
	[sflag:s23] =	ssyncadd.s32 $0xFFFFFFFF  }
0xa5: {  	s26 =	simm.s32 $execute0_lowered;
	[smem:$0x3FD2] =	sst s25  }
0xa6: {  	s5 =	sshll.u32 s26, $0x1;
	_ =	strace $0x80000046;
	[dreg:$0x1] =	wrdreg $0xFFFFFFFF  }
0xa7: {  	s28 =	simm.s32 $_size_execute0_lowered;
	s3 =	sadd.s32 s3, s5;
	[dreg:$0x0] =	wrdreg $0x0  }
0xa8: {  	s5 =	sshll.u32 s28, $0x1;
	[dreg:$0x2] =	wrdreg s3  }
0xa9: {  	[dreg:$0x3] =	wrdreg s5  }
0xaa: {  	[dreg:$0x4] =	wrdreg $0xC0  }
0xab: {  	_ =	task [dreg:s7], $0x5FFFF  }
0xac: {  	[dreg:$0x1] =	wrdreg $0xFFFFFFFF  }
0xad: {  	[dreg:$0x0] =	wrdreg $0x60  }
0xae: {  	[dreg:$0x2] =	wrdreg s24  }
0xaf: {  	[dreg:$0x3] =	wrdreg s2  }
0xb0: {  	[dreg:$0x4] =	wrdreg $0x3000  }
0xb1: {  	[dreg:$0x5] =	wrdreg $0x9  }
0xb2: {  	_ =	task.clear_ibuf [dreg:s7], $0x6FFFF;
	_ =	strace $0x90000046  }
0xb3: {  	s29 =	simm.s32 $0x9;
	_ =	strace $0x80000048  }
0xb4: {  	_ =	swait.ge [sflag:s29], $0x1  }
0xb5: {  	[sflag:s29] =	ssyncadd.s32 $0xFFFFFFFF  }
0xb6: {  	_ =	strace $0x90000048  }
0xb7: {  	_ =	sfence  }
0xb8: {  	s30 =	sld [smem:$0x0];
	_ =	sdelay $0x2  }
0xb9: {  	s31 =	sshll.u32 s1, $0xD;
	s1 =	sshrl.u32 s1, $0x2  }
0xba: {  	s3 =	sand.u32 $0x4000, s31;
	s1 =	sadd.s32 s1, s30  }
0xbb: {  	s0 =	sor.u32 s3, s0;
	s1 =	sshll.u32 s1, $0x11  }
0xbc: {  	s0 =	sor.u32 s1, s0  }
0xbd: {  	s0 =	sadd.s32 $0x8F2B, s0  }
0xbe: {  	[sflag:s0] =	ssyncadd.remote.s32 $0x1  }
0xbf: {  	_ =	sfence.sel $0xFFFF  }
0xc0: {  	[dreg:$0x0] =	wrdreg $0xFFFFFFFF;
	(pc) =	sbr.abs _section_cstart, $3  }
0xc1: {  	[dreg:$0x1] =	wrdreg $0xFFFFFFFF  }
0xc2: {  	_ =	task.clear_ibuf [dreg:s7], $0x2FFFF;
	_ =	strace $0x9FFFFFFF  }
0xc3: {  	(tm) =	ssettm $0x7FFFFFFF  }
tec
execute0_lowered:
.L_overlay_start_1:
0x0: {  	(tag) =	ssettag $0x1  }
0x1: {  	s0 =	rddreg [dreg:$0x0]  }
0x2: {  	s10 =	rddreg [dreg:$0x1]  }
0x3: {  	s1 =	rddreg [dreg:$0x2]  }
0x4: {  	s2 =	srdreg.scid;
	s17 =	stileid.u32;
	s20 =	simm.s32 $0x80  }
0x5: {  	s21 =	simm.s32 $0x100;
	s22 =	simm.s32 $0x180;
	s28 =	simm.s32 $0x4  }
0x6: {  	s29 =	simm.s32 $0x5;
	s30 =	simm.s32 $0x0;
	s4 =	sand.u32 $0x1, s2  }
0x7: {  	s2 =	simm.s32 $0x0;
	s16 =	sadd.s32 $0x3800, s0;
	s23 =	sadd.s32 $0xDA00, s0  }
0x8: {  	s9 =	smul.u32 $0x2800, s17;
	s0 =	sadd.s32 $0xD800, s0;
	p0 =	sne.s32 s17, $0x0  }
0x9: {  	s11 =	sshll.u32 s4, $0x4;
	[smem:$0x7FF] =	sst s2;
	s6 =	ssub.s32 $0x2, s4  }
0xa: {  	s8 =	smul.u32 $0x28000, s4;
	s19 =	sshrl.u32 @!p0 s1, $0x3;
	s3 =	sor.u32 s17, s11  }
0xb: {  	_ =	strace $0x80000047;
	[dreg:$0x4] =	wrdreg s23;
	s7 =	sshrl.u32 s6, $0x1  }
0xc: {  	[dreg:$0x5] =	wrdreg s0;
	s10 =	sadd.s32 s10, s11;
	s17 =	simm.s32 $0x280  }
0xd: {  	s23 =	simm.s32 $0x200;
	s5 =	smul.u32 $0x2800, s3;
	s14 =	sadd.s32 s9, s8  }
0xe: {  	s24 =	ssub.s32 s6, s7;
	s12 =	sor.u32 $0x480, s14;
	s13 =	sor.u32 $0x400, s14  }
0xf: {  	s11 =	smax.u32 s24, $0x1;
	s26 =	sor.u32 $0x380, s14;
	s15 =	sor.u32 $0x300, s14  }
0x10: {  	s18 =	sor.u32 $0x280, s14;
	s24 =	simm.s32 $0x1;
	s5 =	sshrl.u32 s5, $0x3  }
0x11: {  	s12 =	sshrl.u32 s12, $0x3;
	s25 =	sshrl.u32 s13, $0x3;
	s0 =	sshrl.u32 s26, $0x3  }
0x12: {  	s15 =	sshrl.u32 s15, $0x3;
	s31 =	sshrl.u32 s18, $0x3;
	s18 =	simm.s32 $0x6  }
0x13: {  	s26 =	simm.s32 $0x3;
	s5 =	sadd.s32 s16, s5;
	s12 =	sadd.s32 s12, s16  }
0x14: {  	s13 =	sadd.s32 s25, s16;
	s14 =	sadd.s32 s0, s16;
	s15 =	sadd.s32 s15, s16  }
0x15: {  	s16 =	sadd.s32 s31, s16;
	s25 =	simm.s32 $0x2;
	s6 =	sadd.s32 $0x10, s5  }
0x16: {  	s7 =	sadd.s32 $0x20, s5;
	s8 =	sadd.s32 $0x30, s5;
	s9 =	sadd.s32 $0x40, s5  }
.LBB2_1:
0x17: {  	s0 =	rddreg [dreg:$0x5]  }
0x18: {  	[tilespmem:s17], [sflag:$0x6] =	stream.linear.gather [hbm4b:s0+s2], $0x80, $0x38;
	[tilespmem:$0x588] =	vst v63  }
0x19: {  	_ =	swait.ge [sflag:s18], $0x80  }
0x1a: {  	[sflag:s18] =	ssyncset.done $0x0  }
0x1b: {  	s0 =	simm.s32 @!p0 $0x1C06;
	s3 =	rddreg [dreg:$0x4];
	[sflag:s18] =	ssyncadd.s32 $0xFFFFFF80  }
0x1c: {  	[spmem:s19], [sflag:s0] =	dma.local @!p0 [hbm:s3], $0x510  }
0x1d: {  	s0 =	simm.s32 @!p0 $0x6  }
0x1e: {  	_ =	swait.ge @!p0 [sflag:s0], $0x510  }
0x1f: {  	[sflag:s0] =	ssyncset.done @!p0 $0x0  }
0x20: {  	[sflag:s0] =	ssyncadd.s32 @!p0 $0xFFFFFAF0  }
0x21: {  	[bflag:$0x0] =	sbarrier.arrive $0xFFFF  }
0x22: {  	[tilespmem:s2], [sflag:$0x6] =	stream.linear.gather [hbm4b:s5+s2], $0x80, $0x38;
	[tilespmem:$0x588] =	vst v63  }
0x23: {  	_ =	swait.ge [sflag:s18], $0x80  }
0x24: {  	[sflag:s18] =	ssyncset.done $0x0  }
0x25: {  	[sflag:s18] =	ssyncadd.s32 $0xFFFFFF80  }
0x26: {  	[tilespmem:s20], [sflag:$0x6] =	stream.linear.gather [hbm4b:s6+s2], $0x80, $0x38;
	[tilespmem:$0x588] =	vst v63  }
0x27: {  	_ =	swait.ge [sflag:s18], $0x80  }
0x28: {  	[sflag:s18] =	ssyncset.done $0x0  }
0x29: {  	[sflag:s18] =	ssyncadd.s32 $0xFFFFFF80  }
0x2a: {  	[tilespmem:s21], [sflag:$0x6] =	stream.linear.gather [hbm4b:s7+s2], $0x80, $0x38;
	[tilespmem:$0x588] =	vst v63  }
0x2b: {  	_ =	swait.ge [sflag:s18], $0x80  }
0x2c: {  	[sflag:s18] =	ssyncset.done $0x0  }
0x2d: {  	[sflag:s18] =	ssyncadd.s32 $0xFFFFFF80  }
0x2e: {  	[tilespmem:s22], [sflag:$0x6] =	stream.linear.gather [hbm4b:s8+s2], $0x80, $0x38;
	[tilespmem:$0x588] =	vst v63  }
0x2f: {  	_ =	swait.ge [sflag:s18], $0x80  }
0x30: {  	[sflag:s18] =	ssyncset.done $0x0  }
0x31: {  	[sflag:s18] =	ssyncadd.s32 $0xFFFFFF80  }
0x32: {  	[tilespmem:s23], [sflag:$0x6] =	stream.linear.gather [hbm4b:s9+s2], $0x80, $0x38;
	[tilespmem:$0x588] =	vst v63  }
0x33: {  	_ =	swait.ge [sflag:s18], $0x80  }
0x34: {  	[sflag:s18] =	ssyncset.done $0x0  }
0x35: {  	[sflag:s18] =	ssyncadd.s32 $0xFFFFFF80  }
0x36: {  	[spmem:s1] =	stream.indirect.scatter.add.s32 [tilespmem:s17], [sflag:$0x1], $0x1, s2, s20, $0xb8;
	[tilespmem:$0x588] =	vst v63  }
0x37: {  	_ = 	snop  }
0x38: {  	[spmem:s1] =	stream.indirect.scatter.add.s32 [tilespmem:s17], [sflag:$0x2], $0x1, s20, s20, $0xb8;
	[tilespmem:$0x588] =	vst v63  }
0x39: {  	_ = 	snop  }
0x3a: {  	[spmem:s1] =	stream.indirect.scatter.add.s32 [tilespmem:s17], [sflag:$0x3], $0x1, s21, s20, $0xb8;
	[tilespmem:$0x588] =	vst v63  }
0x3b: {  	_ = 	snop  }
0x3c: {  	[spmem:s1] =	stream.indirect.scatter.add.s32 [tilespmem:s17], [sflag:$0x4], $0x1, s22, s20, $0xb8;
	[tilespmem:$0x588] =	vst v63  }
0x3d: {  	_ = 	snop  }
0x3e: {  	[spmem:s1] =	stream.indirect.scatter.add.s32 [tilespmem:s17], [sflag:$0x5], $0x1, s23, s20, $0xb8;
	[tilespmem:$0x588] =	vst v63  }
0x3f: {  	_ =	swait.ge [sflag:s24], $0x80  }
0x40: {  	[sflag:s24] =	ssyncset.done $0x0  }
0x41: {  	s4 =	sadd.s32 $0x0, s16;
	[sflag:s24] =	ssyncadd.s32 $0xFFFFFF80  }
0x42: {  	[tilespmem:s2], [sflag:$0x6] =	stream.linear.gather [hbm4b:s4+s2], $0x80, $0x38;
	[tilespmem:$0x588] =	vst v63  }
0x43: {  	_ =	swait.ge [sflag:s18], $0x80  }
0x44: {  	[sflag:s18] =	ssyncset.done $0x0  }
0x45: {  	[sflag:s18] =	ssyncadd.s32 $0xFFFFFF80  }
0x46: {  	_ =	swait.ge [sflag:s25], $0x80  }
0x47: {  	[sflag:s25] =	ssyncset.done $0x0  }
0x48: {  	s3 =	sadd.s32 $0x0, s15;
	[sflag:s25] =	ssyncadd.s32 $0xFFFFFF80  }
0x49: {  	[tilespmem:s20], [sflag:$0x6] =	stream.linear.gather [hbm4b:s3+s2], $0x80, $0x38;
	[tilespmem:$0x588] =	vst v63  }
0x4a: {  	_ =	swait.ge [sflag:s18], $0x80  }
0x4b: {  	[sflag:s18] =	ssyncset.done $0x0  }
0x4c: {  	[sflag:s18] =	ssyncadd.s32 $0xFFFFFF80  }
0x4d: {  	_ =	swait.ge [sflag:s26], $0x80  }
0x4e: {  	[sflag:s26] =	ssyncset.done $0x0  }
0x4f: {  	s4 =	sadd.s32 $0x0, s14;
	[sflag:s26] =	ssyncadd.s32 $0xFFFFFF80  }
0x50: {  	[tilespmem:s21], [sflag:$0x6] =	stream.linear.gather [hbm4b:s4+s2], $0x80, $0x38;
	[tilespmem:$0x588] =	vst v63  }
0x51: {  	_ =	swait.ge [sflag:s18], $0x80  }
0x52: {  	[sflag:s18] =	ssyncset.done $0x0  }
0x53: {  	[sflag:s18] =	ssyncadd.s32 $0xFFFFFF80  }
0x54: {  	_ =	swait.ge [sflag:s28], $0x80  }
0x55: {  	[sflag:s28] =	ssyncset.done $0x0  }
0x56: {  	s3 =	sadd.s32 $0x0, s13;
	[sflag:s28] =	ssyncadd.s32 $0xFFFFFF80  }
0x57: {  	[tilespmem:s22], [sflag:$0x6] =	stream.linear.gather [hbm4b:s3+s2], $0x80, $0x38;
	[tilespmem:$0x588] =	vst v63  }
0x58: {  	_ =	swait.ge [sflag:s18], $0x80  }
0x59: {  	[sflag:s18] =	ssyncset.done $0x0  }
0x5a: {  	[sflag:s18] =	ssyncadd.s32 $0xFFFFFF80  }
0x5b: {  	_ =	swait.ge [sflag:s29], $0x80  }
0x5c: {  	[sflag:s29] =	ssyncset.done $0x0  }
0x5d: {  	s4 =	sadd.s32 $0x0, s12;
	[sflag:s29] =	ssyncadd.s32 $0xFFFFFF80  }
0x5e: {  	[tilespmem:s23], [sflag:$0x6] =	stream.linear.gather [hbm4b:s4+s2], $0x80, $0x38;
	[tilespmem:$0x588] =	vst v63  }
0x5f: {  	_ =	swait.ge [sflag:s18], $0x80  }
0x60: {  	s31 =	simm.s32 $0x50;
	[sflag:s18] =	ssyncset.done $0x0  }
.LBB2_2:
0x61: {  	p1 =	sne.s32 s31, $0x460  }
0x62: {  	[sflag:s18] =	ssyncadd.s32 $0xFFFFFF80;
	s0 =	smov.u32 s31;
	s31 =	sadd.s32 $0x50, s31  }
0x63: {  	[spmem:s1] =	stream.indirect.scatter.add.s32 [tilespmem:s17], [sflag:$0x1], $0x1, s2, s20, $0xb8;
	[tilespmem:$0x588] =	vst v63  }
0x64: {  	_ = 	snop  }
0x65: {  	[spmem:s1] =	stream.indirect.scatter.add.s32 [tilespmem:s17], [sflag:$0x2], $0x1, s20, s20, $0xb8;
	[tilespmem:$0x588] =	vst v63  }
0x66: {  	_ = 	snop  }
0x67: {  	[spmem:s1] =	stream.indirect.scatter.add.s32 [tilespmem:s17], [sflag:$0x3], $0x1, s21, s20, $0xb8;
	[tilespmem:$0x588] =	vst v63  }
0x68: {  	_ = 	snop  }
0x69: {  	[spmem:s1] =	stream.indirect.scatter.add.s32 [tilespmem:s17], [sflag:$0x4], $0x1, s22, s20, $0xb8;
	[tilespmem:$0x588] =	vst v63  }
0x6a: {  	_ = 	snop  }
0x6b: {  	[spmem:s1] =	stream.indirect.scatter.add.s32 [tilespmem:s17], [sflag:$0x5], $0x1, s23, s20, $0xb8;
	[tilespmem:$0x588] =	vst v63  }
0x6c: {  	_ =	swait.ge [sflag:s24], $0x80  }
0x6d: {  	[sflag:s24] =	ssyncset.done $0x0  }
0x6e: {  	s3 =	sadd.s32 s0, s16;
	[sflag:s24] =	ssyncadd.s32 $0xFFFFFF80  }
0x6f: {  	[tilespmem:s2], [sflag:$0x6] =	stream.linear.gather [hbm4b:s3+s2], $0x80, $0x38;
	[tilespmem:$0x588] =	vst v63  }
0x70: {  	_ =	swait.ge [sflag:s18], $0x80  }
0x71: {  	[sflag:s18] =	ssyncset.done $0x0  }
0x72: {  	[sflag:s18] =	ssyncadd.s32 $0xFFFFFF80  }
0x73: {  	_ =	swait.ge [sflag:s25], $0x80  }
0x74: {  	[sflag:s25] =	ssyncset.done $0x0  }
0x75: {  	s3 =	sadd.s32 s0, s15;
	[sflag:s25] =	ssyncadd.s32 $0xFFFFFF80  }
0x76: {  	[tilespmem:s20], [sflag:$0x6] =	stream.linear.gather [hbm4b:s3+s2], $0x80, $0x38;
	[tilespmem:$0x588] =	vst v63  }
0x77: {  	_ =	swait.ge [sflag:s18], $0x80  }
0x78: {  	[sflag:s18] =	ssyncset.done $0x0  }
0x79: {  	[sflag:s18] =	ssyncadd.s32 $0xFFFFFF80  }
0x7a: {  	_ =	swait.ge [sflag:s26], $0x80  }
0x7b: {  	[sflag:s26] =	ssyncset.done $0x0  }
0x7c: {  	s3 =	sadd.s32 s0, s14;
	[sflag:s26] =	ssyncadd.s32 $0xFFFFFF80  }
0x7d: {  	[tilespmem:s21], [sflag:$0x6] =	stream.linear.gather [hbm4b:s3+s2], $0x80, $0x38;
	[tilespmem:$0x588] =	vst v63  }
0x7e: {  	_ =	swait.ge [sflag:s18], $0x80  }
0x7f: {  	[sflag:s18] =	ssyncset.done $0x0  }
0x80: {  	[sflag:s18] =	ssyncadd.s32 $0xFFFFFF80  }
0x81: {  	_ =	swait.ge [sflag:s28], $0x80  }
0x82: {  	[sflag:s28] =	ssyncset.done $0x0  }
0x83: {  	s3 =	sadd.s32 s0, s13;
	[sflag:s28] =	ssyncadd.s32 $0xFFFFFF80  }
0x84: {  	[tilespmem:s22], [sflag:$0x6] =	stream.linear.gather [hbm4b:s3+s2], $0x80, $0x38;
	[tilespmem:$0x588] =	vst v63  }
0x85: {  	_ =	swait.ge [sflag:s18], $0x80  }
0x86: {  	[sflag:s18] =	ssyncset.done $0x0  }
0x87: {  	[sflag:s18] =	ssyncadd.s32 $0xFFFFFF80  }
0x88: {  	_ =	swait.ge [sflag:s29], $0x80  }
.Ltmp0:
0x89: {  	[sflag:s29] =	ssyncset.done $0x0;
	(pc) =	sbr.rel @p1 .LBB2_2-.Ltmp0, $4  }
0x8a: {  	s0 =	sadd.s32 s0, s12;
	[sflag:s29] =	ssyncadd.s32 $0xFFFFFF80  }
0x8b: {  	[tilespmem:s23], [sflag:$0x6] =	stream.linear.gather [hbm4b:s0+s2], $0x80, $0x38;
	[tilespmem:$0x588] =	vst v63  }
0x8c: {  	_ =	swait.ge [sflag:s18], $0x80  }
0x8d: {  	[sflag:s18] =	ssyncset.done $0x0  }
0x8e: {  	[sflag:s18] =	ssyncadd.s32 $0xFFFFFF80  }
0x8f: {  	[spmem:s1] =	stream.indirect.scatter.add.s32 [tilespmem:s17], [sflag:$0x1], $0x1, s2, s20, $0xb8;
	[tilespmem:$0x588] =	vst v63  }
0x90: {  	_ = 	snop  }
0x91: {  	[spmem:s1] =	stream.indirect.scatter.add.s32 [tilespmem:s17], [sflag:$0x2], $0x1, s20, s20, $0xb8;
	[tilespmem:$0x588] =	vst v63  }
0x92: {  	_ = 	snop  }
0x93: {  	[spmem:s1] =	stream.indirect.scatter.add.s32 [tilespmem:s17], [sflag:$0x3], $0x1, s21, s20, $0xb8;
	[tilespmem:$0x588] =	vst v63  }
0x94: {  	_ = 	snop  }
0x95: {  	[spmem:s1] =	stream.indirect.scatter.add.s32 [tilespmem:s17], [sflag:$0x4], $0x1, s22, s20, $0xb8;
	[tilespmem:$0x588] =	vst v63  }
0x96: {  	_ = 	snop  }
0x97: {  	[spmem:s1] =	stream.indirect.scatter.add.s32 [tilespmem:s17], [sflag:$0x5], $0x1, s23, s20, $0xb8;
	[tilespmem:$0x588] =	vst v63  }
0x98: {  	_ =	swait.ge [sflag:s24], $0x80  }
0x99: {  	[sflag:s24] =	ssyncset.done $0x0  }
0x9a: {  	[sflag:s24] =	ssyncadd.s32 $0xFFFFFF80  }
0x9b: {  	_ =	swait.ge [sflag:s25], $0x80  }
0x9c: {  	[sflag:s25] =	ssyncset.done $0x0  }
0x9d: {  	[sflag:s25] =	ssyncadd.s32 $0xFFFFFF80  }
0x9e: {  	_ =	swait.ge [sflag:s26], $0x80  }
0x9f: {  	[sflag:s26] =	ssyncset.done $0x0  }
0xa0: {  	[sflag:s26] =	ssyncadd.s32 $0xFFFFFF80  }
0xa1: {  	_ =	swait.ge [sflag:s28], $0x80  }
0xa2: {  	[sflag:s28] =	ssyncset.done $0x0  }
0xa3: {  	[sflag:s28] =	ssyncadd.s32 $0xFFFFFF80  }
0xa4: {  	_ =	swait.ge [sflag:s29], $0x80  }
0xa5: {  	s0 =	simm.s32 @!p0 $0x1;
	s3 =	simm.s32 @!p0 $0x20;
	[sflag:s29] =	ssyncset.done $0x0  }
0xa6: {  	s31 =	simm.s32 @!p0 $0x10;
	s30 =	sadd.s32 $0x1, s30;
	[sflag:s29] =	ssyncadd.s32 $0xFFFFFF80  }
0xa7: {  	s4 =	simm.s32 @!p0 $0x1C06;
	p1 =	sne.s32 s30, s11;
	[bflag:$0x0] =	sbarrier.arrive $0xFFFF  }
0xa8: {  	[hbm:s10@s3], [sflag:s4] =	dma.strided @!p0 [spmem:s19@s31], $0x510, s0, $0x10   }
.Ltmp1:
0xa9: {  	_ = 	snop;
	(pc) =	sbr.rel @p1 .LBB2_1-.Ltmp1, $4  }
0xaa: {  	s0 =	simm.s32 @!p0 $0x6  }
0xab: {  	_ =	swait.ge @!p0 [sflag:s0], $0x510  }
0xac: {  	[sflag:s0] =	ssyncset.done @!p0 $0x0  }
0xad: {  	[sflag:s0] =	ssyncadd.s32 @!p0 $0xFFFFFAF0  }
0xae: {  	_ =	sfence.sel $0x180000  }
0xaf: {  	[bflag:$0x0] =	sbarrier.arrive $0xFFFF  }
0xb0: {  	_ =	strace $0x90000047  }
0xb1: {  	[bflag:$0x2] =	sbarrier.arrive $0xFFFF  }
0xb2: {  	s0 =	rddreg [dreg:$0x3]  }
0xb3: {  	s0 =	sadd.s32 @!p0 $0x100000, s0  }
0xb4: {  	[sflag:s0] =	ssyncadd.tile.s32 @!p0 $0x1;
	_ =	shalt  }
.Lfunc_end2:
_tile_overlayer_lowered:
.L_overlay_start_2:
0xb5: {  	(tag) =	ssettag $0x2  }
0xb6: {  	s0 =	rddreg [dreg:$0x0];
	s2 =	stileid.u32  }
0xb7: {  	s1 =	rddreg [dreg:$0x1];
	p0 =	sne.s32 s2, $0x0  }
0xb8: {  	s3 =	rddreg [dreg:$0x2];
	[bflag:$0x3] =	sbarrier.arrive $0xFFFF;
	s2 =	simm.s32 @!p0 $0x1C06  }
0xb9: {  	[timem:s3], [sflag:s2] =	dma.local @!p0 [hbm:s0], s1  }
0xba: {  	s0 =	simm.s32 @!p0 $0x6  }
0xbb: {  	_ =	swait.ge @!p0 [sflag:s0], s1  }
0xbc: {  	s1 =	ssub.s32 @!p0 $0x0, s1;
	[sflag:s0] =	ssyncset.done @!p0 $0x0  }
0xbd: {  	[sflag:s0] =	ssyncadd.s32 @!p0 s1  }
0xbe: {  	[bflag:$0x3] =	sbarrier.arrive $0xFFFF  }
0xbf: {  	_ =	shalt  }

// kernel: kernel.13.cloned.1.call-start
scs
__scs_entry_jumppad:
0x0: {  	(pc) =	sbr.rel $0x88, $3  }
0x1: {  	(tag) =	ssettag $0x0;
	lr =	simm.s32 $0x1  }
0x2: {  	[smem:$0x3F93] =	sst lr;
	_ =	strace $0xD0000000  }
0x3: {  	_ = 	snop  }
0x4: {  	_ = 	snop  }
0x5: {  	_ = 	snop  }
0x6: {  	_ = 	snop  }
0x7: {  	_ = 	snop  }
__scs_overlays_trampoline_lowered:
0x8: {  	[smem:$0x3FA2] =	sst s0  }
0x9: {  	[smem:$0x3FA3] =	sst s1  }
0xa: {  	[smem:$0x3FA4] =	sst s2  }
0xb: {  	[smem:$0x3FA5] =	sst s3  }
0xc: {  	[smem:$0x3FA6] =	sst s4  }
0xd: {  	[smem:$0x3FA7] =	sst s5  }
0xe: {  	[smem:$0x3FA8] =	sst s6  }
0xf: {  	[smem:$0x3FA9] =	sst s7  }
0x10: {  	[smem:$0x3FAA] =	sst s8  }
0x11: {  	[smem:$0x3FAB] =	sst s9;
	s0 =	simm.s32 @!p0 $0x0  }
0x12: {  	s1 =	sld [smem:$0x3F91];
	s0 =	simm.s32 @p0 $0x1  }
0x13: {  	[smem:$0x3FAC] =	sst s0;
	s0 =	simm.s32 @!p1 $0x0  }
0x14: {  	s2 =	sld [smem:$0x3F90];
	s0 =	simm.s32 @p1 $0x1  }
0x15: {  	[smem:$0x3FAD] =	sst s0;
	s0 =	simm.s32 @!p2 $0x0  }
0x16: {  	s3 =	sld [smem:$0x3FDB];
	s0 =	simm.s32 @p2 $0x1  }
0x17: {  	s4 =	simm.s32 $0x1BF5;
	[smem:$0x3FAF] =	sst s0  }
0x18: {  	s0 =	sld [smem:$0x3F92];
	_ =	swait.ge [sflag:s4], $0x0  }
0x19: {  	s7 =	sld [smem:$0x3F93]  }
0x1a: {  	s8 =	sadd.s32 $0xFFFFE003, lr  }
0x1b: {  	s9 =	sadd.s32 $0xFFFFFEF7, lr;
	s5 =	simm.s32 $0xFFFFFFFF;
	p2 =	slt.u32 s8, $0xFFFFF086  }
0x1c: {  	p1 =	slt.u32 s9, $0xF7A;
	s5 =	simm.s32 @!p2 $0x0  }
0x1d: {  	s5 =	simm.s32 @p1 $0x1;
	p0 =	seq.s32 s7, s2  }
0x1e: {  	s7 =	smul.u32 @!p0 $0xF7A, s2;
	p2 =	seq.s32 @!p0 s5, $0x0  }
0x1f: {  	s9 =	smul.u32 $0xF7A, s1;
	s8 =	simm.s32 @!p0 $0x1BF5;
	p2 =	por !p2, p0  }
0x20: {  	[sflag:s8] =	ssyncset.s32 @!p0 $0xFFFFF086;
	s6 =	sadd.s32 @!p0 s3, s7;
	s7 =	simm.s32 @!p0 $0x108  }
0x21: {  	s3 =	sadd.s32 s3, s9;
	s6 =	sadd.s32 @!p0 $0x88, s6;
	s7 =	simm.s32 @p2 $0x1082  }
0x22: {  	[simem:s7], [sflag:s8] =	dma.local @!p0 [hbm:s6], $0xF7A  }
0x23: {  	s9 =	sor.u32 $0xD0000000, s2;
	s6 =	simm.s32 $0x108;
	_ =	swait.ge @!p0 [sflag:s8], $0x0  }
0x24: {  	s3 =	sadd.s32 $0x88, s3;
	s6 =	simm.s32 @!p1 $0x1082;
	[sflag:s4] =	ssyncset.s32 $0xFFFFF086  }
0x25: {  	[simem:s6], [sflag:s4] =	dma.local [hbm:s3], $0xF7A  }
0x26: {  	[smem:$0x3F93] =	sst s1;
	(tag) =	ssettag s2;
	_ =	strace s9  }
0x27: {  	s1 =	sld [smem:$0x3FA3]  }
0x28: {  	s2 =	sld [smem:$0x3FA4]  }
0x29: {  	s4 =	sld [smem:$0x3FA6]  }
0x2a: {  	p0 =	seq.s32 s5, $0x0;
	s5 =	sld [smem:$0x3FA7]  }
0x2b: {  	s6 =	sld [smem:$0x3FA8]  }
0x2c: {  	s7 =	sld [smem:$0x3FA9]  }
0x2d: {  	s3 =	simm.s32 $0x108;
	s8 =	sld [smem:$0x3FAA]  }
0x2e: {  	s3 =	simm.s32 @!p0 $0x1082;
	s9 =	sld [smem:$0x3FAB]  }
0x2f: {  	lr =	sadd.s32 s0, s3;
	s0 =	sld [smem:$0x3FA2]  }
0x30: {  	s3 =	sld [smem:$0x3FA5]  }
0x31: {  	[smem:$0x3FAE] =	sst s10  }
0x32: {  	s10 =	sld [smem:$0x3FAC];
	_ =	sdelay $0x3  }
0x33: {  	p0 =	seq.s32 s10, $0x1;
	s10 =	sld [smem:$0x3FAE];
	_ =	sdelay $0x3  }
0x34: {  	[smem:$0x3FAE] =	sst s10  }
0x35: {  	s10 =	sld [smem:$0x3FAD];
	_ =	sdelay $0x3  }
0x36: {  	p1 =	seq.s32 s10, $0x1;
	s10 =	sld [smem:$0x3FAE];
	_ =	sdelay $0x3  }
0x37: {  	[smem:$0x3FAE] =	sst s10  }
0x38: {  	s10 =	sld [smem:$0x3FAF]  }
0x39: {  	_ = 	snop;
	(pc) =	sbr.ind lr, $3  }
0x3a: {  	_ = 	snop  }
0x3b: {  	_ = 	snop  }
0x3c: {  	p2 =	seq.s32 s10, $0x1;
	s10 =	sld [smem:$0x3FAE]  }
0x3d: {  	_ =	shalt  }
0x3e: {  	_ =	shalt  }
0x3f: {  	_ =	shalt  }
0x40: {  	_ =	shalt  }
0x41: {  	_ =	shalt  }
0x42: {  	_ =	shalt  }
0x43: {  	_ =	shalt  }
0x44: {  	_ =	shalt  }
0x45: {  	_ =	shalt  }
0x46: {  	_ =	shalt  }
0x47: {  	_ =	shalt  }
0x48: {  	_ =	shalt  }
0x49: {  	_ =	shalt  }
0x4a: {  	_ =	shalt  }
0x4b: {  	_ =	shalt  }
0x4c: {  	_ =	shalt  }
0x4d: {  	_ =	shalt  }
0x4e: {  	_ =	shalt  }
0x4f: {  	_ =	shalt  }
0x50: {  	_ =	shalt  }
0x51: {  	_ =	shalt  }
0x52: {  	_ =	shalt  }
0x53: {  	_ =	shalt  }
0x54: {  	_ =	shalt  }
0x55: {  	_ =	shalt  }
0x56: {  	_ =	shalt  }
0x57: {  	_ =	shalt  }
0x58: {  	_ =	shalt  }
0x59: {  	_ =	shalt  }
0x5a: {  	_ =	shalt  }
0x5b: {  	_ =	shalt  }
0x5c: {  	_ =	shalt  }
0x5d: {  	_ =	shalt  }
0x5e: {  	_ =	shalt  }
0x5f: {  	_ =	shalt  }
0x60: {  	_ =	shalt  }
0x61: {  	_ =	shalt  }
0x62: {  	_ =	shalt  }
0x63: {  	_ =	shalt  }
0x64: {  	_ =	shalt  }
0x65: {  	_ =	shalt  }
0x66: {  	_ =	shalt  }
0x67: {  	_ =	shalt  }
0x68: {  	_ =	shalt  }
0x69: {  	_ =	shalt  }
0x6a: {  	_ =	shalt  }
0x6b: {  	_ =	shalt  }
0x6c: {  	_ =	shalt  }
0x6d: {  	_ =	shalt  }
0x6e: {  	_ =	shalt  }
0x6f: {  	_ =	shalt  }
0x70: {  	_ =	shalt  }
0x71: {  	_ =	shalt  }
0x72: {  	_ =	shalt  }
0x73: {  	_ =	shalt  }
0x74: {  	_ =	shalt  }
0x75: {  	_ =	shalt  }
0x76: {  	_ =	shalt  }
0x77: {  	_ =	shalt  }
0x78: {  	_ =	shalt  }
0x79: {  	_ =	shalt  }
0x7a: {  	_ =	shalt  }
0x7b: {  	_ =	shalt  }
0x7c: {  	_ =	shalt  }
0x7d: {  	_ =	shalt  }
0x7e: {  	_ =	shalt  }
0x7f: {  	_ =	shalt  }
0x80: {  	_ =	shalt  }
0x81: {  	_ =	shalt  }
0x82: {  	_ =	shalt  }
0x83: {  	_ =	shalt  }
0x84: {  	_ =	shalt  }
0x85: {  	_ =	shalt  }
0x86: {  	_ =	shalt  }
0x87: {  	_ =	shalt  }
.Lfunc_end0:
.L_simem_size_0:
called_computation.1_lowered:
.L_overlay_start_0:
0x88: {  	s2 =	sld [smem:$0x3FD9]  }
0x89: {  	s3 =	sld [smem:$0x3FFE];
	_ =	sdelay $0x1  }
0x8a: {  	s1 =	srdreg.scid  }
0x8b: {  	s0 =	sand.u32 $0x1, s1  }
0x8c: {  	s17 =	sshll.u32 s0, $0xA;
	s2 =	sadd.s32 s3, s2  }
0x8d: {  	s2 =	sadd.s32 s2, s17  }
0x8e: {  	[smem:$0x3FBA] =	sst s2  }
0x8f: {  	_ = 	snop  }
0x90: {  	s2 =	sld [smem:$0x3FD0];
	(tm) =	ssettm $0x1  }
0x91: {  	s18 =	sld [smem:$0x3FFB];
	_ =	sdelay $0x3  }
0x92: {  	_ =	strace s18  }
0x93: {  	s3 =	sld [smem:$0x3FFC];
	_ =	sdelay $0x3  }
0x94: {  	_ =	strace s3  }
0x95: {  	s3 =	sld [smem:$0x3FFD];
	_ =	sdelay $0x3  }
0x96: {  	_ =	strace s3  }
0x97: {  	_ =	strace $0x8FFFFFFF  }
0x98: {  	s19 =	sld [smem:$0x3FDB];
	_ =	sdelay $0x1  }
0x99: {  	s4 =	simm.s32 $_scs_section_size  }
0x9a: {  	s5 =	simm.s32 $_size__tile_overlayer_lowered;
	s6 =	simm.s32 $_tile_overlayer_lowered  }
0x9b: {  	s22 =	simm.s32 $0x1BFF;
	s21 =	sshll.u32 s6, $0x1;
	s3 =	sadd.s32 s4, s19  }
0x9c: {  	s7 =	simm.s32 $0x0;
	s20 =	sshll.u32 s5, $0x1;
	s5 =	sadd.s32 s21, s3  }
0x9d: {  	[timem:s7], [sflag:s22] =	dma.local [hbm:s5], s20  }
0x9e: {  	_ =	swait.ge [sflag:s22], s20  }
0x9f: {  	s4 =	ssub.s32 $0x0, s20;
	[sflag:s22] =	ssyncset.done $0x0  }
0xa0: {  	[sflag:s22] =	ssyncadd.s32 s4;
	_ =	sdelay $0x1  }
0xa1: {  	s23 =	simm.s32 $0x1B8B  }
0xa2: {  	_ =	swait.ge [sflag:s23], $0x1  }
0xa3: {  	[sflag:s23] =	ssyncset.done $0x0  }
0xa4: {  	s25 =	simm.s32 $0x1B8E;
	s24 =	sld [smem:$0x3FFE];
	[sflag:s23] =	ssyncadd.s32 $0xFFFFFFFF  }
0xa5: {  	s26 =	simm.s32 $execute0_lowered;
	[smem:$0x3FD2] =	sst s25  }
0xa6: {  	s5 =	sshll.u32 s26, $0x1;
	_ =	strace $0x80000049;
	[dreg:$0x1] =	wrdreg $0xFFFFFFFF  }
0xa7: {  	s28 =	simm.s32 $_size_execute0_lowered;
	s3 =	sadd.s32 s3, s5;
	[dreg:$0x0] =	wrdreg $0x0  }
0xa8: {  	s5 =	sshll.u32 s28, $0x1;
	[dreg:$0x2] =	wrdreg s3  }
0xa9: {  	[dreg:$0x3] =	wrdreg s5  }
0xaa: {  	[dreg:$0x4] =	wrdreg $0xC0  }
0xab: {  	_ =	task [dreg:s7], $0x5FFFF  }
0xac: {  	[dreg:$0x1] =	wrdreg $0xFFFFFFFF  }
0xad: {  	[dreg:$0x0] =	wrdreg $0x60  }
0xae: {  	[dreg:$0x2] =	wrdreg s2  }
0xaf: {  	[dreg:$0x3] =	wrdreg s24  }
0xb0: {  	[dreg:$0x4] =	wrdreg $0xA5000  }
0xb1: {  	[dreg:$0x5] =	wrdreg $0x9  }
0xb2: {  	_ =	task.clear_ibuf [dreg:s7], $0x6FFFF;
	_ =	strace $0x90000049  }
0xb3: {  	s29 =	simm.s32 $0x9;
	_ =	strace $0x8000004B  }
0xb4: {  	_ =	swait.ge [sflag:s29], $0x1  }
0xb5: {  	[sflag:s29] =	ssyncadd.s32 $0xFFFFFFFF  }
0xb6: {  	_ =	strace $0x9000004B  }
0xb7: {  	_ =	sfence  }
0xb8: {  	s30 =	sld [smem:$0x0];
	_ =	sdelay $0x2  }
0xb9: {  	s31 =	sshll.u32 s1, $0xD;
	s1 =	sshrl.u32 s1, $0x2  }
0xba: {  	s3 =	sand.u32 $0x4000, s31;
	s1 =	sadd.s32 s1, s30  }
0xbb: {  	s0 =	sor.u32 s3, s0;
	s1 =	sshll.u32 s1, $0x11  }
0xbc: {  	s0 =	sor.u32 s1, s0  }
0xbd: {  	s0 =	sadd.s32 $0x8F2B, s0  }
0xbe: {  	[sflag:s0] =	ssyncadd.remote.s32 $0x1  }
0xbf: {  	_ =	sfence.sel $0xFFFF  }
0xc0: {  	[dreg:$0x0] =	wrdreg $0xFFFFFFFF;
	(pc) =	sbr.abs _section_cstart, $3  }
0xc1: {  	[dreg:$0x1] =	wrdreg $0xFFFFFFFF  }
0xc2: {  	_ =	task.clear_ibuf [dreg:s7], $0x2FFFF;
	_ =	strace $0x9FFFFFFF  }
0xc3: {  	(tm) =	ssettm $0x7FFFFFFF  }
tec
execute0_lowered:
.L_overlay_start_1:
0x0: {  	(tag) =	ssettag $0x1  }
0x1: {  	s1 =	rddreg [dreg:$0x0]  }
0x2: {  	s7 =	rddreg [dreg:$0x1]  }
0x3: {  	s2 =	rddreg [dreg:$0x2]  }
0x4: {  	s3 =	simm.s32 $0x0;
	s0 =	stileid.u32;
	s6 =	srdreg.scid  }
0x5: {  	s28 =	simm.s32 $0x80;
	s31 =	simm.s32 $0x100;
	s29 =	simm.s32 $0x300  }
0x6: {  	[smem:$0x7FF] =	sst s3;
	s8 =	smul.u32 $0x13800, s0;
	s4 =	sadd.s32 $0xE000, s7  }
0x7: {  	s5 =	sadd.s32 $0x3800, s7;
	s10 =	sand.u32 $0x1, s6;
	s22 =	smul.u32 $0x4E000, s0  }
0x8: {  	s11 =	sadd.s32 $0x3F200, s7;
	s25 =	sshll.u32 s0, $0x6;
	s26 =	sadd.s32 $0x138000, s2  }
0x9: {  	p0 =	sne.s32 s0, $0x0;
	_ =	strace $0x8000004A;
	s12 =	ssub.s32 $0x2, s10  }
0xa: {  	s14 =	sshll.u32 s10, $0x4;
	s21 =	sor.u32 $0x1C0B, s25;
	s30 =	smul.u32 $0x138800, s10  }
0xb: {  	[dreg:$0x11] =	wrdreg s26;
	s10 =	smul.u32 $0x28000, s10;
	s9 =	sshrl.u32 s8, $0x3  }
0xc: {  	s13 =	sshrl.u32 s12, $0x1;
	s15 =	sshrl.u32 s22, $0x2;
	s23 =	sor.u32 s0, s14  }
0xd: {  	[dreg:$0x10] =	wrdreg s21;
	s9 =	sadd.s32 s9, s7;
	s6 =	ssub.s32 s12, s13  }
0xe: {  	s24 =	sadd.s32 s15, s2;
	s12 =	smul.u32 $0x2800, s23;
	s7 =	sadd.s32 $0x3F000, s7  }
0xf: {  	s15 =	smul.u32 $0x2800, s0;
	s8 =	sadd.s32 s8, s30;
	[dreg:$0xe] =	wrdreg s24  }
0x10: {  	s20 =	sshrl.u32 s30, $0x3;
	s9 =	sadd.s32 $0x18000, s9;
	[dreg:$0x12] =	wrdreg s7  }
0x11: {  	s0 =	simm.s32 $0x0;
	s8 =	sshrl.u32 s8, $0x3;
	[dreg:$0xf] =	wrdreg s9  }
0x12: {  	s7 =	sshrl.u32 s12, $0x3;
	s10 =	sadd.s32 s15, s10;
	s8 =	sadd.s32 s11, s8  }
0x13: {  	s12 =	sadd.s32 s4, s7;
	s13 =	sor.u32 $0x8, s7;
	[dreg:$0x18] =	wrdreg s8  }
0x14: {  	s16 =	sadd.s32 s5, s7;
	s19 =	sor.u32 $0x240, s10;
	[dreg:$0x13] =	wrdreg s12  }
0x15: {  	s30 =	sor.u32 $0x1C0, s10;
	[dreg:$0x14] =	wrdreg s16;
	s17 =	sadd.s32 s4, s13  }
0x16: {  	s12 =	sadd.s32 s5, s13;
	s22 =	sshrl.u32 s19, $0x3;
	[dreg:$0x15] =	wrdreg s17  }
0x17: {  	s13 =	sshrl.u32 s30, $0x3;
	s30 =	smax.u32 s6, $0x1;
	[dreg:$0x16] =	wrdreg s12  }
0x18: {  	s24 =	sor.u32 $0x200, s10;
	s23 =	sadd.s32 s22, s5;
	[dreg:$0x1f] =	wrdreg s30  }
0x19: {  	s25 =	sshrl.u32 s24, $0x3;
	s9 =	sadd.s32 s22, s4;
	[dreg:$0x4] =	wrdreg s23  }
0x1a: {  	s8 =	sadd.s32 s11, s20;
	s26 =	sadd.s32 s25, s5;
	[dreg:$0x5] =	wrdreg s9  }
0x1b: {  	s15 =	sor.u32 $0x180, s10;
	s11 =	sadd.s32 s25, s4;
	[dreg:$0x6] =	wrdreg s26  }
0x1c: {  	s10 =	sor.u32 $0x140, s10;
	s14 =	sadd.s32 s13, s5;
	[dreg:$0x7] =	wrdreg s11  }
0x1d: {  	s12 =	sor.u32 $0x10, s7;
	s16 =	sadd.s32 s13, s4;
	[dreg:$0x8] =	wrdreg s14  }
0x1e: {  	s24 =	sshrl.u32 s10, $0x3;
	s18 =	sadd.s32 s4, s12;
	[dreg:$0x9] =	wrdreg s16  }
0x1f: {  	s17 =	sshrl.u32 s15, $0x3;
	s12 =	sadd.s32 s5, s12;
	[dreg:$0x17] =	wrdreg s18  }
0x20: {  	s13 =	simm.s32 $0x3;
	s19 =	sadd.s32 s17, s5;
	[dreg:$0x19] =	wrdreg s12  }
0x21: {  	s15 =	simm.s32 $0x5;
	s23 =	sadd.s32 s17, s4;
	[dreg:$0xa] =	wrdreg s19  }
0x22: {  	s26 =	sadd.s32 $0x27000, s8;
	s18 =	sor.u32 $0x18, s7;
	[dreg:$0xb] =	wrdreg s23  }
0x23: {  	s14 =	simm.s32 $0x4;
	[dreg:$0x1e] =	wrdreg s26;
	s20 =	sadd.s32 s4, s18  }
0x24: {  	s7 =	sor.u32 $0x20, s7;
	s22 =	sadd.s32 s5, s18;
	[dreg:$0x1a] =	wrdreg s20  }
0x25: {  	s16 =	simm.s32 $0x6;
	s25 =	sadd.s32 s4, s7;
	[dreg:$0x1b] =	wrdreg s22  }
0x26: {  	s17 =	simm.s32 $0x7;
	s7 =	sadd.s32 s5, s7;
	[dreg:$0x1c] =	wrdreg s25  }
0x27: {  	s12 =	simm.s32 $0x2;
	s5 =	sadd.s32 s24, s5;
	[dreg:$0x1d] =	wrdreg s7  }
0x28: {  	s19 =	simm.s32 $0x9;
	s4 =	sadd.s32 s24, s4;
	[dreg:$0xc] =	wrdreg s5  }
0x29: {  	s24 =	simm.s32 $0x40;
	s18 =	simm.s32 $0x8;
	[dreg:$0xd] =	wrdreg s4  }
0x2a: {  	s22 =	simm.s32 $0xB;
	s5 =	simm.s32 $0x180;
	s20 =	simm.s32 $0xA  }
.LBB2_1:
0x2b: {  	[smem:$0x7FB] =	sst s0  }
0x2c: {  	s6 =	rddreg [dreg:$0xe]  }
0x2d: {  	s23 =	rddreg [dreg:$0xf];
	s11 =	sshrl.u32 s6, $0x3  }
0x2e: {  	[smem:$0x7FC] =	sst s11  }
0x2f: {  	[spmem:s11], [sflag:s21] =	dma.local [hbm:s23], $0x2700  }
0x30: {  	_ =	swait.ge [sflag:s22], $0x2700  }
0x31: {  	s6 =	rddreg [dreg:$0x11]  }
0x32: {  	[sflag:s22] =	ssyncset.done $0x0;
	s0 =	sshrl.u32 @!p0 s6, $0x3;
	s6 =	rddreg [dreg:$0x12]  }
0x33: {  	[sflag:s22] =	ssyncadd.s32 $0xFFFFD900;
	[smem:$0x7FD] =	sst s0  }
0x34: {  	[spmem:s0], [sflag:s21] =	dma.local @!p0 [hbm:s6], $0x100  }
0x35: {  	s6 =	simm.s32 @!p0 $0xB  }
0x36: {  	_ =	swait.ge @!p0 [sflag:s6], $0x100  }
0x37: {  	[sflag:s6] =	ssyncset.done @!p0 $0x0  }
0x38: {  	[sflag:s6] =	ssyncadd.s32 @!p0 $0xFFFFFF00  }
0x39: {  	[bflag:$0x0] =	sbarrier.arrive $0xFFFF  }
0x3a: {  	s25 =	rddreg [dreg:$0x13]  }
0x3b: {  	[tilespmem:s3], [sflag:$0xB] =	stream.linear.gather [hbm4b:s25+s3], $0x40, $0x38;
	[tilespmem:$0x1E580] =	vst v63  }
0x3c: {  	_ =	swait.ge [sflag:s22], $0x40  }
0x3d: {  	[sflag:s22] =	ssyncset.done $0x0  }
0x3e: {  	s21 =	simm.s32 $0x280;
	s26 =	rddreg [dreg:$0x14];
	[sflag:s22] =	ssyncadd.s32 $0xFFFFFFC0  }
0x3f: {  	[tilespmem:s21], [sflag:$0xB] =	stream.linear.gather [hbm4b:s26+s3], $0x40, $0x38;
	[tilespmem:$0x1E580] =	vst v63  }
0x40: {  	_ =	swait.ge [sflag:s22], $0x40  }
0x41: {  	[sflag:s22] =	ssyncset.done $0x0  }
0x42: {  	s23 =	simm.s32 $0x500;
	[sflag:s22] =	ssyncadd.s32 $0xFFFFFFC0  }
0x43: {  	[tilespmem:s23], [sflag:$0x1] =	stream.indirect.gather [hbm4b:s1+s24], $0x80, s3, s24, $0xb8;
	[tilespmem:$0x1E580] =	vst v63  }
0x44: {  	s30 =	rddreg [dreg:$0x15]  }
0x45: {  	[tilespmem:s28], [sflag:$0xB] =	stream.linear.gather [hbm4b:s30+s3], $0x40, $0x38;
	[tilespmem:$0x1E580] =	vst v63  }
0x46: {  	_ =	swait.ge [sflag:s22], $0x40  }
0x47: {  	[sflag:s22] =	ssyncset.done $0x0  }
0x48: {  	s25 =	simm.s32 $0x300;
	s0 =	rddreg [dreg:$0x16];
	[sflag:s22] =	ssyncadd.s32 $0xFFFFFFC0  }
0x49: {  	[tilespmem:s25], [sflag:$0xB] =	stream.linear.gather [hbm4b:s0+s3], $0x40, $0x38;
	[tilespmem:$0x1E580] =	vst v63  }
0x4a: {  	_ =	swait.ge [sflag:s22], $0x40  }
0x4b: {  	[sflag:s22] =	ssyncset.done $0x0  }
0x4c: {  	s26 =	simm.s32 $0x2500;
	[sflag:s22] =	ssyncadd.s32 $0xFFFFFFC0  }
0x4d: {  	[tilespmem:s26], [sflag:$0x2] =	stream.indirect.gather [hbm4b:s1+s24], $0x80, s28, s24, $0xb8;
	[tilespmem:$0x1E580] =	vst v63  }
0x4e: {  	s4 =	rddreg [dreg:$0x17]  }
0x4f: {  	[tilespmem:s31], [sflag:$0xB] =	stream.linear.gather [hbm4b:s4+s3], $0x40, $0x38;
	[tilespmem:$0x1E580] =	vst v63  }
0x50: {  	_ =	swait.ge [sflag:s22], $0x40  }
0x51: {  	[sflag:s22] =	ssyncset.done $0x0  }
0x52: {  	s0 =	simm.s32 $0x380;
	s7 =	rddreg [dreg:$0x19];
	[sflag:s22] =	ssyncadd.s32 $0xFFFFFFC0  }
0x53: {  	[tilespmem:s0], [sflag:$0xB] =	stream.linear.gather [hbm4b:s7+s3], $0x40, $0x38;
	[tilespmem:$0x1E580] =	vst v63  }
0x54: {  	_ =	swait.ge [sflag:s22], $0x40  }
0x55: {  	[sflag:s22] =	ssyncset.done $0x0  }
0x56: {  	s4 =	simm.s32 $0x4500;
	[sflag:s22] =	ssyncadd.s32 $0xFFFFFFC0  }
0x57: {  	[tilespmem:s4], [sflag:$0x3] =	stream.indirect.gather [hbm4b:s1+s24], $0x80, s31, s24, $0xb8;
	[tilespmem:$0x1E580] =	vst v63  }
0x58: {  	s8 =	rddreg [dreg:$0x1a]  }
0x59: {  	[tilespmem:s5], [sflag:$0xB] =	stream.linear.gather [hbm4b:s8+s3], $0x40, $0x38;
	[tilespmem:$0x1E580] =	vst v63  }
0x5a: {  	_ =	swait.ge [sflag:s22], $0x40  }
0x5b: {  	[sflag:s22] =	ssyncset.done $0x0  }
0x5c: {  	s7 =	simm.s32 $0x400;
	s9 =	rddreg [dreg:$0x1b];
	[sflag:s22] =	ssyncadd.s32 $0xFFFFFFC0  }
0x5d: {  	[tilespmem:s7], [sflag:$0xB] =	stream.linear.gather [hbm4b:s9+s3], $0x40, $0x38;
	[tilespmem:$0x1E580] =	vst v63  }
0x5e: {  	_ =	swait.ge [sflag:s22], $0x40  }
0x5f: {  	[sflag:s22] =	ssyncset.done $0x0  }
0x60: {  	s8 =	simm.s32 $0x6500;
	[sflag:s22] =	ssyncadd.s32 $0xFFFFFFC0  }
0x61: {  	[tilespmem:s8], [sflag:$0x4] =	stream.indirect.gather [hbm4b:s1+s24], $0x80, s5, s24, $0xb8;
	[tilespmem:$0x1E580] =	vst v63  }
0x62: {  	s9 =	simm.s32 $0x200;
	s10 =	rddreg [dreg:$0x1c]  }
0x63: {  	[tilespmem:s9], [sflag:$0xB] =	stream.linear.gather [hbm4b:s10+s3], $0x40, $0x38;
	[tilespmem:$0x1E580] =	vst v63  }
0x64: {  	_ =	swait.ge [sflag:s22], $0x40  }
0x65: {  	[sflag:s22] =	ssyncset.done $0x0  }
0x66: {  	s10 =	simm.s32 $0x480;
	s11 =	rddreg [dreg:$0x1d];
	[sflag:s22] =	ssyncadd.s32 $0xFFFFFFC0  }
0x67: {  	[tilespmem:s10], [sflag:$0xB] =	stream.linear.gather [hbm4b:s11+s3], $0x40, $0x38;
	[tilespmem:$0x1E580] =	vst v63  }
0x68: {  	_ =	swait.ge [sflag:s22], $0x40  }
0x69: {  	[sflag:s22] =	ssyncset.done $0x0  }
0x6a: {  	s30 =	simm.s32 $0x8500;
	s11 =	simm.s32 $0x1;
	[sflag:s22] =	ssyncadd.s32 $0xFFFFFFC0  }
0x6b: {  	[tilespmem:s30], [sflag:$0x5] =	stream.indirect.gather [hbm4b:s1+s24], $0x80, s9, s24, $0xb8;
	[tilespmem:$0x1E580] =	vst v63  }
0x6c: {  	_ =	swait.ge [sflag:s11], $0x2000  }
0x6d: {  	[sflag:s11] =	ssyncset.done $0x0  }
0x6e: {  	[sflag:s11] =	ssyncadd.s32 $0xFFFFE000  }
0x6f: {  	[spmem:s2] =	stream.indirect.scatter.add.f32 [tilespmem:s23], [sflag:$0x6], $0x80, s21, s24, $0xb8;
	[tilespmem:$0x1E580] =	vst v63  }
0x70: {  	_ =	swait.ge [sflag:s12], $0x2000  }
0x71: {  	[sflag:s12] =	ssyncset.done $0x0  }
0x72: {  	[sflag:s12] =	ssyncadd.s32 $0xFFFFE000  }
0x73: {  	[spmem:s2] =	stream.indirect.scatter.add.f32 [tilespmem:s26], [sflag:$0x7], $0x80, s25, s24, $0xb8;
	[tilespmem:$0x1E580] =	vst v63  }
0x74: {  	_ =	swait.ge [sflag:s13], $0x2000  }
0x75: {  	[sflag:s13] =	ssyncset.done $0x0  }
0x76: {  	[sflag:s13] =	ssyncadd.s32 $0xFFFFE000  }
0x77: {  	[spmem:s2] =	stream.indirect.scatter.add.f32 [tilespmem:s4], [sflag:$0x8], $0x80, s0, s24, $0xb8;
	[tilespmem:$0x1E580] =	vst v63  }
0x78: {  	_ =	swait.ge [sflag:s14], $0x2000  }
0x79: {  	[sflag:s14] =	ssyncset.done $0x0  }
0x7a: {  	[sflag:s14] =	ssyncadd.s32 $0xFFFFE000  }
0x7b: {  	[spmem:s2] =	stream.indirect.scatter.add.f32 [tilespmem:s8], [sflag:$0x9], $0x80, s7, s24, $0xb8;
	[tilespmem:$0x1E580] =	vst v63  }
0x7c: {  	_ =	swait.ge [sflag:s15], $0x2000  }
0x7d: {  	[sflag:s15] =	ssyncset.done $0x0  }
0x7e: {  	[sflag:s15] =	ssyncadd.s32 $0xFFFFE000  }
0x7f: {  	[spmem:s2] =	stream.indirect.scatter.add.f32 [tilespmem:s30], [sflag:$0xA], $0x80, s10, s24, $0xb8;
	[tilespmem:$0x1E580] =	vst v63  }
0x80: {  	_ =	swait.ge [sflag:s16], $0x2000  }
0x81: {  	s11 =	rddreg [dreg:$0xd];
	[sflag:s16] =	ssyncset.done $0x0  }
0x82: {  	[sflag:s16] =	ssyncadd.s32 $0xFFFFE000;
	s6 =	sadd.s32 $0x0, s11  }
0x83: {  	[tilespmem:s3], [sflag:$0xB] =	stream.linear.gather [hbm4b:s6+s3], $0x40, $0x38;
	[tilespmem:$0x1E580] =	vst v63  }
0x84: {  	_ =	swait.ge [sflag:s22], $0x40  }
0x85: {  	s30 =	rddreg [dreg:$0xc];
	[sflag:s22] =	ssyncset.done $0x0  }
0x86: {  	[sflag:s22] =	ssyncadd.s32 $0xFFFFFFC0;
	s6 =	sadd.s32 $0x0, s30  }
0x87: {  	[tilespmem:s21], [sflag:$0xB] =	stream.linear.gather [hbm4b:s6+s3], $0x40, $0x38;
	[tilespmem:$0x1E580] =	vst v63  }
0x88: {  	_ =	swait.ge [sflag:s22], $0x40  }
0x89: {  	[sflag:s22] =	ssyncset.done $0x0  }
0x8a: {  	[sflag:s22] =	ssyncadd.s32 $0xFFFFFFC0  }
0x8b: {  	[tilespmem:s23], [sflag:$0x1] =	stream.indirect.gather [hbm4b:s1+s24], $0x80, s3, s24, $0xb8;
	[tilespmem:$0x1E580] =	vst v63  }
0x8c: {  	_ =	swait.ge [sflag:s17], $0x2000  }
0x8d: {  	s11 =	rddreg [dreg:$0xb];
	[sflag:s17] =	ssyncset.done $0x0  }
0x8e: {  	[sflag:s17] =	ssyncadd.s32 $0xFFFFE000;
	s6 =	sadd.s32 $0x0, s11  }
0x8f: {  	[tilespmem:s28], [sflag:$0xB] =	stream.linear.gather [hbm4b:s6+s3], $0x40, $0x38;
	[tilespmem:$0x1E580] =	vst v63  }
0x90: {  	_ =	swait.ge [sflag:s22], $0x40  }
0x91: {  	s21 =	rddreg [dreg:$0xa];
	[sflag:s22] =	ssyncset.done $0x0  }
0x92: {  	[sflag:s22] =	ssyncadd.s32 $0xFFFFFFC0;
	s6 =	sadd.s32 $0x0, s21  }
0x93: {  	[tilespmem:s25], [sflag:$0xB] =	stream.linear.gather [hbm4b:s6+s3], $0x40, $0x38;
	[tilespmem:$0x1E580] =	vst v63  }
0x94: {  	_ =	swait.ge [sflag:s22], $0x40  }
0x95: {  	[sflag:s22] =	ssyncset.done $0x0  }
0x96: {  	[sflag:s22] =	ssyncadd.s32 $0xFFFFFFC0  }
0x97: {  	[tilespmem:s26], [sflag:$0x2] =	stream.indirect.gather [hbm4b:s1+s24], $0x80, s28, s24, $0xb8;
	[tilespmem:$0x1E580] =	vst v63  }
0x98: {  	_ =	swait.ge [sflag:s18], $0x2000  }
0x99: {  	s23 =	rddreg [dreg:$0x9];
	[sflag:s18] =	ssyncset.done $0x0  }
0x9a: {  	[sflag:s18] =	ssyncadd.s32 $0xFFFFE000;
	s6 =	sadd.s32 $0x0, s23  }
0x9b: {  	[tilespmem:s31], [sflag:$0xB] =	stream.linear.gather [hbm4b:s6+s3], $0x40, $0x38;
	[tilespmem:$0x1E580] =	vst v63  }
0x9c: {  	_ =	swait.ge [sflag:s22], $0x40  }
0x9d: {  	s25 =	rddreg [dreg:$0x8];
	[sflag:s22] =	ssyncset.done $0x0  }
0x9e: {  	[sflag:s22] =	ssyncadd.s32 $0xFFFFFFC0;
	s6 =	sadd.s32 $0x0, s25  }
0x9f: {  	[tilespmem:s0], [sflag:$0xB] =	stream.linear.gather [hbm4b:s6+s3], $0x40, $0x38;
	[tilespmem:$0x1E580] =	vst v63  }
0xa0: {  	_ =	swait.ge [sflag:s22], $0x40  }
0xa1: {  	[sflag:s22] =	ssyncset.done $0x0  }
0xa2: {  	[sflag:s22] =	ssyncadd.s32 $0xFFFFFFC0  }
0xa3: {  	[tilespmem:s4], [sflag:$0x3] =	stream.indirect.gather [hbm4b:s1+s24], $0x80, s31, s24, $0xb8;
	[tilespmem:$0x1E580] =	vst v63  }
0xa4: {  	_ =	swait.ge [sflag:s19], $0x2000  }
0xa5: {  	s26 =	rddreg [dreg:$0x7];
	[sflag:s19] =	ssyncset.done $0x0  }
0xa6: {  	[sflag:s19] =	ssyncadd.s32 $0xFFFFE000;
	s6 =	sadd.s32 $0x0, s26  }
0xa7: {  	[tilespmem:s5], [sflag:$0xB] =	stream.linear.gather [hbm4b:s6+s3], $0x40, $0x38;
	[tilespmem:$0x1E580] =	vst v63  }
0xa8: {  	_ =	swait.ge [sflag:s22], $0x40  }
0xa9: {  	s28 =	rddreg [dreg:$0x6];
	[sflag:s22] =	ssyncset.done $0x0  }
0xaa: {  	[sflag:s22] =	ssyncadd.s32 $0xFFFFFFC0;
	s6 =	sadd.s32 $0x0, s28  }
0xab: {  	[tilespmem:s7], [sflag:$0xB] =	stream.linear.gather [hbm4b:s6+s3], $0x40, $0x38;
	[tilespmem:$0x1E580] =	vst v63  }
0xac: {  	_ =	swait.ge [sflag:s22], $0x40  }
0xad: {  	[sflag:s22] =	ssyncset.done $0x0  }
0xae: {  	[sflag:s22] =	ssyncadd.s32 $0xFFFFFFC0  }
0xaf: {  	[tilespmem:s8], [sflag:$0x4] =	stream.indirect.gather [hbm4b:s1+s24], $0x80, s5, s24, $0xb8;
	[tilespmem:$0x1E580] =	vst v63  }
0xb0: {  	_ =	swait.ge [sflag:s20], $0x2000  }
0xb1: {  	s30 =	rddreg [dreg:$0x5];
	[sflag:s20] =	ssyncset.done $0x0  }
0xb2: {  	[sflag:s20] =	ssyncadd.s32 $0xFFFFE000;
	s6 =	sadd.s32 $0x0, s30  }
0xb3: {  	[tilespmem:s9], [sflag:$0xB] =	stream.linear.gather [hbm4b:s6+s3], $0x40, $0x38;
	[tilespmem:$0x1E580] =	vst v63  }
0xb4: {  	_ =	swait.ge [sflag:s22], $0x40  }
0xb5: {  	s31 =	rddreg [dreg:$0x4];
	[sflag:s22] =	ssyncset.done $0x0  }
0xb6: {  	[sflag:s22] =	ssyncadd.s32 $0xFFFFFFC0;
	s6 =	sadd.s32 $0x0, s31  }
0xb7: {  	[tilespmem:s10], [sflag:$0xB] =	stream.linear.gather [hbm4b:s6+s3], $0x40, $0x38;
	[tilespmem:$0x1E580] =	vst v63  }
0xb8: {  	_ =	swait.ge [sflag:s22], $0x40  }
0xb9: {  	[sflag:s22] =	ssyncset.done $0x0  }
0xba: {  	s6 =	simm.s32 $0x28;
	[sflag:s22] =	ssyncadd.s32 $0xFFFFFFC0  }
.LBB2_2:
0xbb: {  	s10 =	simm.s32 $0x200;
	s4 =	simm.s32 $0x8500;
	s0 =	simm.s32 $0x1  }
0xbc: {  	[tilespmem:s4], [sflag:$0x5] =	stream.indirect.gather [hbm4b:s1+s24], $0x80, s10, s24, $0xb8;
	[tilespmem:$0x1E580] =	vst v63  }
0xbd: {  	_ =	swait.ge [sflag:s0], $0x2000  }
0xbe: {  	[sflag:s0] =	ssyncset.done $0x0  }
0xbf: {  	s26 =	simm.s32 $0x280;
	s28 =	simm.s32 $0x500;
	[sflag:s0] =	ssyncadd.s32 $0xFFFFE000  }
0xc0: {  	[spmem:s2] =	stream.indirect.scatter.add.f32 [tilespmem:s28], [sflag:$0x6], $0x80, s26, s24, $0xb8;
	[tilespmem:$0x1E580] =	vst v63  }
0xc1: {  	_ =	swait.ge [sflag:s12], $0x2000  }
0xc2: {  	[sflag:s12] =	ssyncset.done $0x0  }
0xc3: {  	s30 =	simm.s32 $0x300;
	s31 =	simm.s32 $0x2500;
	[sflag:s12] =	ssyncadd.s32 $0xFFFFE000  }
0xc4: {  	[spmem:s2] =	stream.indirect.scatter.add.f32 [tilespmem:s31], [sflag:$0x7], $0x80, s30, s24, $0xb8;
	[tilespmem:$0x1E580] =	vst v63  }
0xc5: {  	_ =	swait.ge [sflag:s13], $0x2000  }
0xc6: {  	[sflag:s13] =	ssyncset.done $0x0  }
0xc7: {  	s5 =	simm.s32 $0x4500;
	s0 =	simm.s32 $0x380;
	[sflag:s13] =	ssyncadd.s32 $0xFFFFE000  }
0xc8: {  	[spmem:s2] =	stream.indirect.scatter.add.f32 [tilespmem:s5], [sflag:$0x8], $0x80, s0, s24, $0xb8;
	[tilespmem:$0x1E580] =	vst v63  }
0xc9: {  	_ =	swait.ge [sflag:s14], $0x2000  }
0xca: {  	[sflag:s14] =	ssyncset.done $0x0  }
0xcb: {  	s7 =	simm.s32 $0x400;
	s9 =	simm.s32 $0x6500;
	[sflag:s14] =	ssyncadd.s32 $0xFFFFE000  }
0xcc: {  	[spmem:s2] =	stream.indirect.scatter.add.f32 [tilespmem:s9], [sflag:$0x9], $0x80, s7, s24, $0xb8;
	[tilespmem:$0x1E580] =	vst v63  }
0xcd: {  	_ =	swait.ge [sflag:s15], $0x2000  }
0xce: {  	[sflag:s15] =	ssyncset.done $0x0  }
0xcf: {  	s11 =	simm.s32 $0x480;
	[sflag:s15] =	ssyncadd.s32 $0xFFFFE000  }
0xd0: {  	[spmem:s2] =	stream.indirect.scatter.add.f32 [tilespmem:s4], [sflag:$0xA], $0x80, s11, s24, $0xb8;
	[tilespmem:$0x1E580] =	vst v63  }
0xd1: {  	_ =	swait.ge [sflag:s16], $0x2000  }
0xd2: {  	s21 =	smov.u32 s6;
	s23 =	rddreg [dreg:$0xd];
	[sflag:s16] =	ssyncset.done $0x0  }
0xd3: {  	[sflag:s16] =	ssyncadd.s32 $0xFFFFE000;
	s23 =	sadd.s32 s21, s23  }
0xd4: {  	[tilespmem:s3], [sflag:$0xB] =	stream.linear.gather [hbm4b:s23+s3], $0x40, $0x38;
	[tilespmem:$0x1E580] =	vst v63  }
0xd5: {  	_ =	swait.ge [sflag:s22], $0x40  }
0xd6: {  	s4 =	rddreg [dreg:$0xc];
	[sflag:s22] =	ssyncset.done $0x0  }
0xd7: {  	[sflag:s22] =	ssyncadd.s32 $0xFFFFFFC0;
	s23 =	sadd.s32 s21, s4  }
0xd8: {  	[tilespmem:s26], [sflag:$0xB] =	stream.linear.gather [hbm4b:s23+s3], $0x40, $0x38;
	[tilespmem:$0x1E580] =	vst v63  }
0xd9: {  	_ =	swait.ge [sflag:s22], $0x40  }
0xda: {  	[sflag:s22] =	ssyncset.done $0x0  }
0xdb: {  	[sflag:s22] =	ssyncadd.s32 $0xFFFFFFC0  }
0xdc: {  	[tilespmem:s28], [sflag:$0x1] =	stream.indirect.gather [hbm4b:s1+s24], $0x80, s3, s24, $0xb8;
	[tilespmem:$0x1E580] =	vst v63  }
0xdd: {  	_ =	swait.ge [sflag:s17], $0x2000  }
0xde: {  	s8 =	rddreg [dreg:$0xb];
	[sflag:s17] =	ssyncset.done $0x0  }
0xdf: {  	s28 =	simm.s32 $0x80;
	[sflag:s17] =	ssyncadd.s32 $0xFFFFE000;
	s23 =	sadd.s32 s21, s8  }
0xe0: {  	[tilespmem:s28], [sflag:$0xB] =	stream.linear.gather [hbm4b:s23+s3], $0x40, $0x38;
	[tilespmem:$0x1E580] =	vst v63  }
0xe1: {  	_ =	swait.ge [sflag:s22], $0x40  }
0xe2: {  	s4 =	rddreg [dreg:$0xa];
	[sflag:s22] =	ssyncset.done $0x0  }
0xe3: {  	[sflag:s22] =	ssyncadd.s32 $0xFFFFFFC0;
	s23 =	sadd.s32 s21, s4  }
0xe4: {  	[tilespmem:s30], [sflag:$0xB] =	stream.linear.gather [hbm4b:s23+s3], $0x40, $0x38;
	[tilespmem:$0x1E580] =	vst v63  }
0xe5: {  	_ =	swait.ge [sflag:s22], $0x40  }
0xe6: {  	[sflag:s22] =	ssyncset.done $0x0  }
0xe7: {  	[sflag:s22] =	ssyncadd.s32 $0xFFFFFFC0  }
0xe8: {  	[tilespmem:s31], [sflag:$0x2] =	stream.indirect.gather [hbm4b:s1+s24], $0x80, s28, s24, $0xb8;
	[tilespmem:$0x1E580] =	vst v63  }
0xe9: {  	_ =	swait.ge [sflag:s18], $0x2000  }
0xea: {  	s8 =	rddreg [dreg:$0x9];
	[sflag:s18] =	ssyncset.done $0x0  }
0xeb: {  	s31 =	simm.s32 $0x100;
	[sflag:s18] =	ssyncadd.s32 $0xFFFFE000;
	s23 =	sadd.s32 s21, s8  }
0xec: {  	[tilespmem:s31], [sflag:$0xB] =	stream.linear.gather [hbm4b:s23+s3], $0x40, $0x38;
	[tilespmem:$0x1E580] =	vst v63  }
0xed: {  	_ =	swait.ge [sflag:s22], $0x40  }
0xee: {  	s4 =	rddreg [dreg:$0x8];
	[sflag:s22] =	ssyncset.done $0x0  }
0xef: {  	[sflag:s22] =	ssyncadd.s32 $0xFFFFFFC0;
	s23 =	sadd.s32 s21, s4  }
0xf0: {  	[tilespmem:s0], [sflag:$0xB] =	stream.linear.gather [hbm4b:s23+s3], $0x40, $0x38;
	[tilespmem:$0x1E580] =	vst v63  }
0xf1: {  	_ =	swait.ge [sflag:s22], $0x40  }
0xf2: {  	[sflag:s22] =	ssyncset.done $0x0  }
0xf3: {  	[sflag:s22] =	ssyncadd.s32 $0xFFFFFFC0  }
0xf4: {  	[tilespmem:s5], [sflag:$0x3] =	stream.indirect.gather [hbm4b:s1+s24], $0x80, s31, s24, $0xb8;
	[tilespmem:$0x1E580] =	vst v63  }
0xf5: {  	_ =	swait.ge [sflag:s19], $0x2000  }
0xf6: {  	s8 =	rddreg [dreg:$0x7];
	[sflag:s19] =	ssyncset.done $0x0  }
0xf7: {  	s5 =	simm.s32 $0x180;
	[sflag:s19] =	ssyncadd.s32 $0xFFFFE000;
	s23 =	sadd.s32 s21, s8  }
0xf8: {  	[tilespmem:s5], [sflag:$0xB] =	stream.linear.gather [hbm4b:s23+s3], $0x40, $0x38;
	[tilespmem:$0x1E580] =	vst v63  }
0xf9: {  	_ =	swait.ge [sflag:s22], $0x40  }
0xfa: {  	s8 =	rddreg [dreg:$0x6];
	[sflag:s22] =	ssyncset.done $0x0  }
0xfb: {  	[sflag:s22] =	ssyncadd.s32 $0xFFFFFFC0;
	s23 =	sadd.s32 s21, s8  }
0xfc: {  	[tilespmem:s7], [sflag:$0xB] =	stream.linear.gather [hbm4b:s23+s3], $0x40, $0x38;
	[tilespmem:$0x1E580] =	vst v63  }
0xfd: {  	_ =	swait.ge [sflag:s22], $0x40  }
0xfe: {  	[sflag:s22] =	ssyncset.done $0x0  }
0xff: {  	[sflag:s22] =	ssyncadd.s32 $0xFFFFFFC0  }
0x100: {  	[tilespmem:s9], [sflag:$0x4] =	stream.indirect.gather [hbm4b:s1+s24], $0x80, s5, s24, $0xb8;
	[tilespmem:$0x1E580] =	vst v63  }
0x101: {  	_ =	swait.ge [sflag:s20], $0x2000  }
0x102: {  	p1 =	sne.s32 s6, $0x4B0;
	s9 =	rddreg [dreg:$0x5];
	[sflag:s20] =	ssyncset.done $0x0  }
0x103: {  	s6 =	sadd.s32 $0x28, s6;
	[sflag:s20] =	ssyncadd.s32 $0xFFFFE000;
	s23 =	sadd.s32 s21, s9  }
0x104: {  	[tilespmem:s10], [sflag:$0xB] =	stream.linear.gather [hbm4b:s23+s3], $0x40, $0x38;
	[tilespmem:$0x1E580] =	vst v63  }
0x105: {  	s25 =	simm.s32 $0x280;
	s26 =	simm.s32 $0x500;
	_ =	swait.ge [sflag:s22], $0x40  }
0x106: {  	s30 =	simm.s32 $0x2500;
	s10 =	rddreg [dreg:$0x4];
	[sflag:s22] =	ssyncset.done $0x0  }
.Ltmp0:
0x107: {  	[sflag:s22] =	ssyncadd.s32 $0xFFFFFFC0;
	s21 =	sadd.s32 s21, s10;
	(pc) =	sbr.rel @p1 .LBB2_2-.Ltmp0, $4  }
0x108: {  	[tilespmem:s11], [sflag:$0xB] =	stream.linear.gather [hbm4b:s21+s3], $0x40, $0x38;
	[tilespmem:$0x1E580] =	vst v63  }
0x109: {  	s4 =	simm.s32 $0x380;
	s0 =	simm.s32 $0x4500;
	_ =	swait.ge [sflag:s22], $0x40  }
0x10a: {  	s8 =	simm.s32 $0x400;
	s7 =	simm.s32 $0x6500;
	[sflag:s22] =	ssyncset.done $0x0  }
0x10b: {  	s9 =	simm.s32 $0x200;
	s10 =	simm.s32 $0x480;
	[sflag:s22] =	ssyncadd.s32 $0xFFFFFFC0  }
0x10c: {  	s6 =	simm.s32 $0x8500;
	s23 =	simm.s32 $0x1  }
0x10d: {  	[tilespmem:s6], [sflag:$0x5] =	stream.indirect.gather [hbm4b:s1+s24], $0x80, s9, s24, $0xb8;
	[tilespmem:$0x1E580] =	vst v63  }
0x10e: {  	_ =	swait.ge [sflag:s23], $0x2000  }
0x10f: {  	[sflag:s23] =	ssyncset.done $0x0  }
0x110: {  	[sflag:s23] =	ssyncadd.s32 $0xFFFFE000  }
0x111: {  	[spmem:s2] =	stream.indirect.scatter.add.f32 [tilespmem:s26], [sflag:$0x6], $0x80, s25, s24, $0xb8;
	[tilespmem:$0x1E580] =	vst v63  }
0x112: {  	_ =	swait.ge [sflag:s12], $0x2000  }
0x113: {  	[sflag:s12] =	ssyncset.done $0x0  }
0x114: {  	[sflag:s12] =	ssyncadd.s32 $0xFFFFE000  }
0x115: {  	[spmem:s2] =	stream.indirect.scatter.add.f32 [tilespmem:s30], [sflag:$0x7], $0x80, s29, s24, $0xb8;
	[tilespmem:$0x1E580] =	vst v63  }
0x116: {  	_ =	swait.ge [sflag:s13], $0x2000  }
0x117: {  	[sflag:s13] =	ssyncset.done $0x0  }
0x118: {  	[sflag:s13] =	ssyncadd.s32 $0xFFFFE000  }
0x119: {  	[spmem:s2] =	stream.indirect.scatter.add.f32 [tilespmem:s0], [sflag:$0x8], $0x80, s4, s24, $0xb8;
	[tilespmem:$0x1E580] =	vst v63  }
0x11a: {  	_ =	swait.ge [sflag:s14], $0x2000  }
0x11b: {  	[sflag:s14] =	ssyncset.done $0x0  }
0x11c: {  	[sflag:s14] =	ssyncadd.s32 $0xFFFFE000  }
0x11d: {  	[spmem:s2] =	stream.indirect.scatter.add.f32 [tilespmem:s7], [sflag:$0x9], $0x80, s8, s24, $0xb8;
	[tilespmem:$0x1E580] =	vst v63  }
0x11e: {  	_ =	swait.ge [sflag:s15], $0x2000  }
0x11f: {  	[sflag:s15] =	ssyncset.done $0x0  }
0x120: {  	[sflag:s15] =	ssyncadd.s32 $0xFFFFE000  }
0x121: {  	[spmem:s2] =	stream.indirect.scatter.add.f32 [tilespmem:s6], [sflag:$0xA], $0x80, s10, s24, $0xb8;
	[tilespmem:$0x1E580] =	vst v63  }
0x122: {  	_ =	swait.ge [sflag:s16], $0x2000  }
0x123: {  	[sflag:s16] =	ssyncset.done $0x0  }
0x124: {  	[sflag:s16] =	ssyncadd.s32 $0xFFFFE000  }
0x125: {  	_ =	swait.ge [sflag:s17], $0x2000  }
0x126: {  	[sflag:s17] =	ssyncset.done $0x0  }
0x127: {  	[sflag:s17] =	ssyncadd.s32 $0xFFFFE000  }
0x128: {  	_ =	swait.ge [sflag:s18], $0x2000  }
0x129: {  	[sflag:s18] =	ssyncset.done $0x0  }
0x12a: {  	[sflag:s18] =	ssyncadd.s32 $0xFFFFE000  }
0x12b: {  	_ =	swait.ge [sflag:s19], $0x2000  }
0x12c: {  	[sflag:s19] =	ssyncset.done $0x0  }
0x12d: {  	[sflag:s19] =	ssyncadd.s32 $0xFFFFE000  }
0x12e: {  	_ =	swait.ge [sflag:s20], $0x2000  }
0x12f: {  	[sflag:s20] =	ssyncset.done $0x0  }
0x130: {  	[sflag:s20] =	ssyncadd.s32 $0xFFFFE000  }
0x131: {  	[bflag:$0x0] =	sbarrier.arrive $0xFFFF  }
0x132: {  	s26 =	sld [smem:$0x7FC]  }
0x133: {  	s21 =	rddreg [dreg:$0x10]  }
0x134: {  	s25 =	rddreg [dreg:$0x18]  }
0x135: {  	[hbm:s25], [sflag:s21] =	dma.local [spmem:s26], $0x2700  }
0x136: {  	_ =	swait.ge [sflag:s22], $0x2700  }
0x137: {  	s0 =	sld [smem:$0x7FD]  }
0x138: {  	[sflag:s22] =	ssyncset.done $0x0  }
0x139: {  	s6 =	rddreg [dreg:$0x1e];
	[sflag:s22] =	ssyncadd.s32 $0xFFFFD900  }
0x13a: {  	[hbm:s6], [sflag:s21] =	dma.local @!p0 [spmem:s0], $0x100  }
0x13b: {  	s6 =	simm.s32 @!p0 $0xB  }
0x13c: {  	_ =	swait.ge @!p0 [sflag:s6], $0x100  }
0x13d: {  	s30 =	sld [smem:$0x7FB];
	_ =	sdelay $0x2  }
0x13e: {  	s23 =	rddreg [dreg:$0x1f];
	s0 =	sadd.s32 $0x1, s30  }
0x13f: {  	p1 =	sne.s32 s0, s23  }
.Ltmp1:
0x140: {  	_ = 	snop;
	(pc) =	sbr.rel @p1 .LBB2_1-.Ltmp1, $3  }
0x141: {  	_ =	sdelay $0x1  }
0x142: {  	[sflag:s6] =	ssyncset.done @!p0 $0x0  }
0x143: {  	[sflag:s6] =	ssyncadd.s32 @!p0 $0xFFFFFF00  }
0x144: {  	_ =	sfence.sel $0x180000  }
0x145: {  	[bflag:$0x0] =	sbarrier.arrive $0xFFFF  }
0x146: {  	_ =	strace $0x9000004A  }
0x147: {  	[bflag:$0x2] =	sbarrier.arrive $0xFFFF  }
0x148: {  	s0 =	rddreg [dreg:$0x3]  }
0x149: {  	s0 =	sadd.s32 @!p0 $0x100000, s0  }
0x14a: {  	[sflag:s0] =	ssyncadd.tile.s32 @!p0 $0x1;
	_ =	shalt  }
.Lfunc_end2:
_tile_overlayer_lowered:
.L_overlay_start_2:
0x14b: {  	(tag) =	ssettag $0x2  }
0x14c: {  	s0 =	rddreg [dreg:$0x0];
	s2 =	stileid.u32  }
0x14d: {  	s1 =	rddreg [dreg:$0x1];
	p0 =	sne.s32 s2, $0x0  }
0x14e: {  	s3 =	rddreg [dreg:$0x2];
	[bflag:$0x3] =	sbarrier.arrive $0xFFFF;
	s2 =	simm.s32 @!p0 $0x1C0B  }
0x14f: {  	[timem:s3], [sflag:s2] =	dma.local @!p0 [hbm:s0], s1  }
0x150: {  	s0 =	simm.s32 @!p0 $0xB  }
0x151: {  	_ =	swait.ge @!p0 [sflag:s0], s1  }
0x152: {  	s1 =	ssub.s32 @!p0 $0x0, s1;
	[sflag:s0] =	ssyncset.done @!p0 $0x0  }
0x153: {  	[sflag:s0] =	ssyncadd.s32 @!p0 s1  }
0x154: {  	[bflag:$0x3] =	sbarrier.arrive $0xFFFF  }
0x155: {  	_ =	shalt  }

// kernel: kernel.16.cloned.1.call-start
scs
__scs_entry_jumppad:
0x0: {  	(pc) =	sbr.rel $0x88, $3  }
0x1: {  	(tag) =	ssettag $0x0;
	lr =	simm.s32 $0x1  }
0x2: {  	[smem:$0x3F93] =	sst lr;
	_ =	strace $0xD0000000  }
0x3: {  	_ = 	snop  }
0x4: {  	_ = 	snop  }
0x5: {  	_ = 	snop  }
0x6: {  	_ = 	snop  }
0x7: {  	_ = 	snop  }
__scs_overlays_trampoline_lowered:
0x8: {  	[smem:$0x3FA2] =	sst s0  }
0x9: {  	[smem:$0x3FA3] =	sst s1  }
0xa: {  	[smem:$0x3FA4] =	sst s2  }
0xb: {  	[smem:$0x3FA5] =	sst s3  }
0xc: {  	[smem:$0x3FA6] =	sst s4  }
0xd: {  	[smem:$0x3FA7] =	sst s5  }
0xe: {  	[smem:$0x3FA8] =	sst s6  }
0xf: {  	[smem:$0x3FA9] =	sst s7  }
0x10: {  	[smem:$0x3FAA] =	sst s8  }
0x11: {  	[smem:$0x3FAB] =	sst s9;
	s0 =	simm.s32 @!p0 $0x0  }
0x12: {  	s1 =	sld [smem:$0x3F91];
	s0 =	simm.s32 @p0 $0x1  }
0x13: {  	[smem:$0x3FAC] =	sst s0;
	s0 =	simm.s32 @!p1 $0x0  }
0x14: {  	s2 =	sld [smem:$0x3F90];
	s0 =	simm.s32 @p1 $0x1  }
0x15: {  	[smem:$0x3FAD] =	sst s0;
	s0 =	simm.s32 @!p2 $0x0  }
0x16: {  	s3 =	sld [smem:$0x3FDB];
	s0 =	simm.s32 @p2 $0x1  }
0x17: {  	s4 =	simm.s32 $0x1BF5;
	[smem:$0x3FAF] =	sst s0  }
0x18: {  	s0 =	sld [smem:$0x3F92];
	_ =	swait.ge [sflag:s4], $0x0  }
0x19: {  	s7 =	sld [smem:$0x3F93]  }
0x1a: {  	s8 =	sadd.s32 $0xFFFFE003, lr  }
0x1b: {  	s9 =	sadd.s32 $0xFFFFFEF7, lr;
	s5 =	simm.s32 $0xFFFFFFFF;
	p2 =	slt.u32 s8, $0xFFFFF086  }
0x1c: {  	p1 =	slt.u32 s9, $0xF7A;
	s5 =	simm.s32 @!p2 $0x0  }
0x1d: {  	s5 =	simm.s32 @p1 $0x1;
	p0 =	seq.s32 s7, s2  }
0x1e: {  	s7 =	smul.u32 @!p0 $0xF7A, s2;
	p2 =	seq.s32 @!p0 s5, $0x0  }
0x1f: {  	s9 =	smul.u32 $0xF7A, s1;
	s8 =	simm.s32 @!p0 $0x1BF5;
	p2 =	por !p2, p0  }
0x20: {  	[sflag:s8] =	ssyncset.s32 @!p0 $0xFFFFF086;
	s6 =	sadd.s32 @!p0 s3, s7;
	s7 =	simm.s32 @!p0 $0x108  }
0x21: {  	s3 =	sadd.s32 s3, s9;
	s6 =	sadd.s32 @!p0 $0x88, s6;
	s7 =	simm.s32 @p2 $0x1082  }
0x22: {  	[simem:s7], [sflag:s8] =	dma.local @!p0 [hbm:s6], $0xF7A  }
0x23: {  	s9 =	sor.u32 $0xD0000000, s2;
	s6 =	simm.s32 $0x108;
	_ =	swait.ge @!p0 [sflag:s8], $0x0  }
0x24: {  	s3 =	sadd.s32 $0x88, s3;
	s6 =	simm.s32 @!p1 $0x1082;
	[sflag:s4] =	ssyncset.s32 $0xFFFFF086  }
0x25: {  	[simem:s6], [sflag:s4] =	dma.local [hbm:s3], $0xF7A  }
0x26: {  	[smem:$0x3F93] =	sst s1;
	(tag) =	ssettag s2;
	_ =	strace s9  }
0x27: {  	s1 =	sld [smem:$0x3FA3]  }
0x28: {  	s2 =	sld [smem:$0x3FA4]  }
0x29: {  	s4 =	sld [smem:$0x3FA6]  }
0x2a: {  	p0 =	seq.s32 s5, $0x0;
	s5 =	sld [smem:$0x3FA7]  }
0x2b: {  	s6 =	sld [smem:$0x3FA8]  }
0x2c: {  	s7 =	sld [smem:$0x3FA9]  }
0x2d: {  	s3 =	simm.s32 $0x108;
	s8 =	sld [smem:$0x3FAA]  }
0x2e: {  	s3 =	simm.s32 @!p0 $0x1082;
	s9 =	sld [smem:$0x3FAB]  }
0x2f: {  	lr =	sadd.s32 s0, s3;
	s0 =	sld [smem:$0x3FA2]  }
0x30: {  	s3 =	sld [smem:$0x3FA5]  }
0x31: {  	[smem:$0x3FAE] =	sst s10  }
0x32: {  	s10 =	sld [smem:$0x3FAC];
	_ =	sdelay $0x3  }
0x33: {  	p0 =	seq.s32 s10, $0x1;
	s10 =	sld [smem:$0x3FAE];
	_ =	sdelay $0x3  }
0x34: {  	[smem:$0x3FAE] =	sst s10  }
0x35: {  	s10 =	sld [smem:$0x3FAD];
	_ =	sdelay $0x3  }
0x36: {  	p1 =	seq.s32 s10, $0x1;
	s10 =	sld [smem:$0x3FAE];
	_ =	sdelay $0x3  }
0x37: {  	[smem:$0x3FAE] =	sst s10  }
0x38: {  	s10 =	sld [smem:$0x3FAF]  }
0x39: {  	_ = 	snop;
	(pc) =	sbr.ind lr, $3  }
0x3a: {  	_ = 	snop  }
0x3b: {  	_ = 	snop  }
0x3c: {  	p2 =	seq.s32 s10, $0x1;
	s10 =	sld [smem:$0x3FAE]  }
0x3d: {  	_ =	shalt  }
0x3e: {  	_ =	shalt  }
0x3f: {  	_ =	shalt  }
0x40: {  	_ =	shalt  }
0x41: {  	_ =	shalt  }
0x42: {  	_ =	shalt  }
0x43: {  	_ =	shalt  }
0x44: {  	_ =	shalt  }
0x45: {  	_ =	shalt  }
0x46: {  	_ =	shalt  }
0x47: {  	_ =	shalt  }
0x48: {  	_ =	shalt  }
0x49: {  	_ =	shalt  }
0x4a: {  	_ =	shalt  }
0x4b: {  	_ =	shalt  }
0x4c: {  	_ =	shalt  }
0x4d: {  	_ =	shalt  }
0x4e: {  	_ =	shalt  }
0x4f: {  	_ =	shalt  }
0x50: {  	_ =	shalt  }
0x51: {  	_ =	shalt  }
0x52: {  	_ =	shalt  }
0x53: {  	_ =	shalt  }
0x54: {  	_ =	shalt  }
0x55: {  	_ =	shalt  }
0x56: {  	_ =	shalt  }
0x57: {  	_ =	shalt  }
0x58: {  	_ =	shalt  }
0x59: {  	_ =	shalt  }
0x5a: {  	_ =	shalt  }
0x5b: {  	_ =	shalt  }
0x5c: {  	_ =	shalt  }
0x5d: {  	_ =	shalt  }
0x5e: {  	_ =	shalt  }
0x5f: {  	_ =	shalt  }
0x60: {  	_ =	shalt  }
0x61: {  	_ =	shalt  }
0x62: {  	_ =	shalt  }
0x63: {  	_ =	shalt  }
0x64: {  	_ =	shalt  }
0x65: {  	_ =	shalt  }
0x66: {  	_ =	shalt  }
0x67: {  	_ =	shalt  }
0x68: {  	_ =	shalt  }
0x69: {  	_ =	shalt  }
0x6a: {  	_ =	shalt  }
0x6b: {  	_ =	shalt  }
0x6c: {  	_ =	shalt  }
0x6d: {  	_ =	shalt  }
0x6e: {  	_ =	shalt  }
0x6f: {  	_ =	shalt  }
0x70: {  	_ =	shalt  }
0x71: {  	_ =	shalt  }
0x72: {  	_ =	shalt  }
0x73: {  	_ =	shalt  }
0x74: {  	_ =	shalt  }
0x75: {  	_ =	shalt  }
0x76: {  	_ =	shalt  }
0x77: {  	_ =	shalt  }
0x78: {  	_ =	shalt  }
0x79: {  	_ =	shalt  }
0x7a: {  	_ =	shalt  }
0x7b: {  	_ =	shalt  }
0x7c: {  	_ =	shalt  }
0x7d: {  	_ =	shalt  }
0x7e: {  	_ =	shalt  }
0x7f: {  	_ =	shalt  }
0x80: {  	_ =	shalt  }
0x81: {  	_ =	shalt  }
0x82: {  	_ =	shalt  }
0x83: {  	_ =	shalt  }
0x84: {  	_ =	shalt  }
0x85: {  	_ =	shalt  }
0x86: {  	_ =	shalt  }
0x87: {  	_ =	shalt  }
.Lfunc_end0:
.L_simem_size_0:
called_computation.2_lowered:
.L_overlay_start_0:
0x88: {  	s2 =	sld [smem:$0x3FD9]  }
0x89: {  	s3 =	sld [smem:$0x3FFE];
	_ =	sdelay $0x1  }
0x8a: {  	s1 =	srdreg.scid  }
0x8b: {  	s0 =	sand.u32 $0x1, s1  }
0x8c: {  	s17 =	sshll.u32 s0, $0xA;
	s2 =	sadd.s32 s3, s2  }
0x8d: {  	s2 =	sadd.s32 s2, s17  }
0x8e: {  	[smem:$0x3FBA] =	sst s2  }
0x8f: {  	_ = 	snop  }
0x90: {  	s2 =	sld [smem:$0x3FD0];
	(tm) =	ssettm $0x1  }
0x91: {  	s18 =	sld [smem:$0x3FFB];
	_ =	sdelay $0x3  }
0x92: {  	_ =	strace s18  }
0x93: {  	s3 =	sld [smem:$0x3FFC];
	_ =	sdelay $0x3  }
0x94: {  	_ =	strace s3  }
0x95: {  	s3 =	sld [smem:$0x3FFD];
	_ =	sdelay $0x3  }
0x96: {  	_ =	strace s3  }
0x97: {  	_ =	strace $0x8FFFFFFF  }
0x98: {  	s19 =	sld [smem:$0x3FDB];
	_ =	sdelay $0x1  }
0x99: {  	s4 =	simm.s32 $_scs_section_size  }
0x9a: {  	s5 =	simm.s32 $_size__tile_overlayer_lowered;
	s6 =	simm.s32 $_tile_overlayer_lowered  }
0x9b: {  	s22 =	simm.s32 $0x1BFF;
	s21 =	sshll.u32 s6, $0x1;
	s3 =	sadd.s32 s4, s19  }
0x9c: {  	s7 =	simm.s32 $0x0;
	s20 =	sshll.u32 s5, $0x1;
	s5 =	sadd.s32 s21, s3  }
0x9d: {  	[timem:s7], [sflag:s22] =	dma.local [hbm:s5], s20  }
0x9e: {  	_ =	swait.ge [sflag:s22], s20  }
0x9f: {  	s4 =	ssub.s32 $0x0, s20;
	[sflag:s22] =	ssyncset.done $0x0  }
0xa0: {  	[sflag:s22] =	ssyncadd.s32 s4;
	_ =	sdelay $0x1  }
0xa1: {  	s23 =	simm.s32 $0x1B8B  }
0xa2: {  	_ =	swait.ge [sflag:s23], $0x1  }
0xa3: {  	[sflag:s23] =	ssyncset.done $0x0  }
0xa4: {  	s25 =	simm.s32 $0x1B8E;
	s24 =	sld [smem:$0x3FFE];
	[sflag:s23] =	ssyncadd.s32 $0xFFFFFFFF  }
0xa5: {  	s26 =	simm.s32 $execute0_lowered;
	[smem:$0x3FD2] =	sst s25  }
0xa6: {  	s5 =	sshll.u32 s26, $0x1;
	_ =	strace $0x8000004C;
	[dreg:$0x1] =	wrdreg $0xFFFFFFFF  }
0xa7: {  	s28 =	simm.s32 $_size_execute0_lowered;
	s3 =	sadd.s32 s3, s5;
	[dreg:$0x0] =	wrdreg $0x0  }
0xa8: {  	s5 =	sshll.u32 s28, $0x1;
	[dreg:$0x2] =	wrdreg s3  }
0xa9: {  	[dreg:$0x3] =	wrdreg s5  }
0xaa: {  	[dreg:$0x4] =	wrdreg $0xC0  }
0xab: {  	_ =	task [dreg:s7], $0x5FFFF  }
0xac: {  	[dreg:$0x1] =	wrdreg $0xFFFFFFFF  }
0xad: {  	[dreg:$0x0] =	wrdreg $0x60  }
0xae: {  	[dreg:$0x2] =	wrdreg s2  }
0xaf: {  	[dreg:$0x3] =	wrdreg s24  }
0xb0: {  	[dreg:$0x4] =	wrdreg $0xA5000  }
0xb1: {  	[dreg:$0x5] =	wrdreg $0x9  }
0xb2: {  	_ =	task.clear_ibuf [dreg:s7], $0x6FFFF;
	_ =	strace $0x9000004C  }
0xb3: {  	s29 =	simm.s32 $0x9;
	_ =	strace $0x8000004E  }
0xb4: {  	_ =	swait.ge [sflag:s29], $0x1  }
0xb5: {  	[sflag:s29] =	ssyncadd.s32 $0xFFFFFFFF  }
0xb6: {  	_ =	strace $0x9000004E  }
0xb7: {  	_ =	sfence  }
0xb8: {  	s30 =	sld [smem:$0x0];
	_ =	sdelay $0x2  }
0xb9: {  	s31 =	sshll.u32 s1, $0xD;
	s1 =	sshrl.u32 s1, $0x2  }
0xba: {  	s3 =	sand.u32 $0x4000, s31;
	s1 =	sadd.s32 s1, s30  }
0xbb: {  	s0 =	sor.u32 s3, s0;
	s1 =	sshll.u32 s1, $0x11  }
0xbc: {  	s0 =	sor.u32 s1, s0  }
0xbd: {  	s0 =	sadd.s32 $0x8F2B, s0  }
0xbe: {  	[sflag:s0] =	ssyncadd.remote.s32 $0x1  }
0xbf: {  	_ =	sfence.sel $0xFFFF  }
0xc0: {  	[dreg:$0x0] =	wrdreg $0xFFFFFFFF;
	(pc) =	sbr.abs _section_cstart, $3  }
0xc1: {  	[dreg:$0x1] =	wrdreg $0xFFFFFFFF  }
0xc2: {  	_ =	task.clear_ibuf [dreg:s7], $0x2FFFF;
	_ =	strace $0x9FFFFFFF  }
0xc3: {  	(tm) =	ssettm $0x7FFFFFFF  }
tec
execute0_lowered:
.L_overlay_start_1:
0x0: {  	(tag) =	ssettag $0x1  }
0x1: {  	s1 =	rddreg [dreg:$0x0]  }
0x2: {  	s7 =	rddreg [dreg:$0x1]  }
0x3: {  	s2 =	rddreg [dreg:$0x2]  }
0x4: {  	s3 =	simm.s32 $0x0;
	s0 =	stileid.u32;
	s6 =	srdreg.scid  }
0x5: {  	s28 =	simm.s32 $0x80;
	s31 =	simm.s32 $0x100;
	s29 =	simm.s32 $0x300  }
0x6: {  	[smem:$0x7FF] =	sst s3;
	s8 =	smul.u32 $0x13800, s0;
	s4 =	sadd.s32 $0xE000, s7  }
0x7: {  	s5 =	sadd.s32 $0x3800, s7;
	s10 =	sand.u32 $0x1, s6;
	s22 =	smul.u32 $0x4E000, s0  }
0x8: {  	s11 =	sadd.s32 $0x3F200, s7;
	s25 =	sshll.u32 s0, $0x6;
	s26 =	sadd.s32 $0x138000, s2  }
0x9: {  	p0 =	sne.s32 s0, $0x0;
	_ =	strace $0x8000004D;
	s12 =	ssub.s32 $0x2, s10  }
0xa: {  	s14 =	sshll.u32 s10, $0x4;
	s21 =	sor.u32 $0x1C0B, s25;
	s30 =	smul.u32 $0x138800, s10  }
0xb: {  	[dreg:$0x11] =	wrdreg s26;
	s10 =	smul.u32 $0x28000, s10;
	s9 =	sshrl.u32 s8, $0x3  }
0xc: {  	s13 =	sshrl.u32 s12, $0x1;
	s15 =	sshrl.u32 s22, $0x2;
	s23 =	sor.u32 s0, s14  }
0xd: {  	[dreg:$0x10] =	wrdreg s21;
	s9 =	sadd.s32 s9, s7;
	s6 =	ssub.s32 s12, s13  }
0xe: {  	s24 =	sadd.s32 s15, s2;
	s12 =	smul.u32 $0x2800, s23;
	s7 =	sadd.s32 $0x3F000, s7  }
0xf: {  	s15 =	smul.u32 $0x2800, s0;
	s8 =	sadd.s32 s8, s30;
	[dreg:$0xe] =	wrdreg s24  }
0x10: {  	s20 =	sshrl.u32 s30, $0x3;
	s9 =	sadd.s32 $0x18000, s9;
	[dreg:$0x12] =	wrdreg s7  }
0x11: {  	s0 =	simm.s32 $0x0;
	s8 =	sshrl.u32 s8, $0x3;
	[dreg:$0xf] =	wrdreg s9  }
0x12: {  	s7 =	sshrl.u32 s12, $0x3;
	s10 =	sadd.s32 s15, s10;
	s8 =	sadd.s32 s11, s8  }
0x13: {  	s12 =	sadd.s32 s4, s7;
	s13 =	sor.u32 $0x8, s7;
	[dreg:$0x18] =	wrdreg s8  }
0x14: {  	s16 =	sadd.s32 s5, s7;
	s19 =	sor.u32 $0x240, s10;
	[dreg:$0x13] =	wrdreg s12  }
0x15: {  	s30 =	sor.u32 $0x1C0, s10;
	[dreg:$0x14] =	wrdreg s16;
	s17 =	sadd.s32 s4, s13  }
0x16: {  	s12 =	sadd.s32 s5, s13;
	s22 =	sshrl.u32 s19, $0x3;
	[dreg:$0x15] =	wrdreg s17  }
0x17: {  	s13 =	sshrl.u32 s30, $0x3;
	s30 =	smax.u32 s6, $0x1;
	[dreg:$0x16] =	wrdreg s12  }
0x18: {  	s24 =	sor.u32 $0x200, s10;
	s23 =	sadd.s32 s22, s5;
	[dreg:$0x1f] =	wrdreg s30  }
0x19: {  	s25 =	sshrl.u32 s24, $0x3;
	s9 =	sadd.s32 s22, s4;
	[dreg:$0x4] =	wrdreg s23  }
0x1a: {  	s8 =	sadd.s32 s11, s20;
	s26 =	sadd.s32 s25, s5;
	[dreg:$0x5] =	wrdreg s9  }
0x1b: {  	s15 =	sor.u32 $0x180, s10;
	s11 =	sadd.s32 s25, s4;
	[dreg:$0x6] =	wrdreg s26  }
0x1c: {  	s10 =	sor.u32 $0x140, s10;
	s14 =	sadd.s32 s13, s5;
	[dreg:$0x7] =	wrdreg s11  }
0x1d: {  	s12 =	sor.u32 $0x10, s7;
	s16 =	sadd.s32 s13, s4;
	[dreg:$0x8] =	wrdreg s14  }
0x1e: {  	s24 =	sshrl.u32 s10, $0x3;
	s18 =	sadd.s32 s4, s12;
	[dreg:$0x9] =	wrdreg s16  }
0x1f: {  	s17 =	sshrl.u32 s15, $0x3;
	s12 =	sadd.s32 s5, s12;
	[dreg:$0x17] =	wrdreg s18  }
0x20: {  	s13 =	simm.s32 $0x3;
	s19 =	sadd.s32 s17, s5;
	[dreg:$0x19] =	wrdreg s12  }
0x21: {  	s15 =	simm.s32 $0x5;
	s23 =	sadd.s32 s17, s4;
	[dreg:$0xa] =	wrdreg s19  }
0x22: {  	s26 =	sadd.s32 $0x27000, s8;
	s18 =	sor.u32 $0x18, s7;
	[dreg:$0xb] =	wrdreg s23  }
0x23: {  	s14 =	simm.s32 $0x4;
	[dreg:$0x1e] =	wrdreg s26;
	s20 =	sadd.s32 s4, s18  }
0x24: {  	s7 =	sor.u32 $0x20, s7;
	s22 =	sadd.s32 s5, s18;
	[dreg:$0x1a] =	wrdreg s20  }
0x25: {  	s16 =	simm.s32 $0x6;
	s25 =	sadd.s32 s4, s7;
	[dreg:$0x1b] =	wrdreg s22  }
0x26: {  	s17 =	simm.s32 $0x7;
	s7 =	sadd.s32 s5, s7;
	[dreg:$0x1c] =	wrdreg s25  }
0x27: {  	s12 =	simm.s32 $0x2;
	s5 =	sadd.s32 s24, s5;
	[dreg:$0x1d] =	wrdreg s7  }
0x28: {  	s19 =	simm.s32 $0x9;
	s4 =	sadd.s32 s24, s4;
	[dreg:$0xc] =	wrdreg s5  }
0x29: {  	s24 =	simm.s32 $0x40;
	s18 =	simm.s32 $0x8;
	[dreg:$0xd] =	wrdreg s4  }
0x2a: {  	s22 =	simm.s32 $0xB;
	s5 =	simm.s32 $0x180;
	s20 =	simm.s32 $0xA  }
.LBB2_1:
0x2b: {  	[smem:$0x7FB] =	sst s0  }
0x2c: {  	s6 =	rddreg [dreg:$0xe]  }
0x2d: {  	s23 =	rddreg [dreg:$0xf];
	s11 =	sshrl.u32 s6, $0x3  }
0x2e: {  	[smem:$0x7FC] =	sst s11  }
0x2f: {  	[spmem:s11], [sflag:s21] =	dma.local [hbm:s23], $0x2700  }
0x30: {  	_ =	swait.ge [sflag:s22], $0x2700  }
0x31: {  	s6 =	rddreg [dreg:$0x11]  }
0x32: {  	[sflag:s22] =	ssyncset.done $0x0;
	s0 =	sshrl.u32 @!p0 s6, $0x3;
	s6 =	rddreg [dreg:$0x12]  }
0x33: {  	[sflag:s22] =	ssyncadd.s32 $0xFFFFD900;
	[smem:$0x7FD] =	sst s0  }
0x34: {  	[spmem:s0], [sflag:s21] =	dma.local @!p0 [hbm:s6], $0x100  }
0x35: {  	s6 =	simm.s32 @!p0 $0xB  }
0x36: {  	_ =	swait.ge @!p0 [sflag:s6], $0x100  }
0x37: {  	[sflag:s6] =	ssyncset.done @!p0 $0x0  }
0x38: {  	[sflag:s6] =	ssyncadd.s32 @!p0 $0xFFFFFF00  }
0x39: {  	[bflag:$0x0] =	sbarrier.arrive $0xFFFF  }
0x3a: {  	s25 =	rddreg [dreg:$0x13]  }
0x3b: {  	[tilespmem:s3], [sflag:$0xB] =	stream.linear.gather [hbm4b:s25+s3], $0x40, $0x38;
	[tilespmem:$0x1E580] =	vst v63  }
0x3c: {  	_ =	swait.ge [sflag:s22], $0x40  }
0x3d: {  	[sflag:s22] =	ssyncset.done $0x0  }
0x3e: {  	s21 =	simm.s32 $0x280;
	s26 =	rddreg [dreg:$0x14];
	[sflag:s22] =	ssyncadd.s32 $0xFFFFFFC0  }
0x3f: {  	[tilespmem:s21], [sflag:$0xB] =	stream.linear.gather [hbm4b:s26+s3], $0x40, $0x38;
	[tilespmem:$0x1E580] =	vst v63  }
0x40: {  	_ =	swait.ge [sflag:s22], $0x40  }
0x41: {  	[sflag:s22] =	ssyncset.done $0x0  }
0x42: {  	s23 =	simm.s32 $0x500;
	[sflag:s22] =	ssyncadd.s32 $0xFFFFFFC0  }
0x43: {  	[tilespmem:s23], [sflag:$0x1] =	stream.indirect.gather [hbm4b:s1+s24], $0x80, s3, s24, $0xb8;
	[tilespmem:$0x1E580] =	vst v63  }
0x44: {  	s30 =	rddreg [dreg:$0x15]  }
0x45: {  	[tilespmem:s28], [sflag:$0xB] =	stream.linear.gather [hbm4b:s30+s3], $0x40, $0x38;
	[tilespmem:$0x1E580] =	vst v63  }
0x46: {  	_ =	swait.ge [sflag:s22], $0x40  }
0x47: {  	[sflag:s22] =	ssyncset.done $0x0  }
0x48: {  	s25 =	simm.s32 $0x300;
	s0 =	rddreg [dreg:$0x16];
	[sflag:s22] =	ssyncadd.s32 $0xFFFFFFC0  }
0x49: {  	[tilespmem:s25], [sflag:$0xB] =	stream.linear.gather [hbm4b:s0+s3], $0x40, $0x38;
	[tilespmem:$0x1E580] =	vst v63  }
0x4a: {  	_ =	swait.ge [sflag:s22], $0x40  }
0x4b: {  	[sflag:s22] =	ssyncset.done $0x0  }
0x4c: {  	s26 =	simm.s32 $0x2500;
	[sflag:s22] =	ssyncadd.s32 $0xFFFFFFC0  }
0x4d: {  	[tilespmem:s26], [sflag:$0x2] =	stream.indirect.gather [hbm4b:s1+s24], $0x80, s28, s24, $0xb8;
	[tilespmem:$0x1E580] =	vst v63  }
0x4e: {  	s4 =	rddreg [dreg:$0x17]  }
0x4f: {  	[tilespmem:s31], [sflag:$0xB] =	stream.linear.gather [hbm4b:s4+s3], $0x40, $0x38;
	[tilespmem:$0x1E580] =	vst v63  }
0x50: {  	_ =	swait.ge [sflag:s22], $0x40  }
0x51: {  	[sflag:s22] =	ssyncset.done $0x0  }
0x52: {  	s0 =	simm.s32 $0x380;
	s7 =	rddreg [dreg:$0x19];
	[sflag:s22] =	ssyncadd.s32 $0xFFFFFFC0  }
0x53: {  	[tilespmem:s0], [sflag:$0xB] =	stream.linear.gather [hbm4b:s7+s3], $0x40, $0x38;
	[tilespmem:$0x1E580] =	vst v63  }
0x54: {  	_ =	swait.ge [sflag:s22], $0x40  }
0x55: {  	[sflag:s22] =	ssyncset.done $0x0  }
0x56: {  	s4 =	simm.s32 $0x4500;
	[sflag:s22] =	ssyncadd.s32 $0xFFFFFFC0  }
0x57: {  	[tilespmem:s4], [sflag:$0x3] =	stream.indirect.gather [hbm4b:s1+s24], $0x80, s31, s24, $0xb8;
	[tilespmem:$0x1E580] =	vst v63  }
0x58: {  	s8 =	rddreg [dreg:$0x1a]  }
0x59: {  	[tilespmem:s5], [sflag:$0xB] =	stream.linear.gather [hbm4b:s8+s3], $0x40, $0x38;
	[tilespmem:$0x1E580] =	vst v63  }
0x5a: {  	_ =	swait.ge [sflag:s22], $0x40  }
0x5b: {  	[sflag:s22] =	ssyncset.done $0x0  }
0x5c: {  	s7 =	simm.s32 $0x400;
	s9 =	rddreg [dreg:$0x1b];
	[sflag:s22] =	ssyncadd.s32 $0xFFFFFFC0  }
0x5d: {  	[tilespmem:s7], [sflag:$0xB] =	stream.linear.gather [hbm4b:s9+s3], $0x40, $0x38;
	[tilespmem:$0x1E580] =	vst v63  }
0x5e: {  	_ =	swait.ge [sflag:s22], $0x40  }
0x5f: {  	[sflag:s22] =	ssyncset.done $0x0  }
0x60: {  	s8 =	simm.s32 $0x6500;
	[sflag:s22] =	ssyncadd.s32 $0xFFFFFFC0  }
0x61: {  	[tilespmem:s8], [sflag:$0x4] =	stream.indirect.gather [hbm4b:s1+s24], $0x80, s5, s24, $0xb8;
	[tilespmem:$0x1E580] =	vst v63  }
0x62: {  	s9 =	simm.s32 $0x200;
	s10 =	rddreg [dreg:$0x1c]  }
0x63: {  	[tilespmem:s9], [sflag:$0xB] =	stream.linear.gather [hbm4b:s10+s3], $0x40, $0x38;
	[tilespmem:$0x1E580] =	vst v63  }
0x64: {  	_ =	swait.ge [sflag:s22], $0x40  }
0x65: {  	[sflag:s22] =	ssyncset.done $0x0  }
0x66: {  	s10 =	simm.s32 $0x480;
	s11 =	rddreg [dreg:$0x1d];
	[sflag:s22] =	ssyncadd.s32 $0xFFFFFFC0  }
0x67: {  	[tilespmem:s10], [sflag:$0xB] =	stream.linear.gather [hbm4b:s11+s3], $0x40, $0x38;
	[tilespmem:$0x1E580] =	vst v63  }
0x68: {  	_ =	swait.ge [sflag:s22], $0x40  }
0x69: {  	[sflag:s22] =	ssyncset.done $0x0  }
0x6a: {  	s30 =	simm.s32 $0x8500;
	s11 =	simm.s32 $0x1;
	[sflag:s22] =	ssyncadd.s32 $0xFFFFFFC0  }
0x6b: {  	[tilespmem:s30], [sflag:$0x5] =	stream.indirect.gather [hbm4b:s1+s24], $0x80, s9, s24, $0xb8;
	[tilespmem:$0x1E580] =	vst v63  }
0x6c: {  	_ =	swait.ge [sflag:s11], $0x2000  }
0x6d: {  	[sflag:s11] =	ssyncset.done $0x0  }
0x6e: {  	[sflag:s11] =	ssyncadd.s32 $0xFFFFE000  }
0x6f: {  	[spmem:s2] =	stream.indirect.scatter.add.f32 [tilespmem:s23], [sflag:$0x6], $0x80, s21, s24, $0xb8;
	[tilespmem:$0x1E580] =	vst v63  }
0x70: {  	_ =	swait.ge [sflag:s12], $0x2000  }
0x71: {  	[sflag:s12] =	ssyncset.done $0x0  }
0x72: {  	[sflag:s12] =	ssyncadd.s32 $0xFFFFE000  }
0x73: {  	[spmem:s2] =	stream.indirect.scatter.add.f32 [tilespmem:s26], [sflag:$0x7], $0x80, s25, s24, $0xb8;
	[tilespmem:$0x1E580] =	vst v63  }
0x74: {  	_ =	swait.ge [sflag:s13], $0x2000  }
0x75: {  	[sflag:s13] =	ssyncset.done $0x0  }
0x76: {  	[sflag:s13] =	ssyncadd.s32 $0xFFFFE000  }
0x77: {  	[spmem:s2] =	stream.indirect.scatter.add.f32 [tilespmem:s4], [sflag:$0x8], $0x80, s0, s24, $0xb8;
	[tilespmem:$0x1E580] =	vst v63  }
0x78: {  	_ =	swait.ge [sflag:s14], $0x2000  }
0x79: {  	[sflag:s14] =	ssyncset.done $0x0  }
0x7a: {  	[sflag:s14] =	ssyncadd.s32 $0xFFFFE000  }
0x7b: {  	[spmem:s2] =	stream.indirect.scatter.add.f32 [tilespmem:s8], [sflag:$0x9], $0x80, s7, s24, $0xb8;
	[tilespmem:$0x1E580] =	vst v63  }
0x7c: {  	_ =	swait.ge [sflag:s15], $0x2000  }
0x7d: {  	[sflag:s15] =	ssyncset.done $0x0  }
0x7e: {  	[sflag:s15] =	ssyncadd.s32 $0xFFFFE000  }
0x7f: {  	[spmem:s2] =	stream.indirect.scatter.add.f32 [tilespmem:s30], [sflag:$0xA], $0x80, s10, s24, $0xb8;
	[tilespmem:$0x1E580] =	vst v63  }
0x80: {  	_ =	swait.ge [sflag:s16], $0x2000  }
0x81: {  	s11 =	rddreg [dreg:$0xd];
	[sflag:s16] =	ssyncset.done $0x0  }
0x82: {  	[sflag:s16] =	ssyncadd.s32 $0xFFFFE000;
	s6 =	sadd.s32 $0x0, s11  }
0x83: {  	[tilespmem:s3], [sflag:$0xB] =	stream.linear.gather [hbm4b:s6+s3], $0x40, $0x38;
	[tilespmem:$0x1E580] =	vst v63  }
0x84: {  	_ =	swait.ge [sflag:s22], $0x40  }
0x85: {  	s30 =	rddreg [dreg:$0xc];
	[sflag:s22] =	ssyncset.done $0x0  }
0x86: {  	[sflag:s22] =	ssyncadd.s32 $0xFFFFFFC0;
	s6 =	sadd.s32 $0x0, s30  }
0x87: {  	[tilespmem:s21], [sflag:$0xB] =	stream.linear.gather [hbm4b:s6+s3], $0x40, $0x38;
	[tilespmem:$0x1E580] =	vst v63  }
0x88: {  	_ =	swait.ge [sflag:s22], $0x40  }
0x89: {  	[sflag:s22] =	ssyncset.done $0x0  }
0x8a: {  	[sflag:s22] =	ssyncadd.s32 $0xFFFFFFC0  }
0x8b: {  	[tilespmem:s23], [sflag:$0x1] =	stream.indirect.gather [hbm4b:s1+s24], $0x80, s3, s24, $0xb8;
	[tilespmem:$0x1E580] =	vst v63  }
0x8c: {  	_ =	swait.ge [sflag:s17], $0x2000  }
0x8d: {  	s11 =	rddreg [dreg:$0xb];
	[sflag:s17] =	ssyncset.done $0x0  }
0x8e: {  	[sflag:s17] =	ssyncadd.s32 $0xFFFFE000;
	s6 =	sadd.s32 $0x0, s11  }
0x8f: {  	[tilespmem:s28], [sflag:$0xB] =	stream.linear.gather [hbm4b:s6+s3], $0x40, $0x38;
	[tilespmem:$0x1E580] =	vst v63  }
0x90: {  	_ =	swait.ge [sflag:s22], $0x40  }
0x91: {  	s21 =	rddreg [dreg:$0xa];
	[sflag:s22] =	ssyncset.done $0x0  }
0x92: {  	[sflag:s22] =	ssyncadd.s32 $0xFFFFFFC0;
	s6 =	sadd.s32 $0x0, s21  }
0x93: {  	[tilespmem:s25], [sflag:$0xB] =	stream.linear.gather [hbm4b:s6+s3], $0x40, $0x38;
	[tilespmem:$0x1E580] =	vst v63  }
0x94: {  	_ =	swait.ge [sflag:s22], $0x40  }
0x95: {  	[sflag:s22] =	ssyncset.done $0x0  }
0x96: {  	[sflag:s22] =	ssyncadd.s32 $0xFFFFFFC0  }
0x97: {  	[tilespmem:s26], [sflag:$0x2] =	stream.indirect.gather [hbm4b:s1+s24], $0x80, s28, s24, $0xb8;
	[tilespmem:$0x1E580] =	vst v63  }
0x98: {  	_ =	swait.ge [sflag:s18], $0x2000  }
0x99: {  	s23 =	rddreg [dreg:$0x9];
	[sflag:s18] =	ssyncset.done $0x0  }
0x9a: {  	[sflag:s18] =	ssyncadd.s32 $0xFFFFE000;
	s6 =	sadd.s32 $0x0, s23  }
0x9b: {  	[tilespmem:s31], [sflag:$0xB] =	stream.linear.gather [hbm4b:s6+s3], $0x40, $0x38;
	[tilespmem:$0x1E580] =	vst v63  }
0x9c: {  	_ =	swait.ge [sflag:s22], $0x40  }
0x9d: {  	s25 =	rddreg [dreg:$0x8];
	[sflag:s22] =	ssyncset.done $0x0  }
0x9e: {  	[sflag:s22] =	ssyncadd.s32 $0xFFFFFFC0;
	s6 =	sadd.s32 $0x0, s25  }
0x9f: {  	[tilespmem:s0], [sflag:$0xB] =	stream.linear.gather [hbm4b:s6+s3], $0x40, $0x38;
	[tilespmem:$0x1E580] =	vst v63  }
0xa0: {  	_ =	swait.ge [sflag:s22], $0x40  }
0xa1: {  	[sflag:s22] =	ssyncset.done $0x0  }
0xa2: {  	[sflag:s22] =	ssyncadd.s32 $0xFFFFFFC0  }
0xa3: {  	[tilespmem:s4], [sflag:$0x3] =	stream.indirect.gather [hbm4b:s1+s24], $0x80, s31, s24, $0xb8;
	[tilespmem:$0x1E580] =	vst v63  }
0xa4: {  	_ =	swait.ge [sflag:s19], $0x2000  }
0xa5: {  	s26 =	rddreg [dreg:$0x7];
	[sflag:s19] =	ssyncset.done $0x0  }
0xa6: {  	[sflag:s19] =	ssyncadd.s32 $0xFFFFE000;
	s6 =	sadd.s32 $0x0, s26  }
0xa7: {  	[tilespmem:s5], [sflag:$0xB] =	stream.linear.gather [hbm4b:s6+s3], $0x40, $0x38;
	[tilespmem:$0x1E580] =	vst v63  }
0xa8: {  	_ =	swait.ge [sflag:s22], $0x40  }
0xa9: {  	s28 =	rddreg [dreg:$0x6];
	[sflag:s22] =	ssyncset.done $0x0  }
0xaa: {  	[sflag:s22] =	ssyncadd.s32 $0xFFFFFFC0;
	s6 =	sadd.s32 $0x0, s28  }
0xab: {  	[tilespmem:s7], [sflag:$0xB] =	stream.linear.gather [hbm4b:s6+s3], $0x40, $0x38;
	[tilespmem:$0x1E580] =	vst v63  }
0xac: {  	_ =	swait.ge [sflag:s22], $0x40  }
0xad: {  	[sflag:s22] =	ssyncset.done $0x0  }
0xae: {  	[sflag:s22] =	ssyncadd.s32 $0xFFFFFFC0  }
0xaf: {  	[tilespmem:s8], [sflag:$0x4] =	stream.indirect.gather [hbm4b:s1+s24], $0x80, s5, s24, $0xb8;
	[tilespmem:$0x1E580] =	vst v63  }
0xb0: {  	_ =	swait.ge [sflag:s20], $0x2000  }
0xb1: {  	s30 =	rddreg [dreg:$0x5];
	[sflag:s20] =	ssyncset.done $0x0  }
0xb2: {  	[sflag:s20] =	ssyncadd.s32 $0xFFFFE000;
	s6 =	sadd.s32 $0x0, s30  }
0xb3: {  	[tilespmem:s9], [sflag:$0xB] =	stream.linear.gather [hbm4b:s6+s3], $0x40, $0x38;
	[tilespmem:$0x1E580] =	vst v63  }
0xb4: {  	_ =	swait.ge [sflag:s22], $0x40  }
0xb5: {  	s31 =	rddreg [dreg:$0x4];
	[sflag:s22] =	ssyncset.done $0x0  }
0xb6: {  	[sflag:s22] =	ssyncadd.s32 $0xFFFFFFC0;
	s6 =	sadd.s32 $0x0, s31  }
0xb7: {  	[tilespmem:s10], [sflag:$0xB] =	stream.linear.gather [hbm4b:s6+s3], $0x40, $0x38;
	[tilespmem:$0x1E580] =	vst v63  }
0xb8: {  	_ =	swait.ge [sflag:s22], $0x40  }
0xb9: {  	[sflag:s22] =	ssyncset.done $0x0  }
0xba: {  	s6 =	simm.s32 $0x28;
	[sflag:s22] =	ssyncadd.s32 $0xFFFFFFC0  }
.LBB2_2:
0xbb: {  	s10 =	simm.s32 $0x200;
	s4 =	simm.s32 $0x8500;
	s0 =	simm.s32 $0x1  }
0xbc: {  	[tilespmem:s4], [sflag:$0x5] =	stream.indirect.gather [hbm4b:s1+s24], $0x80, s10, s24, $0xb8;
	[tilespmem:$0x1E580] =	vst v63  }
0xbd: {  	_ =	swait.ge [sflag:s0], $0x2000  }
0xbe: {  	[sflag:s0] =	ssyncset.done $0x0  }
0xbf: {  	s26 =	simm.s32 $0x280;
	s28 =	simm.s32 $0x500;
	[sflag:s0] =	ssyncadd.s32 $0xFFFFE000  }
0xc0: {  	[spmem:s2] =	stream.indirect.scatter.add.f32 [tilespmem:s28], [sflag:$0x6], $0x80, s26, s24, $0xb8;
	[tilespmem:$0x1E580] =	vst v63  }
0xc1: {  	_ =	swait.ge [sflag:s12], $0x2000  }
0xc2: {  	[sflag:s12] =	ssyncset.done $0x0  }
0xc3: {  	s30 =	simm.s32 $0x300;
	s31 =	simm.s32 $0x2500;
	[sflag:s12] =	ssyncadd.s32 $0xFFFFE000  }
0xc4: {  	[spmem:s2] =	stream.indirect.scatter.add.f32 [tilespmem:s31], [sflag:$0x7], $0x80, s30, s24, $0xb8;
	[tilespmem:$0x1E580] =	vst v63  }
0xc5: {  	_ =	swait.ge [sflag:s13], $0x2000  }
0xc6: {  	[sflag:s13] =	ssyncset.done $0x0  }
0xc7: {  	s5 =	simm.s32 $0x4500;
	s0 =	simm.s32 $0x380;
	[sflag:s13] =	ssyncadd.s32 $0xFFFFE000  }
0xc8: {  	[spmem:s2] =	stream.indirect.scatter.add.f32 [tilespmem:s5], [sflag:$0x8], $0x80, s0, s24, $0xb8;
	[tilespmem:$0x1E580] =	vst v63  }
0xc9: {  	_ =	swait.ge [sflag:s14], $0x2000  }
0xca: {  	[sflag:s14] =	ssyncset.done $0x0  }
0xcb: {  	s7 =	simm.s32 $0x400;
	s9 =	simm.s32 $0x6500;
	[sflag:s14] =	ssyncadd.s32 $0xFFFFE000  }
0xcc: {  	[spmem:s2] =	stream.indirect.scatter.add.f32 [tilespmem:s9], [sflag:$0x9], $0x80, s7, s24, $0xb8;
	[tilespmem:$0x1E580] =	vst v63  }
0xcd: {  	_ =	swait.ge [sflag:s15], $0x2000  }
0xce: {  	[sflag:s15] =	ssyncset.done $0x0  }
0xcf: {  	s11 =	simm.s32 $0x480;
	[sflag:s15] =	ssyncadd.s32 $0xFFFFE000  }
0xd0: {  	[spmem:s2] =	stream.indirect.scatter.add.f32 [tilespmem:s4], [sflag:$0xA], $0x80, s11, s24, $0xb8;
	[tilespmem:$0x1E580] =	vst v63  }
0xd1: {  	_ =	swait.ge [sflag:s16], $0x2000  }
0xd2: {  	s21 =	smov.u32 s6;
	s23 =	rddreg [dreg:$0xd];
	[sflag:s16] =	ssyncset.done $0x0  }
0xd3: {  	[sflag:s16] =	ssyncadd.s32 $0xFFFFE000;
	s23 =	sadd.s32 s21, s23  }
0xd4: {  	[tilespmem:s3], [sflag:$0xB] =	stream.linear.gather [hbm4b:s23+s3], $0x40, $0x38;
	[tilespmem:$0x1E580] =	vst v63  }
0xd5: {  	_ =	swait.ge [sflag:s22], $0x40  }
0xd6: {  	s4 =	rddreg [dreg:$0xc];
	[sflag:s22] =	ssyncset.done $0x0  }
0xd7: {  	[sflag:s22] =	ssyncadd.s32 $0xFFFFFFC0;
	s23 =	sadd.s32 s21, s4  }
0xd8: {  	[tilespmem:s26], [sflag:$0xB] =	stream.linear.gather [hbm4b:s23+s3], $0x40, $0x38;
	[tilespmem:$0x1E580] =	vst v63  }
0xd9: {  	_ =	swait.ge [sflag:s22], $0x40  }
0xda: {  	[sflag:s22] =	ssyncset.done $0x0  }
0xdb: {  	[sflag:s22] =	ssyncadd.s32 $0xFFFFFFC0  }
0xdc: {  	[tilespmem:s28], [sflag:$0x1] =	stream.indirect.gather [hbm4b:s1+s24], $0x80, s3, s24, $0xb8;
	[tilespmem:$0x1E580] =	vst v63  }
0xdd: {  	_ =	swait.ge [sflag:s17], $0x2000  }
0xde: {  	s8 =	rddreg [dreg:$0xb];
	[sflag:s17] =	ssyncset.done $0x0  }
0xdf: {  	s28 =	simm.s32 $0x80;
	[sflag:s17] =	ssyncadd.s32 $0xFFFFE000;
	s23 =	sadd.s32 s21, s8  }
0xe0: {  	[tilespmem:s28], [sflag:$0xB] =	stream.linear.gather [hbm4b:s23+s3], $0x40, $0x38;
	[tilespmem:$0x1E580] =	vst v63  }
0xe1: {  	_ =	swait.ge [sflag:s22], $0x40  }
0xe2: {  	s4 =	rddreg [dreg:$0xa];
	[sflag:s22] =	ssyncset.done $0x0  }
0xe3: {  	[sflag:s22] =	ssyncadd.s32 $0xFFFFFFC0;
	s23 =	sadd.s32 s21, s4  }
0xe4: {  	[tilespmem:s30], [sflag:$0xB] =	stream.linear.gather [hbm4b:s23+s3], $0x40, $0x38;
	[tilespmem:$0x1E580] =	vst v63  }
0xe5: {  	_ =	swait.ge [sflag:s22], $0x40  }
0xe6: {  	[sflag:s22] =	ssyncset.done $0x0  }
0xe7: {  	[sflag:s22] =	ssyncadd.s32 $0xFFFFFFC0  }
0xe8: {  	[tilespmem:s31], [sflag:$0x2] =	stream.indirect.gather [hbm4b:s1+s24], $0x80, s28, s24, $0xb8;
	[tilespmem:$0x1E580] =	vst v63  }
0xe9: {  	_ =	swait.ge [sflag:s18], $0x2000  }
0xea: {  	s8 =	rddreg [dreg:$0x9];
	[sflag:s18] =	ssyncset.done $0x0  }
0xeb: {  	s31 =	simm.s32 $0x100;
	[sflag:s18] =	ssyncadd.s32 $0xFFFFE000;
	s23 =	sadd.s32 s21, s8  }
0xec: {  	[tilespmem:s31], [sflag:$0xB] =	stream.linear.gather [hbm4b:s23+s3], $0x40, $0x38;
	[tilespmem:$0x1E580] =	vst v63  }
0xed: {  	_ =	swait.ge [sflag:s22], $0x40  }
0xee: {  	s4 =	rddreg [dreg:$0x8];
	[sflag:s22] =	ssyncset.done $0x0  }
0xef: {  	[sflag:s22] =	ssyncadd.s32 $0xFFFFFFC0;
	s23 =	sadd.s32 s21, s4  }
0xf0: {  	[tilespmem:s0], [sflag:$0xB] =	stream.linear.gather [hbm4b:s23+s3], $0x40, $0x38;
	[tilespmem:$0x1E580] =	vst v63  }
0xf1: {  	_ =	swait.ge [sflag:s22], $0x40  }
0xf2: {  	[sflag:s22] =	ssyncset.done $0x0  }
0xf3: {  	[sflag:s22] =	ssyncadd.s32 $0xFFFFFFC0  }
0xf4: {  	[tilespmem:s5], [sflag:$0x3] =	stream.indirect.gather [hbm4b:s1+s24], $0x80, s31, s24, $0xb8;
	[tilespmem:$0x1E580] =	vst v63  }
0xf5: {  	_ =	swait.ge [sflag:s19], $0x2000  }
0xf6: {  	s8 =	rddreg [dreg:$0x7];
	[sflag:s19] =	ssyncset.done $0x0  }
0xf7: {  	s5 =	simm.s32 $0x180;
	[sflag:s19] =	ssyncadd.s32 $0xFFFFE000;
	s23 =	sadd.s32 s21, s8  }
0xf8: {  	[tilespmem:s5], [sflag:$0xB] =	stream.linear.gather [hbm4b:s23+s3], $0x40, $0x38;
	[tilespmem:$0x1E580] =	vst v63  }
0xf9: {  	_ =	swait.ge [sflag:s22], $0x40  }
0xfa: {  	s8 =	rddreg [dreg:$0x6];
	[sflag:s22] =	ssyncset.done $0x0  }
0xfb: {  	[sflag:s22] =	ssyncadd.s32 $0xFFFFFFC0;
	s23 =	sadd.s32 s21, s8  }
0xfc: {  	[tilespmem:s7], [sflag:$0xB] =	stream.linear.gather [hbm4b:s23+s3], $0x40, $0x38;
	[tilespmem:$0x1E580] =	vst v63  }
0xfd: {  	_ =	swait.ge [sflag:s22], $0x40  }
0xfe: {  	[sflag:s22] =	ssyncset.done $0x0  }
0xff: {  	[sflag:s22] =	ssyncadd.s32 $0xFFFFFFC0  }
0x100: {  	[tilespmem:s9], [sflag:$0x4] =	stream.indirect.gather [hbm4b:s1+s24], $0x80, s5, s24, $0xb8;
	[tilespmem:$0x1E580] =	vst v63  }
0x101: {  	_ =	swait.ge [sflag:s20], $0x2000  }
0x102: {  	p1 =	sne.s32 s6, $0x4B0;
	s9 =	rddreg [dreg:$0x5];
	[sflag:s20] =	ssyncset.done $0x0  }
0x103: {  	s6 =	sadd.s32 $0x28, s6;
	[sflag:s20] =	ssyncadd.s32 $0xFFFFE000;
	s23 =	sadd.s32 s21, s9  }
0x104: {  	[tilespmem:s10], [sflag:$0xB] =	stream.linear.gather [hbm4b:s23+s3], $0x40, $0x38;
	[tilespmem:$0x1E580] =	vst v63  }
0x105: {  	s25 =	simm.s32 $0x280;
	s26 =	simm.s32 $0x500;
	_ =	swait.ge [sflag:s22], $0x40  }
0x106: {  	s30 =	simm.s32 $0x2500;
	s10 =	rddreg [dreg:$0x4];
	[sflag:s22] =	ssyncset.done $0x0  }
.Ltmp0:
0x107: {  	[sflag:s22] =	ssyncadd.s32 $0xFFFFFFC0;
	s21 =	sadd.s32 s21, s10;
	(pc) =	sbr.rel @p1 .LBB2_2-.Ltmp0, $4  }
0x108: {  	[tilespmem:s11], [sflag:$0xB] =	stream.linear.gather [hbm4b:s21+s3], $0x40, $0x38;
	[tilespmem:$0x1E580] =	vst v63  }
0x109: {  	s4 =	simm.s32 $0x380;
	s0 =	simm.s32 $0x4500;
	_ =	swait.ge [sflag:s22], $0x40  }
0x10a: {  	s8 =	simm.s32 $0x400;
	s7 =	simm.s32 $0x6500;
	[sflag:s22] =	ssyncset.done $0x0  }
0x10b: {  	s9 =	simm.s32 $0x200;
	s10 =	simm.s32 $0x480;
	[sflag:s22] =	ssyncadd.s32 $0xFFFFFFC0  }
0x10c: {  	s6 =	simm.s32 $0x8500;
	s23 =	simm.s32 $0x1  }
0x10d: {  	[tilespmem:s6], [sflag:$0x5] =	stream.indirect.gather [hbm4b:s1+s24], $0x80, s9, s24, $0xb8;
	[tilespmem:$0x1E580] =	vst v63  }
0x10e: {  	_ =	swait.ge [sflag:s23], $0x2000  }
0x10f: {  	[sflag:s23] =	ssyncset.done $0x0  }
0x110: {  	[sflag:s23] =	ssyncadd.s32 $0xFFFFE000  }
0x111: {  	[spmem:s2] =	stream.indirect.scatter.add.f32 [tilespmem:s26], [sflag:$0x6], $0x80, s25, s24, $0xb8;
	[tilespmem:$0x1E580] =	vst v63  }
0x112: {  	_ =	swait.ge [sflag:s12], $0x2000  }
0x113: {  	[sflag:s12] =	ssyncset.done $0x0  }
0x114: {  	[sflag:s12] =	ssyncadd.s32 $0xFFFFE000  }
0x115: {  	[spmem:s2] =	stream.indirect.scatter.add.f32 [tilespmem:s30], [sflag:$0x7], $0x80, s29, s24, $0xb8;
	[tilespmem:$0x1E580] =	vst v63  }
0x116: {  	_ =	swait.ge [sflag:s13], $0x2000  }
0x117: {  	[sflag:s13] =	ssyncset.done $0x0  }
0x118: {  	[sflag:s13] =	ssyncadd.s32 $0xFFFFE000  }
0x119: {  	[spmem:s2] =	stream.indirect.scatter.add.f32 [tilespmem:s0], [sflag:$0x8], $0x80, s4, s24, $0xb8;
	[tilespmem:$0x1E580] =	vst v63  }
0x11a: {  	_ =	swait.ge [sflag:s14], $0x2000  }
0x11b: {  	[sflag:s14] =	ssyncset.done $0x0  }
0x11c: {  	[sflag:s14] =	ssyncadd.s32 $0xFFFFE000  }
0x11d: {  	[spmem:s2] =	stream.indirect.scatter.add.f32 [tilespmem:s7], [sflag:$0x9], $0x80, s8, s24, $0xb8;
	[tilespmem:$0x1E580] =	vst v63  }
0x11e: {  	_ =	swait.ge [sflag:s15], $0x2000  }
0x11f: {  	[sflag:s15] =	ssyncset.done $0x0  }
0x120: {  	[sflag:s15] =	ssyncadd.s32 $0xFFFFE000  }
0x121: {  	[spmem:s2] =	stream.indirect.scatter.add.f32 [tilespmem:s6], [sflag:$0xA], $0x80, s10, s24, $0xb8;
	[tilespmem:$0x1E580] =	vst v63  }
0x122: {  	_ =	swait.ge [sflag:s16], $0x2000  }
0x123: {  	[sflag:s16] =	ssyncset.done $0x0  }
0x124: {  	[sflag:s16] =	ssyncadd.s32 $0xFFFFE000  }
0x125: {  	_ =	swait.ge [sflag:s17], $0x2000  }
0x126: {  	[sflag:s17] =	ssyncset.done $0x0  }
0x127: {  	[sflag:s17] =	ssyncadd.s32 $0xFFFFE000  }
0x128: {  	_ =	swait.ge [sflag:s18], $0x2000  }
0x129: {  	[sflag:s18] =	ssyncset.done $0x0  }
0x12a: {  	[sflag:s18] =	ssyncadd.s32 $0xFFFFE000  }
0x12b: {  	_ =	swait.ge [sflag:s19], $0x2000  }
0x12c: {  	[sflag:s19] =	ssyncset.done $0x0  }
0x12d: {  	[sflag:s19] =	ssyncadd.s32 $0xFFFFE000  }
0x12e: {  	_ =	swait.ge [sflag:s20], $0x2000  }
0x12f: {  	[sflag:s20] =	ssyncset.done $0x0  }
0x130: {  	[sflag:s20] =	ssyncadd.s32 $0xFFFFE000  }
0x131: {  	[bflag:$0x0] =	sbarrier.arrive $0xFFFF  }
0x132: {  	s26 =	sld [smem:$0x7FC]  }
0x133: {  	s21 =	rddreg [dreg:$0x10]  }
0x134: {  	s25 =	rddreg [dreg:$0x18]  }
0x135: {  	[hbm:s25], [sflag:s21] =	dma.local [spmem:s26], $0x2700  }
0x136: {  	_ =	swait.ge [sflag:s22], $0x2700  }
0x137: {  	s0 =	sld [smem:$0x7FD]  }
0x138: {  	[sflag:s22] =	ssyncset.done $0x0  }
0x139: {  	s6 =	rddreg [dreg:$0x1e];
	[sflag:s22] =	ssyncadd.s32 $0xFFFFD900  }
0x13a: {  	[hbm:s6], [sflag:s21] =	dma.local @!p0 [spmem:s0], $0x100  }
0x13b: {  	s6 =	simm.s32 @!p0 $0xB  }
0x13c: {  	_ =	swait.ge @!p0 [sflag:s6], $0x100  }
0x13d: {  	s30 =	sld [smem:$0x7FB];
	_ =	sdelay $0x2  }
0x13e: {  	s23 =	rddreg [dreg:$0x1f];
	s0 =	sadd.s32 $0x1, s30  }
0x13f: {  	p1 =	sne.s32 s0, s23  }
.Ltmp1:
0x140: {  	_ = 	snop;
	(pc) =	sbr.rel @p1 .LBB2_1-.Ltmp1, $3  }
0x141: {  	_ =	sdelay $0x1  }
0x142: {  	[sflag:s6] =	ssyncset.done @!p0 $0x0  }
0x143: {  	[sflag:s6] =	ssyncadd.s32 @!p0 $0xFFFFFF00  }
0x144: {  	_ =	sfence.sel $0x180000  }
0x145: {  	[bflag:$0x0] =	sbarrier.arrive $0xFFFF  }
0x146: {  	_ =	strace $0x9000004D  }
0x147: {  	[bflag:$0x2] =	sbarrier.arrive $0xFFFF  }
0x148: {  	s0 =	rddreg [dreg:$0x3]  }
0x149: {  	s0 =	sadd.s32 @!p0 $0x100000, s0  }
0x14a: {  	[sflag:s0] =	ssyncadd.tile.s32 @!p0 $0x1;
	_ =	shalt  }
.Lfunc_end2:
_tile_overlayer_lowered:
.L_overlay_start_2:
0x14b: {  	(tag) =	ssettag $0x2  }
0x14c: {  	s0 =	rddreg [dreg:$0x0];
	s2 =	stileid.u32  }
0x14d: {  	s1 =	rddreg [dreg:$0x1];
	p0 =	sne.s32 s2, $0x0  }
0x14e: {  	s3 =	rddreg [dreg:$0x2];
	[bflag:$0x3] =	sbarrier.arrive $0xFFFF;
	s2 =	simm.s32 @!p0 $0x1C0B  }
0x14f: {  	[timem:s3], [sflag:s2] =	dma.local @!p0 [hbm:s0], s1  }
0x150: {  	s0 =	simm.s32 @!p0 $0xB  }
0x151: {  	_ =	swait.ge @!p0 [sflag:s0], s1  }
0x152: {  	s1 =	ssub.s32 @!p0 $0x0, s1;
	[sflag:s0] =	ssyncset.done @!p0 $0x0  }
0x153: {  	[sflag:s0] =	ssyncadd.s32 @!p0 s1  }
0x154: {  	[bflag:$0x3] =	sbarrier.arrive $0xFFFF  }
0x155: {  	_ =	shalt  }

// kernel: kernel.19.cloned.1.call-start
scs
__scs_entry_jumppad:
0x0: {  	(pc) =	sbr.rel $0x88, $3  }
0x1: {  	(tag) =	ssettag $0x0;
	lr =	simm.s32 $0x1  }
0x2: {  	[smem:$0x3F93] =	sst lr;
	_ =	strace $0xD0000000  }
0x3: {  	_ = 	snop  }
0x4: {  	_ = 	snop  }
0x5: {  	_ = 	snop  }
0x6: {  	_ = 	snop  }
0x7: {  	_ = 	snop  }
__scs_overlays_trampoline_lowered:
0x8: {  	[smem:$0x3FA2] =	sst s0  }
0x9: {  	[smem:$0x3FA3] =	sst s1  }
0xa: {  	[smem:$0x3FA4] =	sst s2  }
0xb: {  	[smem:$0x3FA5] =	sst s3  }
0xc: {  	[smem:$0x3FA6] =	sst s4  }
0xd: {  	[smem:$0x3FA7] =	sst s5  }
0xe: {  	[smem:$0x3FA8] =	sst s6  }
0xf: {  	[smem:$0x3FA9] =	sst s7  }
0x10: {  	[smem:$0x3FAA] =	sst s8  }
0x11: {  	[smem:$0x3FAB] =	sst s9;
	s0 =	simm.s32 @!p0 $0x0  }
0x12: {  	s1 =	sld [smem:$0x3F91];
	s0 =	simm.s32 @p0 $0x1  }
0x13: {  	[smem:$0x3FAC] =	sst s0;
	s0 =	simm.s32 @!p1 $0x0  }
0x14: {  	s2 =	sld [smem:$0x3F90];
	s0 =	simm.s32 @p1 $0x1  }
0x15: {  	[smem:$0x3FAD] =	sst s0;
	s0 =	simm.s32 @!p2 $0x0  }
0x16: {  	s3 =	sld [smem:$0x3FDB];
	s0 =	simm.s32 @p2 $0x1  }
0x17: {  	s4 =	simm.s32 $0x1BF5;
	[smem:$0x3FAF] =	sst s0  }
0x18: {  	s0 =	sld [smem:$0x3F92];
	_ =	swait.ge [sflag:s4], $0x0  }
0x19: {  	s7 =	sld [smem:$0x3F93]  }
0x1a: {  	s8 =	sadd.s32 $0xFFFFE003, lr  }
0x1b: {  	s9 =	sadd.s32 $0xFFFFFEF7, lr;
	s5 =	simm.s32 $0xFFFFFFFF;
	p2 =	slt.u32 s8, $0xFFFFF086  }
0x1c: {  	p1 =	slt.u32 s9, $0xF7A;
	s5 =	simm.s32 @!p2 $0x0  }
0x1d: {  	s5 =	simm.s32 @p1 $0x1;
	p0 =	seq.s32 s7, s2  }
0x1e: {  	s7 =	smul.u32 @!p0 $0xF7A, s2;
	p2 =	seq.s32 @!p0 s5, $0x0  }
0x1f: {  	s9 =	smul.u32 $0xF7A, s1;
	s8 =	simm.s32 @!p0 $0x1BF5;
	p2 =	por !p2, p0  }
0x20: {  	[sflag:s8] =	ssyncset.s32 @!p0 $0xFFFFF086;
	s6 =	sadd.s32 @!p0 s3, s7;
	s7 =	simm.s32 @!p0 $0x108  }
0x21: {  	s3 =	sadd.s32 s3, s9;
	s6 =	sadd.s32 @!p0 $0x88, s6;
	s7 =	simm.s32 @p2 $0x1082  }
0x22: {  	[simem:s7], [sflag:s8] =	dma.local @!p0 [hbm:s6], $0xF7A  }
0x23: {  	s9 =	sor.u32 $0xD0000000, s2;
	s6 =	simm.s32 $0x108;
	_ =	swait.ge @!p0 [sflag:s8], $0x0  }
0x24: {  	s3 =	sadd.s32 $0x88, s3;
	s6 =	simm.s32 @!p1 $0x1082;
	[sflag:s4] =	ssyncset.s32 $0xFFFFF086  }
0x25: {  	[simem:s6], [sflag:s4] =	dma.local [hbm:s3], $0xF7A  }
0x26: {  	[smem:$0x3F93] =	sst s1;
	(tag) =	ssettag s2;
	_ =	strace s9  }
0x27: {  	s1 =	sld [smem:$0x3FA3]  }
0x28: {  	s2 =	sld [smem:$0x3FA4]  }
0x29: {  	s4 =	sld [smem:$0x3FA6]  }
0x2a: {  	p0 =	seq.s32 s5, $0x0;
	s5 =	sld [smem:$0x3FA7]  }
0x2b: {  	s6 =	sld [smem:$0x3FA8]  }
0x2c: {  	s7 =	sld [smem:$0x3FA9]  }
0x2d: {  	s3 =	simm.s32 $0x108;
	s8 =	sld [smem:$0x3FAA]  }
0x2e: {  	s3 =	simm.s32 @!p0 $0x1082;
	s9 =	sld [smem:$0x3FAB]  }
0x2f: {  	lr =	sadd.s32 s0, s3;
	s0 =	sld [smem:$0x3FA2]  }
0x30: {  	s3 =	sld [smem:$0x3FA5]  }
0x31: {  	[smem:$0x3FAE] =	sst s10  }
0x32: {  	s10 =	sld [smem:$0x3FAC];
	_ =	sdelay $0x3  }
0x33: {  	p0 =	seq.s32 s10, $0x1;
	s10 =	sld [smem:$0x3FAE];
	_ =	sdelay $0x3  }
0x34: {  	[smem:$0x3FAE] =	sst s10  }
0x35: {  	s10 =	sld [smem:$0x3FAD];
	_ =	sdelay $0x3  }
0x36: {  	p1 =	seq.s32 s10, $0x1;
	s10 =	sld [smem:$0x3FAE];
	_ =	sdelay $0x3  }
0x37: {  	[smem:$0x3FAE] =	sst s10  }
0x38: {  	s10 =	sld [smem:$0x3FAF]  }
0x39: {  	_ = 	snop;
	(pc) =	sbr.ind lr, $3  }
0x3a: {  	_ = 	snop  }
0x3b: {  	_ = 	snop  }
0x3c: {  	p2 =	seq.s32 s10, $0x1;
	s10 =	sld [smem:$0x3FAE]  }
0x3d: {  	_ =	shalt  }
0x3e: {  	_ =	shalt  }
0x3f: {  	_ =	shalt  }
0x40: {  	_ =	shalt  }
0x41: {  	_ =	shalt  }
0x42: {  	_ =	shalt  }
0x43: {  	_ =	shalt  }
0x44: {  	_ =	shalt  }
0x45: {  	_ =	shalt  }
0x46: {  	_ =	shalt  }
0x47: {  	_ =	shalt  }
0x48: {  	_ =	shalt  }
0x49: {  	_ =	shalt  }
0x4a: {  	_ =	shalt  }
0x4b: {  	_ =	shalt  }
0x4c: {  	_ =	shalt  }
0x4d: {  	_ =	shalt  }
0x4e: {  	_ =	shalt  }
0x4f: {  	_ =	shalt  }
0x50: {  	_ =	shalt  }
0x51: {  	_ =	shalt  }
0x52: {  	_ =	shalt  }
0x53: {  	_ =	shalt  }
0x54: {  	_ =	shalt  }
0x55: {  	_ =	shalt  }
0x56: {  	_ =	shalt  }
0x57: {  	_ =	shalt  }
0x58: {  	_ =	shalt  }
0x59: {  	_ =	shalt  }
0x5a: {  	_ =	shalt  }
0x5b: {  	_ =	shalt  }
0x5c: {  	_ =	shalt  }
0x5d: {  	_ =	shalt  }
0x5e: {  	_ =	shalt  }
0x5f: {  	_ =	shalt  }
0x60: {  	_ =	shalt  }
0x61: {  	_ =	shalt  }
0x62: {  	_ =	shalt  }
0x63: {  	_ =	shalt  }
0x64: {  	_ =	shalt  }
0x65: {  	_ =	shalt  }
0x66: {  	_ =	shalt  }
0x67: {  	_ =	shalt  }
0x68: {  	_ =	shalt  }
0x69: {  	_ =	shalt  }
0x6a: {  	_ =	shalt  }
0x6b: {  	_ =	shalt  }
0x6c: {  	_ =	shalt  }
0x6d: {  	_ =	shalt  }
0x6e: {  	_ =	shalt  }
0x6f: {  	_ =	shalt  }
0x70: {  	_ =	shalt  }
0x71: {  	_ =	shalt  }
0x72: {  	_ =	shalt  }
0x73: {  	_ =	shalt  }
0x74: {  	_ =	shalt  }
0x75: {  	_ =	shalt  }
0x76: {  	_ =	shalt  }
0x77: {  	_ =	shalt  }
0x78: {  	_ =	shalt  }
0x79: {  	_ =	shalt  }
0x7a: {  	_ =	shalt  }
0x7b: {  	_ =	shalt  }
0x7c: {  	_ =	shalt  }
0x7d: {  	_ =	shalt  }
0x7e: {  	_ =	shalt  }
0x7f: {  	_ =	shalt  }
0x80: {  	_ =	shalt  }
0x81: {  	_ =	shalt  }
0x82: {  	_ =	shalt  }
0x83: {  	_ =	shalt  }
0x84: {  	_ =	shalt  }
0x85: {  	_ =	shalt  }
0x86: {  	_ =	shalt  }
0x87: {  	_ =	shalt  }
.Lfunc_end0:
.L_simem_size_0:
called_computation.3_lowered:
.L_overlay_start_0:
0x88: {  	s2 =	sld [smem:$0x3FD9]  }
0x89: {  	s3 =	sld [smem:$0x3FFE];
	_ =	sdelay $0x1  }
0x8a: {  	s1 =	srdreg.scid  }
0x8b: {  	s0 =	sand.u32 $0x1, s1  }
0x8c: {  	s17 =	sshll.u32 s0, $0xA;
	s2 =	sadd.s32 s3, s2  }
0x8d: {  	s2 =	sadd.s32 s2, s17  }
0x8e: {  	[smem:$0x3FBA] =	sst s2  }
0x8f: {  	_ = 	snop  }
0x90: {  	s2 =	sld [smem:$0x3FD0];
	(tm) =	ssettm $0x1  }
0x91: {  	s18 =	sld [smem:$0x3FFB];
	_ =	sdelay $0x3  }
0x92: {  	_ =	strace s18  }
0x93: {  	s3 =	sld [smem:$0x3FFC];
	_ =	sdelay $0x3  }
0x94: {  	_ =	strace s3  }
0x95: {  	s3 =	sld [smem:$0x3FFD];
	_ =	sdelay $0x3  }
0x96: {  	_ =	strace s3  }
0x97: {  	_ =	strace $0x8FFFFFFF  }
0x98: {  	s19 =	sld [smem:$0x3FDB];
	_ =	sdelay $0x1  }
0x99: {  	s4 =	simm.s32 $_scs_section_size  }
0x9a: {  	s5 =	simm.s32 $_size__tile_overlayer_lowered;
	s6 =	simm.s32 $_tile_overlayer_lowered  }
0x9b: {  	s22 =	simm.s32 $0x1BFF;
	s21 =	sshll.u32 s6, $0x1;
	s3 =	sadd.s32 s4, s19  }
0x9c: {  	s7 =	simm.s32 $0x0;
	s20 =	sshll.u32 s5, $0x1;
	s5 =	sadd.s32 s21, s3  }
0x9d: {  	[timem:s7], [sflag:s22] =	dma.local [hbm:s5], s20  }
0x9e: {  	_ =	swait.ge [sflag:s22], s20  }
0x9f: {  	s4 =	ssub.s32 $0x0, s20;
	[sflag:s22] =	ssyncset.done $0x0  }
0xa0: {  	[sflag:s22] =	ssyncadd.s32 s4;
	_ =	sdelay $0x1  }
0xa1: {  	s23 =	simm.s32 $0x1B8B  }
0xa2: {  	_ =	swait.ge [sflag:s23], $0x1  }
0xa3: {  	[sflag:s23] =	ssyncset.done $0x0  }
0xa4: {  	s25 =	simm.s32 $0x1B8E;
	s24 =	sld [smem:$0x3FFE];
	[sflag:s23] =	ssyncadd.s32 $0xFFFFFFFF  }
0xa5: {  	s26 =	simm.s32 $execute0_lowered;
	[smem:$0x3FD2] =	sst s25  }
0xa6: {  	s5 =	sshll.u32 s26, $0x1;
	_ =	strace $0x8000004F;
	[dreg:$0x1] =	wrdreg $0xFFFFFFFF  }
0xa7: {  	s28 =	simm.s32 $_size_execute0_lowered;
	s3 =	sadd.s32 s3, s5;
	[dreg:$0x0] =	wrdreg $0x0  }
0xa8: {  	s5 =	sshll.u32 s28, $0x1;
	[dreg:$0x2] =	wrdreg s3  }
0xa9: {  	[dreg:$0x3] =	wrdreg s5  }
0xaa: {  	[dreg:$0x4] =	wrdreg $0xC0  }
0xab: {  	_ =	task [dreg:s7], $0x5FFFF  }
0xac: {  	[dreg:$0x1] =	wrdreg $0xFFFFFFFF  }
0xad: {  	[dreg:$0x0] =	wrdreg $0x60  }
0xae: {  	[dreg:$0x2] =	wrdreg s2  }
0xaf: {  	[dreg:$0x3] =	wrdreg s24  }
0xb0: {  	[dreg:$0x4] =	wrdreg $0xA5000  }
0xb1: {  	[dreg:$0x5] =	wrdreg $0x9  }
0xb2: {  	_ =	task.clear_ibuf [dreg:s7], $0x6FFFF;
	_ =	strace $0x9000004F  }
0xb3: {  	s29 =	simm.s32 $0x9;
	_ =	strace $0x80000051  }
0xb4: {  	_ =	swait.ge [sflag:s29], $0x1  }
0xb5: {  	[sflag:s29] =	ssyncadd.s32 $0xFFFFFFFF  }
0xb6: {  	_ =	strace $0x90000051  }
0xb7: {  	_ =	sfence  }
0xb8: {  	s30 =	sld [smem:$0x0];
	_ =	sdelay $0x2  }
0xb9: {  	s31 =	sshll.u32 s1, $0xD;
	s1 =	sshrl.u32 s1, $0x2  }
0xba: {  	s3 =	sand.u32 $0x4000, s31;
	s1 =	sadd.s32 s1, s30  }
0xbb: {  	s0 =	sor.u32 s3, s0;
	s1 =	sshll.u32 s1, $0x11  }
0xbc: {  	s0 =	sor.u32 s1, s0  }
0xbd: {  	s0 =	sadd.s32 $0x8F2B, s0  }
0xbe: {  	[sflag:s0] =	ssyncadd.remote.s32 $0x1  }
0xbf: {  	_ =	sfence.sel $0xFFFF  }
0xc0: {  	[dreg:$0x0] =	wrdreg $0xFFFFFFFF;
	(pc) =	sbr.abs _section_cstart, $3  }
0xc1: {  	[dreg:$0x1] =	wrdreg $0xFFFFFFFF  }
0xc2: {  	_ =	task.clear_ibuf [dreg:s7], $0x2FFFF;
	_ =	strace $0x9FFFFFFF  }
0xc3: {  	(tm) =	ssettm $0x7FFFFFFF  }
tec
execute0_lowered:
.L_overlay_start_1:
0x0: {  	(tag) =	ssettag $0x1  }
0x1: {  	s1 =	rddreg [dreg:$0x0]  }
0x2: {  	s7 =	rddreg [dreg:$0x1]  }
0x3: {  	s2 =	rddreg [dreg:$0x2]  }
0x4: {  	s3 =	simm.s32 $0x0;
	s0 =	stileid.u32;
	s6 =	srdreg.scid  }
0x5: {  	s28 =	simm.s32 $0x80;
	s31 =	simm.s32 $0x100;
	s29 =	simm.s32 $0x300  }
0x6: {  	[smem:$0x7FF] =	sst s3;
	s8 =	smul.u32 $0x13800, s0;
	s4 =	sadd.s32 $0xE000, s7  }
0x7: {  	s5 =	sadd.s32 $0x3800, s7;
	s10 =	sand.u32 $0x1, s6;
	s22 =	smul.u32 $0x4E000, s0  }
0x8: {  	s11 =	sadd.s32 $0x3F200, s7;
	s25 =	sshll.u32 s0, $0x6;
	s26 =	sadd.s32 $0x138000, s2  }
0x9: {  	p0 =	sne.s32 s0, $0x0;
	_ =	strace $0x80000050;
	s12 =	ssub.s32 $0x2, s10  }
0xa: {  	s14 =	sshll.u32 s10, $0x4;
	s21 =	sor.u32 $0x1C0B, s25;
	s30 =	smul.u32 $0x138800, s10  }
0xb: {  	[dreg:$0x11] =	wrdreg s26;
	s10 =	smul.u32 $0x28000, s10;
	s9 =	sshrl.u32 s8, $0x3  }
0xc: {  	s13 =	sshrl.u32 s12, $0x1;
	s15 =	sshrl.u32 s22, $0x2;
	s23 =	sor.u32 s0, s14  }
0xd: {  	[dreg:$0x10] =	wrdreg s21;
	s9 =	sadd.s32 s9, s7;
	s6 =	ssub.s32 s12, s13  }
0xe: {  	s24 =	sadd.s32 s15, s2;
	s12 =	smul.u32 $0x2800, s23;
	s7 =	sadd.s32 $0x3F000, s7  }
0xf: {  	s15 =	smul.u32 $0x2800, s0;
	s8 =	sadd.s32 s8, s30;
	[dreg:$0xe] =	wrdreg s24  }
0x10: {  	s20 =	sshrl.u32 s30, $0x3;
	s9 =	sadd.s32 $0x18000, s9;
	[dreg:$0x12] =	wrdreg s7  }
0x11: {  	s0 =	simm.s32 $0x0;
	s8 =	sshrl.u32 s8, $0x3;
	[dreg:$0xf] =	wrdreg s9  }
0x12: {  	s7 =	sshrl.u32 s12, $0x3;
	s10 =	sadd.s32 s15, s10;
	s8 =	sadd.s32 s11, s8  }
0x13: {  	s12 =	sadd.s32 s4, s7;
	s13 =	sor.u32 $0x8, s7;
	[dreg:$0x18] =	wrdreg s8  }
0x14: {  	s16 =	sadd.s32 s5, s7;
	s19 =	sor.u32 $0x240, s10;
	[dreg:$0x13] =	wrdreg s12  }
0x15: {  	s30 =	sor.u32 $0x1C0, s10;
	[dreg:$0x14] =	wrdreg s16;
	s17 =	sadd.s32 s4, s13  }
0x16: {  	s12 =	sadd.s32 s5, s13;
	s22 =	sshrl.u32 s19, $0x3;
	[dreg:$0x15] =	wrdreg s17  }
0x17: {  	s13 =	sshrl.u32 s30, $0x3;
	s30 =	smax.u32 s6, $0x1;
	[dreg:$0x16] =	wrdreg s12  }
0x18: {  	s24 =	sor.u32 $0x200, s10;
	s23 =	sadd.s32 s22, s5;
	[dreg:$0x1f] =	wrdreg s30  }
0x19: {  	s25 =	sshrl.u32 s24, $0x3;
	s9 =	sadd.s32 s22, s4;
	[dreg:$0x4] =	wrdreg s23  }
0x1a: {  	s8 =	sadd.s32 s11, s20;
	s26 =	sadd.s32 s25, s5;
	[dreg:$0x5] =	wrdreg s9  }
0x1b: {  	s15 =	sor.u32 $0x180, s10;
	s11 =	sadd.s32 s25, s4;
	[dreg:$0x6] =	wrdreg s26  }
0x1c: {  	s10 =	sor.u32 $0x140, s10;
	s14 =	sadd.s32 s13, s5;
	[dreg:$0x7] =	wrdreg s11  }
0x1d: {  	s12 =	sor.u32 $0x10, s7;
	s16 =	sadd.s32 s13, s4;
	[dreg:$0x8] =	wrdreg s14  }
0x1e: {  	s24 =	sshrl.u32 s10, $0x3;
	s18 =	sadd.s32 s4, s12;
	[dreg:$0x9] =	wrdreg s16  }
0x1f: {  	s17 =	sshrl.u32 s15, $0x3;
	s12 =	sadd.s32 s5, s12;
	[dreg:$0x17] =	wrdreg s18  }
0x20: {  	s13 =	simm.s32 $0x3;
	s19 =	sadd.s32 s17, s5;
	[dreg:$0x19] =	wrdreg s12  }
0x21: {  	s15 =	simm.s32 $0x5;
	s23 =	sadd.s32 s17, s4;
	[dreg:$0xa] =	wrdreg s19  }
0x22: {  	s26 =	sadd.s32 $0x27000, s8;
	s18 =	sor.u32 $0x18, s7;
	[dreg:$0xb] =	wrdreg s23  }
0x23: {  	s14 =	simm.s32 $0x4;
	[dreg:$0x1e] =	wrdreg s26;
	s20 =	sadd.s32 s4, s18  }
0x24: {  	s7 =	sor.u32 $0x20, s7;
	s22 =	sadd.s32 s5, s18;
	[dreg:$0x1a] =	wrdreg s20  }
0x25: {  	s16 =	simm.s32 $0x6;
	s25 =	sadd.s32 s4, s7;
	[dreg:$0x1b] =	wrdreg s22  }
0x26: {  	s17 =	simm.s32 $0x7;
	s7 =	sadd.s32 s5, s7;
	[dreg:$0x1c] =	wrdreg s25  }
0x27: {  	s12 =	simm.s32 $0x2;
	s5 =	sadd.s32 s24, s5;
	[dreg:$0x1d] =	wrdreg s7  }
0x28: {  	s19 =	simm.s32 $0x9;
	s4 =	sadd.s32 s24, s4;
	[dreg:$0xc] =	wrdreg s5  }
0x29: {  	s24 =	simm.s32 $0x40;
	s18 =	simm.s32 $0x8;
	[dreg:$0xd] =	wrdreg s4  }
0x2a: {  	s22 =	simm.s32 $0xB;
	s5 =	simm.s32 $0x180;
	s20 =	simm.s32 $0xA  }
.LBB2_1:
0x2b: {  	[smem:$0x7FB] =	sst s0  }
0x2c: {  	s6 =	rddreg [dreg:$0xe]  }
0x2d: {  	s23 =	rddreg [dreg:$0xf];
	s11 =	sshrl.u32 s6, $0x3  }
0x2e: {  	[smem:$0x7FC] =	sst s11  }
0x2f: {  	[spmem:s11], [sflag:s21] =	dma.local [hbm:s23], $0x2700  }
0x30: {  	_ =	swait.ge [sflag:s22], $0x2700  }
0x31: {  	s6 =	rddreg [dreg:$0x11]  }
0x32: {  	[sflag:s22] =	ssyncset.done $0x0;
	s0 =	sshrl.u32 @!p0 s6, $0x3;
	s6 =	rddreg [dreg:$0x12]  }
0x33: {  	[sflag:s22] =	ssyncadd.s32 $0xFFFFD900;
	[smem:$0x7FD] =	sst s0  }
0x34: {  	[spmem:s0], [sflag:s21] =	dma.local @!p0 [hbm:s6], $0x100  }
0x35: {  	s6 =	simm.s32 @!p0 $0xB  }
0x36: {  	_ =	swait.ge @!p0 [sflag:s6], $0x100  }
0x37: {  	[sflag:s6] =	ssyncset.done @!p0 $0x0  }
0x38: {  	[sflag:s6] =	ssyncadd.s32 @!p0 $0xFFFFFF00  }
0x39: {  	[bflag:$0x0] =	sbarrier.arrive $0xFFFF  }
0x3a: {  	s25 =	rddreg [dreg:$0x13]  }
0x3b: {  	[tilespmem:s3], [sflag:$0xB] =	stream.linear.gather [hbm4b:s25+s3], $0x40, $0x38;
	[tilespmem:$0x1E580] =	vst v63  }
0x3c: {  	_ =	swait.ge [sflag:s22], $0x40  }
0x3d: {  	[sflag:s22] =	ssyncset.done $0x0  }
0x3e: {  	s21 =	simm.s32 $0x280;
	s26 =	rddreg [dreg:$0x14];
	[sflag:s22] =	ssyncadd.s32 $0xFFFFFFC0  }
0x3f: {  	[tilespmem:s21], [sflag:$0xB] =	stream.linear.gather [hbm4b:s26+s3], $0x40, $0x38;
	[tilespmem:$0x1E580] =	vst v63  }
0x40: {  	_ =	swait.ge [sflag:s22], $0x40  }
0x41: {  	[sflag:s22] =	ssyncset.done $0x0  }
0x42: {  	s23 =	simm.s32 $0x500;
	[sflag:s22] =	ssyncadd.s32 $0xFFFFFFC0  }
0x43: {  	[tilespmem:s23], [sflag:$0x1] =	stream.indirect.gather [hbm4b:s1+s24], $0x80, s3, s24, $0xb8;
	[tilespmem:$0x1E580] =	vst v63  }
0x44: {  	s30 =	rddreg [dreg:$0x15]  }
0x45: {  	[tilespmem:s28], [sflag:$0xB] =	stream.linear.gather [hbm4b:s30+s3], $0x40, $0x38;
	[tilespmem:$0x1E580] =	vst v63  }
0x46: {  	_ =	swait.ge [sflag:s22], $0x40  }
0x47: {  	[sflag:s22] =	ssyncset.done $0x0  }
0x48: {  	s25 =	simm.s32 $0x300;
	s0 =	rddreg [dreg:$0x16];
	[sflag:s22] =	ssyncadd.s32 $0xFFFFFFC0  }
0x49: {  	[tilespmem:s25], [sflag:$0xB] =	stream.linear.gather [hbm4b:s0+s3], $0x40, $0x38;
	[tilespmem:$0x1E580] =	vst v63  }
0x4a: {  	_ =	swait.ge [sflag:s22], $0x40  }
0x4b: {  	[sflag:s22] =	ssyncset.done $0x0  }
0x4c: {  	s26 =	simm.s32 $0x2500;
	[sflag:s22] =	ssyncadd.s32 $0xFFFFFFC0  }
0x4d: {  	[tilespmem:s26], [sflag:$0x2] =	stream.indirect.gather [hbm4b:s1+s24], $0x80, s28, s24, $0xb8;
	[tilespmem:$0x1E580] =	vst v63  }
0x4e: {  	s4 =	rddreg [dreg:$0x17]  }
0x4f: {  	[tilespmem:s31], [sflag:$0xB] =	stream.linear.gather [hbm4b:s4+s3], $0x40, $0x38;
	[tilespmem:$0x1E580] =	vst v63  }
0x50: {  	_ =	swait.ge [sflag:s22], $0x40  }
0x51: {  	[sflag:s22] =	ssyncset.done $0x0  }
0x52: {  	s0 =	simm.s32 $0x380;
	s7 =	rddreg [dreg:$0x19];
	[sflag:s22] =	ssyncadd.s32 $0xFFFFFFC0  }
0x53: {  	[tilespmem:s0], [sflag:$0xB] =	stream.linear.gather [hbm4b:s7+s3], $0x40, $0x38;
	[tilespmem:$0x1E580] =	vst v63  }
0x54: {  	_ =	swait.ge [sflag:s22], $0x40  }
0x55: {  	[sflag:s22] =	ssyncset.done $0x0  }
0x56: {  	s4 =	simm.s32 $0x4500;
	[sflag:s22] =	ssyncadd.s32 $0xFFFFFFC0  }
0x57: {  	[tilespmem:s4], [sflag:$0x3] =	stream.indirect.gather [hbm4b:s1+s24], $0x80, s31, s24, $0xb8;
	[tilespmem:$0x1E580] =	vst v63  }
0x58: {  	s8 =	rddreg [dreg:$0x1a]  }
0x59: {  	[tilespmem:s5], [sflag:$0xB] =	stream.linear.gather [hbm4b:s8+s3], $0x40, $0x38;
	[tilespmem:$0x1E580] =	vst v63  }
0x5a: {  	_ =	swait.ge [sflag:s22], $0x40  }
0x5b: {  	[sflag:s22] =	ssyncset.done $0x0  }
0x5c: {  	s7 =	simm.s32 $0x400;
	s9 =	rddreg [dreg:$0x1b];
	[sflag:s22] =	ssyncadd.s32 $0xFFFFFFC0  }
0x5d: {  	[tilespmem:s7], [sflag:$0xB] =	stream.linear.gather [hbm4b:s9+s3], $0x40, $0x38;
	[tilespmem:$0x1E580] =	vst v63  }
0x5e: {  	_ =	swait.ge [sflag:s22], $0x40  }
0x5f: {  	[sflag:s22] =	ssyncset.done $0x0  }
0x60: {  	s8 =	simm.s32 $0x6500;
	[sflag:s22] =	ssyncadd.s32 $0xFFFFFFC0  }
0x61: {  	[tilespmem:s8], [sflag:$0x4] =	stream.indirect.gather [hbm4b:s1+s24], $0x80, s5, s24, $0xb8;
	[tilespmem:$0x1E580] =	vst v63  }
0x62: {  	s9 =	simm.s32 $0x200;
	s10 =	rddreg [dreg:$0x1c]  }
0x63: {  	[tilespmem:s9], [sflag:$0xB] =	stream.linear.gather [hbm4b:s10+s3], $0x40, $0x38;
	[tilespmem:$0x1E580] =	vst v63  }
0x64: {  	_ =	swait.ge [sflag:s22], $0x40  }
0x65: {  	[sflag:s22] =	ssyncset.done $0x0  }
0x66: {  	s10 =	simm.s32 $0x480;
	s11 =	rddreg [dreg:$0x1d];
	[sflag:s22] =	ssyncadd.s32 $0xFFFFFFC0  }
0x67: {  	[tilespmem:s10], [sflag:$0xB] =	stream.linear.gather [hbm4b:s11+s3], $0x40, $0x38;
	[tilespmem:$0x1E580] =	vst v63  }
0x68: {  	_ =	swait.ge [sflag:s22], $0x40  }
0x69: {  	[sflag:s22] =	ssyncset.done $0x0  }
0x6a: {  	s30 =	simm.s32 $0x8500;
	s11 =	simm.s32 $0x1;
	[sflag:s22] =	ssyncadd.s32 $0xFFFFFFC0  }
0x6b: {  	[tilespmem:s30], [sflag:$0x5] =	stream.indirect.gather [hbm4b:s1+s24], $0x80, s9, s24, $0xb8;
	[tilespmem:$0x1E580] =	vst v63  }
0x6c: {  	_ =	swait.ge [sflag:s11], $0x2000  }
0x6d: {  	[sflag:s11] =	ssyncset.done $0x0  }
0x6e: {  	[sflag:s11] =	ssyncadd.s32 $0xFFFFE000  }
0x6f: {  	[spmem:s2] =	stream.indirect.scatter.add.f32 [tilespmem:s23], [sflag:$0x6], $0x80, s21, s24, $0xb8;
	[tilespmem:$0x1E580] =	vst v63  }
0x70: {  	_ =	swait.ge [sflag:s12], $0x2000  }
0x71: {  	[sflag:s12] =	ssyncset.done $0x0  }
0x72: {  	[sflag:s12] =	ssyncadd.s32 $0xFFFFE000  }
0x73: {  	[spmem:s2] =	stream.indirect.scatter.add.f32 [tilespmem:s26], [sflag:$0x7], $0x80, s25, s24, $0xb8;
	[tilespmem:$0x1E580] =	vst v63  }
0x74: {  	_ =	swait.ge [sflag:s13], $0x2000  }
0x75: {  	[sflag:s13] =	ssyncset.done $0x0  }
0x76: {  	[sflag:s13] =	ssyncadd.s32 $0xFFFFE000  }
0x77: {  	[spmem:s2] =	stream.indirect.scatter.add.f32 [tilespmem:s4], [sflag:$0x8], $0x80, s0, s24, $0xb8;
	[tilespmem:$0x1E580] =	vst v63  }
0x78: {  	_ =	swait.ge [sflag:s14], $0x2000  }
0x79: {  	[sflag:s14] =	ssyncset.done $0x0  }
0x7a: {  	[sflag:s14] =	ssyncadd.s32 $0xFFFFE000  }
0x7b: {  	[spmem:s2] =	stream.indirect.scatter.add.f32 [tilespmem:s8], [sflag:$0x9], $0x80, s7, s24, $0xb8;
	[tilespmem:$0x1E580] =	vst v63  }
0x7c: {  	_ =	swait.ge [sflag:s15], $0x2000  }
0x7d: {  	[sflag:s15] =	ssyncset.done $0x0  }
0x7e: {  	[sflag:s15] =	ssyncadd.s32 $0xFFFFE000  }
0x7f: {  	[spmem:s2] =	stream.indirect.scatter.add.f32 [tilespmem:s30], [sflag:$0xA], $0x80, s10, s24, $0xb8;
	[tilespmem:$0x1E580] =	vst v63  }
0x80: {  	_ =	swait.ge [sflag:s16], $0x2000  }
0x81: {  	s11 =	rddreg [dreg:$0xd];
	[sflag:s16] =	ssyncset.done $0x0  }
0x82: {  	[sflag:s16] =	ssyncadd.s32 $0xFFFFE000;
	s6 =	sadd.s32 $0x0, s11  }
0x83: {  	[tilespmem:s3], [sflag:$0xB] =	stream.linear.gather [hbm4b:s6+s3], $0x40, $0x38;
	[tilespmem:$0x1E580] =	vst v63  }
0x84: {  	_ =	swait.ge [sflag:s22], $0x40  }
0x85: {  	s30 =	rddreg [dreg:$0xc];
	[sflag:s22] =	ssyncset.done $0x0  }
0x86: {  	[sflag:s22] =	ssyncadd.s32 $0xFFFFFFC0;
	s6 =	sadd.s32 $0x0, s30  }
0x87: {  	[tilespmem:s21], [sflag:$0xB] =	stream.linear.gather [hbm4b:s6+s3], $0x40, $0x38;
	[tilespmem:$0x1E580] =	vst v63  }
0x88: {  	_ =	swait.ge [sflag:s22], $0x40  }
0x89: {  	[sflag:s22] =	ssyncset.done $0x0  }
0x8a: {  	[sflag:s22] =	ssyncadd.s32 $0xFFFFFFC0  }
0x8b: {  	[tilespmem:s23], [sflag:$0x1] =	stream.indirect.gather [hbm4b:s1+s24], $0x80, s3, s24, $0xb8;
	[tilespmem:$0x1E580] =	vst v63  }
0x8c: {  	_ =	swait.ge [sflag:s17], $0x2000  }
0x8d: {  	s11 =	rddreg [dreg:$0xb];
	[sflag:s17] =	ssyncset.done $0x0  }
0x8e: {  	[sflag:s17] =	ssyncadd.s32 $0xFFFFE000;
	s6 =	sadd.s32 $0x0, s11  }
0x8f: {  	[tilespmem:s28], [sflag:$0xB] =	stream.linear.gather [hbm4b:s6+s3], $0x40, $0x38;
	[tilespmem:$0x1E580] =	vst v63  }
0x90: {  	_ =	swait.ge [sflag:s22], $0x40  }
0x91: {  	s21 =	rddreg [dreg:$0xa];
	[sflag:s22] =	ssyncset.done $0x0  }
0x92: {  	[sflag:s22] =	ssyncadd.s32 $0xFFFFFFC0;
	s6 =	sadd.s32 $0x0, s21  }
0x93: {  	[tilespmem:s25], [sflag:$0xB] =	stream.linear.gather [hbm4b:s6+s3], $0x40, $0x38;
	[tilespmem:$0x1E580] =	vst v63  }
0x94: {  	_ =	swait.ge [sflag:s22], $0x40  }
0x95: {  	[sflag:s22] =	ssyncset.done $0x0  }
0x96: {  	[sflag:s22] =	ssyncadd.s32 $0xFFFFFFC0  }
0x97: {  	[tilespmem:s26], [sflag:$0x2] =	stream.indirect.gather [hbm4b:s1+s24], $0x80, s28, s24, $0xb8;
	[tilespmem:$0x1E580] =	vst v63  }
0x98: {  	_ =	swait.ge [sflag:s18], $0x2000  }
0x99: {  	s23 =	rddreg [dreg:$0x9];
	[sflag:s18] =	ssyncset.done $0x0  }
0x9a: {  	[sflag:s18] =	ssyncadd.s32 $0xFFFFE000;
	s6 =	sadd.s32 $0x0, s23  }
0x9b: {  	[tilespmem:s31], [sflag:$0xB] =	stream.linear.gather [hbm4b:s6+s3], $0x40, $0x38;
	[tilespmem:$0x1E580] =	vst v63  }
0x9c: {  	_ =	swait.ge [sflag:s22], $0x40  }
0x9d: {  	s25 =	rddreg [dreg:$0x8];
	[sflag:s22] =	ssyncset.done $0x0  }
0x9e: {  	[sflag:s22] =	ssyncadd.s32 $0xFFFFFFC0;
	s6 =	sadd.s32 $0x0, s25  }
0x9f: {  	[tilespmem:s0], [sflag:$0xB] =	stream.linear.gather [hbm4b:s6+s3], $0x40, $0x38;
	[tilespmem:$0x1E580] =	vst v63  }
0xa0: {  	_ =	swait.ge [sflag:s22], $0x40  }
0xa1: {  	[sflag:s22] =	ssyncset.done $0x0  }
0xa2: {  	[sflag:s22] =	ssyncadd.s32 $0xFFFFFFC0  }
0xa3: {  	[tilespmem:s4], [sflag:$0x3] =	stream.indirect.gather [hbm4b:s1+s24], $0x80, s31, s24, $0xb8;
	[tilespmem:$0x1E580] =	vst v63  }
0xa4: {  	_ =	swait.ge [sflag:s19], $0x2000  }
0xa5: {  	s26 =	rddreg [dreg:$0x7];
	[sflag:s19] =	ssyncset.done $0x0  }
0xa6: {  	[sflag:s19] =	ssyncadd.s32 $0xFFFFE000;
	s6 =	sadd.s32 $0x0, s26  }
0xa7: {  	[tilespmem:s5], [sflag:$0xB] =	stream.linear.gather [hbm4b:s6+s3], $0x40, $0x38;
	[tilespmem:$0x1E580] =	vst v63  }
0xa8: {  	_ =	swait.ge [sflag:s22], $0x40  }
0xa9: {  	s28 =	rddreg [dreg:$0x6];
	[sflag:s22] =	ssyncset.done $0x0  }
0xaa: {  	[sflag:s22] =	ssyncadd.s32 $0xFFFFFFC0;
	s6 =	sadd.s32 $0x0, s28  }
0xab: {  	[tilespmem:s7], [sflag:$0xB] =	stream.linear.gather [hbm4b:s6+s3], $0x40, $0x38;
	[tilespmem:$0x1E580] =	vst v63  }
0xac: {  	_ =	swait.ge [sflag:s22], $0x40  }
0xad: {  	[sflag:s22] =	ssyncset.done $0x0  }
0xae: {  	[sflag:s22] =	ssyncadd.s32 $0xFFFFFFC0  }
0xaf: {  	[tilespmem:s8], [sflag:$0x4] =	stream.indirect.gather [hbm4b:s1+s24], $0x80, s5, s24, $0xb8;
	[tilespmem:$0x1E580] =	vst v63  }
0xb0: {  	_ =	swait.ge [sflag:s20], $0x2000  }
0xb1: {  	s30 =	rddreg [dreg:$0x5];
	[sflag:s20] =	ssyncset.done $0x0  }
0xb2: {  	[sflag:s20] =	ssyncadd.s32 $0xFFFFE000;
	s6 =	sadd.s32 $0x0, s30  }
0xb3: {  	[tilespmem:s9], [sflag:$0xB] =	stream.linear.gather [hbm4b:s6+s3], $0x40, $0x38;
	[tilespmem:$0x1E580] =	vst v63  }
0xb4: {  	_ =	swait.ge [sflag:s22], $0x40  }
0xb5: {  	s31 =	rddreg [dreg:$0x4];
	[sflag:s22] =	ssyncset.done $0x0  }
0xb6: {  	[sflag:s22] =	ssyncadd.s32 $0xFFFFFFC0;
	s6 =	sadd.s32 $0x0, s31  }
0xb7: {  	[tilespmem:s10], [sflag:$0xB] =	stream.linear.gather [hbm4b:s6+s3], $0x40, $0x38;
	[tilespmem:$0x1E580] =	vst v63  }
0xb8: {  	_ =	swait.ge [sflag:s22], $0x40  }
0xb9: {  	[sflag:s22] =	ssyncset.done $0x0  }
0xba: {  	s6 =	simm.s32 $0x28;
	[sflag:s22] =	ssyncadd.s32 $0xFFFFFFC0  }
.LBB2_2:
0xbb: {  	s10 =	simm.s32 $0x200;
	s4 =	simm.s32 $0x8500;
	s0 =	simm.s32 $0x1  }
0xbc: {  	[tilespmem:s4], [sflag:$0x5] =	stream.indirect.gather [hbm4b:s1+s24], $0x80, s10, s24, $0xb8;
	[tilespmem:$0x1E580] =	vst v63  }
0xbd: {  	_ =	swait.ge [sflag:s0], $0x2000  }
0xbe: {  	[sflag:s0] =	ssyncset.done $0x0  }
0xbf: {  	s26 =	simm.s32 $0x280;
	s28 =	simm.s32 $0x500;
	[sflag:s0] =	ssyncadd.s32 $0xFFFFE000  }
0xc0: {  	[spmem:s2] =	stream.indirect.scatter.add.f32 [tilespmem:s28], [sflag:$0x6], $0x80, s26, s24, $0xb8;
	[tilespmem:$0x1E580] =	vst v63  }
0xc1: {  	_ =	swait.ge [sflag:s12], $0x2000  }
0xc2: {  	[sflag:s12] =	ssyncset.done $0x0  }
0xc3: {  	s30 =	simm.s32 $0x300;
	s31 =	simm.s32 $0x2500;
	[sflag:s12] =	ssyncadd.s32 $0xFFFFE000  }
0xc4: {  	[spmem:s2] =	stream.indirect.scatter.add.f32 [tilespmem:s31], [sflag:$0x7], $0x80, s30, s24, $0xb8;
	[tilespmem:$0x1E580] =	vst v63  }
0xc5: {  	_ =	swait.ge [sflag:s13], $0x2000  }
0xc6: {  	[sflag:s13] =	ssyncset.done $0x0  }
0xc7: {  	s5 =	simm.s32 $0x4500;
	s0 =	simm.s32 $0x380;
	[sflag:s13] =	ssyncadd.s32 $0xFFFFE000  }
0xc8: {  	[spmem:s2] =	stream.indirect.scatter.add.f32 [tilespmem:s5], [sflag:$0x8], $0x80, s0, s24, $0xb8;
	[tilespmem:$0x1E580] =	vst v63  }
0xc9: {  	_ =	swait.ge [sflag:s14], $0x2000  }
0xca: {  	[sflag:s14] =	ssyncset.done $0x0  }
0xcb: {  	s7 =	simm.s32 $0x400;
	s9 =	simm.s32 $0x6500;
	[sflag:s14] =	ssyncadd.s32 $0xFFFFE000  }
0xcc: {  	[spmem:s2] =	stream.indirect.scatter.add.f32 [tilespmem:s9], [sflag:$0x9], $0x80, s7, s24, $0xb8;
	[tilespmem:$0x1E580] =	vst v63  }
0xcd: {  	_ =	swait.ge [sflag:s15], $0x2000  }
0xce: {  	[sflag:s15] =	ssyncset.done $0x0  }
0xcf: {  	s11 =	simm.s32 $0x480;
	[sflag:s15] =	ssyncadd.s32 $0xFFFFE000  }
0xd0: {  	[spmem:s2] =	stream.indirect.scatter.add.f32 [tilespmem:s4], [sflag:$0xA], $0x80, s11, s24, $0xb8;
	[tilespmem:$0x1E580] =	vst v63  }
0xd1: {  	_ =	swait.ge [sflag:s16], $0x2000  }
0xd2: {  	s21 =	smov.u32 s6;
	s23 =	rddreg [dreg:$0xd];
	[sflag:s16] =	ssyncset.done $0x0  }
0xd3: {  	[sflag:s16] =	ssyncadd.s32 $0xFFFFE000;
	s23 =	sadd.s32 s21, s23  }
0xd4: {  	[tilespmem:s3], [sflag:$0xB] =	stream.linear.gather [hbm4b:s23+s3], $0x40, $0x38;
	[tilespmem:$0x1E580] =	vst v63  }
0xd5: {  	_ =	swait.ge [sflag:s22], $0x40  }
0xd6: {  	s4 =	rddreg [dreg:$0xc];
	[sflag:s22] =	ssyncset.done $0x0  }
0xd7: {  	[sflag:s22] =	ssyncadd.s32 $0xFFFFFFC0;
	s23 =	sadd.s32 s21, s4  }
0xd8: {  	[tilespmem:s26], [sflag:$0xB] =	stream.linear.gather [hbm4b:s23+s3], $0x40, $0x38;
	[tilespmem:$0x1E580] =	vst v63  }
0xd9: {  	_ =	swait.ge [sflag:s22], $0x40  }
0xda: {  	[sflag:s22] =	ssyncset.done $0x0  }
0xdb: {  	[sflag:s22] =	ssyncadd.s32 $0xFFFFFFC0  }
0xdc: {  	[tilespmem:s28], [sflag:$0x1] =	stream.indirect.gather [hbm4b:s1+s24], $0x80, s3, s24, $0xb8;
	[tilespmem:$0x1E580] =	vst v63  }
0xdd: {  	_ =	swait.ge [sflag:s17], $0x2000  }
0xde: {  	s8 =	rddreg [dreg:$0xb];
	[sflag:s17] =	ssyncset.done $0x0  }
0xdf: {  	s28 =	simm.s32 $0x80;
	[sflag:s17] =	ssyncadd.s32 $0xFFFFE000;
	s23 =	sadd.s32 s21, s8  }
0xe0: {  	[tilespmem:s28], [sflag:$0xB] =	stream.linear.gather [hbm4b:s23+s3], $0x40, $0x38;
	[tilespmem:$0x1E580] =	vst v63  }
0xe1: {  	_ =	swait.ge [sflag:s22], $0x40  }
0xe2: {  	s4 =	rddreg [dreg:$0xa];
	[sflag:s22] =	ssyncset.done $0x0  }
0xe3: {  	[sflag:s22] =	ssyncadd.s32 $0xFFFFFFC0;
	s23 =	sadd.s32 s21, s4  }
0xe4: {  	[tilespmem:s30], [sflag:$0xB] =	stream.linear.gather [hbm4b:s23+s3], $0x40, $0x38;
	[tilespmem:$0x1E580] =	vst v63  }
0xe5: {  	_ =	swait.ge [sflag:s22], $0x40  }
0xe6: {  	[sflag:s22] =	ssyncset.done $0x0  }
0xe7: {  	[sflag:s22] =	ssyncadd.s32 $0xFFFFFFC0  }
0xe8: {  	[tilespmem:s31], [sflag:$0x2] =	stream.indirect.gather [hbm4b:s1+s24], $0x80, s28, s24, $0xb8;
	[tilespmem:$0x1E580] =	vst v63  }
0xe9: {  	_ =	swait.ge [sflag:s18], $0x2000  }
0xea: {  	s8 =	rddreg [dreg:$0x9];
	[sflag:s18] =	ssyncset.done $0x0  }
0xeb: {  	s31 =	simm.s32 $0x100;
	[sflag:s18] =	ssyncadd.s32 $0xFFFFE000;
	s23 =	sadd.s32 s21, s8  }
0xec: {  	[tilespmem:s31], [sflag:$0xB] =	stream.linear.gather [hbm4b:s23+s3], $0x40, $0x38;
	[tilespmem:$0x1E580] =	vst v63  }
0xed: {  	_ =	swait.ge [sflag:s22], $0x40  }
0xee: {  	s4 =	rddreg [dreg:$0x8];
	[sflag:s22] =	ssyncset.done $0x0  }
0xef: {  	[sflag:s22] =	ssyncadd.s32 $0xFFFFFFC0;
	s23 =	sadd.s32 s21, s4  }
0xf0: {  	[tilespmem:s0], [sflag:$0xB] =	stream.linear.gather [hbm4b:s23+s3], $0x40, $0x38;
	[tilespmem:$0x1E580] =	vst v63  }
0xf1: {  	_ =	swait.ge [sflag:s22], $0x40  }
0xf2: {  	[sflag:s22] =	ssyncset.done $0x0  }
0xf3: {  	[sflag:s22] =	ssyncadd.s32 $0xFFFFFFC0  }
0xf4: {  	[tilespmem:s5], [sflag:$0x3] =	stream.indirect.gather [hbm4b:s1+s24], $0x80, s31, s24, $0xb8;
	[tilespmem:$0x1E580] =	vst v63  }
0xf5: {  	_ =	swait.ge [sflag:s19], $0x2000  }
0xf6: {  	s8 =	rddreg [dreg:$0x7];
	[sflag:s19] =	ssyncset.done $0x0  }
0xf7: {  	s5 =	simm.s32 $0x180;
	[sflag:s19] =	ssyncadd.s32 $0xFFFFE000;
	s23 =	sadd.s32 s21, s8  }
0xf8: {  	[tilespmem:s5], [sflag:$0xB] =	stream.linear.gather [hbm4b:s23+s3], $0x40, $0x38;
	[tilespmem:$0x1E580] =	vst v63  }
0xf9: {  	_ =	swait.ge [sflag:s22], $0x40  }
0xfa: {  	s8 =	rddreg [dreg:$0x6];
	[sflag:s22] =	ssyncset.done $0x0  }
0xfb: {  	[sflag:s22] =	ssyncadd.s32 $0xFFFFFFC0;
	s23 =	sadd.s32 s21, s8  }
0xfc: {  	[tilespmem:s7], [sflag:$0xB] =	stream.linear.gather [hbm4b:s23+s3], $0x40, $0x38;
	[tilespmem:$0x1E580] =	vst v63  }
0xfd: {  	_ =	swait.ge [sflag:s22], $0x40  }
0xfe: {  	[sflag:s22] =	ssyncset.done $0x0  }
0xff: {  	[sflag:s22] =	ssyncadd.s32 $0xFFFFFFC0  }
0x100: {  	[tilespmem:s9], [sflag:$0x4] =	stream.indirect.gather [hbm4b:s1+s24], $0x80, s5, s24, $0xb8;
	[tilespmem:$0x1E580] =	vst v63  }
0x101: {  	_ =	swait.ge [sflag:s20], $0x2000  }
0x102: {  	p1 =	sne.s32 s6, $0x4B0;
	s9 =	rddreg [dreg:$0x5];
	[sflag:s20] =	ssyncset.done $0x0  }
0x103: {  	s6 =	sadd.s32 $0x28, s6;
	[sflag:s20] =	ssyncadd.s32 $0xFFFFE000;
	s23 =	sadd.s32 s21, s9  }
0x104: {  	[tilespmem:s10], [sflag:$0xB] =	stream.linear.gather [hbm4b:s23+s3], $0x40, $0x38;
	[tilespmem:$0x1E580] =	vst v63  }
0x105: {  	s25 =	simm.s32 $0x280;
	s26 =	simm.s32 $0x500;
	_ =	swait.ge [sflag:s22], $0x40  }
0x106: {  	s30 =	simm.s32 $0x2500;
	s10 =	rddreg [dreg:$0x4];
	[sflag:s22] =	ssyncset.done $0x0  }
.Ltmp0:
0x107: {  	[sflag:s22] =	ssyncadd.s32 $0xFFFFFFC0;
	s21 =	sadd.s32 s21, s10;
	(pc) =	sbr.rel @p1 .LBB2_2-.Ltmp0, $4  }
0x108: {  	[tilespmem:s11], [sflag:$0xB] =	stream.linear.gather [hbm4b:s21+s3], $0x40, $0x38;
	[tilespmem:$0x1E580] =	vst v63  }
0x109: {  	s4 =	simm.s32 $0x380;
	s0 =	simm.s32 $0x4500;
	_ =	swait.ge [sflag:s22], $0x40  }
0x10a: {  	s8 =	simm.s32 $0x400;
	s7 =	simm.s32 $0x6500;
	[sflag:s22] =	ssyncset.done $0x0  }
0x10b: {  	s9 =	simm.s32 $0x200;
	s10 =	simm.s32 $0x480;
	[sflag:s22] =	ssyncadd.s32 $0xFFFFFFC0  }
0x10c: {  	s6 =	simm.s32 $0x8500;
	s23 =	simm.s32 $0x1  }
0x10d: {  	[tilespmem:s6], [sflag:$0x5] =	stream.indirect.gather [hbm4b:s1+s24], $0x80, s9, s24, $0xb8;
	[tilespmem:$0x1E580] =	vst v63  }
0x10e: {  	_ =	swait.ge [sflag:s23], $0x2000  }
0x10f: {  	[sflag:s23] =	ssyncset.done $0x0  }
0x110: {  	[sflag:s23] =	ssyncadd.s32 $0xFFFFE000  }
0x111: {  	[spmem:s2] =	stream.indirect.scatter.add.f32 [tilespmem:s26], [sflag:$0x6], $0x80, s25, s24, $0xb8;
	[tilespmem:$0x1E580] =	vst v63  }
0x112: {  	_ =	swait.ge [sflag:s12], $0x2000  }
0x113: {  	[sflag:s12] =	ssyncset.done $0x0  }
0x114: {  	[sflag:s12] =	ssyncadd.s32 $0xFFFFE000  }
0x115: {  	[spmem:s2] =	stream.indirect.scatter.add.f32 [tilespmem:s30], [sflag:$0x7], $0x80, s29, s24, $0xb8;
	[tilespmem:$0x1E580] =	vst v63  }
0x116: {  	_ =	swait.ge [sflag:s13], $0x2000  }
0x117: {  	[sflag:s13] =	ssyncset.done $0x0  }
0x118: {  	[sflag:s13] =	ssyncadd.s32 $0xFFFFE000  }
0x119: {  	[spmem:s2] =	stream.indirect.scatter.add.f32 [tilespmem:s0], [sflag:$0x8], $0x80, s4, s24, $0xb8;
	[tilespmem:$0x1E580] =	vst v63  }
0x11a: {  	_ =	swait.ge [sflag:s14], $0x2000  }
0x11b: {  	[sflag:s14] =	ssyncset.done $0x0  }
0x11c: {  	[sflag:s14] =	ssyncadd.s32 $0xFFFFE000  }
0x11d: {  	[spmem:s2] =	stream.indirect.scatter.add.f32 [tilespmem:s7], [sflag:$0x9], $0x80, s8, s24, $0xb8;
	[tilespmem:$0x1E580] =	vst v63  }
0x11e: {  	_ =	swait.ge [sflag:s15], $0x2000  }
0x11f: {  	[sflag:s15] =	ssyncset.done $0x0  }
0x120: {  	[sflag:s15] =	ssyncadd.s32 $0xFFFFE000  }
0x121: {  	[spmem:s2] =	stream.indirect.scatter.add.f32 [tilespmem:s6], [sflag:$0xA], $0x80, s10, s24, $0xb8;
	[tilespmem:$0x1E580] =	vst v63  }
0x122: {  	_ =	swait.ge [sflag:s16], $0x2000  }
0x123: {  	[sflag:s16] =	ssyncset.done $0x0  }
0x124: {  	[sflag:s16] =	ssyncadd.s32 $0xFFFFE000  }
0x125: {  	_ =	swait.ge [sflag:s17], $0x2000  }
0x126: {  	[sflag:s17] =	ssyncset.done $0x0  }
0x127: {  	[sflag:s17] =	ssyncadd.s32 $0xFFFFE000  }
0x128: {  	_ =	swait.ge [sflag:s18], $0x2000  }
0x129: {  	[sflag:s18] =	ssyncset.done $0x0  }
0x12a: {  	[sflag:s18] =	ssyncadd.s32 $0xFFFFE000  }
0x12b: {  	_ =	swait.ge [sflag:s19], $0x2000  }
0x12c: {  	[sflag:s19] =	ssyncset.done $0x0  }
0x12d: {  	[sflag:s19] =	ssyncadd.s32 $0xFFFFE000  }
0x12e: {  	_ =	swait.ge [sflag:s20], $0x2000  }
0x12f: {  	[sflag:s20] =	ssyncset.done $0x0  }
0x130: {  	[sflag:s20] =	ssyncadd.s32 $0xFFFFE000  }
0x131: {  	[bflag:$0x0] =	sbarrier.arrive $0xFFFF  }
0x132: {  	s26 =	sld [smem:$0x7FC]  }
0x133: {  	s21 =	rddreg [dreg:$0x10]  }
0x134: {  	s25 =	rddreg [dreg:$0x18]  }
0x135: {  	[hbm:s25], [sflag:s21] =	dma.local [spmem:s26], $0x2700  }
0x136: {  	_ =	swait.ge [sflag:s22], $0x2700  }
0x137: {  	s0 =	sld [smem:$0x7FD]  }
0x138: {  	[sflag:s22] =	ssyncset.done $0x0  }
0x139: {  	s6 =	rddreg [dreg:$0x1e];
	[sflag:s22] =	ssyncadd.s32 $0xFFFFD900  }
0x13a: {  	[hbm:s6], [sflag:s21] =	dma.local @!p0 [spmem:s0], $0x100  }
0x13b: {  	s6 =	simm.s32 @!p0 $0xB  }
0x13c: {  	_ =	swait.ge @!p0 [sflag:s6], $0x100  }
0x13d: {  	s30 =	sld [smem:$0x7FB];
	_ =	sdelay $0x2  }
0x13e: {  	s23 =	rddreg [dreg:$0x1f];
	s0 =	sadd.s32 $0x1, s30  }
0x13f: {  	p1 =	sne.s32 s0, s23  }
.Ltmp1:
0x140: {  	_ = 	snop;
	(pc) =	sbr.rel @p1 .LBB2_1-.Ltmp1, $3  }
0x141: {  	_ =	sdelay $0x1  }
0x142: {  	[sflag:s6] =	ssyncset.done @!p0 $0x0  }
0x143: {  	[sflag:s6] =	ssyncadd.s32 @!p0 $0xFFFFFF00  }
0x144: {  	_ =	sfence.sel $0x180000  }
0x145: {  	[bflag:$0x0] =	sbarrier.arrive $0xFFFF  }
0x146: {  	_ =	strace $0x90000050  }
0x147: {  	[bflag:$0x2] =	sbarrier.arrive $0xFFFF  }
0x148: {  	s0 =	rddreg [dreg:$0x3]  }
0x149: {  	s0 =	sadd.s32 @!p0 $0x100000, s0  }
0x14a: {  	[sflag:s0] =	ssyncadd.tile.s32 @!p0 $0x1;
	_ =	shalt  }
.Lfunc_end2:
_tile_overlayer_lowered:
.L_overlay_start_2:
0x14b: {  	(tag) =	ssettag $0x2  }
0x14c: {  	s0 =	rddreg [dreg:$0x0];
	s2 =	stileid.u32  }
0x14d: {  	s1 =	rddreg [dreg:$0x1];
	p0 =	sne.s32 s2, $0x0  }
0x14e: {  	s3 =	rddreg [dreg:$0x2];
	[bflag:$0x3] =	sbarrier.arrive $0xFFFF;
	s2 =	simm.s32 @!p0 $0x1C0B  }
0x14f: {  	[timem:s3], [sflag:s2] =	dma.local @!p0 [hbm:s0], s1  }
0x150: {  	s0 =	simm.s32 @!p0 $0xB  }
0x151: {  	_ =	swait.ge @!p0 [sflag:s0], s1  }
0x152: {  	s1 =	ssub.s32 @!p0 $0x0, s1;
	[sflag:s0] =	ssyncset.done @!p0 $0x0  }
0x153: {  	[sflag:s0] =	ssyncadd.s32 @!p0 s1  }
0x154: {  	[bflag:$0x3] =	sbarrier.arrive $0xFFFF  }
0x155: {  	_ =	shalt  }

</sc_bundles>
